<compile_context>
chip_gen: v7x
topology: tpu7x:2x2x1
jax: 0.10.2.dev20260603
libtpu: 0.0.44.dev20260713+nightly
codegen_flags: <defaults>
</compile_context>

<pallas_src>
import functools

import jax
import jax.numpy as jnp
from jax import lax
from jax.experimental import pallas as pl
from jax.experimental.pallas import tpu as pltpu
from jax.experimental.pallas import tpu_sc as plsc

NC = 2
NS = 16
NW = NC * NS
CH = 128
G = 8
NRING = 2

S = 1000
SAMPLE_NUM = 8
GROUP = SAMPLE_NUM + 2
TEMPERATURE = 10.0

_HIGH = lax.Precision.HIGHEST
_H3 = lax.Precision.HIGH


def _segment_sum_sc(x, src_r, dst_r, zinit, n_pad, nchunk):
  d2 = x.shape[1]
  rps = n_pad // NS
  ngroup = nchunk // G
  npair = ngroup // 2
  has_peel = ngroup % 2 == 1
  fa = NRING - 1
  assert nchunk % G == 0 and npair >= 1
  assert G % NRING == 0 and G >= NRING

  def body(x_hbm, src_hbm, dst_hbm, z_hbm, out_hbm,
           src_v, dst_v, rows_v, agg_sh,
           gsem0, gsem1, gsem2, gsem3, ssem0, ssem1, dsem0, dsem1):
    c = lax.axis_index("c")
    s = lax.axis_index("s")
    gsems = (gsem0, gsem1, gsem2, gsem3)
    ssems = (ssem0, ssem1)
    dsems = (dsem0, dsem1)
    pltpu.sync_copy(z_hbm, agg_sh.at[pl.ds(s * rps, rps)])
    plsc.subcore_barrier()

    def fire_gather(b, half, jj):
      pltpu.async_copy(x_hbm.at[src_v.at[half].at[jj]], rows_v.at[b],
                       gsems[b])

    def wait_gather(b):
      pltpu.make_async_copy(x_hbm.at[pl.ds(0, CH)], rows_v.at[b],
                            gsems[b]).wait()

    def fire_idx(grp, half):
      pltpu.async_copy(src_hbm.at[c].at[s].at[pl.ds(grp * G, G)],
                       src_v.at[half], ssems[half])
      pltpu.async_copy(dst_hbm.at[c].at[s].at[pl.ds(grp * G, G)],
                       dst_v.at[half], dsems[half])

    def wait_sidx(half):
      pltpu.make_async_copy(src_hbm.at[c].at[s].at[pl.ds(0, G)],
                            src_v.at[half], ssems[half]).wait()

    def wait_didx(half):
      pltpu.make_async_copy(dst_hbm.at[c].at[s].at[pl.ds(0, G)],
                            dst_v.at[half], dsems[half]).wait()

    fire_idx(0, 0)
    wait_sidx(0)
    for jj in range(fa):
      fire_gather(jj % NRING, 0, jj)

    def group_steps(h, cross):
      wait_didx(h)
      for jj in range(G):
        b = jj % NRING
        wait_gather(b)
        tgt = jj + fa
        if tgt < G:
          fire_gather(tgt % NRING, h, tgt)
        elif cross is not False:
          def _cross(jj=jj, tgt=tgt):
            if tgt == G:
              wait_sidx(1 - h)
            fire_gather(tgt % NRING, 1 - h, tgt - G)

          if cross is None:
            _cross()
          else:
            pl.when(cross)(_cross)
        pltpu.sync_copy(rows_v.at[b], agg_sh.at[dst_v.at[h].at[jj]],
                        add=True)

    def pair(p, carry):
      g0 = 2 * p
      fire_idx(g0 + 1, 1)
      group_steps(0, None)
      nxt = p + 1 < npair
      if has_peel:
        fire_idx(g0 + 2, 0)
        group_steps(1, None)
      else:
        @pl.when(nxt)
        def _():
          fire_idx(g0 + 2, 0)

        group_steps(1, nxt)
      return carry

    lax.fori_loop(0, npair, pair, 0)
    if has_peel:
      group_steps(0, False)

    plsc.subcore_barrier()
    pltpu.sync_copy(agg_sh.at[pl.ds(s * rps, rps)],
                    out_hbm.at[c, pl.ds(s * rps, rps)])

  mesh = plsc.VectorSubcoreMesh(core_axis_name="c", subcore_axis_name="s")
  f = pl.kernel(
      body,
      out_type=jax.ShapeDtypeStruct((NC, n_pad, d2), jnp.float32),
      mesh=mesh,
      scratch_types=[
          pltpu.VMEM((2, G, CH), jnp.int32),
          pltpu.VMEM((2, G, CH), jnp.int32),
          pltpu.VMEM((NRING, CH, d2), jnp.float32),
          pltpu.VMEM_SHARED((n_pad, d2), jnp.float32),
      ] + [pltpu.SemaphoreType.DMA] * 8,
  )
  return f(x, src_r, dst_r, zinit)


def _copy_tc(x, bn):
  n, d = x.shape

  def body(x_ref, o_ref):
    o_ref[...] = x_ref[...]

  return pl.pallas_call(
      body,
      grid=(n // bn,),
      in_specs=[pl.BlockSpec((bn, d), lambda i: (i, 0))],
      out_specs=pl.BlockSpec((bn, d), lambda i: (i, 0)),
      out_shape=jax.ShapeDtypeStruct((n, d), jnp.float32),
  )(x)


def _mlp_tc(x, parts, wa, ba, wb, bb, bn):
  n, d = x.shape
  dh = wa.shape[1]
  do = wb.shape[1]
  nb = n // bn

  def body(x_ref, a0_ref, a1_ref, wa_ref, ba_ref, wb_ref, bb_ref, o_ref):
    z = x_ref[...] + a0_ref[0] + a1_ref[0]
    t = jnp.dot(z, wa_ref[...], preferred_element_type=jnp.float32,
                precision=_HIGH) + ba_ref[...]
    t = jnp.maximum(t, 0.0)
    o_ref[...] = jnp.dot(t, wb_ref[...], preferred_element_type=jnp.float32,
                         precision=_HIGH) + bb_ref[...]

  return pl.pallas_call(
      body,
      grid=(nb,),
      in_specs=[
          pl.BlockSpec((bn, d), lambda i: (i, 0)),
          pl.BlockSpec((1, bn, d), lambda i: (0, i, 0)),
          pl.BlockSpec((1, bn, d), lambda i: (1, i, 0)),
          pl.BlockSpec((d, dh), lambda i: (0, 0)),
          pl.BlockSpec((1, dh), lambda i: (0, 0)),
          pl.BlockSpec((dh, do), lambda i: (0, 0)),
          pl.BlockSpec((1, do), lambda i: (0, 0)),
      ],
      out_specs=pl.BlockSpec((bn, do), lambda i: (i, 0)),
      out_shape=jax.ShapeDtypeStruct((n, do), jnp.float32),
  )(x, parts, parts, wa, ba.reshape(1, -1), wb, bb.reshape(1, -1))


def _mlp2_pool_loss_tc(h1, parts2, wa, ba, wb, bb, idx3, bn):
  n, d = h1.shape
  dh = wa.shape[1]
  nb = n // bn
  g = S // GROUP

  def body(h1_ref, a0_ref, a1_ref, wa_ref, ba_ref, wb_ref, bb_ref, idx_ref,
           o_ref, acc_ref, cnt_ref):
    i = pl.program_id(0)

    @pl.when(i == 0)
    def _init():
      acc_ref[...] = jnp.zeros_like(acc_ref)
      cnt_ref[...] = jnp.zeros_like(cnt_ref)

    h1b = h1_ref[...]
    z = h1b + a0_ref[0] + a1_ref[0]
    t = jnp.dot(z, wa_ref[...], preferred_element_type=jnp.float32,
                precision=_HIGH) + ba_ref[...]
    t = jnp.maximum(t, 0.0)
    h2b = jnp.dot(t, wb_ref[...], preferred_element_type=jnp.float32,
                  precision=_HIGH) + bb_ref[...]
    hb = jnp.concatenate([h1b, h2b], axis=1)

    idx = idx_ref[0]
    st = lax.broadcasted_iota(jnp.int32, (S, bn), 0)
    oh = (st == idx).astype(jnp.float32)
    acc_ref[...] += jnp.dot(oh, hb, preferred_element_type=jnp.float32,
                            precision=_HIGH)
    cnt_ref[...] += jnp.sum(oh, axis=1, keepdims=True)

    @pl.when(i == nb - 1)
    def _loss():
      sub = acc_ref[...] / jnp.maximum(cnt_ref[...], 1.0)
      nrm = jnp.maximum(
          jnp.sqrt(jnp.sum(sub * sub, axis=1, keepdims=True)), 1e-8)
      subn = sub / nrm
      ii = lax.broadcasted_iota(jnp.int32, (S, S), 0)
      jj = lax.broadcasted_iota(jnp.int32, (S, S), 1)
      sel = ((ii // GROUP) * GROUP == jj).astype(jnp.float32)
      selfmat = jnp.dot(sel, subn, preferred_element_type=jnp.float32,
                        precision=_HIGH)
      sims = jnp.sum(selfmat * subn, axis=1, keepdims=True)
      off = lax.broadcasted_iota(jnp.int32, (S, 1), 0) % GROUP
      mnum = (off == 1).astype(jnp.float32)
      mden = (off >= 2).astype(jnp.float32)
      gi = lax.broadcasted_iota(jnp.int32, (g, S), 0)
      gj = lax.broadcasted_iota(jnp.int32, (g, S), 1)
      gm = (gj // GROUP == gi).astype(jnp.float32)
      num = jnp.dot(gm, sims * mnum, preferred_element_type=jnp.float32,
                    precision=_HIGH)
      den = jnp.dot(gm, jnp.exp(sims) * mden,
                    preferred_element_type=jnp.float32, precision=_HIGH)
      loss = jnp.mean(jnp.log(den) - num)
      o_ref[...] = jnp.reshape(loss, (1, 1))

  return pl.pallas_call(
      body,
      grid=(nb,),
      in_specs=[
          pl.BlockSpec((bn, d), lambda i: (i, 0)),
          pl.BlockSpec((1, bn, d), lambda i: (0, i, 0)),
          pl.BlockSpec((1, bn, d), lambda i: (1, i, 0)),
          pl.BlockSpec((d, dh), lambda i: (0, 0)),
          pl.BlockSpec((1, dh), lambda i: (0, 0)),
          pl.BlockSpec((dh, d), lambda i: (0, 0)),
          pl.BlockSpec((1, d), lambda i: (0, 0)),
          pl.BlockSpec((1, 1, bn), lambda i: (i, 0, 0)),
      ],
      out_specs=pl.BlockSpec((1, 1), lambda i: (0, 0)),
      out_shape=jax.ShapeDtypeStruct((1, 1), jnp.float32),
      scratch_shapes=[
          pltpu.VMEM((S, 2 * d), jnp.float32),
          pltpu.VMEM((S, 1), jnp.float32),
      ],
  )(h1, parts2, parts2, wa, ba.reshape(1, -1), wb, bb.reshape(1, -1), idx3)


def kernel(feature, edge_index, inputs_indices,
           W1a, b1a, W1b, b1b, W2a, b2a, W2b, b2b):
  n, d = feature.shape
  e = edge_index.shape[1]

  n_pad = ((n + 1 + NS * 8 - 1) // (NS * 8)) * (NS * 8)
  nchunk = -(-e // (NW * CH))
  nchunk = ((nchunk + G - 1) // G) * G
  e_pad = NW * nchunk * CH

  src = edge_index[0]
  dst = edge_index[1]
  pad = e_pad - e
  src_r = jnp.concatenate(
      [src, jnp.zeros((pad,), src.dtype)]).reshape(NC, NS, nchunk, CH)
  dst_r = jnp.concatenate(
      [dst, jnp.full((pad,), n, dst.dtype)]).reshape(NC, NS, nchunk, CH)
  zinit = jnp.zeros((n_pad // NS, d), jnp.float32)

  bn = 1000
  idx3 = inputs_indices.reshape(n // bn, 1, bn)

  feat = _copy_tc(feature, 2000)
  parts1 = _segment_sum_sc(feat, src_r, dst_r, zinit, n_pad, nchunk)
  h1 = _mlp_tc(feat, parts1, W1a, b1a, W1b, b1b, 2000)
  parts2 = _segment_sum_sc(h1, src_r, dst_r, zinit, n_pad, nchunk)
  loss = _mlp2_pool_loss_tc(h1, parts2, W2a, b2a, W2b, b2b, idx3, bn)
  return loss[0, 0]

# --- scband reference (transcript-rebuilt; emitter-appended) ---
"""Pipeline reference for scband-pre-prompt-75496935129297 (READ-ONLY COPY).

The authoritative reference and input builder live on the scoring server;
editing this copy changes nothing except your own understanding.
"""

import jax, jax.numpy as jnp
import numpy as np

N = 10000
E = 320000
D = 128
H = 128
S = 1000
SAMPLE_NUM = 8
GROUP = SAMPLE_NUM + 2


def _glorot(key, shape):
    lim = np.sqrt(6.0 / (shape[0] + shape[1]))
    return jax.random.uniform(key, shape, dtype=jnp.float32, minval=-lim, maxval=lim)


def setup_inputs(seed: int = 0) -> dict:
    key = jax.random.key(seed)
    ks = jax.random.split(key, 12)
    feature = jax.random.normal(ks[0], (N, D), dtype=jnp.float32)
    edge_index = jax.random.randint(ks[1], (2, E), 0, N, dtype=jnp.int32)
    base = jnp.arange(S, dtype=jnp.int32)
    rest = jax.random.randint(ks[2], (N - S,), 0, S, dtype=jnp.int32)
    inputs_indices = jnp.sort(jnp.concatenate([base, rest]))
    W1a = _glorot(ks[3], (D, 2 * H)); b1a = jnp.zeros((2 * H,), jnp.float32)
    W1b = _glorot(ks[4], (2 * H, H)); b1b = jnp.zeros((H,), jnp.float32)
    W2a = _glorot(ks[5], (H, 2 * H)); b2a = jnp.zeros((2 * H,), jnp.float32)
    W2b = _glorot(ks[6], (2 * H, H)); b2b = jnp.zeros((H,), jnp.float32)
    return {"feature": feature, "edge_index": edge_index, "inputs_indices": inputs_indices,
            "W1a": W1a, "b1a": b1a, "W1b": W1b, "b1b": b1b,
            "W2a": W2a, "b2a": b2a, "W2b": W2b, "b2b": b2b}


def _gin_layer(x, src, dst, Wa, ba, Wb, bb, eps=0.0):
    # GIN message passing: sum-aggregate neighbor features (gather + scatter-add),
    # then apply a 2-layer MLP to (1+eps)*x + aggregated.
    agg = jax.ops.segment_sum(x[src], dst, num_segments=x.shape[0])
    z = (1.0 + eps) * x + agg
    return jax.nn.relu(z @ Wa + ba) @ Wb + bb


def _loss(feature, edge_index, inputs_indices, W1a, b1a, W1b, b1b, W2a, b2a, W2b, b2b, temperature=10.0):
    src, dst = edge_index[0], edge_index[1]
    h1 = _gin_layer(feature, src, dst, W1a, b1a, W1b, b1b)
    h2 = _gin_layer(h1, src, dst, W2a, b2a, W2b, b2b)
    logits = jnp.concatenate([h1, h2], axis=-1)  # jk='cat'
    # torch_scatter.scatter(..., reduce='mean') over subgraph ids
    seg_sum = jax.ops.segment_sum(logits, inputs_indices, num_segments=S)
    counts = jax.ops.segment_sum(jnp.ones((logits.shape[0],), jnp.float32), inputs_indices, num_segments=S)
    sub = seg_sum / jnp.maximum(counts, 1.0)[:, None]
    G = S // GROUP
    self_idx = jnp.arange(G) * GROUP
    self_logits = jnp.repeat(sub[self_idx][:, None, :], SAMPLE_NUM + 1, axis=1)
    others_idx = jnp.arange(S).reshape(G, GROUP)[:, 1:].reshape(-1)
    subgraph_logits = sub[others_idx].reshape(G, SAMPLE_NUM + 1, -1)
    dot = jnp.sum(self_logits * subgraph_logits, axis=2)
    n1 = jnp.maximum(jnp.linalg.norm(self_logits, axis=2), 1e-8)
    n2 = jnp.maximum(jnp.linalg.norm(subgraph_logits, axis=2), 1e-8)
    sim = dot / (n1 * n2)
    expv = jnp.exp(sim) / temperature
    expv = expv.T
    numerator = expv[0].reshape(-1, 1)
    denominator = jnp.sum(expv[1:].T, axis=1, keepdims=True)
    res = -jnp.log(numerator / denominator)
    return jnp.mean(res)


def reference(feature, edge_index, inputs_indices, W1a, b1a, W1b, b1b, W2a, b2a, W2b, b2b):
    return _loss(feature, edge_index, inputs_indices, W1a, b1a, W1b, b1b, W2a, b2a, W2b, b2b)

if __name__ == "__main__":
    import jax
    _d = setup_inputs()
    print(jax.jit(kernel)(*tuple(_d.values())))

</pallas_src>

<mosaic_0001>
#map = affine_map<(d0, d1) -> (0, 0)>
#map1 = affine_map<(d0, d1) -> (0, 0, 0, 0)>
#map2 = affine_map<(d0, d1) -> (0, 0, 0)>
module attributes {stable_mosaic.version = 14 : i64} {
  func.func @body(%arg0: i32, %arg1: i32, %arg2: memref<10000x128xf32, #tpu.memory_space<hbm>>, %arg3: memref<2x16x80x128xi32, #tpu.memory_space<hbm>>, %arg4: memref<2x16x80x128xi32, #tpu.memory_space<hbm>>, %arg5: memref<632x128xf32, #tpu.memory_space<hbm>>, %arg6: memref<2x10112x128xf32, #tpu.memory_space<hbm>>, %arg7: memref<2x8x128xi32, #tpu.memory_space<vmem>>, %arg8: memref<2x8x128xi32, #tpu.memory_space<vmem>>, %arg9: memref<2x128x128xf32, #tpu.memory_space<vmem>>, %arg10: memref<10112x128xf32, #tpu.memory_space<vmem_shared>>, %arg11: memref<!tpu.dma_semaphore, #tpu.memory_space<semaphore_mem>>, %arg12: memref<!tpu.dma_semaphore, #tpu.memory_space<semaphore_mem>>, %arg13: memref<!tpu.dma_semaphore, #tpu.memory_space<semaphore_mem>>, %arg14: memref<!tpu.dma_semaphore, #tpu.memory_space<semaphore_mem>>, %arg15: memref<!tpu.dma_semaphore, #tpu.memory_space<semaphore_mem>>, %arg16: memref<!tpu.dma_semaphore, #tpu.memory_space<semaphore_mem>>, %arg17: memref<!tpu.dma_semaphore, #tpu.memory_space<semaphore_mem>>, %arg18: memref<!tpu.dma_semaphore, #tpu.memory_space<semaphore_mem>>) attributes {dimension_semantics = [#tpu.dimension_semantics<core_parallel>, #tpu.dimension_semantics<subcore_parallel>], iteration_bounds = array<i64: 2, 16>, scalar_prefetch = 0 : i64, scratch_operands = 12 : i64, tpu.core_type = #tpu.core_type<sc_vector_subcore>, window_params = [{transform_indices = #map}, {transform_indices = #map1}, {transform_indices = #map1}, {transform_indices = #map}, {transform_indices = #map2}]} {
    %mul3A = arith.constant 632 : i32
    %mul3A_0 = arith.muli %arg1, %mul3A : i32
    "tpu.region"() ({
      %run_scoped3A = tpu.sem_alloc : memref<!tpu.dma_semaphore, #tpu.memory_space<semaphore_mem>>
      %dma_start3A_125 = arith.constant 0 : i32
      %dma_start3A_126 = tpu.memref_slice %arg10[%mul3A_0, %dma_start3A_125] : memref<10112x128xf32, #tpu.memory_space<vmem_shared>> -> memref<632x128xf32, #tpu.memory_space<vmem_shared>>
      tpu.enqueue_dma source(%arg5 : memref<632x128xf32, #tpu.memory_space<hbm>>) target(%dma_start3A_126 : memref<632x128xf32, #tpu.memory_space<vmem_shared>>) target_semaphore(%run_scoped3A : memref<!tpu.dma_semaphore, #tpu.memory_space<semaphore_mem>>)
      %dma_wait3A_127 = arith.constant 0 : i32
      %dma_wait3A_128 = tpu.memref_slice %arg10[%mul3A_0, %dma_wait3A_127] : memref<10112x128xf32, #tpu.memory_space<vmem_shared>> -> memref<632x128xf32, #tpu.memory_space<vmem_shared>>
      tpu.wait_dma2 semaphore(%run_scoped3A : memref<!tpu.dma_semaphore, #tpu.memory_space<semaphore_mem>>) src(%arg5 : memref<632x128xf32, #tpu.memory_space<hbm>>) dst(%dma_wait3A_128 : memref<632x128xf32, #tpu.memory_space<vmem_shared>>)
      tpu.yield
    }) : () -> ()
    %barrier3A = arith.constant 0 : index
    tpu.barrier barrier_id(%barrier3A)
    %dma_start3A = arith.constant 0 : i32
    %dma_start3A_1 = arith.constant 0 : i32
    %dma_start3A_2 = arith.constant 0 : i32
    %dma_start3A_3 = tpu.memref_slice %arg7[%dma_start3A, %dma_start3A_1, %dma_start3A_2] : memref<2x8x128xi32, #tpu.memory_space<vmem>> -> memref<1x8x128xi32, #tpu.memory_space<vmem>>
    %dma_start3A_4 = tpu.memref_squeeze %dma_start3A_3 : memref<1x8x128xi32, #tpu.memory_space<vmem>> -> memref<8x128xi32, #tpu.memory_space<vmem>>
    %dma_start3A_5 = arith.constant 0 : i32
    %dma_start3A_6 = arith.constant 0 : i32
    %dma_start3A_7 = arith.constant 0 : i32
    %dma_start3A_8 = tpu.memref_slice %arg3[%arg0, %dma_start3A_5, %dma_start3A_6, %dma_start3A_7] : memref<2x16x80x128xi32, #tpu.memory_space<hbm>> -> memref<1x16x80x128xi32, #tpu.memory_space<hbm>>
    %dma_start3A_9 = tpu.memref_squeeze %dma_start3A_8 : memref<1x16x80x128xi32, #tpu.memory_space<hbm>> -> memref<16x80x128xi32, #tpu.memory_space<hbm>>
    %dma_start3A_10 = arith.constant 0 : i32
    %dma_start3A_11 = arith.constant 0 : i32
    %dma_start3A_12 = tpu.memref_slice %dma_start3A_9[%arg1, %dma_start3A_10, %dma_start3A_11] : memref<16x80x128xi32, #tpu.memory_space<hbm>> -> memref<1x80x128xi32, #tpu.memory_space<hbm>>
    %dma_start3A_13 = tpu.memref_squeeze %dma_start3A_12 : memref<1x80x128xi32, #tpu.memory_space<hbm>> -> memref<80x128xi32, #tpu.memory_space<hbm>>
    %dma_start3A_14 = arith.constant 0 : i32
    %dma_start3A_15 = arith.constant 0 : i32
    %dma_start3A_16 = tpu.memref_slice %dma_start3A_13[%dma_start3A_14, %dma_start3A_15] : memref<80x128xi32, #tpu.memory_space<hbm>> -> memref<8x128xi32, #tpu.memory_space<hbm>>
    %dma_start3A_17 = arith.constant 0 : i32
    %dma_start3A_18 = arith.constant 0 : i32
    %dma_start3A_19 = tpu.memref_slice %arg7[%dma_start3A, %dma_start3A_17, %dma_start3A_18] : memref<2x8x128xi32, #tpu.memory_space<vmem>> -> memref<1x8x128xi32, #tpu.memory_space<vmem>>
    %dma_start3A_20 = tpu.memref_squeeze %dma_start3A_19 : memref<1x8x128xi32, #tpu.memory_space<vmem>> -> memref<8x128xi32, #tpu.memory_space<vmem>>
    %dma_start3A_21 = arith.constant 0 : i32
    %dma_start3A_22 = arith.constant 0 : i32
    %dma_start3A_23 = arith.constant 0 : i32
    %dma_start3A_24 = tpu.memref_slice %arg3[%arg0, %dma_start3A_21, %dma_start3A_22, %dma_start3A_23] : memref<2x16x80x128xi32, #tpu.memory_space<hbm>> -> memref<1x16x80x128xi32, #tpu.memory_space<hbm>>
    %dma_start3A_25 = tpu.memref_squeeze %dma_start3A_24 : memref<1x16x80x128xi32, #tpu.memory_space<hbm>> -> memref<16x80x128xi32, #tpu.memory_space<hbm>>
    %dma_start3A_26 = arith.constant 0 : i32
    %dma_start3A_27 = arith.constant 0 : i32
    %dma_start3A_28 = tpu.memref_slice %dma_start3A_25[%arg1, %dma_start3A_26, %dma_start3A_27] : memref<16x80x128xi32, #tpu.memory_space<hbm>> -> memref<1x80x128xi32, #tpu.memory_space<hbm>>
    %dma_start3A_29 = tpu.memref_squeeze %dma_start3A_28 : memref<1x80x128xi32, #tpu.memory_space<hbm>> -> memref<80x128xi32, #tpu.memory_space<hbm>>
    %dma_start3A_30 = arith.constant 0 : i32
    %dma_start3A_31 = arith.constant 0 : i32
    %dma_start3A_32 = tpu.memref_slice %dma_start3A_29[%dma_start3A_30, %dma_start3A_31] : memref<80x128xi32, #tpu.memory_space<hbm>> -> memref<8x128xi32, #tpu.memory_space<hbm>>
    tpu.enqueue_dma source(%dma_start3A_32 : memref<8x128xi32, #tpu.memory_space<hbm>>) target(%dma_start3A_20 : memref<8x128xi32, #tpu.memory_space<vmem>>) target_semaphore(%arg15 : memref<!tpu.dma_semaphore, #tpu.memory_space<semaphore_mem>>)
    %dma_start3A_33 = arith.constant 0 : i32
    %dma_start3A_34 = arith.constant 0 : i32
    %dma_start3A_35 = arith.constant 0 : i32
    %dma_start3A_36 = tpu.memref_slice %arg8[%dma_start3A_33, %dma_start3A_34, %dma_start3A_35] : memref<2x8x128xi32, #tpu.memory_space<vmem>> -> memref<1x8x128xi32, #tpu.memory_space<vmem>>
    %dma_start3A_37 = tpu.memref_squeeze %dma_start3A_36 : memref<1x8x128xi32, #tpu.memory_space<vmem>> -> memref<8x128xi32, #tpu.memory_space<vmem>>
    %dma_start3A_38 = arith.constant 0 : i32
    %dma_start3A_39 = arith.constant 0 : i32
    %dma_start3A_40 = arith.constant 0 : i32
    %dma_start3A_41 = tpu.memref_slice %arg4[%arg0, %dma_start3A_38, %dma_start3A_39, %dma_start3A_40] : memref<2x16x80x128xi32, #tpu.memory_space<hbm>> -> memref<1x16x80x128xi32, #tpu.memory_space<hbm>>
    %dma_start3A_42 = tpu.memref_squeeze %dma_start3A_41 : memref<1x16x80x128xi32, #tpu.memory_space<hbm>> -> memref<16x80x128xi32, #tpu.memory_space<hbm>>
    %dma_start3A_43 = arith.constant 0 : i32
    %dma_start3A_44 = arith.constant 0 : i32
    %dma_start3A_45 = tpu.memref_slice %dma_start3A_42[%arg1, %dma_start3A_43, %dma_start3A_44] : memref<16x80x128xi32, #tpu.memory_space<hbm>> -> memref<1x80x128xi32, #tpu.memory_space<hbm>>
    %dma_start3A_46 = tpu.memref_squeeze %dma_start3A_45 : memref<1x80x128xi32, #tpu.memory_space<hbm>> -> memref<80x128xi32, #tpu.memory_space<hbm>>
    %dma_start3A_47 = arith.constant 0 : i32
    %dma_start3A_48 = arith.constant 0 : i32
    %dma_start3A_49 = tpu.memref_slice %dma_start3A_46[%dma_start3A_47, %dma_start3A_48] : memref<80x128xi32, #tpu.memory_space<hbm>> -> memref<8x128xi32, #tpu.memory_space<hbm>>
    %dma_start3A_50 = arith.constant 0 : i32
    %dma_start3A_51 = arith.constant 0 : i32
    %dma_start3A_52 = tpu.memref_slice %arg8[%dma_start3A_33, %dma_start3A_50, %dma_start3A_51] : memref<2x8x128xi32, #tpu.memory_space<vmem>> -> memref<1x8x128xi32, #tpu.memory_space<vmem>>
    %dma_start3A_53 = tpu.memref_squeeze %dma_start3A_52 : memref<1x8x128xi32, #tpu.memory_space<vmem>> -> memref<8x128xi32, #tpu.memory_space<vmem>>
    %dma_start3A_54 = arith.constant 0 : i32
    %dma_start3A_55 = arith.constant 0 : i32
    %dma_start3A_56 = arith.constant 0 : i32
    %dma_start3A_57 = tpu.memref_slice %arg4[%arg0, %dma_start3A_54, %dma_start3A_55, %dma_start3A_56] : memref<2x16x80x128xi32, #tpu.memory_space<hbm>> -> memref<1x16x80x128xi32, #tpu.memory_space<hbm>>
    %dma_start3A_58 = tpu.memref_squeeze %dma_start3A_57 : memref<1x16x80x128xi32, #tpu.memory_space<hbm>> -> memref<16x80x128xi32, #tpu.memory_space<hbm>>
    %dma_start3A_59 = arith.constant 0 : i32
    %dma_start3A_60 = arith.constant 0 : i32
    %dma_start3A_61 = tpu.memref_slice %dma_start3A_58[%arg1, %dma_start3A_59, %dma_start3A_60] : memref<16x80x128xi32, #tpu.memory_space<hbm>> -> memref<1x80x128xi32, #tpu.memory_space<hbm>>
    %dma_start3A_62 = tpu.memref_squeeze %dma_start3A_61 : memref<1x80x128xi32, #tpu.memory_space<hbm>> -> memref<80x128xi32, #tpu.memory_space<hbm>>
    %dma_start3A_63 = arith.constant 0 : i32
    %dma_start3A_64 = arith.constant 0 : i32
    %dma_start3A_65 = tpu.memref_slice %dma_start3A_62[%dma_start3A_63, %dma_start3A_64] : memref<80x128xi32, #tpu.memory_space<hbm>> -> memref<8x128xi32, #tpu.memory_space<hbm>>
    tpu.enqueue_dma source(%dma_start3A_65 : memref<8x128xi32, #tpu.memory_space<hbm>>) target(%dma_start3A_53 : memref<8x128xi32, #tpu.memory_space<vmem>>) target_semaphore(%arg17 : memref<!tpu.dma_semaphore, #tpu.memory_space<semaphore_mem>>)
    %dma_wait3A = arith.constant 0 : i32
    %dma_wait3A_66 = arith.constant 0 : i32
    %dma_wait3A_67 = arith.constant 0 : i32
    %dma_wait3A_68 = tpu.memref_slice %arg7[%dma_wait3A, %dma_wait3A_66, %dma_wait3A_67] : memref<2x8x128xi32, #tpu.memory_space<vmem>> -> memref<1x8x128xi32, #tpu.memory_space<vmem>>
    %dma_wait3A_69 = tpu.memref_squeeze %dma_wait3A_68 : memref<1x8x128xi32, #tpu.memory_space<vmem>> -> memref<8x128xi32, #tpu.memory_space<vmem>>
    %dma_wait3A_70 = arith.constant 0 : i32
    %dma_wait3A_71 = arith.constant 0 : i32
    %dma_wait3A_72 = arith.constant 0 : i32
    %dma_wait3A_73 = tpu.memref_slice %arg3[%arg0, %dma_wait3A_70, %dma_wait3A_71, %dma_wait3A_72] : memref<2x16x80x128xi32, #tpu.memory_space<hbm>> -> memref<1x16x80x128xi32, #tpu.memory_space<hbm>>
    %dma_wait3A_74 = tpu.memref_squeeze %dma_wait3A_73 : memref<1x16x80x128xi32, #tpu.memory_space<hbm>> -> memref<16x80x128xi32, #tpu.memory_space<hbm>>
    %dma_wait3A_75 = arith.constant 0 : i32
    %dma_wait3A_76 = arith.constant 0 : i32
    %dma_wait3A_77 = tpu.memref_slice %dma_wait3A_74[%arg1, %dma_wait3A_75, %dma_wait3A_76] : memref<16x80x128xi32, #tpu.memory_space<hbm>> -> memref<1x80x128xi32, #tpu.memory_space<hbm>>
    %dma_wait3A_78 = tpu.memref_squeeze %dma_wait3A_77 : memref<1x80x128xi32, #tpu.memory_space<hbm>> -> memref<80x128xi32, #tpu.memory_space<hbm>>
    %dma_wait3A_79 = arith.constant 0 : i32
    %dma_wait3A_80 = arith.constant 0 : i32
    %dma_wait3A_81 = tpu.memref_slice %dma_wait3A_78[%dma_wait3A_79, %dma_wait3A_80] : memref<80x128xi32, #tpu.memory_space<hbm>> -> memref<8x128xi32, #tpu.memory_space<hbm>>
    %dma_wait3A_82 = arith.constant 0 : i32
    %dma_wait3A_83 = arith.constant 0 : i32
    %dma_wait3A_84 = tpu.memref_slice %arg7[%dma_wait3A, %dma_wait3A_82, %dma_wait3A_83] : memref<2x8x128xi32, #tpu.memory_space<vmem>> -> memref<1x8x128xi32, #tpu.memory_space<vmem>>
    %dma_wait3A_85 = tpu.memref_squeeze %dma_wait3A_84 : memref<1x8x128xi32, #tpu.memory_space<vmem>> -> memref<8x128xi32, #tpu.memory_space<vmem>>
    %dma_wait3A_86 = arith.constant 0 : i32
    %dma_wait3A_87 = arith.constant 0 : i32
    %dma_wait3A_88 = arith.constant 0 : i32
    %dma_wait3A_89 = tpu.memref_slice %arg3[%arg0, %dma_wait3A_86, %dma_wait3A_87, %dma_wait3A_88] : memref<2x16x80x128xi32, #tpu.memory_space<hbm>> -> memref<1x16x80x128xi32, #tpu.memory_space<hbm>>
    %dma_wait3A_90 = tpu.memref_squeeze %dma_wait3A_89 : memref<1x16x80x128xi32, #tpu.memory_space<hbm>> -> memref<16x80x128xi32, #tpu.memory_space<hbm>>
    %dma_wait3A_91 = arith.constant 0 : i32
    %dma_wait3A_92 = arith.constant 0 : i32
    %dma_wait3A_93 = tpu.memref_slice %dma_wait3A_90[%arg1, %dma_wait3A_91, %dma_wait3A_92] : memref<16x80x128xi32, #tpu.memory_space<hbm>> -> memref<1x80x128xi32, #tpu.memory_space<hbm>>
    %dma_wait3A_94 = tpu.memref_squeeze %dma_wait3A_93 : memref<1x80x128xi32, #tpu.memory_space<hbm>> -> memref<80x128xi32, #tpu.memory_space<hbm>>
    %dma_wait3A_95 = arith.constant 0 : i32
    %dma_wait3A_96 = arith.constant 0 : i32
    %dma_wait3A_97 = tpu.memref_slice %dma_wait3A_94[%dma_wait3A_95, %dma_wait3A_96] : memref<80x128xi32, #tpu.memory_space<hbm>> -> memref<8x128xi32, #tpu.memory_space<hbm>>
    tpu.wait_dma2 semaphore(%arg15 : memref<!tpu.dma_semaphore, #tpu.memory_space<semaphore_mem>>) src(%dma_wait3A_97 : memref<8x128xi32, #tpu.memory_space<hbm>>) dst(%dma_wait3A_85 : memref<8x128xi32, #tpu.memory_space<vmem>>)
    %dma_start3A_98 = arith.constant 0 : i32
    %dma_start3A_99 = arith.constant 0 : i32
    %dma_start3A_100 = arith.constant 0 : i32
    %dma_start3A_101 = arith.constant 0 : i32
    %dma_start3A_102 = arith.constant 0 : i32
    %dma_start3A_103 = tpu.memref_slice %arg9[%dma_start3A_100, %dma_start3A_101, %dma_start3A_102] : memref<2x128x128xf32, #tpu.memory_space<vmem>> -> memref<1x128x128xf32, #tpu.memory_space<vmem>>
    %dma_start3A_104 = tpu.memref_squeeze %dma_start3A_103 : memref<1x128x128xf32, #tpu.memory_space<vmem>> -> memref<128x128xf32, #tpu.memory_space<vmem>>
    %dma_start3A_105 = arith.constant 0 : i32
    %dma_start3A_106 = arith.constant 0 : i32
    %dma_start3A_107 = tpu.memref_slice %arg7[%dma_start3A_98, %dma_start3A_105, %dma_start3A_106] : memref<2x8x128xi32, #tpu.memory_space<vmem>> -> memref<1x8x128xi32, #tpu.memory_space<vmem>>
    %dma_start3A_108 = tpu.memref_squeeze %dma_start3A_107 : memref<1x8x128xi32, #tpu.memory_space<vmem>> -> memref<8x128xi32, #tpu.memory_space<vmem>>
    %dma_start3A_109 = arith.constant 0 : i32
    %dma_start3A_110 = tpu.memref_slice %dma_start3A_108[%dma_start3A_99, %dma_start3A_109] : memref<8x128xi32, #tpu.memory_space<vmem>> -> memref<1x128xi32, #tpu.memory_space<vmem>>
    %dma_start3A_111 = tpu.memref_squeeze %dma_start3A_110 : memref<1x128xi32, #tpu.memory_space<vmem>> -> memref<128xi32, #tpu.memory_space<vmem>>
    %dma_start3A_112 = arith.constant 0 : i32
    %dma_start3A_113 = arith.constant 0 : i32
    %dma_start3A_114 = tpu.memref_slice %arg2[%dma_start3A_112, %dma_start3A_113] : memref<10000x128xf32, #tpu.memory_space<hbm>> -> memref<10000x128xf32, #tpu.memory_space<hbm>>
    tpu.enqueue_indirect_dma source(%dma_start3A_114 : memref<10000x128xf32, #tpu.memory_space<hbm>>) target(%dma_start3A_104 : memref<128x128xf32, #tpu.memory_space<vmem>>) offsets(%dma_start3A_111 : memref<128xi32, #tpu.memory_space<vmem>>) semaphore(%arg11 : memref<!tpu.dma_semaphore, #tpu.memory_space<semaphore_mem>>)
    %scan3A = arith.constant 0 : i32
    %scan3A_115 = arith.constant 0 : i32
    %scan3A_116 = arith.constant 5 : i32
    %scan3A_117 = arith.addi %scan3A_115, %scan3A_116 : i32
    %scan3A_118 = arith.constant 1 : i32
    scf.for %scan3A_125 = %scan3A_115 to %scan3A_117 step %scan3A_118  : i32 {
      %mul3A_126 = arith.constant 2 : i32
      %mul3A_127 = arith.muli %mul3A_126, %scan3A_125 : i32
      %add3A = arith.constant 1 : i32
      %add3A_128 = arith.addi %mul3A_127, %add3A : i32
      %mul3A_129 = arith.constant 8 : i32
      %mul3A_130 = arith.muli %add3A_128, %mul3A_129 : i32
      %dma_start3A_131 = arith.constant 1 : i32
      %dma_start3A_132 = arith.constant 0 : i32
      %dma_start3A_133 = arith.constant 0 : i32
      %dma_start3A_134 = tpu.memref_slice %arg7[%dma_start3A_131, %dma_start3A_132, %dma_start3A_133] : memref<2x8x128xi32, #tpu.memory_space<vmem>> -> memref<1x8x128xi32, #tpu.memory_space<vmem>>
      %dma_start3A_135 = tpu.memref_squeeze %dma_start3A_134 : memref<1x8x128xi32, #tpu.memory_space<vmem>> -> memref<8x128xi32, #tpu.memory_space<vmem>>
      %dma_start3A_136 = arith.constant 0 : i32
      %dma_start3A_137 = arith.constant 0 : i32
      %dma_start3A_138 = arith.constant 0 : i32
      %dma_start3A_139 = tpu.memref_slice %arg3[%arg0, %dma_start3A_136, %dma_start3A_137, %dma_start3A_138] : memref<2x16x80x128xi32, #tpu.memory_space<hbm>> -> memref<1x16x80x128xi32, #tpu.memory_space<hbm>>
      %dma_start3A_140 = tpu.memref_squeeze %dma_start3A_139 : memref<1x16x80x128xi32, #tpu.memory_space<hbm>> -> memref<16x80x128xi32, #tpu.memory_space<hbm>>
      %dma_start3A_141 = arith.constant 0 : i32
      %dma_start3A_142 = arith.constant 0 : i32
      %dma_start3A_143 = tpu.memref_slice %dma_start3A_140[%arg1, %dma_start3A_141, %dma_start3A_142] : memref<16x80x128xi32, #tpu.memory_space<hbm>> -> memref<1x80x128xi32, #tpu.memory_space<hbm>>
      %dma_start3A_144 = tpu.memref_squeeze %dma_start3A_143 : memref<1x80x128xi32, #tpu.memory_space<hbm>> -> memref<80x128xi32, #tpu.memory_space<hbm>>
      %dma_start3A_145 = arith.constant 0 : i32
      %dma_start3A_146 = tpu.memref_slice %dma_start3A_144[%mul3A_130, %dma_start3A_145] : memref<80x128xi32, #tpu.memory_space<hbm>> -> memref<8x128xi32, #tpu.memory_space<hbm>>
      %dma_start3A_147 = arith.constant 0 : i32
      %dma_start3A_148 = arith.constant 0 : i32
      %dma_start3A_149 = tpu.memref_slice %arg7[%dma_start3A_131, %dma_start3A_147, %dma_start3A_148] : memref<2x8x128xi32, #tpu.memory_space<vmem>> -> memref<1x8x128xi32, #tpu.memory_space<vmem>>
      %dma_start3A_150 = tpu.memref_squeeze %dma_start3A_149 : memref<1x8x128xi32, #tpu.memory_space<vmem>> -> memref<8x128xi32, #tpu.memory_space<vmem>>
      %dma_start3A_151 = arith.constant 0 : i32
      %dma_start3A_152 = arith.constant 0 : i32
      %dma_start3A_153 = arith.constant 0 : i32
      %dma_start3A_154 = tpu.memref_slice %arg3[%arg0, %dma_start3A_151, %dma_start3A_152, %dma_start3A_153] : memref<2x16x80x128xi32, #tpu.memory_space<hbm>> -> memref<1x16x80x128xi32, #tpu.memory_space<hbm>>
      %dma_start3A_155 = tpu.memref_squeeze %dma_start3A_154 : memref<1x16x80x128xi32, #tpu.memory_space<hbm>> -> memref<16x80x128xi32, #tpu.memory_space<hbm>>
      %dma_start3A_156 = arith.constant 0 : i32
      %dma_start3A_157 = arith.constant 0 : i32
      %dma_start3A_158 = tpu.memref_slice %dma_start3A_155[%arg1, %dma_start3A_156, %dma_start3A_157] : memref<16x80x128xi32, #tpu.memory_space<hbm>> -> memref<1x80x128xi32, #tpu.memory_space<hbm>>
      %dma_start3A_159 = tpu.memref_squeeze %dma_start3A_158 : memref<1x80x128xi32, #tpu.memory_space<hbm>> -> memref<80x128xi32, #tpu.memory_space<hbm>>
      %dma_start3A_160 = arith.constant 0 : i32
      %dma_start3A_161 = tpu.memref_slice %dma_start3A_159[%mul3A_130, %dma_start3A_160] : memref<80x128xi32, #tpu.memory_space<hbm>> -> memref<8x128xi32, #tpu.memory_space<hbm>>
      tpu.enqueue_dma source(%dma_start3A_161 : memref<8x128xi32, #tpu.memory_space<hbm>>) target(%dma_start3A_150 : memref<8x128xi32, #tpu.memory_space<vmem>>) target_semaphore(%arg16 : memref<!tpu.dma_semaphore, #tpu.memory_space<semaphore_mem>>)
      %mul3A_162 = arith.constant 8 : i32
      %mul3A_163 = arith.muli %add3A_128, %mul3A_162 : i32
      %dma_start3A_164 = arith.constant 1 : i32
      %dma_start3A_165 = arith.constant 0 : i32
      %dma_start3A_166 = arith.constant 0 : i32
      %dma_start3A_167 = tpu.memref_slice %arg8[%dma_start3A_164, %dma_start3A_165, %dma_start3A_166] : memref<2x8x128xi32, #tpu.memory_space<vmem>> -> memref<1x8x128xi32, #tpu.memory_space<vmem>>
      %dma_start3A_168 = tpu.memref_squeeze %dma_start3A_167 : memref<1x8x128xi32, #tpu.memory_space<vmem>> -> memref<8x128xi32, #tpu.memory_space<vmem>>
      %dma_start3A_169 = arith.constant 0 : i32
      %dma_start3A_170 = arith.constant 0 : i32
      %dma_start3A_171 = arith.constant 0 : i32
      %dma_start3A_172 = tpu.memref_slice %arg4[%arg0, %dma_start3A_169, %dma_start3A_170, %dma_start3A_171] : memref<2x16x80x128xi32, #tpu.memory_space<hbm>> -> memref<1x16x80x128xi32, #tpu.memory_space<hbm>>
      %dma_start3A_173 = tpu.memref_squeeze %dma_start3A_172 : memref<1x16x80x128xi32, #tpu.memory_space<hbm>> -> memref<16x80x128xi32, #tpu.memory_space<hbm>>
      %dma_start3A_174 = arith.constant 0 : i32
      %dma_start3A_175 = arith.constant 0 : i32
      %dma_start3A_176 = tpu.memref_slice %dma_start3A_173[%arg1, %dma_start3A_174, %dma_start3A_175] : memref<16x80x128xi32, #tpu.memory_space<hbm>> -> memref<1x80x128xi32, #tpu.memory_space<hbm>>
      %dma_start3A_177 = tpu.memref_squeeze %dma_start3A_176 : memref<1x80x128xi32, #tpu.memory_space<hbm>> -> memref<80x128xi32, #tpu.memory_space<hbm>>
      %dma_start3A_178 = arith.constant 0 : i32
      %dma_start3A_179 = tpu.memref_slice %dma_start3A_177[%mul3A_163, %dma_start3A_178] : memref<80x128xi32, #tpu.memory_space<hbm>> -> memref<8x128xi32, #tpu.memory_space<hbm>>
      %dma_start3A_180 = arith.constant 0 : i32
      %dma_start3A_181 = arith.constant 0 : i32
      %dma_start3A_182 = tpu.memref_slice %arg8[%dma_start3A_164, %dma_start3A_180, %dma_start3A_181] : memref<2x8x128xi32, #tpu.memory_space<vmem>> -> memref<1x8x128xi32, #tpu.memory_space<vmem>>
      %dma_start3A_183 = tpu.memref_squeeze %dma_start3A_182 : memref<1x8x128xi32, #tpu.memory_space<vmem>> -> memref<8x128xi32, #tpu.memory_space<vmem>>
      %dma_start3A_184 = arith.constant 0 : i32
      %dma_start3A_185 = arith.constant 0 : i32
      %dma_start3A_186 = arith.constant 0 : i32
      %dma_start3A_187 = tpu.memref_slice %arg4[%arg0, %dma_start3A_184, %dma_start3A_185, %dma_start3A_186] : memref<2x16x80x128xi32, #tpu.memory_space<hbm>> -> memref<1x16x80x128xi32, #tpu.memory_space<hbm>>
      %dma_start3A_188 = tpu.memref_squeeze %dma_start3A_187 : memref<1x16x80x128xi32, #tpu.memory_space<hbm>> -> memref<16x80x128xi32, #tpu.memory_space<hbm>>
      %dma_start3A_189 = arith.constant 0 : i32
      %dma_start3A_190 = arith.constant 0 : i32
      %dma_start3A_191 = tpu.memref_slice %dma_start3A_188[%arg1, %dma_start3A_189, %dma_start3A_190] : memref<16x80x128xi32, #tpu.memory_space<hbm>> -> memref<1x80x128xi32, #tpu.memory_space<hbm>>
      %dma_start3A_192 = tpu.memref_squeeze %dma_start3A_191 : memref<1x80x128xi32, #tpu.memory_space<hbm>> -> memref<80x128xi32, #tpu.memory_space<hbm>>
      %dma_start3A_193 = arith.constant 0 : i32
      %dma_start3A_194 = tpu.memref_slice %dma_start3A_192[%mul3A_163, %dma_start3A_193] : memref<80x128xi32, #tpu.memory_space<hbm>> -> memref<8x128xi32, #tpu.memory_space<hbm>>
      tpu.enqueue_dma source(%dma_start3A_194 : memref<8x128xi32, #tpu.memory_space<hbm>>) target(%dma_start3A_183 : memref<8x128xi32, #tpu.memory_space<vmem>>) target_semaphore(%arg18 : memref<!tpu.dma_semaphore, #tpu.memory_space<semaphore_mem>>)
      %dma_wait3A_195 = arith.constant 0 : i32
      %dma_wait3A_196 = arith.constant 0 : i32
      %dma_wait3A_197 = arith.constant 0 : i32
      %dma_wait3A_198 = tpu.memref_slice %arg8[%dma_wait3A_195, %dma_wait3A_196, %dma_wait3A_197] : memref<2x8x128xi32, #tpu.memory_space<vmem>> -> memref<1x8x128xi32, #tpu.memory_space<vmem>>
      %dma_wait3A_199 = tpu.memref_squeeze %dma_wait3A_198 : memref<1x8x128xi32, #tpu.memory_space<vmem>> -> memref<8x128xi32, #tpu.memory_space<vmem>>
      %dma_wait3A_200 = arith.constant 0 : i32
      %dma_wait3A_201 = arith.constant 0 : i32
      %dma_wait3A_202 = arith.constant 0 : i32
      %dma_wait3A_203 = tpu.memref_slice %arg4[%arg0, %dma_wait3A_200, %dma_wait3A_201, %dma_wait3A_202] : memref<2x16x80x128xi32, #tpu.memory_space<hbm>> -> memref<1x16x80x128xi32, #tpu.memory_space<hbm>>
      %dma_wait3A_204 = tpu.memref_squeeze %dma_wait3A_203 : memref<1x16x80x128xi32, #tpu.memory_space<hbm>> -> memref<16x80x128xi32, #tpu.memory_space<hbm>>
      %dma_wait3A_205 = arith.constant 0 : i32
      %dma_wait3A_206 = arith.constant 0 : i32
      %dma_wait3A_207 = tpu.memref_slice %dma_wait3A_204[%arg1, %dma_wait3A_205, %dma_wait3A_206] : memref<16x80x128xi32, #tpu.memory_space<hbm>> -> memref<1x80x128xi32, #tpu.memory_space<hbm>>
      %dma_wait3A_208 = tpu.memref_squeeze %dma_wait3A_207 : memref<1x80x128xi32, #tpu.memory_space<hbm>> -> memref<80x128xi32, #tpu.memory_space<hbm>>
      %dma_wait3A_209 = arith.constant 0 : i32
      %dma_wait3A_210 = arith.constant 0 : i32
      %dma_wait3A_211 = tpu.memref_slice %dma_wait3A_208[%dma_wait3A_209, %dma_wait3A_210] : memref<80x128xi32, #tpu.memory_space<hbm>> -> memref<8x128xi32, #tpu.memory_space<hbm>>
      %dma_wait3A_212 = arith.constant 0 : i32
      %dma_wait3A_213 = arith.constant 0 : i32
      %dma_wait3A_214 = tpu.memref_slice %arg8[%dma_wait3A_195, %dma_wait3A_212, %dma_wait3A_213] : memref<2x8x128xi32, #tpu.memory_space<vmem>> -> memref<1x8x128xi32, #tpu.memory_space<vmem>>
      %dma_wait3A_215 = tpu.memref_squeeze %dma_wait3A_214 : memref<1x8x128xi32, #tpu.memory_space<vmem>> -> memref<8x128xi32, #tpu.memory_space<vmem>>
      %dma_wait3A_216 = arith.constant 0 : i32
      %dma_wait3A_217 = arith.constant 0 : i32
      %dma_wait3A_218 = arith.constant 0 : i32
      %dma_wait3A_219 = tpu.memref_slice %arg4[%arg0, %dma_wait3A_216, %dma_wait3A_217, %dma_wait3A_218] : memref<2x16x80x128xi32, #tpu.memory_space<hbm>> -> memref<1x16x80x128xi32, #tpu.memory_space<hbm>>
      %dma_wait3A_220 = tpu.memref_squeeze %dma_wait3A_219 : memref<1x16x80x128xi32, #tpu.memory_space<hbm>> -> memref<16x80x128xi32, #tpu.memory_space<hbm>>
      %dma_wait3A_221 = arith.constant 0 : i32
      %dma_wait3A_222 = arith.constant 0 : i32
      %dma_wait3A_223 = tpu.memref_slice %dma_wait3A_220[%arg1, %dma_wait3A_221, %dma_wait3A_222] : memref<16x80x128xi32, #tpu.memory_space<hbm>> -> memref<1x80x128xi32, #tpu.memory_space<hbm>>
      %dma_wait3A_224 = tpu.memref_squeeze %dma_wait3A_223 : memref<1x80x128xi32, #tpu.memory_space<hbm>> -> memref<80x128xi32, #tpu.memory_space<hbm>>
      %dma_wait3A_225 = arith.constant 0 : i32
      %dma_wait3A_226 = arith.constant 0 : i32
      %dma_wait3A_227 = tpu.memref_slice %dma_wait3A_224[%dma_wait3A_225, %dma_wait3A_226] : memref<80x128xi32, #tpu.memory_space<hbm>> -> memref<8x128xi32, #tpu.memory_space<hbm>>
      tpu.wait_dma2 semaphore(%arg17 : memref<!tpu.dma_semaphore, #tpu.memory_space<semaphore_mem>>) src(%dma_wait3A_227 : memref<8x128xi32, #tpu.memory_space<hbm>>) dst(%dma_wait3A_215 : memref<8x128xi32, #tpu.memory_space<vmem>>)
      %dma_wait3A_228 = arith.constant 0 : i32
      %dma_wait3A_229 = arith.constant 0 : i32
      %dma_wait3A_230 = arith.constant 0 : i32
      %dma_wait3A_231 = tpu.memref_slice %arg9[%dma_wait3A_228, %dma_wait3A_229, %dma_wait3A_230] : memref<2x128x128xf32, #tpu.memory_space<vmem>> -> memref<1x128x128xf32, #tpu.memory_space<vmem>>
      %dma_wait3A_232 = tpu.memref_squeeze %dma_wait3A_231 : memref<1x128x128xf32, #tpu.memory_space<vmem>> -> memref<128x128xf32, #tpu.memory_space<vmem>>
      %dma_wait3A_233 = arith.constant 0 : i32
      %dma_wait3A_234 = arith.constant 0 : i32
      %dma_wait3A_235 = tpu.memref_slice %arg2[%dma_wait3A_233, %dma_wait3A_234] : memref<10000x128xf32, #tpu.memory_space<hbm>> -> memref<128x128xf32, #tpu.memory_space<hbm>>
      %dma_wait3A_236 = arith.constant 0 : i32
      %dma_wait3A_237 = arith.constant 0 : i32
      %dma_wait3A_238 = tpu.memref_slice %arg9[%dma_wait3A_228, %dma_wait3A_236, %dma_wait3A_237] : memref<2x128x128xf32, #tpu.memory_space<vmem>> -> memref<1x128x128xf32, #tpu.memory_space<vmem>>
      %dma_wait3A_239 = tpu.memref_squeeze %dma_wait3A_238 : memref<1x128x128xf32, #tpu.memory_space<vmem>> -> memref<128x128xf32, #tpu.memory_space<vmem>>
      %dma_wait3A_240 = arith.constant 0 : i32
      %dma_wait3A_241 = arith.constant 0 : i32
      %dma_wait3A_242 = tpu.memref_slice %arg2[%dma_wait3A_240, %dma_wait3A_241] : memref<10000x128xf32, #tpu.memory_space<hbm>> -> memref<128x128xf32, #tpu.memory_space<hbm>>
      tpu.wait_dma2 semaphore(%arg11 : memref<!tpu.dma_semaphore, #tpu.memory_space<semaphore_mem>>) src(%dma_wait3A_242 : memref<128x128xf32, #tpu.memory_space<hbm>>) dst(%dma_wait3A_239 : memref<128x128xf32, #tpu.memory_space<vmem>>)
      %dma_start3A_243 = arith.constant 0 : i32
      %dma_start3A_244 = arith.constant 1 : i32
      %dma_start3A_245 = arith.constant 1 : i32
      %dma_start3A_246 = arith.constant 0 : i32
      %dma_start3A_247 = arith.constant 0 : i32
      %dma_start3A_248 = tpu.memref_slice %arg9[%dma_start3A_245, %dma_start3A_246, %dma_start3A_247] : memref<2x128x128xf32, #tpu.memory_space<vmem>> -> memref<1x128x128xf32, #tpu.memory_space<vmem>>
      %dma_start3A_249 = tpu.memref_squeeze %dma_start3A_248 : memref<1x128x128xf32, #tpu.memory_space<vmem>> -> memref<128x128xf32, #tpu.memory_space<vmem>>
      %dma_start3A_250 = arith.constant 0 : i32
      %dma_start3A_251 = arith.constant 0 : i32
      %dma_start3A_252 = tpu.memref_slice %arg7[%dma_start3A_243, %dma_start3A_250, %dma_start3A_251] : memref<2x8x128xi32, #tpu.memory_space<vmem>> -> memref<1x8x128xi32, #tpu.memory_space<vmem>>
      %dma_start3A_253 = tpu.memref_squeeze %dma_start3A_252 : memref<1x8x128xi32, #tpu.memory_space<vmem>> -> memref<8x128xi32, #tpu.memory_space<vmem>>
      %dma_start3A_254 = arith.constant 0 : i32
      %dma_start3A_255 = tpu.memref_slice %dma_start3A_253[%dma_start3A_244, %dma_start3A_254] : memref<8x128xi32, #tpu.memory_space<vmem>> -> memref<1x128xi32, #tpu.memory_space<vmem>>
      %dma_start3A_256 = tpu.memref_squeeze %dma_start3A_255 : memref<1x128xi32, #tpu.memory_space<vmem>> -> memref<128xi32, #tpu.memory_space<vmem>>
      %dma_start3A_257 = arith.constant 0 : i32
      %dma_start3A_258 = arith.constant 0 : i32
      %dma_start3A_259 = tpu.memref_slice %arg2[%dma_start3A_257, %dma_start3A_258] : memref<10000x128xf32, #tpu.memory_space<hbm>> -> memref<10000x128xf32, #tpu.memory_space<hbm>>
      tpu.enqueue_indirect_dma source(%dma_start3A_259 : memref<10000x128xf32, #tpu.memory_space<hbm>>) target(%dma_start3A_249 : memref<128x128xf32, #tpu.memory_space<vmem>>) offsets(%dma_start3A_256 : memref<128xi32, #tpu.memory_space<vmem>>) semaphore(%arg12 : memref<!tpu.dma_semaphore, #tpu.memory_space<semaphore_mem>>)
      %run_scoped3A = arith.constant 0 : i32
      %run_scoped3A_260 = arith.constant 0 : i32
      %run_scoped3A_261 = arith.constant 0 : i32
      "tpu.region"() ({
        %run_scoped3A_843 = tpu.sem_alloc : memref<!tpu.dma_semaphore, #tpu.memory_space<semaphore_mem>>
        %dma_start3A_844 = arith.constant 0 : i32
        %dma_start3A_845 = arith.constant 0 : i32
        %dma_start3A_846 = tpu.memref_slice %arg9[%run_scoped3A, %dma_start3A_844, %dma_start3A_845] : memref<2x128x128xf32, #tpu.memory_space<vmem>> -> memref<1x128x128xf32, #tpu.memory_space<vmem>>
        %dma_start3A_847 = tpu.memref_squeeze %dma_start3A_846 : memref<1x128x128xf32, #tpu.memory_space<vmem>> -> memref<128x128xf32, #tpu.memory_space<vmem>>
        %dma_start3A_848 = arith.constant 0 : i32
        %dma_start3A_849 = arith.constant 0 : i32
        %dma_start3A_850 = tpu.memref_slice %arg8[%run_scoped3A_260, %dma_start3A_848, %dma_start3A_849] : memref<2x8x128xi32, #tpu.memory_space<vmem>> -> memref<1x8x128xi32, #tpu.memory_space<vmem>>
        %dma_start3A_851 = tpu.memref_squeeze %dma_start3A_850 : memref<1x8x128xi32, #tpu.memory_space<vmem>> -> memref<8x128xi32, #tpu.memory_space<vmem>>
        %dma_start3A_852 = arith.constant 0 : i32
        %dma_start3A_853 = tpu.memref_slice %dma_start3A_851[%run_scoped3A_261, %dma_start3A_852] : memref<8x128xi32, #tpu.memory_space<vmem>> -> memref<1x128xi32, #tpu.memory_space<vmem>>
        %dma_start3A_854 = tpu.memref_squeeze %dma_start3A_853 : memref<1x128xi32, #tpu.memory_space<vmem>> -> memref<128xi32, #tpu.memory_space<vmem>>
        %dma_start3A_855 = arith.constant 0 : i32
        %dma_start3A_856 = arith.constant 0 : i32
        %dma_start3A_857 = tpu.memref_slice %arg10[%dma_start3A_855, %dma_start3A_856] : memref<10112x128xf32, #tpu.memory_space<vmem_shared>> -> memref<10112x128xf32, #tpu.memory_space<vmem_shared>>
        tpu.enqueue_indirect_dma source(%dma_start3A_847 : memref<128x128xf32, #tpu.memory_space<vmem>>) target(%dma_start3A_857 : memref<10112x128xf32, #tpu.memory_space<vmem_shared>>) offsets(%dma_start3A_854 : memref<128xi32, #tpu.memory_space<vmem>>) semaphore(%run_scoped3A_843 : memref<!tpu.dma_semaphore, #tpu.memory_space<semaphore_mem>>) {add = true}
        %dma_wait3A_858 = arith.constant 0 : i32
        %dma_wait3A_859 = arith.constant 0 : i32
        %dma_wait3A_860 = tpu.memref_slice %arg9[%run_scoped3A, %dma_wait3A_858, %dma_wait3A_859] : memref<2x128x128xf32, #tpu.memory_space<vmem>> -> memref<1x128x128xf32, #tpu.memory_space<vmem>>
        %dma_wait3A_861 = tpu.memref_squeeze %dma_wait3A_860 : memref<1x128x128xf32, #tpu.memory_space<vmem>> -> memref<128x128xf32, #tpu.memory_space<vmem>>
        %dma_wait3A_862 = arith.constant 0 : i32
        %dma_wait3A_863 = arith.constant 0 : i32
        %dma_wait3A_864 = tpu.memref_slice %arg8[%run_scoped3A_260, %dma_wait3A_862, %dma_wait3A_863] : memref<2x8x128xi32, #tpu.memory_space<vmem>> -> memref<1x8x128xi32, #tpu.memory_space<vmem>>
        %dma_wait3A_865 = tpu.memref_squeeze %dma_wait3A_864 : memref<1x8x128xi32, #tpu.memory_space<vmem>> -> memref<8x128xi32, #tpu.memory_space<vmem>>
        %dma_wait3A_866 = arith.constant 0 : i32
        %dma_wait3A_867 = tpu.memref_slice %dma_wait3A_865[%run_scoped3A_261, %dma_wait3A_866] : memref<8x128xi32, #tpu.memory_space<vmem>> -> memref<1x128xi32, #tpu.memory_space<vmem>>
        %dma_wait3A_868 = tpu.memref_squeeze %dma_wait3A_867 : memref<1x128xi32, #tpu.memory_space<vmem>> -> memref<128xi32, #tpu.memory_space<vmem>>
        %dma_wait3A_869 = arith.constant 0 : i32
        %dma_wait3A_870 = arith.constant 0 : i32
        %dma_wait3A_871 = tpu.memref_slice %arg10[%dma_wait3A_869, %dma_wait3A_870] : memref<10112x128xf32, #tpu.memory_space<vmem_shared>> -> memref<10112x128xf32, #tpu.memory_space<vmem_shared>>
        tpu.wait_indirect_dma semaphore(%run_scoped3A_843 : memref<!tpu.dma_semaphore, #tpu.memory_space<semaphore_mem>>) src(%dma_wait3A_861 : memref<128x128xf32, #tpu.memory_space<vmem>>) dst(%dma_wait3A_871 : memref<10112x128xf32, #tpu.memory_space<vmem_shared>>)
        tpu.yield
      }) : () -> ()
      %dma_wait3A_262 = arith.constant 1 : i32
      %dma_wait3A_263 = arith.constant 0 : i32
      %dma_wait3A_264 = arith.constant 0 : i32
      %dma_wait3A_265 = tpu.memref_slice %arg9[%dma_wait3A_262, %dma_wait3A_263, %dma_wait3A_264] : memref<2x128x128xf32, #tpu.memory_space<vmem>> -> memref<1x128x128xf32, #tpu.memory_space<vmem>>
      %dma_wait3A_266 = tpu.memref_squeeze %dma_wait3A_265 : memref<1x128x128xf32, #tpu.memory_space<vmem>> -> memref<128x128xf32, #tpu.memory_space<vmem>>
      %dma_wait3A_267 = arith.constant 0 : i32
      %dma_wait3A_268 = arith.constant 0 : i32
      %dma_wait3A_269 = tpu.memref_slice %arg2[%dma_wait3A_267, %dma_wait3A_268] : memref<10000x128xf32, #tpu.memory_space<hbm>> -> memref<128x128xf32, #tpu.memory_space<hbm>>
      %dma_wait3A_270 = arith.constant 0 : i32
      %dma_wait3A_271 = arith.constant 0 : i32
      %dma_wait3A_272 = tpu.memref_slice %arg9[%dma_wait3A_262, %dma_wait3A_270, %dma_wait3A_271] : memref<2x128x128xf32, #tpu.memory_space<vmem>> -> memref<1x128x128xf32, #tpu.memory_space<vmem>>
      %dma_wait3A_273 = tpu.memref_squeeze %dma_wait3A_272 : memref<1x128x128xf32, #tpu.memory_space<vmem>> -> memref<128x128xf32, #tpu.memory_space<vmem>>
      %dma_wait3A_274 = arith.constant 0 : i32
      %dma_wait3A_275 = arith.constant 0 : i32
      %dma_wait3A_276 = tpu.memref_slice %arg2[%dma_wait3A_274, %dma_wait3A_275] : memref<10000x128xf32, #tpu.memory_space<hbm>> -> memref<128x128xf32, #tpu.memory_space<hbm>>
      tpu.wait_dma2 semaphore(%arg12 : memref<!tpu.dma_semaphore, #tpu.memory_space<semaphore_mem>>) src(%dma_wait3A_276 : memref<128x128xf32, #tpu.memory_space<hbm>>) dst(%dma_wait3A_273 : memref<128x128xf32, #tpu.memory_space<vmem>>)
      %dma_start3A_277 = arith.constant 0 : i32
      %dma_start3A_278 = arith.constant 2 : i32
      %dma_start3A_279 = arith.constant 0 : i32
      %dma_start3A_280 = arith.constant 0 : i32
      %dma_start3A_281 = arith.constant 0 : i32
      %dma_start3A_282 = tpu.memref_slice %arg9[%dma_start3A_279, %dma_start3A_280, %dma_start3A_281] : memref<2x128x128xf32, #tpu.memory_space<vmem>> -> memref<1x128x128xf32, #tpu.memory_space<vmem>>
      %dma_start3A_283 = tpu.memref_squeeze %dma_start3A_282 : memref<1x128x128xf32, #tpu.memory_space<vmem>> -> memref<128x128xf32, #tpu.memory_space<vmem>>
      %dma_start3A_284 = arith.constant 0 : i32
      %dma_start3A_285 = arith.constant 0 : i32
      %dma_start3A_286 = tpu.memref_slice %arg7[%dma_start3A_277, %dma_start3A_284, %dma_start3A_285] : memref<2x8x128xi32, #tpu.memory_space<vmem>> -> memref<1x8x128xi32, #tpu.memory_space<vmem>>
      %dma_start3A_287 = tpu.memref_squeeze %dma_start3A_286 : memref<1x8x128xi32, #tpu.memory_space<vmem>> -> memref<8x128xi32, #tpu.memory_space<vmem>>
      %dma_start3A_288 = arith.constant 0 : i32
      %dma_start3A_289 = tpu.memref_slice %dma_start3A_287[%dma_start3A_278, %dma_start3A_288] : memref<8x128xi32, #tpu.memory_space<vmem>> -> memref<1x128xi32, #tpu.memory_space<vmem>>
      %dma_start3A_290 = tpu.memref_squeeze %dma_start3A_289 : memref<1x128xi32, #tpu.memory_space<vmem>> -> memref<128xi32, #tpu.memory_space<vmem>>
      %dma_start3A_291 = arith.constant 0 : i32
      %dma_start3A_292 = arith.constant 0 : i32
      %dma_start3A_293 = tpu.memref_slice %arg2[%dma_start3A_291, %dma_start3A_292] : memref<10000x128xf32, #tpu.memory_space<hbm>> -> memref<10000x128xf32, #tpu.memory_space<hbm>>
      tpu.enqueue_indirect_dma source(%dma_start3A_293 : memref<10000x128xf32, #tpu.memory_space<hbm>>) target(%dma_start3A_283 : memref<128x128xf32, #tpu.memory_space<vmem>>) offsets(%dma_start3A_290 : memref<128xi32, #tpu.memory_space<vmem>>) semaphore(%arg11 : memref<!tpu.dma_semaphore, #tpu.memory_space<semaphore_mem>>)
      %run_scoped3A_294 = arith.constant 1 : i32
      %run_scoped3A_295 = arith.constant 0 : i32
      %run_scoped3A_296 = arith.constant 1 : i32
      "tpu.region"() ({
        %run_scoped3A_843 = tpu.sem_alloc : memref<!tpu.dma_semaphore, #tpu.memory_space<semaphore_mem>>
        %dma_start3A_844 = arith.constant 0 : i32
        %dma_start3A_845 = arith.constant 0 : i32
        %dma_start3A_846 = tpu.memref_slice %arg9[%run_scoped3A_294, %dma_start3A_844, %dma_start3A_845] : memref<2x128x128xf32, #tpu.memory_space<vmem>> -> memref<1x128x128xf32, #tpu.memory_space<vmem>>
        %dma_start3A_847 = tpu.memref_squeeze %dma_start3A_846 : memref<1x128x128xf32, #tpu.memory_space<vmem>> -> memref<128x128xf32, #tpu.memory_space<vmem>>
        %dma_start3A_848 = arith.constant 0 : i32
        %dma_start3A_849 = arith.constant 0 : i32
        %dma_start3A_850 = tpu.memref_slice %arg8[%run_scoped3A_295, %dma_start3A_848, %dma_start3A_849] : memref<2x8x128xi32, #tpu.memory_space<vmem>> -> memref<1x8x128xi32, #tpu.memory_space<vmem>>
        %dma_start3A_851 = tpu.memref_squeeze %dma_start3A_850 : memref<1x8x128xi32, #tpu.memory_space<vmem>> -> memref<8x128xi32, #tpu.memory_space<vmem>>
        %dma_start3A_852 = arith.constant 0 : i32
        %dma_start3A_853 = tpu.memref_slice %dma_start3A_851[%run_scoped3A_296, %dma_start3A_852] : memref<8x128xi32, #tpu.memory_space<vmem>> -> memref<1x128xi32, #tpu.memory_space<vmem>>
        %dma_start3A_854 = tpu.memref_squeeze %dma_start3A_853 : memref<1x128xi32, #tpu.memory_space<vmem>> -> memref<128xi32, #tpu.memory_space<vmem>>
        %dma_start3A_855 = arith.constant 0 : i32
        %dma_start3A_856 = arith.constant 0 : i32
        %dma_start3A_857 = tpu.memref_slice %arg10[%dma_start3A_855, %dma_start3A_856] : memref<10112x128xf32, #tpu.memory_space<vmem_shared>> -> memref<10112x128xf32, #tpu.memory_space<vmem_shared>>
        tpu.enqueue_indirect_dma source(%dma_start3A_847 : memref<128x128xf32, #tpu.memory_space<vmem>>) target(%dma_start3A_857 : memref<10112x128xf32, #tpu.memory_space<vmem_shared>>) offsets(%dma_start3A_854 : memref<128xi32, #tpu.memory_space<vmem>>) semaphore(%run_scoped3A_843 : memref<!tpu.dma_semaphore, #tpu.memory_space<semaphore_mem>>) {add = true}
        %dma_wait3A_858 = arith.constant 0 : i32
        %dma_wait3A_859 = arith.constant 0 : i32
        %dma_wait3A_860 = tpu.memref_slice %arg9[%run_scoped3A_294, %dma_wait3A_858, %dma_wait3A_859] : memref<2x128x128xf32, #tpu.memory_space<vmem>> -> memref<1x128x128xf32, #tpu.memory_space<vmem>>
        %dma_wait3A_861 = tpu.memref_squeeze %dma_wait3A_860 : memref<1x128x128xf32, #tpu.memory_space<vmem>> -> memref<128x128xf32, #tpu.memory_space<vmem>>
        %dma_wait3A_862 = arith.constant 0 : i32
        %dma_wait3A_863 = arith.constant 0 : i32
        %dma_wait3A_864 = tpu.memref_slice %arg8[%run_scoped3A_295, %dma_wait3A_862, %dma_wait3A_863] : memref<2x8x128xi32, #tpu.memory_space<vmem>> -> memref<1x8x128xi32, #tpu.memory_space<vmem>>
        %dma_wait3A_865 = tpu.memref_squeeze %dma_wait3A_864 : memref<1x8x128xi32, #tpu.memory_space<vmem>> -> memref<8x128xi32, #tpu.memory_space<vmem>>
        %dma_wait3A_866 = arith.constant 0 : i32
        %dma_wait3A_867 = tpu.memref_slice %dma_wait3A_865[%run_scoped3A_296, %dma_wait3A_866] : memref<8x128xi32, #tpu.memory_space<vmem>> -> memref<1x128xi32, #tpu.memory_space<vmem>>
        %dma_wait3A_868 = tpu.memref_squeeze %dma_wait3A_867 : memref<1x128xi32, #tpu.memory_space<vmem>> -> memref<128xi32, #tpu.memory_space<vmem>>
        %dma_wait3A_869 = arith.constant 0 : i32
        %dma_wait3A_870 = arith.constant 0 : i32
        %dma_wait3A_871 = tpu.memref_slice %arg10[%dma_wait3A_869, %dma_wait3A_870] : memref<10112x128xf32, #tpu.memory_space<vmem_shared>> -> memref<10112x128xf32, #tpu.memory_space<vmem_shared>>
        tpu.wait_indirect_dma semaphore(%run_scoped3A_843 : memref<!tpu.dma_semaphore, #tpu.memory_space<semaphore_mem>>) src(%dma_wait3A_861 : memref<128x128xf32, #tpu.memory_space<vmem>>) dst(%dma_wait3A_871 : memref<10112x128xf32, #tpu.memory_space<vmem_shared>>)
        tpu.yield
      }) : () -> ()
      %dma_wait3A_297 = arith.constant 0 : i32
      %dma_wait3A_298 = arith.constant 0 : i32
      %dma_wait3A_299 = arith.constant 0 : i32
      %dma_wait3A_300 = tpu.memref_slice %arg9[%dma_wait3A_297, %dma_wait3A_298, %dma_wait3A_299] : memref<2x128x128xf32, #tpu.memory_space<vmem>> -> memref<1x128x128xf32, #tpu.memory_space<vmem>>
      %dma_wait3A_301 = tpu.memref_squeeze %dma_wait3A_300 : memref<1x128x128xf32, #tpu.memory_space<vmem>> -> memref<128x128xf32, #tpu.memory_space<vmem>>
      %dma_wait3A_302 = arith.constant 0 : i32
      %dma_wait3A_303 = arith.constant 0 : i32
      %dma_wait3A_304 = tpu.memref_slice %arg2[%dma_wait3A_302, %dma_wait3A_303] : memref<10000x128xf32, #tpu.memory_space<hbm>> -> memref<128x128xf32, #tpu.memory_space<hbm>>
      %dma_wait3A_305 = arith.constant 0 : i32
      %dma_wait3A_306 = arith.constant 0 : i32
      %dma_wait3A_307 = tpu.memref_slice %arg9[%dma_wait3A_297, %dma_wait3A_305, %dma_wait3A_306] : memref<2x128x128xf32, #tpu.memory_space<vmem>> -> memref<1x128x128xf32, #tpu.memory_space<vmem>>
      %dma_wait3A_308 = tpu.memref_squeeze %dma_wait3A_307 : memref<1x128x128xf32, #tpu.memory_space<vmem>> -> memref<128x128xf32, #tpu.memory_space<vmem>>
      %dma_wait3A_309 = arith.constant 0 : i32
      %dma_wait3A_310 = arith.constant 0 : i32
      %dma_wait3A_311 = tpu.memref_slice %arg2[%dma_wait3A_309, %dma_wait3A_310] : memref<10000x128xf32, #tpu.memory_space<hbm>> -> memref<128x128xf32, #tpu.memory_space<hbm>>
      tpu.wait_dma2 semaphore(%arg11 : memref<!tpu.dma_semaphore, #tpu.memory_space<semaphore_mem>>) src(%dma_wait3A_311 : memref<128x128xf32, #tpu.memory_space<hbm>>) dst(%dma_wait3A_308 : memref<128x128xf32, #tpu.memory_space<vmem>>)
      %dma_start3A_312 = arith.constant 0 : i32
      %dma_start3A_313 = arith.constant 3 : i32
      %dma_start3A_314 = arith.constant 1 : i32
      %dma_start3A_315 = arith.constant 0 : i32
      %dma_start3A_316 = arith.constant 0 : i32
      %dma_start3A_317 = tpu.memref_slice %arg9[%dma_start3A_314, %dma_start3A_315, %dma_start3A_316] : memref<2x128x128xf32, #tpu.memory_space<vmem>> -> memref<1x128x128xf32, #tpu.memory_space<vmem>>
      %dma_start3A_318 = tpu.memref_squeeze %dma_start3A_317 : memref<1x128x128xf32, #tpu.memory_space<vmem>> -> memref<128x128xf32, #tpu.memory_space<vmem>>
      %dma_start3A_319 = arith.constant 0 : i32
      %dma_start3A_320 = arith.constant 0 : i32
      %dma_start3A_321 = tpu.memref_slice %arg7[%dma_start3A_312, %dma_start3A_319, %dma_start3A_320] : memref<2x8x128xi32, #tpu.memory_space<vmem>> -> memref<1x8x128xi32, #tpu.memory_space<vmem>>
      %dma_start3A_322 = tpu.memref_squeeze %dma_start3A_321 : memref<1x8x128xi32, #tpu.memory_space<vmem>> -> memref<8x128xi32, #tpu.memory_space<vmem>>
      %dma_start3A_323 = arith.constant 0 : i32
      %dma_start3A_324 = tpu.memref_slice %dma_start3A_322[%dma_start3A_313, %dma_start3A_323] : memref<8x128xi32, #tpu.memory_space<vmem>> -> memref<1x128xi32, #tpu.memory_space<vmem>>
      %dma_start3A_325 = tpu.memref_squeeze %dma_start3A_324 : memref<1x128xi32, #tpu.memory_space<vmem>> -> memref<128xi32, #tpu.memory_space<vmem>>
      %dma_start3A_326 = arith.constant 0 : i32
      %dma_start3A_327 = arith.constant 0 : i32
      %dma_start3A_328 = tpu.memref_slice %arg2[%dma_start3A_326, %dma_start3A_327] : memref<10000x128xf32, #tpu.memory_space<hbm>> -> memref<10000x128xf32, #tpu.memory_space<hbm>>
      tpu.enqueue_indirect_dma source(%dma_start3A_328 : memref<10000x128xf32, #tpu.memory_space<hbm>>) target(%dma_start3A_318 : memref<128x128xf32, #tpu.memory_space<vmem>>) offsets(%dma_start3A_325 : memref<128xi32, #tpu.memory_space<vmem>>) semaphore(%arg12 : memref<!tpu.dma_semaphore, #tpu.memory_space<semaphore_mem>>)
      %run_scoped3A_329 = arith.constant 0 : i32
      %run_scoped3A_330 = arith.constant 0 : i32
      %run_scoped3A_331 = arith.constant 2 : i32
      "tpu.region"() ({
        %run_scoped3A_843 = tpu.sem_alloc : memref<!tpu.dma_semaphore, #tpu.memory_space<semaphore_mem>>
        %dma_start3A_844 = arith.constant 0 : i32
        %dma_start3A_845 = arith.constant 0 : i32
        %dma_start3A_846 = tpu.memref_slice %arg9[%run_scoped3A_329, %dma_start3A_844, %dma_start3A_845] : memref<2x128x128xf32, #tpu.memory_space<vmem>> -> memref<1x128x128xf32, #tpu.memory_space<vmem>>
        %dma_start3A_847 = tpu.memref_squeeze %dma_start3A_846 : memref<1x128x128xf32, #tpu.memory_space<vmem>> -> memref<128x128xf32, #tpu.memory_space<vmem>>
        %dma_start3A_848 = arith.constant 0 : i32
        %dma_start3A_849 = arith.constant 0 : i32
        %dma_start3A_850 = tpu.memref_slice %arg8[%run_scoped3A_330, %dma_start3A_848, %dma_start3A_849] : memref<2x8x128xi32, #tpu.memory_space<vmem>> -> memref<1x8x128xi32, #tpu.memory_space<vmem>>
        %dma_start3A_851 = tpu.memref_squeeze %dma_start3A_850 : memref<1x8x128xi32, #tpu.memory_space<vmem>> -> memref<8x128xi32, #tpu.memory_space<vmem>>
        %dma_start3A_852 = arith.constant 0 : i32
        %dma_start3A_853 = tpu.memref_slice %dma_start3A_851[%run_scoped3A_331, %dma_start3A_852] : memref<8x128xi32, #tpu.memory_space<vmem>> -> memref<1x128xi32, #tpu.memory_space<vmem>>
        %dma_start3A_854 = tpu.memref_squeeze %dma_start3A_853 : memref<1x128xi32, #tpu.memory_space<vmem>> -> memref<128xi32, #tpu.memory_space<vmem>>
        %dma_start3A_855 = arith.constant 0 : i32
        %dma_start3A_856 = arith.constant 0 : i32
        %dma_start3A_857 = tpu.memref_slice %arg10[%dma_start3A_855, %dma_start3A_856] : memref<10112x128xf32, #tpu.memory_space<vmem_shared>> -> memref<10112x128xf32, #tpu.memory_space<vmem_shared>>
        tpu.enqueue_indirect_dma source(%dma_start3A_847 : memref<128x128xf32, #tpu.memory_space<vmem>>) target(%dma_start3A_857 : memref<10112x128xf32, #tpu.memory_space<vmem_shared>>) offsets(%dma_start3A_854 : memref<128xi32, #tpu.memory_space<vmem>>) semaphore(%run_scoped3A_843 : memref<!tpu.dma_semaphore, #tpu.memory_space<semaphore_mem>>) {add = true}
        %dma_wait3A_858 = arith.constant 0 : i32
        %dma_wait3A_859 = arith.constant 0 : i32
        %dma_wait3A_860 = tpu.memref_slice %arg9[%run_scoped3A_329, %dma_wait3A_858, %dma_wait3A_859] : memref<2x128x128xf32, #tpu.memory_space<vmem>> -> memref<1x128x128xf32, #tpu.memory_space<vmem>>
        %dma_wait3A_861 = tpu.memref_squeeze %dma_wait3A_860 : memref<1x128x128xf32, #tpu.memory_space<vmem>> -> memref<128x128xf32, #tpu.memory_space<vmem>>
        %dma_wait3A_862 = arith.constant 0 : i32
        %dma_wait3A_863 = arith.constant 0 : i32
        %dma_wait3A_864 = tpu.memref_slice %arg8[%run_scoped3A_330, %dma_wait3A_862, %dma_wait3A_863] : memref<2x8x128xi32, #tpu.memory_space<vmem>> -> memref<1x8x128xi32, #tpu.memory_space<vmem>>
        %dma_wait3A_865 = tpu.memref_squeeze %dma_wait3A_864 : memref<1x8x128xi32, #tpu.memory_space<vmem>> -> memref<8x128xi32, #tpu.memory_space<vmem>>
        %dma_wait3A_866 = arith.constant 0 : i32
        %dma_wait3A_867 = tpu.memref_slice %dma_wait3A_865[%run_scoped3A_331, %dma_wait3A_866] : memref<8x128xi32, #tpu.memory_space<vmem>> -> memref<1x128xi32, #tpu.memory_space<vmem>>
        %dma_wait3A_868 = tpu.memref_squeeze %dma_wait3A_867 : memref<1x128xi32, #tpu.memory_space<vmem>> -> memref<128xi32, #tpu.memory_space<vmem>>
        %dma_wait3A_869 = arith.constant 0 : i32
        %dma_wait3A_870 = arith.constant 0 : i32
        %dma_wait3A_871 = tpu.memref_slice %arg10[%dma_wait3A_869, %dma_wait3A_870] : memref<10112x128xf32, #tpu.memory_space<vmem_shared>> -> memref<10112x128xf32, #tpu.memory_space<vmem_shared>>
        tpu.wait_indirect_dma semaphore(%run_scoped3A_843 : memref<!tpu.dma_semaphore, #tpu.memory_space<semaphore_mem>>) src(%dma_wait3A_861 : memref<128x128xf32, #tpu.memory_space<vmem>>) dst(%dma_wait3A_871 : memref<10112x128xf32, #tpu.memory_space<vmem_shared>>)
        tpu.yield
      }) : () -> ()
      %dma_wait3A_332 = arith.constant 1 : i32
      %dma_wait3A_333 = arith.constant 0 : i32
      %dma_wait3A_334 = arith.constant 0 : i32
      %dma_wait3A_335 = tpu.memref_slice %arg9[%dma_wait3A_332, %dma_wait3A_333, %dma_wait3A_334] : memref<2x128x128xf32, #tpu.memory_space<vmem>> -> memref<1x128x128xf32, #tpu.memory_space<vmem>>
      %dma_wait3A_336 = tpu.memref_squeeze %dma_wait3A_335 : memref<1x128x128xf32, #tpu.memory_space<vmem>> -> memref<128x128xf32, #tpu.memory_space<vmem>>
      %dma_wait3A_337 = arith.constant 0 : i32
      %dma_wait3A_338 = arith.constant 0 : i32
      %dma_wait3A_339 = tpu.memref_slice %arg2[%dma_wait3A_337, %dma_wait3A_338] : memref<10000x128xf32, #tpu.memory_space<hbm>> -> memref<128x128xf32, #tpu.memory_space<hbm>>
      %dma_wait3A_340 = arith.constant 0 : i32
      %dma_wait3A_341 = arith.constant 0 : i32
      %dma_wait3A_342 = tpu.memref_slice %arg9[%dma_wait3A_332, %dma_wait3A_340, %dma_wait3A_341] : memref<2x128x128xf32, #tpu.memory_space<vmem>> -> memref<1x128x128xf32, #tpu.memory_space<vmem>>
      %dma_wait3A_343 = tpu.memref_squeeze %dma_wait3A_342 : memref<1x128x128xf32, #tpu.memory_space<vmem>> -> memref<128x128xf32, #tpu.memory_space<vmem>>
      %dma_wait3A_344 = arith.constant 0 : i32
      %dma_wait3A_345 = arith.constant 0 : i32
      %dma_wait3A_346 = tpu.memref_slice %arg2[%dma_wait3A_344, %dma_wait3A_345] : memref<10000x128xf32, #tpu.memory_space<hbm>> -> memref<128x128xf32, #tpu.memory_space<hbm>>
      tpu.wait_dma2 semaphore(%arg12 : memref<!tpu.dma_semaphore, #tpu.memory_space<semaphore_mem>>) src(%dma_wait3A_346 : memref<128x128xf32, #tpu.memory_space<hbm>>) dst(%dma_wait3A_343 : memref<128x128xf32, #tpu.memory_space<vmem>>)
      %dma_start3A_347 = arith.constant 0 : i32
      %dma_start3A_348 = arith.constant 4 : i32
      %dma_start3A_349 = arith.constant 0 : i32
      %dma_start3A_350 = arith.constant 0 : i32
      %dma_start3A_351 = arith.constant 0 : i32
      %dma_start3A_352 = tpu.memref_slice %arg9[%dma_start3A_349, %dma_start3A_350, %dma_start3A_351] : memref<2x128x128xf32, #tpu.memory_space<vmem>> -> memref<1x128x128xf32, #tpu.memory_space<vmem>>
      %dma_start3A_353 = tpu.memref_squeeze %dma_start3A_352 : memref<1x128x128xf32, #tpu.memory_space<vmem>> -> memref<128x128xf32, #tpu.memory_space<vmem>>
      %dma_start3A_354 = arith.constant 0 : i32
      %dma_start3A_355 = arith.constant 0 : i32
      %dma_start3A_356 = tpu.memref_slice %arg7[%dma_start3A_347, %dma_start3A_354, %dma_start3A_355] : memref<2x8x128xi32, #tpu.memory_space<vmem>> -> memref<1x8x128xi32, #tpu.memory_space<vmem>>
      %dma_start3A_357 = tpu.memref_squeeze %dma_start3A_356 : memref<1x8x128xi32, #tpu.memory_space<vmem>> -> memref<8x128xi32, #tpu.memory_space<vmem>>
      %dma_start3A_358 = arith.constant 0 : i32
      %dma_start3A_359 = tpu.memref_slice %dma_start3A_357[%dma_start3A_348, %dma_start3A_358] : memref<8x128xi32, #tpu.memory_space<vmem>> -> memref<1x128xi32, #tpu.memory_space<vmem>>
      %dma_start3A_360 = tpu.memref_squeeze %dma_start3A_359 : memref<1x128xi32, #tpu.memory_space<vmem>> -> memref<128xi32, #tpu.memory_space<vmem>>
      %dma_start3A_361 = arith.constant 0 : i32
      %dma_start3A_362 = arith.constant 0 : i32
      %dma_start3A_363 = tpu.memref_slice %arg2[%dma_start3A_361, %dma_start3A_362] : memref<10000x128xf32, #tpu.memory_space<hbm>> -> memref<10000x128xf32, #tpu.memory_space<hbm>>
      tpu.enqueue_indirect_dma source(%dma_start3A_363 : memref<10000x128xf32, #tpu.memory_space<hbm>>) target(%dma_start3A_353 : memref<128x128xf32, #tpu.memory_space<vmem>>) offsets(%dma_start3A_360 : memref<128xi32, #tpu.memory_space<vmem>>) semaphore(%arg11 : memref<!tpu.dma_semaphore, #tpu.memory_space<semaphore_mem>>)
      %run_scoped3A_364 = arith.constant 1 : i32
      %run_scoped3A_365 = arith.constant 0 : i32
      %run_scoped3A_366 = arith.constant 3 : i32
      "tpu.region"() ({
        %run_scoped3A_843 = tpu.sem_alloc : memref<!tpu.dma_semaphore, #tpu.memory_space<semaphore_mem>>
        %dma_start3A_844 = arith.constant 0 : i32
        %dma_start3A_845 = arith.constant 0 : i32
        %dma_start3A_846 = tpu.memref_slice %arg9[%run_scoped3A_364, %dma_start3A_844, %dma_start3A_845] : memref<2x128x128xf32, #tpu.memory_space<vmem>> -> memref<1x128x128xf32, #tpu.memory_space<vmem>>
        %dma_start3A_847 = tpu.memref_squeeze %dma_start3A_846 : memref<1x128x128xf32, #tpu.memory_space<vmem>> -> memref<128x128xf32, #tpu.memory_space<vmem>>
        %dma_start3A_848 = arith.constant 0 : i32
        %dma_start3A_849 = arith.constant 0 : i32
        %dma_start3A_850 = tpu.memref_slice %arg8[%run_scoped3A_365, %dma_start3A_848, %dma_start3A_849] : memref<2x8x128xi32, #tpu.memory_space<vmem>> -> memref<1x8x128xi32, #tpu.memory_space<vmem>>
        %dma_start3A_851 = tpu.memref_squeeze %dma_start3A_850 : memref<1x8x128xi32, #tpu.memory_space<vmem>> -> memref<8x128xi32, #tpu.memory_space<vmem>>
        %dma_start3A_852 = arith.constant 0 : i32
        %dma_start3A_853 = tpu.memref_slice %dma_start3A_851[%run_scoped3A_366, %dma_start3A_852] : memref<8x128xi32, #tpu.memory_space<vmem>> -> memref<1x128xi32, #tpu.memory_space<vmem>>
        %dma_start3A_854 = tpu.memref_squeeze %dma_start3A_853 : memref<1x128xi32, #tpu.memory_space<vmem>> -> memref<128xi32, #tpu.memory_space<vmem>>
        %dma_start3A_855 = arith.constant 0 : i32
        %dma_start3A_856 = arith.constant 0 : i32
        %dma_start3A_857 = tpu.memref_slice %arg10[%dma_start3A_855, %dma_start3A_856] : memref<10112x128xf32, #tpu.memory_space<vmem_shared>> -> memref<10112x128xf32, #tpu.memory_space<vmem_shared>>
        tpu.enqueue_indirect_dma source(%dma_start3A_847 : memref<128x128xf32, #tpu.memory_space<vmem>>) target(%dma_start3A_857 : memref<10112x128xf32, #tpu.memory_space<vmem_shared>>) offsets(%dma_start3A_854 : memref<128xi32, #tpu.memory_space<vmem>>) semaphore(%run_scoped3A_843 : memref<!tpu.dma_semaphore, #tpu.memory_space<semaphore_mem>>) {add = true}
        %dma_wait3A_858 = arith.constant 0 : i32
        %dma_wait3A_859 = arith.constant 0 : i32
        %dma_wait3A_860 = tpu.memref_slice %arg9[%run_scoped3A_364, %dma_wait3A_858, %dma_wait3A_859] : memref<2x128x128xf32, #tpu.memory_space<vmem>> -> memref<1x128x128xf32, #tpu.memory_space<vmem>>
        %dma_wait3A_861 = tpu.memref_squeeze %dma_wait3A_860 : memref<1x128x128xf32, #tpu.memory_space<vmem>> -> memref<128x128xf32, #tpu.memory_space<vmem>>
        %dma_wait3A_862 = arith.constant 0 : i32
        %dma_wait3A_863 = arith.constant 0 : i32
        %dma_wait3A_864 = tpu.memref_slice %arg8[%run_scoped3A_365, %dma_wait3A_862, %dma_wait3A_863] : memref<2x8x128xi32, #tpu.memory_space<vmem>> -> memref<1x8x128xi32, #tpu.memory_space<vmem>>
        %dma_wait3A_865 = tpu.memref_squeeze %dma_wait3A_864 : memref<1x8x128xi32, #tpu.memory_space<vmem>> -> memref<8x128xi32, #tpu.memory_space<vmem>>
        %dma_wait3A_866 = arith.constant 0 : i32
        %dma_wait3A_867 = tpu.memref_slice %dma_wait3A_865[%run_scoped3A_366, %dma_wait3A_866] : memref<8x128xi32, #tpu.memory_space<vmem>> -> memref<1x128xi32, #tpu.memory_space<vmem>>
        %dma_wait3A_868 = tpu.memref_squeeze %dma_wait3A_867 : memref<1x128xi32, #tpu.memory_space<vmem>> -> memref<128xi32, #tpu.memory_space<vmem>>
        %dma_wait3A_869 = arith.constant 0 : i32
        %dma_wait3A_870 = arith.constant 0 : i32
        %dma_wait3A_871 = tpu.memref_slice %arg10[%dma_wait3A_869, %dma_wait3A_870] : memref<10112x128xf32, #tpu.memory_space<vmem_shared>> -> memref<10112x128xf32, #tpu.memory_space<vmem_shared>>
        tpu.wait_indirect_dma semaphore(%run_scoped3A_843 : memref<!tpu.dma_semaphore, #tpu.memory_space<semaphore_mem>>) src(%dma_wait3A_861 : memref<128x128xf32, #tpu.memory_space<vmem>>) dst(%dma_wait3A_871 : memref<10112x128xf32, #tpu.memory_space<vmem_shared>>)
        tpu.yield
      }) : () -> ()
      %dma_wait3A_367 = arith.constant 0 : i32
      %dma_wait3A_368 = arith.constant 0 : i32
      %dma_wait3A_369 = arith.constant 0 : i32
      %dma_wait3A_370 = tpu.memref_slice %arg9[%dma_wait3A_367, %dma_wait3A_368, %dma_wait3A_369] : memref<2x128x128xf32, #tpu.memory_space<vmem>> -> memref<1x128x128xf32, #tpu.memory_space<vmem>>
      %dma_wait3A_371 = tpu.memref_squeeze %dma_wait3A_370 : memref<1x128x128xf32, #tpu.memory_space<vmem>> -> memref<128x128xf32, #tpu.memory_space<vmem>>
      %dma_wait3A_372 = arith.constant 0 : i32
      %dma_wait3A_373 = arith.constant 0 : i32
      %dma_wait3A_374 = tpu.memref_slice %arg2[%dma_wait3A_372, %dma_wait3A_373] : memref<10000x128xf32, #tpu.memory_space<hbm>> -> memref<128x128xf32, #tpu.memory_space<hbm>>
      %dma_wait3A_375 = arith.constant 0 : i32
      %dma_wait3A_376 = arith.constant 0 : i32
      %dma_wait3A_377 = tpu.memref_slice %arg9[%dma_wait3A_367, %dma_wait3A_375, %dma_wait3A_376] : memref<2x128x128xf32, #tpu.memory_space<vmem>> -> memref<1x128x128xf32, #tpu.memory_space<vmem>>
      %dma_wait3A_378 = tpu.memref_squeeze %dma_wait3A_377 : memref<1x128x128xf32, #tpu.memory_space<vmem>> -> memref<128x128xf32, #tpu.memory_space<vmem>>
      %dma_wait3A_379 = arith.constant 0 : i32
      %dma_wait3A_380 = arith.constant 0 : i32
      %dma_wait3A_381 = tpu.memref_slice %arg2[%dma_wait3A_379, %dma_wait3A_380] : memref<10000x128xf32, #tpu.memory_space<hbm>> -> memref<128x128xf32, #tpu.memory_space<hbm>>
      tpu.wait_dma2 semaphore(%arg11 : memref<!tpu.dma_semaphore, #tpu.memory_space<semaphore_mem>>) src(%dma_wait3A_381 : memref<128x128xf32, #tpu.memory_space<hbm>>) dst(%dma_wait3A_378 : memref<128x128xf32, #tpu.memory_space<vmem>>)
      %dma_start3A_382 = arith.constant 0 : i32
      %dma_start3A_383 = arith.constant 5 : i32
      %dma_start3A_384 = arith.constant 1 : i32
      %dma_start3A_385 = arith.constant 0 : i32
      %dma_start3A_386 = arith.constant 0 : i32
      %dma_start3A_387 = tpu.memref_slice %arg9[%dma_start3A_384, %dma_start3A_385, %dma_start3A_386] : memref<2x128x128xf32, #tpu.memory_space<vmem>> -> memref<1x128x128xf32, #tpu.memory_space<vmem>>
      %dma_start3A_388 = tpu.memref_squeeze %dma_start3A_387 : memref<1x128x128xf32, #tpu.memory_space<vmem>> -> memref<128x128xf32, #tpu.memory_space<vmem>>
      %dma_start3A_389 = arith.constant 0 : i32
      %dma_start3A_390 = arith.constant 0 : i32
      %dma_start3A_391 = tpu.memref_slice %arg7[%dma_start3A_382, %dma_start3A_389, %dma_start3A_390] : memref<2x8x128xi32, #tpu.memory_space<vmem>> -> memref<1x8x128xi32, #tpu.memory_space<vmem>>
      %dma_start3A_392 = tpu.memref_squeeze %dma_start3A_391 : memref<1x8x128xi32, #tpu.memory_space<vmem>> -> memref<8x128xi32, #tpu.memory_space<vmem>>
      %dma_start3A_393 = arith.constant 0 : i32
      %dma_start3A_394 = tpu.memref_slice %dma_start3A_392[%dma_start3A_383, %dma_start3A_393] : memref<8x128xi32, #tpu.memory_space<vmem>> -> memref<1x128xi32, #tpu.memory_space<vmem>>
      %dma_start3A_395 = tpu.memref_squeeze %dma_start3A_394 : memref<1x128xi32, #tpu.memory_space<vmem>> -> memref<128xi32, #tpu.memory_space<vmem>>
      %dma_start3A_396 = arith.constant 0 : i32
      %dma_start3A_397 = arith.constant 0 : i32
      %dma_start3A_398 = tpu.memref_slice %arg2[%dma_start3A_396, %dma_start3A_397] : memref<10000x128xf32, #tpu.memory_space<hbm>> -> memref<10000x128xf32, #tpu.memory_space<hbm>>
      tpu.enqueue_indirect_dma source(%dma_start3A_398 : memref<10000x128xf32, #tpu.memory_space<hbm>>) target(%dma_start3A_388 : memref<128x128xf32, #tpu.memory_space<vmem>>) offsets(%dma_start3A_395 : memref<128xi32, #tpu.memory_space<vmem>>) semaphore(%arg12 : memref<!tpu.dma_semaphore, #tpu.memory_space<semaphore_mem>>)
      %run_scoped3A_399 = arith.constant 0 : i32
      %run_scoped3A_400 = arith.constant 0 : i32
      %run_scoped3A_401 = arith.constant 4 : i32
      "tpu.region"() ({
        %run_scoped3A_843 = tpu.sem_alloc : memref<!tpu.dma_semaphore, #tpu.memory_space<semaphore_mem>>
        %dma_start3A_844 = arith.constant 0 : i32
        %dma_start3A_845 = arith.constant 0 : i32
        %dma_start3A_846 = tpu.memref_slice %arg9[%run_scoped3A_399, %dma_start3A_844, %dma_start3A_845] : memref<2x128x128xf32, #tpu.memory_space<vmem>> -> memref<1x128x128xf32, #tpu.memory_space<vmem>>
        %dma_start3A_847 = tpu.memref_squeeze %dma_start3A_846 : memref<1x128x128xf32, #tpu.memory_space<vmem>> -> memref<128x128xf32, #tpu.memory_space<vmem>>
        %dma_start3A_848 = arith.constant 0 : i32
        %dma_start3A_849 = arith.constant 0 : i32
        %dma_start3A_850 = tpu.memref_slice %arg8[%run_scoped3A_400, %dma_start3A_848, %dma_start3A_849] : memref<2x8x128xi32, #tpu.memory_space<vmem>> -> memref<1x8x128xi32, #tpu.memory_space<vmem>>
        %dma_start3A_851 = tpu.memref_squeeze %dma_start3A_850 : memref<1x8x128xi32, #tpu.memory_space<vmem>> -> memref<8x128xi32, #tpu.memory_space<vmem>>
        %dma_start3A_852 = arith.constant 0 : i32
        %dma_start3A_853 = tpu.memref_slice %dma_start3A_851[%run_scoped3A_401, %dma_start3A_852] : memref<8x128xi32, #tpu.memory_space<vmem>> -> memref<1x128xi32, #tpu.memory_space<vmem>>
        %dma_start3A_854 = tpu.memref_squeeze %dma_start3A_853 : memref<1x128xi32, #tpu.memory_space<vmem>> -> memref<128xi32, #tpu.memory_space<vmem>>
        %dma_start3A_855 = arith.constant 0 : i32
        %dma_start3A_856 = arith.constant 0 : i32
        %dma_start3A_857 = tpu.memref_slice %arg10[%dma_start3A_855, %dma_start3A_856] : memref<10112x128xf32, #tpu.memory_space<vmem_shared>> -> memref<10112x128xf32, #tpu.memory_space<vmem_shared>>
        tpu.enqueue_indirect_dma source(%dma_start3A_847 : memref<128x128xf32, #tpu.memory_space<vmem>>) target(%dma_start3A_857 : memref<10112x128xf32, #tpu.memory_space<vmem_shared>>) offsets(%dma_start3A_854 : memref<128xi32, #tpu.memory_space<vmem>>) semaphore(%run_scoped3A_843 : memref<!tpu.dma_semaphore, #tpu.memory_space<semaphore_mem>>) {add = true}
        %dma_wait3A_858 = arith.constant 0 : i32
        %dma_wait3A_859 = arith.constant 0 : i32
        %dma_wait3A_860 = tpu.memref_slice %arg9[%run_scoped3A_399, %dma_wait3A_858, %dma_wait3A_859] : memref<2x128x128xf32, #tpu.memory_space<vmem>> -> memref<1x128x128xf32, #tpu.memory_space<vmem>>
        %dma_wait3A_861 = tpu.memref_squeeze %dma_wait3A_860 : memref<1x128x128xf32, #tpu.memory_space<vmem>> -> memref<128x128xf32, #tpu.memory_space<vmem>>
        %dma_wait3A_862 = arith.constant 0 : i32
        %dma_wait3A_863 = arith.constant 0 : i32
        %dma_wait3A_864 = tpu.memref_slice %arg8[%run_scoped3A_400, %dma_wait3A_862, %dma_wait3A_863] : memref<2x8x128xi32, #tpu.memory_space<vmem>> -> memref<1x8x128xi32, #tpu.memory_space<vmem>>
        %dma_wait3A_865 = tpu.memref_squeeze %dma_wait3A_864 : memref<1x8x128xi32, #tpu.memory_space<vmem>> -> memref<8x128xi32, #tpu.memory_space<vmem>>
        %dma_wait3A_866 = arith.constant 0 : i32
        %dma_wait3A_867 = tpu.memref_slice %dma_wait3A_865[%run_scoped3A_401, %dma_wait3A_866] : memref<8x128xi32, #tpu.memory_space<vmem>> -> memref<1x128xi32, #tpu.memory_space<vmem>>
        %dma_wait3A_868 = tpu.memref_squeeze %dma_wait3A_867 : memref<1x128xi32, #tpu.memory_space<vmem>> -> memref<128xi32, #tpu.memory_space<vmem>>
        %dma_wait3A_869 = arith.constant 0 : i32
        %dma_wait3A_870 = arith.constant 0 : i32
        %dma_wait3A_871 = tpu.memref_slice %arg10[%dma_wait3A_869, %dma_wait3A_870] : memref<10112x128xf32, #tpu.memory_space<vmem_shared>> -> memref<10112x128xf32, #tpu.memory_space<vmem_shared>>
        tpu.wait_indirect_dma semaphore(%run_scoped3A_843 : memref<!tpu.dma_semaphore, #tpu.memory_space<semaphore_mem>>) src(%dma_wait3A_861 : memref<128x128xf32, #tpu.memory_space<vmem>>) dst(%dma_wait3A_871 : memref<10112x128xf32, #tpu.memory_space<vmem_shared>>)
        tpu.yield
      }) : () -> ()
      %dma_wait3A_402 = arith.constant 1 : i32
      %dma_wait3A_403 = arith.constant 0 : i32
      %dma_wait3A_404 = arith.constant 0 : i32
      %dma_wait3A_405 = tpu.memref_slice %arg9[%dma_wait3A_402, %dma_wait3A_403, %dma_wait3A_404] : memref<2x128x128xf32, #tpu.memory_space<vmem>> -> memref<1x128x128xf32, #tpu.memory_space<vmem>>
      %dma_wait3A_406 = tpu.memref_squeeze %dma_wait3A_405 : memref<1x128x128xf32, #tpu.memory_space<vmem>> -> memref<128x128xf32, #tpu.memory_space<vmem>>
      %dma_wait3A_407 = arith.constant 0 : i32
      %dma_wait3A_408 = arith.constant 0 : i32
      %dma_wait3A_409 = tpu.memref_slice %arg2[%dma_wait3A_407, %dma_wait3A_408] : memref<10000x128xf32, #tpu.memory_space<hbm>> -> memref<128x128xf32, #tpu.memory_space<hbm>>
      %dma_wait3A_410 = arith.constant 0 : i32
      %dma_wait3A_411 = arith.constant 0 : i32
      %dma_wait3A_412 = tpu.memref_slice %arg9[%dma_wait3A_402, %dma_wait3A_410, %dma_wait3A_411] : memref<2x128x128xf32, #tpu.memory_space<vmem>> -> memref<1x128x128xf32, #tpu.memory_space<vmem>>
      %dma_wait3A_413 = tpu.memref_squeeze %dma_wait3A_412 : memref<1x128x128xf32, #tpu.memory_space<vmem>> -> memref<128x128xf32, #tpu.memory_space<vmem>>
      %dma_wait3A_414 = arith.constant 0 : i32
      %dma_wait3A_415 = arith.constant 0 : i32
      %dma_wait3A_416 = tpu.memref_slice %arg2[%dma_wait3A_414, %dma_wait3A_415] : memref<10000x128xf32, #tpu.memory_space<hbm>> -> memref<128x128xf32, #tpu.memory_space<hbm>>
      tpu.wait_dma2 semaphore(%arg12 : memref<!tpu.dma_semaphore, #tpu.memory_space<semaphore_mem>>) src(%dma_wait3A_416 : memref<128x128xf32, #tpu.memory_space<hbm>>) dst(%dma_wait3A_413 : memref<128x128xf32, #tpu.memory_space<vmem>>)
      %dma_start3A_417 = arith.constant 0 : i32
      %dma_start3A_418 = arith.constant 6 : i32
      %dma_start3A_419 = arith.constant 0 : i32
      %dma_start3A_420 = arith.constant 0 : i32
      %dma_start3A_421 = arith.constant 0 : i32
      %dma_start3A_422 = tpu.memref_slice %arg9[%dma_start3A_419, %dma_start3A_420, %dma_start3A_421] : memref<2x128x128xf32, #tpu.memory_space<vmem>> -> memref<1x128x128xf32, #tpu.memory_space<vmem>>
      %dma_start3A_423 = tpu.memref_squeeze %dma_start3A_422 : memref<1x128x128xf32, #tpu.memory_space<vmem>> -> memref<128x128xf32, #tpu.memory_space<vmem>>
      %dma_start3A_424 = arith.constant 0 : i32
      %dma_start3A_425 = arith.constant 0 : i32
      %dma_start3A_426 = tpu.memref_slice %arg7[%dma_start3A_417, %dma_start3A_424, %dma_start3A_425] : memref<2x8x128xi32, #tpu.memory_space<vmem>> -> memref<1x8x128xi32, #tpu.memory_space<vmem>>
      %dma_start3A_427 = tpu.memref_squeeze %dma_start3A_426 : memref<1x8x128xi32, #tpu.memory_space<vmem>> -> memref<8x128xi32, #tpu.memory_space<vmem>>
      %dma_start3A_428 = arith.constant 0 : i32
      %dma_start3A_429 = tpu.memref_slice %dma_start3A_427[%dma_start3A_418, %dma_start3A_428] : memref<8x128xi32, #tpu.memory_space<vmem>> -> memref<1x128xi32, #tpu.memory_space<vmem>>
      %dma_start3A_430 = tpu.memref_squeeze %dma_start3A_429 : memref<1x128xi32, #tpu.memory_space<vmem>> -> memref<128xi32, #tpu.memory_space<vmem>>
      %dma_start3A_431 = arith.constant 0 : i32
      %dma_start3A_432 = arith.constant 0 : i32
      %dma_start3A_433 = tpu.memref_slice %arg2[%dma_start3A_431, %dma_start3A_432] : memref<10000x128xf32, #tpu.memory_space<hbm>> -> memref<10000x128xf32, #tpu.memory_space<hbm>>
      tpu.enqueue_indirect_dma source(%dma_start3A_433 : memref<10000x128xf32, #tpu.memory_space<hbm>>) target(%dma_start3A_423 : memref<128x128xf32, #tpu.memory_space<vmem>>) offsets(%dma_start3A_430 : memref<128xi32, #tpu.memory_space<vmem>>) semaphore(%arg11 : memref<!tpu.dma_semaphore, #tpu.memory_space<semaphore_mem>>)
      %run_scoped3A_434 = arith.constant 1 : i32
      %run_scoped3A_435 = arith.constant 0 : i32
      %run_scoped3A_436 = arith.constant 5 : i32
      "tpu.region"() ({
        %run_scoped3A_843 = tpu.sem_alloc : memref<!tpu.dma_semaphore, #tpu.memory_space<semaphore_mem>>
        %dma_start3A_844 = arith.constant 0 : i32
        %dma_start3A_845 = arith.constant 0 : i32
        %dma_start3A_846 = tpu.memref_slice %arg9[%run_scoped3A_434, %dma_start3A_844, %dma_start3A_845] : memref<2x128x128xf32, #tpu.memory_space<vmem>> -> memref<1x128x128xf32, #tpu.memory_space<vmem>>
        %dma_start3A_847 = tpu.memref_squeeze %dma_start3A_846 : memref<1x128x128xf32, #tpu.memory_space<vmem>> -> memref<128x128xf32, #tpu.memory_space<vmem>>
        %dma_start3A_848 = arith.constant 0 : i32
        %dma_start3A_849 = arith.constant 0 : i32
        %dma_start3A_850 = tpu.memref_slice %arg8[%run_scoped3A_435, %dma_start3A_848, %dma_start3A_849] : memref<2x8x128xi32, #tpu.memory_space<vmem>> -> memref<1x8x128xi32, #tpu.memory_space<vmem>>
        %dma_start3A_851 = tpu.memref_squeeze %dma_start3A_850 : memref<1x8x128xi32, #tpu.memory_space<vmem>> -> memref<8x128xi32, #tpu.memory_space<vmem>>
        %dma_start3A_852 = arith.constant 0 : i32
        %dma_start3A_853 = tpu.memref_slice %dma_start3A_851[%run_scoped3A_436, %dma_start3A_852] : memref<8x128xi32, #tpu.memory_space<vmem>> -> memref<1x128xi32, #tpu.memory_space<vmem>>
        %dma_start3A_854 = tpu.memref_squeeze %dma_start3A_853 : memref<1x128xi32, #tpu.memory_space<vmem>> -> memref<128xi32, #tpu.memory_space<vmem>>
        %dma_start3A_855 = arith.constant 0 : i32
        %dma_start3A_856 = arith.constant 0 : i32
        %dma_start3A_857 = tpu.memref_slice %arg10[%dma_start3A_855, %dma_start3A_856] : memref<10112x128xf32, #tpu.memory_space<vmem_shared>> -> memref<10112x128xf32, #tpu.memory_space<vmem_shared>>
        tpu.enqueue_indirect_dma source(%dma_start3A_847 : memref<128x128xf32, #tpu.memory_space<vmem>>) target(%dma_start3A_857 : memref<10112x128xf32, #tpu.memory_space<vmem_shared>>) offsets(%dma_start3A_854 : memref<128xi32, #tpu.memory_space<vmem>>) semaphore(%run_scoped3A_843 : memref<!tpu.dma_semaphore, #tpu.memory_space<semaphore_mem>>) {add = true}
        %dma_wait3A_858 = arith.constant 0 : i32
        %dma_wait3A_859 = arith.constant 0 : i32
        %dma_wait3A_860 = tpu.memref_slice %arg9[%run_scoped3A_434, %dma_wait3A_858, %dma_wait3A_859] : memref<2x128x128xf32, #tpu.memory_space<vmem>> -> memref<1x128x128xf32, #tpu.memory_space<vmem>>
        %dma_wait3A_861 = tpu.memref_squeeze %dma_wait3A_860 : memref<1x128x128xf32, #tpu.memory_space<vmem>> -> memref<128x128xf32, #tpu.memory_space<vmem>>
        %dma_wait3A_862 = arith.constant 0 : i32
        %dma_wait3A_863 = arith.constant 0 : i32
        %dma_wait3A_864 = tpu.memref_slice %arg8[%run_scoped3A_435, %dma_wait3A_862, %dma_wait3A_863] : memref<2x8x128xi32, #tpu.memory_space<vmem>> -> memref<1x8x128xi32, #tpu.memory_space<vmem>>
        %dma_wait3A_865 = tpu.memref_squeeze %dma_wait3A_864 : memref<1x8x128xi32, #tpu.memory_space<vmem>> -> memref<8x128xi32, #tpu.memory_space<vmem>>
        %dma_wait3A_866 = arith.constant 0 : i32
        %dma_wait3A_867 = tpu.memref_slice %dma_wait3A_865[%run_scoped3A_436, %dma_wait3A_866] : memref<8x128xi32, #tpu.memory_space<vmem>> -> memref<1x128xi32, #tpu.memory_space<vmem>>
        %dma_wait3A_868 = tpu.memref_squeeze %dma_wait3A_867 : memref<1x128xi32, #tpu.memory_space<vmem>> -> memref<128xi32, #tpu.memory_space<vmem>>
        %dma_wait3A_869 = arith.constant 0 : i32
        %dma_wait3A_870 = arith.constant 0 : i32
        %dma_wait3A_871 = tpu.memref_slice %arg10[%dma_wait3A_869, %dma_wait3A_870] : memref<10112x128xf32, #tpu.memory_space<vmem_shared>> -> memref<10112x128xf32, #tpu.memory_space<vmem_shared>>
        tpu.wait_indirect_dma semaphore(%run_scoped3A_843 : memref<!tpu.dma_semaphore, #tpu.memory_space<semaphore_mem>>) src(%dma_wait3A_861 : memref<128x128xf32, #tpu.memory_space<vmem>>) dst(%dma_wait3A_871 : memref<10112x128xf32, #tpu.memory_space<vmem_shared>>)
        tpu.yield
      }) : () -> ()
      %dma_wait3A_437 = arith.constant 0 : i32
      %dma_wait3A_438 = arith.constant 0 : i32
      %dma_wait3A_439 = arith.constant 0 : i32
      %dma_wait3A_440 = tpu.memref_slice %arg9[%dma_wait3A_437, %dma_wait3A_438, %dma_wait3A_439] : memref<2x128x128xf32, #tpu.memory_space<vmem>> -> memref<1x128x128xf32, #tpu.memory_space<vmem>>
      %dma_wait3A_441 = tpu.memref_squeeze %dma_wait3A_440 : memref<1x128x128xf32, #tpu.memory_space<vmem>> -> memref<128x128xf32, #tpu.memory_space<vmem>>
      %dma_wait3A_442 = arith.constant 0 : i32
      %dma_wait3A_443 = arith.constant 0 : i32
      %dma_wait3A_444 = tpu.memref_slice %arg2[%dma_wait3A_442, %dma_wait3A_443] : memref<10000x128xf32, #tpu.memory_space<hbm>> -> memref<128x128xf32, #tpu.memory_space<hbm>>
      %dma_wait3A_445 = arith.constant 0 : i32
      %dma_wait3A_446 = arith.constant 0 : i32
      %dma_wait3A_447 = tpu.memref_slice %arg9[%dma_wait3A_437, %dma_wait3A_445, %dma_wait3A_446] : memref<2x128x128xf32, #tpu.memory_space<vmem>> -> memref<1x128x128xf32, #tpu.memory_space<vmem>>
      %dma_wait3A_448 = tpu.memref_squeeze %dma_wait3A_447 : memref<1x128x128xf32, #tpu.memory_space<vmem>> -> memref<128x128xf32, #tpu.memory_space<vmem>>
      %dma_wait3A_449 = arith.constant 0 : i32
      %dma_wait3A_450 = arith.constant 0 : i32
      %dma_wait3A_451 = tpu.memref_slice %arg2[%dma_wait3A_449, %dma_wait3A_450] : memref<10000x128xf32, #tpu.memory_space<hbm>> -> memref<128x128xf32, #tpu.memory_space<hbm>>
      tpu.wait_dma2 semaphore(%arg11 : memref<!tpu.dma_semaphore, #tpu.memory_space<semaphore_mem>>) src(%dma_wait3A_451 : memref<128x128xf32, #tpu.memory_space<hbm>>) dst(%dma_wait3A_448 : memref<128x128xf32, #tpu.memory_space<vmem>>)
      %dma_start3A_452 = arith.constant 0 : i32
      %dma_start3A_453 = arith.constant 7 : i32
      %dma_start3A_454 = arith.constant 1 : i32
      %dma_start3A_455 = arith.constant 0 : i32
      %dma_start3A_456 = arith.constant 0 : i32
      %dma_start3A_457 = tpu.memref_slice %arg9[%dma_start3A_454, %dma_start3A_455, %dma_start3A_456] : memref<2x128x128xf32, #tpu.memory_space<vmem>> -> memref<1x128x128xf32, #tpu.memory_space<vmem>>
      %dma_start3A_458 = tpu.memref_squeeze %dma_start3A_457 : memref<1x128x128xf32, #tpu.memory_space<vmem>> -> memref<128x128xf32, #tpu.memory_space<vmem>>
      %dma_start3A_459 = arith.constant 0 : i32
      %dma_start3A_460 = arith.constant 0 : i32
      %dma_start3A_461 = tpu.memref_slice %arg7[%dma_start3A_452, %dma_start3A_459, %dma_start3A_460] : memref<2x8x128xi32, #tpu.memory_space<vmem>> -> memref<1x8x128xi32, #tpu.memory_space<vmem>>
      %dma_start3A_462 = tpu.memref_squeeze %dma_start3A_461 : memref<1x8x128xi32, #tpu.memory_space<vmem>> -> memref<8x128xi32, #tpu.memory_space<vmem>>
      %dma_start3A_463 = arith.constant 0 : i32
      %dma_start3A_464 = tpu.memref_slice %dma_start3A_462[%dma_start3A_453, %dma_start3A_463] : memref<8x128xi32, #tpu.memory_space<vmem>> -> memref<1x128xi32, #tpu.memory_space<vmem>>
      %dma_start3A_465 = tpu.memref_squeeze %dma_start3A_464 : memref<1x128xi32, #tpu.memory_space<vmem>> -> memref<128xi32, #tpu.memory_space<vmem>>
      %dma_start3A_466 = arith.constant 0 : i32
      %dma_start3A_467 = arith.constant 0 : i32
      %dma_start3A_468 = tpu.memref_slice %arg2[%dma_start3A_466, %dma_start3A_467] : memref<10000x128xf32, #tpu.memory_space<hbm>> -> memref<10000x128xf32, #tpu.memory_space<hbm>>
      tpu.enqueue_indirect_dma source(%dma_start3A_468 : memref<10000x128xf32, #tpu.memory_space<hbm>>) target(%dma_start3A_458 : memref<128x128xf32, #tpu.memory_space<vmem>>) offsets(%dma_start3A_465 : memref<128xi32, #tpu.memory_space<vmem>>) semaphore(%arg12 : memref<!tpu.dma_semaphore, #tpu.memory_space<semaphore_mem>>)
      %run_scoped3A_469 = arith.constant 0 : i32
      %run_scoped3A_470 = arith.constant 0 : i32
      %run_scoped3A_471 = arith.constant 6 : i32
      "tpu.region"() ({
        %run_scoped3A_843 = tpu.sem_alloc : memref<!tpu.dma_semaphore, #tpu.memory_space<semaphore_mem>>
        %dma_start3A_844 = arith.constant 0 : i32
        %dma_start3A_845 = arith.constant 0 : i32
        %dma_start3A_846 = tpu.memref_slice %arg9[%run_scoped3A_469, %dma_start3A_844, %dma_start3A_845] : memref<2x128x128xf32, #tpu.memory_space<vmem>> -> memref<1x128x128xf32, #tpu.memory_space<vmem>>
        %dma_start3A_847 = tpu.memref_squeeze %dma_start3A_846 : memref<1x128x128xf32, #tpu.memory_space<vmem>> -> memref<128x128xf32, #tpu.memory_space<vmem>>
        %dma_start3A_848 = arith.constant 0 : i32
        %dma_start3A_849 = arith.constant 0 : i32
        %dma_start3A_850 = tpu.memref_slice %arg8[%run_scoped3A_470, %dma_start3A_848, %dma_start3A_849] : memref<2x8x128xi32, #tpu.memory_space<vmem>> -> memref<1x8x128xi32, #tpu.memory_space<vmem>>
        %dma_start3A_851 = tpu.memref_squeeze %dma_start3A_850 : memref<1x8x128xi32, #tpu.memory_space<vmem>> -> memref<8x128xi32, #tpu.memory_space<vmem>>
        %dma_start3A_852 = arith.constant 0 : i32
        %dma_start3A_853 = tpu.memref_slice %dma_start3A_851[%run_scoped3A_471, %dma_start3A_852] : memref<8x128xi32, #tpu.memory_space<vmem>> -> memref<1x128xi32, #tpu.memory_space<vmem>>
        %dma_start3A_854 = tpu.memref_squeeze %dma_start3A_853 : memref<1x128xi32, #tpu.memory_space<vmem>> -> memref<128xi32, #tpu.memory_space<vmem>>
        %dma_start3A_855 = arith.constant 0 : i32
        %dma_start3A_856 = arith.constant 0 : i32
        %dma_start3A_857 = tpu.memref_slice %arg10[%dma_start3A_855, %dma_start3A_856] : memref<10112x128xf32, #tpu.memory_space<vmem_shared>> -> memref<10112x128xf32, #tpu.memory_space<vmem_shared>>
        tpu.enqueue_indirect_dma source(%dma_start3A_847 : memref<128x128xf32, #tpu.memory_space<vmem>>) target(%dma_start3A_857 : memref<10112x128xf32, #tpu.memory_space<vmem_shared>>) offsets(%dma_start3A_854 : memref<128xi32, #tpu.memory_space<vmem>>) semaphore(%run_scoped3A_843 : memref<!tpu.dma_semaphore, #tpu.memory_space<semaphore_mem>>) {add = true}
        %dma_wait3A_858 = arith.constant 0 : i32
        %dma_wait3A_859 = arith.constant 0 : i32
        %dma_wait3A_860 = tpu.memref_slice %arg9[%run_scoped3A_469, %dma_wait3A_858, %dma_wait3A_859] : memref<2x128x128xf32, #tpu.memory_space<vmem>> -> memref<1x128x128xf32, #tpu.memory_space<vmem>>
        %dma_wait3A_861 = tpu.memref_squeeze %dma_wait3A_860 : memref<1x128x128xf32, #tpu.memory_space<vmem>> -> memref<128x128xf32, #tpu.memory_space<vmem>>
        %dma_wait3A_862 = arith.constant 0 : i32
        %dma_wait3A_863 = arith.constant 0 : i32
        %dma_wait3A_864 = tpu.memref_slice %arg8[%run_scoped3A_470, %dma_wait3A_862, %dma_wait3A_863] : memref<2x8x128xi32, #tpu.memory_space<vmem>> -> memref<1x8x128xi32, #tpu.memory_space<vmem>>
        %dma_wait3A_865 = tpu.memref_squeeze %dma_wait3A_864 : memref<1x8x128xi32, #tpu.memory_space<vmem>> -> memref<8x128xi32, #tpu.memory_space<vmem>>
        %dma_wait3A_866 = arith.constant 0 : i32
        %dma_wait3A_867 = tpu.memref_slice %dma_wait3A_865[%run_scoped3A_471, %dma_wait3A_866] : memref<8x128xi32, #tpu.memory_space<vmem>> -> memref<1x128xi32, #tpu.memory_space<vmem>>
        %dma_wait3A_868 = tpu.memref_squeeze %dma_wait3A_867 : memref<1x128xi32, #tpu.memory_space<vmem>> -> memref<128xi32, #tpu.memory_space<vmem>>
        %dma_wait3A_869 = arith.constant 0 : i32
        %dma_wait3A_870 = arith.constant 0 : i32
        %dma_wait3A_871 = tpu.memref_slice %arg10[%dma_wait3A_869, %dma_wait3A_870] : memref<10112x128xf32, #tpu.memory_space<vmem_shared>> -> memref<10112x128xf32, #tpu.memory_space<vmem_shared>>
        tpu.wait_indirect_dma semaphore(%run_scoped3A_843 : memref<!tpu.dma_semaphore, #tpu.memory_space<semaphore_mem>>) src(%dma_wait3A_861 : memref<128x128xf32, #tpu.memory_space<vmem>>) dst(%dma_wait3A_871 : memref<10112x128xf32, #tpu.memory_space<vmem_shared>>)
        tpu.yield
      }) : () -> ()
      %dma_wait3A_472 = arith.constant 1 : i32
      %dma_wait3A_473 = arith.constant 0 : i32
      %dma_wait3A_474 = arith.constant 0 : i32
      %dma_wait3A_475 = tpu.memref_slice %arg9[%dma_wait3A_472, %dma_wait3A_473, %dma_wait3A_474] : memref<2x128x128xf32, #tpu.memory_space<vmem>> -> memref<1x128x128xf32, #tpu.memory_space<vmem>>
      %dma_wait3A_476 = tpu.memref_squeeze %dma_wait3A_475 : memref<1x128x128xf32, #tpu.memory_space<vmem>> -> memref<128x128xf32, #tpu.memory_space<vmem>>
      %dma_wait3A_477 = arith.constant 0 : i32
      %dma_wait3A_478 = arith.constant 0 : i32
      %dma_wait3A_479 = tpu.memref_slice %arg2[%dma_wait3A_477, %dma_wait3A_478] : memref<10000x128xf32, #tpu.memory_space<hbm>> -> memref<128x128xf32, #tpu.memory_space<hbm>>
      %dma_wait3A_480 = arith.constant 0 : i32
      %dma_wait3A_481 = arith.constant 0 : i32
      %dma_wait3A_482 = tpu.memref_slice %arg9[%dma_wait3A_472, %dma_wait3A_480, %dma_wait3A_481] : memref<2x128x128xf32, #tpu.memory_space<vmem>> -> memref<1x128x128xf32, #tpu.memory_space<vmem>>
      %dma_wait3A_483 = tpu.memref_squeeze %dma_wait3A_482 : memref<1x128x128xf32, #tpu.memory_space<vmem>> -> memref<128x128xf32, #tpu.memory_space<vmem>>
      %dma_wait3A_484 = arith.constant 0 : i32
      %dma_wait3A_485 = arith.constant 0 : i32
      %dma_wait3A_486 = tpu.memref_slice %arg2[%dma_wait3A_484, %dma_wait3A_485] : memref<10000x128xf32, #tpu.memory_space<hbm>> -> memref<128x128xf32, #tpu.memory_space<hbm>>
      tpu.wait_dma2 semaphore(%arg12 : memref<!tpu.dma_semaphore, #tpu.memory_space<semaphore_mem>>) src(%dma_wait3A_486 : memref<128x128xf32, #tpu.memory_space<hbm>>) dst(%dma_wait3A_483 : memref<128x128xf32, #tpu.memory_space<vmem>>)
      %dma_wait3A_487 = arith.constant 1 : i32
      %dma_wait3A_488 = arith.constant 0 : i32
      %dma_wait3A_489 = arith.constant 0 : i32
      %dma_wait3A_490 = tpu.memref_slice %arg7[%dma_wait3A_487, %dma_wait3A_488, %dma_wait3A_489] : memref<2x8x128xi32, #tpu.memory_space<vmem>> -> memref<1x8x128xi32, #tpu.memory_space<vmem>>
      %dma_wait3A_491 = tpu.memref_squeeze %dma_wait3A_490 : memref<1x8x128xi32, #tpu.memory_space<vmem>> -> memref<8x128xi32, #tpu.memory_space<vmem>>
      %dma_wait3A_492 = arith.constant 0 : i32
      %dma_wait3A_493 = arith.constant 0 : i32
      %dma_wait3A_494 = arith.constant 0 : i32
      %dma_wait3A_495 = tpu.memref_slice %arg3[%arg0, %dma_wait3A_492, %dma_wait3A_493, %dma_wait3A_494] : memref<2x16x80x128xi32, #tpu.memory_space<hbm>> -> memref<1x16x80x128xi32, #tpu.memory_space<hbm>>
      %dma_wait3A_496 = tpu.memref_squeeze %dma_wait3A_495 : memref<1x16x80x128xi32, #tpu.memory_space<hbm>> -> memref<16x80x128xi32, #tpu.memory_space<hbm>>
      %dma_wait3A_497 = arith.constant 0 : i32
      %dma_wait3A_498 = arith.constant 0 : i32
      %dma_wait3A_499 = tpu.memref_slice %dma_wait3A_496[%arg1, %dma_wait3A_497, %dma_wait3A_498] : memref<16x80x128xi32, #tpu.memory_space<hbm>> -> memref<1x80x128xi32, #tpu.memory_space<hbm>>
      %dma_wait3A_500 = tpu.memref_squeeze %dma_wait3A_499 : memref<1x80x128xi32, #tpu.memory_space<hbm>> -> memref<80x128xi32, #tpu.memory_space<hbm>>
      %dma_wait3A_501 = arith.constant 0 : i32
      %dma_wait3A_502 = arith.constant 0 : i32
      %dma_wait3A_503 = tpu.memref_slice %dma_wait3A_500[%dma_wait3A_501, %dma_wait3A_502] : memref<80x128xi32, #tpu.memory_space<hbm>> -> memref<8x128xi32, #tpu.memory_space<hbm>>
      %dma_wait3A_504 = arith.constant 0 : i32
      %dma_wait3A_505 = arith.constant 0 : i32
      %dma_wait3A_506 = tpu.memref_slice %arg7[%dma_wait3A_487, %dma_wait3A_504, %dma_wait3A_505] : memref<2x8x128xi32, #tpu.memory_space<vmem>> -> memref<1x8x128xi32, #tpu.memory_space<vmem>>
      %dma_wait3A_507 = tpu.memref_squeeze %dma_wait3A_506 : memref<1x8x128xi32, #tpu.memory_space<vmem>> -> memref<8x128xi32, #tpu.memory_space<vmem>>
      %dma_wait3A_508 = arith.constant 0 : i32
      %dma_wait3A_509 = arith.constant 0 : i32
      %dma_wait3A_510 = arith.constant 0 : i32
      %dma_wait3A_511 = tpu.memref_slice %arg3[%arg0, %dma_wait3A_508, %dma_wait3A_509, %dma_wait3A_510] : memref<2x16x80x128xi32, #tpu.memory_space<hbm>> -> memref<1x16x80x128xi32, #tpu.memory_space<hbm>>
      %dma_wait3A_512 = tpu.memref_squeeze %dma_wait3A_511 : memref<1x16x80x128xi32, #tpu.memory_space<hbm>> -> memref<16x80x128xi32, #tpu.memory_space<hbm>>
      %dma_wait3A_513 = arith.constant 0 : i32
      %dma_wait3A_514 = arith.constant 0 : i32
      %dma_wait3A_515 = tpu.memref_slice %dma_wait3A_512[%arg1, %dma_wait3A_513, %dma_wait3A_514] : memref<16x80x128xi32, #tpu.memory_space<hbm>> -> memref<1x80x128xi32, #tpu.memory_space<hbm>>
      %dma_wait3A_516 = tpu.memref_squeeze %dma_wait3A_515 : memref<1x80x128xi32, #tpu.memory_space<hbm>> -> memref<80x128xi32, #tpu.memory_space<hbm>>
      %dma_wait3A_517 = arith.constant 0 : i32
      %dma_wait3A_518 = arith.constant 0 : i32
      %dma_wait3A_519 = tpu.memref_slice %dma_wait3A_516[%dma_wait3A_517, %dma_wait3A_518] : memref<80x128xi32, #tpu.memory_space<hbm>> -> memref<8x128xi32, #tpu.memory_space<hbm>>
      tpu.wait_dma2 semaphore(%arg16 : memref<!tpu.dma_semaphore, #tpu.memory_space<semaphore_mem>>) src(%dma_wait3A_519 : memref<8x128xi32, #tpu.memory_space<hbm>>) dst(%dma_wait3A_507 : memref<8x128xi32, #tpu.memory_space<vmem>>)
      %dma_start3A_520 = arith.constant 1 : i32
      %dma_start3A_521 = arith.constant 0 : i32
      %dma_start3A_522 = arith.constant 0 : i32
      %dma_start3A_523 = arith.constant 0 : i32
      %dma_start3A_524 = arith.constant 0 : i32
      %dma_start3A_525 = tpu.memref_slice %arg9[%dma_start3A_522, %dma_start3A_523, %dma_start3A_524] : memref<2x128x128xf32, #tpu.memory_space<vmem>> -> memref<1x128x128xf32, #tpu.memory_space<vmem>>
      %dma_start3A_526 = tpu.memref_squeeze %dma_start3A_525 : memref<1x128x128xf32, #tpu.memory_space<vmem>> -> memref<128x128xf32, #tpu.memory_space<vmem>>
      %dma_start3A_527 = arith.constant 0 : i32
      %dma_start3A_528 = arith.constant 0 : i32
      %dma_start3A_529 = tpu.memref_slice %arg7[%dma_start3A_520, %dma_start3A_527, %dma_start3A_528] : memref<2x8x128xi32, #tpu.memory_space<vmem>> -> memref<1x8x128xi32, #tpu.memory_space<vmem>>
      %dma_start3A_530 = tpu.memref_squeeze %dma_start3A_529 : memref<1x8x128xi32, #tpu.memory_space<vmem>> -> memref<8x128xi32, #tpu.memory_space<vmem>>
      %dma_start3A_531 = arith.constant 0 : i32
      %dma_start3A_532 = tpu.memref_slice %dma_start3A_530[%dma_start3A_521, %dma_start3A_531] : memref<8x128xi32, #tpu.memory_space<vmem>> -> memref<1x128xi32, #tpu.memory_space<vmem>>
      %dma_start3A_533 = tpu.memref_squeeze %dma_start3A_532 : memref<1x128xi32, #tpu.memory_space<vmem>> -> memref<128xi32, #tpu.memory_space<vmem>>
      %dma_start3A_534 = arith.constant 0 : i32
      %dma_start3A_535 = arith.constant 0 : i32
      %dma_start3A_536 = tpu.memref_slice %arg2[%dma_start3A_534, %dma_start3A_535] : memref<10000x128xf32, #tpu.memory_space<hbm>> -> memref<10000x128xf32, #tpu.memory_space<hbm>>
      tpu.enqueue_indirect_dma source(%dma_start3A_536 : memref<10000x128xf32, #tpu.memory_space<hbm>>) target(%dma_start3A_526 : memref<128x128xf32, #tpu.memory_space<vmem>>) offsets(%dma_start3A_533 : memref<128xi32, #tpu.memory_space<vmem>>) semaphore(%arg11 : memref<!tpu.dma_semaphore, #tpu.memory_space<semaphore_mem>>)
      %run_scoped3A_537 = arith.constant 1 : i32
      %run_scoped3A_538 = arith.constant 0 : i32
      %run_scoped3A_539 = arith.constant 7 : i32
      "tpu.region"() ({
        %run_scoped3A_843 = tpu.sem_alloc : memref<!tpu.dma_semaphore, #tpu.memory_space<semaphore_mem>>
        %dma_start3A_844 = arith.constant 0 : i32
        %dma_start3A_845 = arith.constant 0 : i32
        %dma_start3A_846 = tpu.memref_slice %arg9[%run_scoped3A_537, %dma_start3A_844, %dma_start3A_845] : memref<2x128x128xf32, #tpu.memory_space<vmem>> -> memref<1x128x128xf32, #tpu.memory_space<vmem>>
        %dma_start3A_847 = tpu.memref_squeeze %dma_start3A_846 : memref<1x128x128xf32, #tpu.memory_space<vmem>> -> memref<128x128xf32, #tpu.memory_space<vmem>>
        %dma_start3A_848 = arith.constant 0 : i32
        %dma_start3A_849 = arith.constant 0 : i32
        %dma_start3A_850 = tpu.memref_slice %arg8[%run_scoped3A_538, %dma_start3A_848, %dma_start3A_849] : memref<2x8x128xi32, #tpu.memory_space<vmem>> -> memref<1x8x128xi32, #tpu.memory_space<vmem>>
        %dma_start3A_851 = tpu.memref_squeeze %dma_start3A_850 : memref<1x8x128xi32, #tpu.memory_space<vmem>> -> memref<8x128xi32, #tpu.memory_space<vmem>>
        %dma_start3A_852 = arith.constant 0 : i32
        %dma_start3A_853 = tpu.memref_slice %dma_start3A_851[%run_scoped3A_539, %dma_start3A_852] : memref<8x128xi32, #tpu.memory_space<vmem>> -> memref<1x128xi32, #tpu.memory_space<vmem>>
        %dma_start3A_854 = tpu.memref_squeeze %dma_start3A_853 : memref<1x128xi32, #tpu.memory_space<vmem>> -> memref<128xi32, #tpu.memory_space<vmem>>
        %dma_start3A_855 = arith.constant 0 : i32
        %dma_start3A_856 = arith.constant 0 : i32
        %dma_start3A_857 = tpu.memref_slice %arg10[%dma_start3A_855, %dma_start3A_856] : memref<10112x128xf32, #tpu.memory_space<vmem_shared>> -> memref<10112x128xf32, #tpu.memory_space<vmem_shared>>
        tpu.enqueue_indirect_dma source(%dma_start3A_847 : memref<128x128xf32, #tpu.memory_space<vmem>>) target(%dma_start3A_857 : memref<10112x128xf32, #tpu.memory_space<vmem_shared>>) offsets(%dma_start3A_854 : memref<128xi32, #tpu.memory_space<vmem>>) semaphore(%run_scoped3A_843 : memref<!tpu.dma_semaphore, #tpu.memory_space<semaphore_mem>>) {add = true}
        %dma_wait3A_858 = arith.constant 0 : i32
        %dma_wait3A_859 = arith.constant 0 : i32
        %dma_wait3A_860 = tpu.memref_slice %arg9[%run_scoped3A_537, %dma_wait3A_858, %dma_wait3A_859] : memref<2x128x128xf32, #tpu.memory_space<vmem>> -> memref<1x128x128xf32, #tpu.memory_space<vmem>>
        %dma_wait3A_861 = tpu.memref_squeeze %dma_wait3A_860 : memref<1x128x128xf32, #tpu.memory_space<vmem>> -> memref<128x128xf32, #tpu.memory_space<vmem>>
        %dma_wait3A_862 = arith.constant 0 : i32
        %dma_wait3A_863 = arith.constant 0 : i32
        %dma_wait3A_864 = tpu.memref_slice %arg8[%run_scoped3A_538, %dma_wait3A_862, %dma_wait3A_863] : memref<2x8x128xi32, #tpu.memory_space<vmem>> -> memref<1x8x128xi32, #tpu.memory_space<vmem>>
        %dma_wait3A_865 = tpu.memref_squeeze %dma_wait3A_864 : memref<1x8x128xi32, #tpu.memory_space<vmem>> -> memref<8x128xi32, #tpu.memory_space<vmem>>
        %dma_wait3A_866 = arith.constant 0 : i32
        %dma_wait3A_867 = tpu.memref_slice %dma_wait3A_865[%run_scoped3A_539, %dma_wait3A_866] : memref<8x128xi32, #tpu.memory_space<vmem>> -> memref<1x128xi32, #tpu.memory_space<vmem>>
        %dma_wait3A_868 = tpu.memref_squeeze %dma_wait3A_867 : memref<1x128xi32, #tpu.memory_space<vmem>> -> memref<128xi32, #tpu.memory_space<vmem>>
        %dma_wait3A_869 = arith.constant 0 : i32
        %dma_wait3A_870 = arith.constant 0 : i32
        %dma_wait3A_871 = tpu.memref_slice %arg10[%dma_wait3A_869, %dma_wait3A_870] : memref<10112x128xf32, #tpu.memory_space<vmem_shared>> -> memref<10112x128xf32, #tpu.memory_space<vmem_shared>>
        tpu.wait_indirect_dma semaphore(%run_scoped3A_843 : memref<!tpu.dma_semaphore, #tpu.memory_space<semaphore_mem>>) src(%dma_wait3A_861 : memref<128x128xf32, #tpu.memory_space<vmem>>) dst(%dma_wait3A_871 : memref<10112x128xf32, #tpu.memory_space<vmem_shared>>)
        tpu.yield
      }) : () -> ()
      %add3A_540 = arith.constant 1 : i32
      %add3A_541 = arith.addi %scan3A_125, %add3A_540 : i32
      %lt3A = arith.constant 5 : i32
      %lt3A_542 = arith.cmpi slt, %add3A_541, %lt3A : i32
      %convert_element_type3A = arith.extui %lt3A_542 : i1 to i32
      %cond3A = arith.constant 0 : i32
      %cond3A_543 = arith.cmpi ne, %convert_element_type3A, %cond3A : i32
      scf.if %cond3A_543 {
        %add3A_843 = arith.constant 2 : i32
        %add3A_844 = arith.addi %mul3A_127, %add3A_843 : i32
        %mul3A_845 = arith.constant 8 : i32
        %mul3A_846 = arith.muli %add3A_844, %mul3A_845 : i32
        %dma_start3A_847 = arith.constant 0 : i32
        %dma_start3A_848 = arith.constant 0 : i32
        %dma_start3A_849 = arith.constant 0 : i32
        %dma_start3A_850 = tpu.memref_slice %arg7[%dma_start3A_847, %dma_start3A_848, %dma_start3A_849] : memref<2x8x128xi32, #tpu.memory_space<vmem>> -> memref<1x8x128xi32, #tpu.memory_space<vmem>>
        %dma_start3A_851 = tpu.memref_squeeze %dma_start3A_850 : memref<1x8x128xi32, #tpu.memory_space<vmem>> -> memref<8x128xi32, #tpu.memory_space<vmem>>
        %dma_start3A_852 = arith.constant 0 : i32
        %dma_start3A_853 = arith.constant 0 : i32
        %dma_start3A_854 = arith.constant 0 : i32
        %dma_start3A_855 = tpu.memref_slice %arg3[%arg0, %dma_start3A_852, %dma_start3A_853, %dma_start3A_854] : memref<2x16x80x128xi32, #tpu.memory_space<hbm>> -> memref<1x16x80x128xi32, #tpu.memory_space<hbm>>
        %dma_start3A_856 = tpu.memref_squeeze %dma_start3A_855 : memref<1x16x80x128xi32, #tpu.memory_space<hbm>> -> memref<16x80x128xi32, #tpu.memory_space<hbm>>
        %dma_start3A_857 = arith.constant 0 : i32
        %dma_start3A_858 = arith.constant 0 : i32
        %dma_start3A_859 = tpu.memref_slice %dma_start3A_856[%arg1, %dma_start3A_857, %dma_start3A_858] : memref<16x80x128xi32, #tpu.memory_space<hbm>> -> memref<1x80x128xi32, #tpu.memory_space<hbm>>
        %dma_start3A_860 = tpu.memref_squeeze %dma_start3A_859 : memref<1x80x128xi32, #tpu.memory_space<hbm>> -> memref<80x128xi32, #tpu.memory_space<hbm>>
        %dma_start3A_861 = arith.constant 0 : i32
        %dma_start3A_862 = tpu.memref_slice %dma_start3A_860[%mul3A_846, %dma_start3A_861] : memref<80x128xi32, #tpu.memory_space<hbm>> -> memref<8x128xi32, #tpu.memory_space<hbm>>
        %dma_start3A_863 = arith.constant 0 : i32
        %dma_start3A_864 = arith.constant 0 : i32
        %dma_start3A_865 = tpu.memref_slice %arg7[%dma_start3A_847, %dma_start3A_863, %dma_start3A_864] : memref<2x8x128xi32, #tpu.memory_space<vmem>> -> memref<1x8x128xi32, #tpu.memory_space<vmem>>
        %dma_start3A_866 = tpu.memref_squeeze %dma_start3A_865 : memref<1x8x128xi32, #tpu.memory_space<vmem>> -> memref<8x128xi32, #tpu.memory_space<vmem>>
        %dma_start3A_867 = arith.constant 0 : i32
        %dma_start3A_868 = arith.constant 0 : i32
        %dma_start3A_869 = arith.constant 0 : i32
        %dma_start3A_870 = tpu.memref_slice %arg3[%arg0, %dma_start3A_867, %dma_start3A_868, %dma_start3A_869] : memref<2x16x80x128xi32, #tpu.memory_space<hbm>> -> memref<1x16x80x128xi32, #tpu.memory_space<hbm>>
        %dma_start3A_871 = tpu.memref_squeeze %dma_start3A_870 : memref<1x16x80x128xi32, #tpu.memory_space<hbm>> -> memref<16x80x128xi32, #tpu.memory_space<hbm>>
        %dma_start3A_872 = arith.constant 0 : i32
        %dma_start3A_873 = arith.constant 0 : i32
        %dma_start3A_874 = tpu.memref_slice %dma_start3A_871[%arg1, %dma_start3A_872, %dma_start3A_873] : memref<16x80x128xi32, #tpu.memory_space<hbm>> -> memref<1x80x128xi32, #tpu.memory_space<hbm>>
        %dma_start3A_875 = tpu.memref_squeeze %dma_start3A_874 : memref<1x80x128xi32, #tpu.memory_space<hbm>> -> memref<80x128xi32, #tpu.memory_space<hbm>>
        %dma_start3A_876 = arith.constant 0 : i32
        %dma_start3A_877 = tpu.memref_slice %dma_start3A_875[%mul3A_846, %dma_start3A_876] : memref<80x128xi32, #tpu.memory_space<hbm>> -> memref<8x128xi32, #tpu.memory_space<hbm>>
        tpu.enqueue_dma source(%dma_start3A_877 : memref<8x128xi32, #tpu.memory_space<hbm>>) target(%dma_start3A_866 : memref<8x128xi32, #tpu.memory_space<vmem>>) target_semaphore(%arg15 : memref<!tpu.dma_semaphore, #tpu.memory_space<semaphore_mem>>)
        %mul3A_878 = arith.constant 8 : i32
        %mul3A_879 = arith.muli %add3A_844, %mul3A_878 : i32
        %dma_start3A_880 = arith.constant 0 : i32
        %dma_start3A_881 = arith.constant 0 : i32
        %dma_start3A_882 = arith.constant 0 : i32
        %dma_start3A_883 = tpu.memref_slice %arg8[%dma_start3A_880, %dma_start3A_881, %dma_start3A_882] : memref<2x8x128xi32, #tpu.memory_space<vmem>> -> memref<1x8x128xi32, #tpu.memory_space<vmem>>
        %dma_start3A_884 = tpu.memref_squeeze %dma_start3A_883 : memref<1x8x128xi32, #tpu.memory_space<vmem>> -> memref<8x128xi32, #tpu.memory_space<vmem>>
        %dma_start3A_885 = arith.constant 0 : i32
        %dma_start3A_886 = arith.constant 0 : i32
        %dma_start3A_887 = arith.constant 0 : i32
        %dma_start3A_888 = tpu.memref_slice %arg4[%arg0, %dma_start3A_885, %dma_start3A_886, %dma_start3A_887] : memref<2x16x80x128xi32, #tpu.memory_space<hbm>> -> memref<1x16x80x128xi32, #tpu.memory_space<hbm>>
        %dma_start3A_889 = tpu.memref_squeeze %dma_start3A_888 : memref<1x16x80x128xi32, #tpu.memory_space<hbm>> -> memref<16x80x128xi32, #tpu.memory_space<hbm>>
        %dma_start3A_890 = arith.constant 0 : i32
        %dma_start3A_891 = arith.constant 0 : i32
        %dma_start3A_892 = tpu.memref_slice %dma_start3A_889[%arg1, %dma_start3A_890, %dma_start3A_891] : memref<16x80x128xi32, #tpu.memory_space<hbm>> -> memref<1x80x128xi32, #tpu.memory_space<hbm>>
        %dma_start3A_893 = tpu.memref_squeeze %dma_start3A_892 : memref<1x80x128xi32, #tpu.memory_space<hbm>> -> memref<80x128xi32, #tpu.memory_space<hbm>>
        %dma_start3A_894 = arith.constant 0 : i32
        %dma_start3A_895 = tpu.memref_slice %dma_start3A_893[%mul3A_879, %dma_start3A_894] : memref<80x128xi32, #tpu.memory_space<hbm>> -> memref<8x128xi32, #tpu.memory_space<hbm>>
        %dma_start3A_896 = arith.constant 0 : i32
        %dma_start3A_897 = arith.constant 0 : i32
        %dma_start3A_898 = tpu.memref_slice %arg8[%dma_start3A_880, %dma_start3A_896, %dma_start3A_897] : memref<2x8x128xi32, #tpu.memory_space<vmem>> -> memref<1x8x128xi32, #tpu.memory_space<vmem>>
        %dma_start3A_899 = tpu.memref_squeeze %dma_start3A_898 : memref<1x8x128xi32, #tpu.memory_space<vmem>> -> memref<8x128xi32, #tpu.memory_space<vmem>>
        %dma_start3A_900 = arith.constant 0 : i32
        %dma_start3A_901 = arith.constant 0 : i32
        %dma_start3A_902 = arith.constant 0 : i32
        %dma_start3A_903 = tpu.memref_slice %arg4[%arg0, %dma_start3A_900, %dma_start3A_901, %dma_start3A_902] : memref<2x16x80x128xi32, #tpu.memory_space<hbm>> -> memref<1x16x80x128xi32, #tpu.memory_space<hbm>>
        %dma_start3A_904 = tpu.memref_squeeze %dma_start3A_903 : memref<1x16x80x128xi32, #tpu.memory_space<hbm>> -> memref<16x80x128xi32, #tpu.memory_space<hbm>>
        %dma_start3A_905 = arith.constant 0 : i32
        %dma_start3A_906 = arith.constant 0 : i32
        %dma_start3A_907 = tpu.memref_slice %dma_start3A_904[%arg1, %dma_start3A_905, %dma_start3A_906] : memref<16x80x128xi32, #tpu.memory_space<hbm>> -> memref<1x80x128xi32, #tpu.memory_space<hbm>>
        %dma_start3A_908 = tpu.memref_squeeze %dma_start3A_907 : memref<1x80x128xi32, #tpu.memory_space<hbm>> -> memref<80x128xi32, #tpu.memory_space<hbm>>
        %dma_start3A_909 = arith.constant 0 : i32
        %dma_start3A_910 = tpu.memref_slice %dma_start3A_908[%mul3A_879, %dma_start3A_909] : memref<80x128xi32, #tpu.memory_space<hbm>> -> memref<8x128xi32, #tpu.memory_space<hbm>>
        tpu.enqueue_dma source(%dma_start3A_910 : memref<8x128xi32, #tpu.memory_space<hbm>>) target(%dma_start3A_899 : memref<8x128xi32, #tpu.memory_space<vmem>>) target_semaphore(%arg17 : memref<!tpu.dma_semaphore, #tpu.memory_space<semaphore_mem>>)
      } else {
      }
      %dma_wait3A_544 = arith.constant 1 : i32
      %dma_wait3A_545 = arith.constant 0 : i32
      %dma_wait3A_546 = arith.constant 0 : i32
      %dma_wait3A_547 = tpu.memref_slice %arg8[%dma_wait3A_544, %dma_wait3A_545, %dma_wait3A_546] : memref<2x8x128xi32, #tpu.memory_space<vmem>> -> memref<1x8x128xi32, #tpu.memory_space<vmem>>
      %dma_wait3A_548 = tpu.memref_squeeze %dma_wait3A_547 : memref<1x8x128xi32, #tpu.memory_space<vmem>> -> memref<8x128xi32, #tpu.memory_space<vmem>>
      %dma_wait3A_549 = arith.constant 0 : i32
      %dma_wait3A_550 = arith.constant 0 : i32
      %dma_wait3A_551 = arith.constant 0 : i32
      %dma_wait3A_552 = tpu.memref_slice %arg4[%arg0, %dma_wait3A_549, %dma_wait3A_550, %dma_wait3A_551] : memref<2x16x80x128xi32, #tpu.memory_space<hbm>> -> memref<1x16x80x128xi32, #tpu.memory_space<hbm>>
      %dma_wait3A_553 = tpu.memref_squeeze %dma_wait3A_552 : memref<1x16x80x128xi32, #tpu.memory_space<hbm>> -> memref<16x80x128xi32, #tpu.memory_space<hbm>>
      %dma_wait3A_554 = arith.constant 0 : i32
      %dma_wait3A_555 = arith.constant 0 : i32
      %dma_wait3A_556 = tpu.memref_slice %dma_wait3A_553[%arg1, %dma_wait3A_554, %dma_wait3A_555] : memref<16x80x128xi32, #tpu.memory_space<hbm>> -> memref<1x80x128xi32, #tpu.memory_space<hbm>>
      %dma_wait3A_557 = tpu.memref_squeeze %dma_wait3A_556 : memref<1x80x128xi32, #tpu.memory_space<hbm>> -> memref<80x128xi32, #tpu.memory_space<hbm>>
      %dma_wait3A_558 = arith.constant 0 : i32
      %dma_wait3A_559 = arith.constant 0 : i32
      %dma_wait3A_560 = tpu.memref_slice %dma_wait3A_557[%dma_wait3A_558, %dma_wait3A_559] : memref<80x128xi32, #tpu.memory_space<hbm>> -> memref<8x128xi32, #tpu.memory_space<hbm>>
      %dma_wait3A_561 = arith.constant 0 : i32
      %dma_wait3A_562 = arith.constant 0 : i32
      %dma_wait3A_563 = tpu.memref_slice %arg8[%dma_wait3A_544, %dma_wait3A_561, %dma_wait3A_562] : memref<2x8x128xi32, #tpu.memory_space<vmem>> -> memref<1x8x128xi32, #tpu.memory_space<vmem>>
      %dma_wait3A_564 = tpu.memref_squeeze %dma_wait3A_563 : memref<1x8x128xi32, #tpu.memory_space<vmem>> -> memref<8x128xi32, #tpu.memory_space<vmem>>
      %dma_wait3A_565 = arith.constant 0 : i32
      %dma_wait3A_566 = arith.constant 0 : i32
      %dma_wait3A_567 = arith.constant 0 : i32
      %dma_wait3A_568 = tpu.memref_slice %arg4[%arg0, %dma_wait3A_565, %dma_wait3A_566, %dma_wait3A_567] : memref<2x16x80x128xi32, #tpu.memory_space<hbm>> -> memref<1x16x80x128xi32, #tpu.memory_space<hbm>>
      %dma_wait3A_569 = tpu.memref_squeeze %dma_wait3A_568 : memref<1x16x80x128xi32, #tpu.memory_space<hbm>> -> memref<16x80x128xi32, #tpu.memory_space<hbm>>
      %dma_wait3A_570 = arith.constant 0 : i32
      %dma_wait3A_571 = arith.constant 0 : i32
      %dma_wait3A_572 = tpu.memref_slice %dma_wait3A_569[%arg1, %dma_wait3A_570, %dma_wait3A_571] : memref<16x80x128xi32, #tpu.memory_space<hbm>> -> memref<1x80x128xi32, #tpu.memory_space<hbm>>
      %dma_wait3A_573 = tpu.memref_squeeze %dma_wait3A_572 : memref<1x80x128xi32, #tpu.memory_space<hbm>> -> memref<80x128xi32, #tpu.memory_space<hbm>>
      %dma_wait3A_574 = arith.constant 0 : i32
      %dma_wait3A_575 = arith.constant 0 : i32
      %dma_wait3A_576 = tpu.memref_slice %dma_wait3A_573[%dma_wait3A_574, %dma_wait3A_575] : memref<80x128xi32, #tpu.memory_space<hbm>> -> memref<8x128xi32, #tpu.memory_space<hbm>>
      tpu.wait_dma2 semaphore(%arg18 : memref<!tpu.dma_semaphore, #tpu.memory_space<semaphore_mem>>) src(%dma_wait3A_576 : memref<8x128xi32, #tpu.memory_space<hbm>>) dst(%dma_wait3A_564 : memref<8x128xi32, #tpu.memory_space<vmem>>)
      %dma_wait3A_577 = arith.constant 0 : i32
      %dma_wait3A_578 = arith.constant 0 : i32
      %dma_wait3A_579 = arith.constant 0 : i32
      %dma_wait3A_580 = tpu.memref_slice %arg9[%dma_wait3A_577, %dma_wait3A_578, %dma_wait3A_579] : memref<2x128x128xf32, #tpu.memory_space<vmem>> -> memref<1x128x128xf32, #tpu.memory_space<vmem>>
      %dma_wait3A_581 = tpu.memref_squeeze %dma_wait3A_580 : memref<1x128x128xf32, #tpu.memory_space<vmem>> -> memref<128x128xf32, #tpu.memory_space<vmem>>
      %dma_wait3A_582 = arith.constant 0 : i32
      %dma_wait3A_583 = arith.constant 0 : i32
      %dma_wait3A_584 = tpu.memref_slice %arg2[%dma_wait3A_582, %dma_wait3A_583] : memref<10000x128xf32, #tpu.memory_space<hbm>> -> memref<128x128xf32, #tpu.memory_space<hbm>>
      %dma_wait3A_585 = arith.constant 0 : i32
      %dma_wait3A_586 = arith.constant 0 : i32
      %dma_wait3A_587 = tpu.memref_slice %arg9[%dma_wait3A_577, %dma_wait3A_585, %dma_wait3A_586] : memref<2x128x128xf32, #tpu.memory_space<vmem>> -> memref<1x128x128xf32, #tpu.memory_space<vmem>>
      %dma_wait3A_588 = tpu.memref_squeeze %dma_wait3A_587 : memref<1x128x128xf32, #tpu.memory_space<vmem>> -> memref<128x128xf32, #tpu.memory_space<vmem>>
      %dma_wait3A_589 = arith.constant 0 : i32
      %dma_wait3A_590 = arith.constant 0 : i32
      %dma_wait3A_591 = tpu.memref_slice %arg2[%dma_wait3A_589, %dma_wait3A_590] : memref<10000x128xf32, #tpu.memory_space<hbm>> -> memref<128x128xf32, #tpu.memory_space<hbm>>
      tpu.wait_dma2 semaphore(%arg11 : memref<!tpu.dma_semaphore, #tpu.memory_space<semaphore_mem>>) src(%dma_wait3A_591 : memref<128x128xf32, #tpu.memory_space<hbm>>) dst(%dma_wait3A_588 : memref<128x128xf32, #tpu.memory_space<vmem>>)
      %dma_start3A_592 = arith.constant 1 : i32
      %dma_start3A_593 = arith.constant 1 : i32
      %dma_start3A_594 = arith.constant 1 : i32
      %dma_start3A_595 = arith.constant 0 : i32
      %dma_start3A_596 = arith.constant 0 : i32
      %dma_start3A_597 = tpu.memref_slice %arg9[%dma_start3A_594, %dma_start3A_595, %dma_start3A_596] : memref<2x128x128xf32, #tpu.memory_space<vmem>> -> memref<1x128x128xf32, #tpu.memory_space<vmem>>
      %dma_start3A_598 = tpu.memref_squeeze %dma_start3A_597 : memref<1x128x128xf32, #tpu.memory_space<vmem>> -> memref<128x128xf32, #tpu.memory_space<vmem>>
      %dma_start3A_599 = arith.constant 0 : i32
      %dma_start3A_600 = arith.constant 0 : i32
      %dma_start3A_601 = tpu.memref_slice %arg7[%dma_start3A_592, %dma_start3A_599, %dma_start3A_600] : memref<2x8x128xi32, #tpu.memory_space<vmem>> -> memref<1x8x128xi32, #tpu.memory_space<vmem>>
      %dma_start3A_602 = tpu.memref_squeeze %dma_start3A_601 : memref<1x8x128xi32, #tpu.memory_space<vmem>> -> memref<8x128xi32, #tpu.memory_space<vmem>>
      %dma_start3A_603 = arith.constant 0 : i32
      %dma_start3A_604 = tpu.memref_slice %dma_start3A_602[%dma_start3A_593, %dma_start3A_603] : memref<8x128xi32, #tpu.memory_space<vmem>> -> memref<1x128xi32, #tpu.memory_space<vmem>>
      %dma_start3A_605 = tpu.memref_squeeze %dma_start3A_604 : memref<1x128xi32, #tpu.memory_space<vmem>> -> memref<128xi32, #tpu.memory_space<vmem>>
      %dma_start3A_606 = arith.constant 0 : i32
      %dma_start3A_607 = arith.constant 0 : i32
      %dma_start3A_608 = tpu.memref_slice %arg2[%dma_start3A_606, %dma_start3A_607] : memref<10000x128xf32, #tpu.memory_space<hbm>> -> memref<10000x128xf32, #tpu.memory_space<hbm>>
      tpu.enqueue_indirect_dma source(%dma_start3A_608 : memref<10000x128xf32, #tpu.memory_space<hbm>>) target(%dma_start3A_598 : memref<128x128xf32, #tpu.memory_space<vmem>>) offsets(%dma_start3A_605 : memref<128xi32, #tpu.memory_space<vmem>>) semaphore(%arg12 : memref<!tpu.dma_semaphore, #tpu.memory_space<semaphore_mem>>)
      %run_scoped3A_609 = arith.constant 0 : i32
      %run_scoped3A_610 = arith.constant 1 : i32
      %run_scoped3A_611 = arith.constant 0 : i32
      "tpu.region"() ({
        %run_scoped3A_843 = tpu.sem_alloc : memref<!tpu.dma_semaphore, #tpu.memory_space<semaphore_mem>>
        %dma_start3A_844 = arith.constant 0 : i32
        %dma_start3A_845 = arith.constant 0 : i32
        %dma_start3A_846 = tpu.memref_slice %arg9[%run_scoped3A_609, %dma_start3A_844, %dma_start3A_845] : memref<2x128x128xf32, #tpu.memory_space<vmem>> -> memref<1x128x128xf32, #tpu.memory_space<vmem>>
        %dma_start3A_847 = tpu.memref_squeeze %dma_start3A_846 : memref<1x128x128xf32, #tpu.memory_space<vmem>> -> memref<128x128xf32, #tpu.memory_space<vmem>>
        %dma_start3A_848 = arith.constant 0 : i32
        %dma_start3A_849 = arith.constant 0 : i32
        %dma_start3A_850 = tpu.memref_slice %arg8[%run_scoped3A_610, %dma_start3A_848, %dma_start3A_849] : memref<2x8x128xi32, #tpu.memory_space<vmem>> -> memref<1x8x128xi32, #tpu.memory_space<vmem>>
        %dma_start3A_851 = tpu.memref_squeeze %dma_start3A_850 : memref<1x8x128xi32, #tpu.memory_space<vmem>> -> memref<8x128xi32, #tpu.memory_space<vmem>>
        %dma_start3A_852 = arith.constant 0 : i32
        %dma_start3A_853 = tpu.memref_slice %dma_start3A_851[%run_scoped3A_611, %dma_start3A_852] : memref<8x128xi32, #tpu.memory_space<vmem>> -> memref<1x128xi32, #tpu.memory_space<vmem>>
        %dma_start3A_854 = tpu.memref_squeeze %dma_start3A_853 : memref<1x128xi32, #tpu.memory_space<vmem>> -> memref<128xi32, #tpu.memory_space<vmem>>
        %dma_start3A_855 = arith.constant 0 : i32
        %dma_start3A_856 = arith.constant 0 : i32
        %dma_start3A_857 = tpu.memref_slice %arg10[%dma_start3A_855, %dma_start3A_856] : memref<10112x128xf32, #tpu.memory_space<vmem_shared>> -> memref<10112x128xf32, #tpu.memory_space<vmem_shared>>
        tpu.enqueue_indirect_dma source(%dma_start3A_847 : memref<128x128xf32, #tpu.memory_space<vmem>>) target(%dma_start3A_857 : memref<10112x128xf32, #tpu.memory_space<vmem_shared>>) offsets(%dma_start3A_854 : memref<128xi32, #tpu.memory_space<vmem>>) semaphore(%run_scoped3A_843 : memref<!tpu.dma_semaphore, #tpu.memory_space<semaphore_mem>>) {add = true}
        %dma_wait3A_858 = arith.constant 0 : i32
        %dma_wait3A_859 = arith.constant 0 : i32
        %dma_wait3A_860 = tpu.memref_slice %arg9[%run_scoped3A_609, %dma_wait3A_858, %dma_wait3A_859] : memref<2x128x128xf32, #tpu.memory_space<vmem>> -> memref<1x128x128xf32, #tpu.memory_space<vmem>>
        %dma_wait3A_861 = tpu.memref_squeeze %dma_wait3A_860 : memref<1x128x128xf32, #tpu.memory_space<vmem>> -> memref<128x128xf32, #tpu.memory_space<vmem>>
        %dma_wait3A_862 = arith.constant 0 : i32
        %dma_wait3A_863 = arith.constant 0 : i32
        %dma_wait3A_864 = tpu.memref_slice %arg8[%run_scoped3A_610, %dma_wait3A_862, %dma_wait3A_863] : memref<2x8x128xi32, #tpu.memory_space<vmem>> -> memref<1x8x128xi32, #tpu.memory_space<vmem>>
        %dma_wait3A_865 = tpu.memref_squeeze %dma_wait3A_864 : memref<1x8x128xi32, #tpu.memory_space<vmem>> -> memref<8x128xi32, #tpu.memory_space<vmem>>
        %dma_wait3A_866 = arith.constant 0 : i32
        %dma_wait3A_867 = tpu.memref_slice %dma_wait3A_865[%run_scoped3A_611, %dma_wait3A_866] : memref<8x128xi32, #tpu.memory_space<vmem>> -> memref<1x128xi32, #tpu.memory_space<vmem>>
        %dma_wait3A_868 = tpu.memref_squeeze %dma_wait3A_867 : memref<1x128xi32, #tpu.memory_space<vmem>> -> memref<128xi32, #tpu.memory_space<vmem>>
        %dma_wait3A_869 = arith.constant 0 : i32
        %dma_wait3A_870 = arith.constant 0 : i32
        %dma_wait3A_871 = tpu.memref_slice %arg10[%dma_wait3A_869, %dma_wait3A_870] : memref<10112x128xf32, #tpu.memory_space<vmem_shared>> -> memref<10112x128xf32, #tpu.memory_space<vmem_shared>>
        tpu.wait_indirect_dma semaphore(%run_scoped3A_843 : memref<!tpu.dma_semaphore, #tpu.memory_space<semaphore_mem>>) src(%dma_wait3A_861 : memref<128x128xf32, #tpu.memory_space<vmem>>) dst(%dma_wait3A_871 : memref<10112x128xf32, #tpu.memory_space<vmem_shared>>)
        tpu.yield
      }) : () -> ()
      %dma_wait3A_612 = arith.constant 1 : i32
      %dma_wait3A_613 = arith.constant 0 : i32
      %dma_wait3A_614 = arith.constant 0 : i32
      %dma_wait3A_615 = tpu.memref_slice %arg9[%dma_wait3A_612, %dma_wait3A_613, %dma_wait3A_614] : memref<2x128x128xf32, #tpu.memory_space<vmem>> -> memref<1x128x128xf32, #tpu.memory_space<vmem>>
      %dma_wait3A_616 = tpu.memref_squeeze %dma_wait3A_615 : memref<1x128x128xf32, #tpu.memory_space<vmem>> -> memref<128x128xf32, #tpu.memory_space<vmem>>
      %dma_wait3A_617 = arith.constant 0 : i32
      %dma_wait3A_618 = arith.constant 0 : i32
      %dma_wait3A_619 = tpu.memref_slice %arg2[%dma_wait3A_617, %dma_wait3A_618] : memref<10000x128xf32, #tpu.memory_space<hbm>> -> memref<128x128xf32, #tpu.memory_space<hbm>>
      %dma_wait3A_620 = arith.constant 0 : i32
      %dma_wait3A_621 = arith.constant 0 : i32
      %dma_wait3A_622 = tpu.memref_slice %arg9[%dma_wait3A_612, %dma_wait3A_620, %dma_wait3A_621] : memref<2x128x128xf32, #tpu.memory_space<vmem>> -> memref<1x128x128xf32, #tpu.memory_space<vmem>>
      %dma_wait3A_623 = tpu.memref_squeeze %dma_wait3A_622 : memref<1x128x128xf32, #tpu.memory_space<vmem>> -> memref<128x128xf32, #tpu.memory_space<vmem>>
      %dma_wait3A_624 = arith.constant 0 : i32
      %dma_wait3A_625 = arith.constant 0 : i32
      %dma_wait3A_626 = tpu.memref_slice %arg2[%dma_wait3A_624, %dma_wait3A_625] : memref<10000x128xf32, #tpu.memory_space<hbm>> -> memref<128x128xf32, #tpu.memory_space<hbm>>
      tpu.wait_dma2 semaphore(%arg12 : memref<!tpu.dma_semaphore, #tpu.memory_space<semaphore_mem>>) src(%dma_wait3A_626 : memref<128x128xf32, #tpu.memory_space<hbm>>) dst(%dma_wait3A_623 : memref<128x128xf32, #tpu.memory_space<vmem>>)
      %dma_start3A_627 = arith.constant 1 : i32
      %dma_start3A_628 = arith.constant 2 : i32
      %dma_start3A_629 = arith.constant 0 : i32
      %dma_start3A_630 = arith.constant 0 : i32
      %dma_start3A_631 = arith.constant 0 : i32
      %dma_start3A_632 = tpu.memref_slice %arg9[%dma_start3A_629, %dma_start3A_630, %dma_start3A_631] : memref<2x128x128xf32, #tpu.memory_space<vmem>> -> memref<1x128x128xf32, #tpu.memory_space<vmem>>
      %dma_start3A_633 = tpu.memref_squeeze %dma_start3A_632 : memref<1x128x128xf32, #tpu.memory_space<vmem>> -> memref<128x128xf32, #tpu.memory_space<vmem>>
      %dma_start3A_634 = arith.constant 0 : i32
      %dma_start3A_635 = arith.constant 0 : i32
      %dma_start3A_636 = tpu.memref_slice %arg7[%dma_start3A_627, %dma_start3A_634, %dma_start3A_635] : memref<2x8x128xi32, #tpu.memory_space<vmem>> -> memref<1x8x128xi32, #tpu.memory_space<vmem>>
      %dma_start3A_637 = tpu.memref_squeeze %dma_start3A_636 : memref<1x8x128xi32, #tpu.memory_space<vmem>> -> memref<8x128xi32, #tpu.memory_space<vmem>>
      %dma_start3A_638 = arith.constant 0 : i32
      %dma_start3A_639 = tpu.memref_slice %dma_start3A_637[%dma_start3A_628, %dma_start3A_638] : memref<8x128xi32, #tpu.memory_space<vmem>> -> memref<1x128xi32, #tpu.memory_space<vmem>>
      %dma_start3A_640 = tpu.memref_squeeze %dma_start3A_639 : memref<1x128xi32, #tpu.memory_space<vmem>> -> memref<128xi32, #tpu.memory_space<vmem>>
      %dma_start3A_641 = arith.constant 0 : i32
      %dma_start3A_642 = arith.constant 0 : i32
      %dma_start3A_643 = tpu.memref_slice %arg2[%dma_start3A_641, %dma_start3A_642] : memref<10000x128xf32, #tpu.memory_space<hbm>> -> memref<10000x128xf32, #tpu.memory_space<hbm>>
      tpu.enqueue_indirect_dma source(%dma_start3A_643 : memref<10000x128xf32, #tpu.memory_space<hbm>>) target(%dma_start3A_633 : memref<128x128xf32, #tpu.memory_space<vmem>>) offsets(%dma_start3A_640 : memref<128xi32, #tpu.memory_space<vmem>>) semaphore(%arg11 : memref<!tpu.dma_semaphore, #tpu.memory_space<semaphore_mem>>)
      %run_scoped3A_644 = arith.constant 1 : i32
      %run_scoped3A_645 = arith.constant 1 : i32
      %run_scoped3A_646 = arith.constant 1 : i32
      "tpu.region"() ({
        %run_scoped3A_843 = tpu.sem_alloc : memref<!tpu.dma_semaphore, #tpu.memory_space<semaphore_mem>>
        %dma_start3A_844 = arith.constant 0 : i32
        %dma_start3A_845 = arith.constant 0 : i32
        %dma_start3A_846 = tpu.memref_slice %arg9[%run_scoped3A_644, %dma_start3A_844, %dma_start3A_845] : memref<2x128x128xf32, #tpu.memory_space<vmem>> -> memref<1x128x128xf32, #tpu.memory_space<vmem>>
        %dma_start3A_847 = tpu.memref_squeeze %dma_start3A_846 : memref<1x128x128xf32, #tpu.memory_space<vmem>> -> memref<128x128xf32, #tpu.memory_space<vmem>>
        %dma_start3A_848 = arith.constant 0 : i32
        %dma_start3A_849 = arith.constant 0 : i32
        %dma_start3A_850 = tpu.memref_slice %arg8[%run_scoped3A_645, %dma_start3A_848, %dma_start3A_849] : memref<2x8x128xi32, #tpu.memory_space<vmem>> -> memref<1x8x128xi32, #tpu.memory_space<vmem>>
        %dma_start3A_851 = tpu.memref_squeeze %dma_start3A_850 : memref<1x8x128xi32, #tpu.memory_space<vmem>> -> memref<8x128xi32, #tpu.memory_space<vmem>>
        %dma_start3A_852 = arith.constant 0 : i32
        %dma_start3A_853 = tpu.memref_slice %dma_start3A_851[%run_scoped3A_646, %dma_start3A_852] : memref<8x128xi32, #tpu.memory_space<vmem>> -> memref<1x128xi32, #tpu.memory_space<vmem>>
        %dma_start3A_854 = tpu.memref_squeeze %dma_start3A_853 : memref<1x128xi32, #tpu.memory_space<vmem>> -> memref<128xi32, #tpu.memory_space<vmem>>
        %dma_start3A_855 = arith.constant 0 : i32
        %dma_start3A_856 = arith.constant 0 : i32
        %dma_start3A_857 = tpu.memref_slice %arg10[%dma_start3A_855, %dma_start3A_856] : memref<10112x128xf32, #tpu.memory_space<vmem_shared>> -> memref<10112x128xf32, #tpu.memory_space<vmem_shared>>
        tpu.enqueue_indirect_dma source(%dma_start3A_847 : memref<128x128xf32, #tpu.memory_space<vmem>>) target(%dma_start3A_857 : memref<10112x128xf32, #tpu.memory_space<vmem_shared>>) offsets(%dma_start3A_854 : memref<128xi32, #tpu.memory_space<vmem>>) semaphore(%run_scoped3A_843 : memref<!tpu.dma_semaphore, #tpu.memory_space<semaphore_mem>>) {add = true}
        %dma_wait3A_858 = arith.constant 0 : i32
        %dma_wait3A_859 = arith.constant 0 : i32
        %dma_wait3A_860 = tpu.memref_slice %arg9[%run_scoped3A_644, %dma_wait3A_858, %dma_wait3A_859] : memref<2x128x128xf32, #tpu.memory_space<vmem>> -> memref<1x128x128xf32, #tpu.memory_space<vmem>>
        %dma_wait3A_861 = tpu.memref_squeeze %dma_wait3A_860 : memref<1x128x128xf32, #tpu.memory_space<vmem>> -> memref<128x128xf32, #tpu.memory_space<vmem>>
        %dma_wait3A_862 = arith.constant 0 : i32
        %dma_wait3A_863 = arith.constant 0 : i32
        %dma_wait3A_864 = tpu.memref_slice %arg8[%run_scoped3A_645, %dma_wait3A_862, %dma_wait3A_863] : memref<2x8x128xi32, #tpu.memory_space<vmem>> -> memref<1x8x128xi32, #tpu.memory_space<vmem>>
        %dma_wait3A_865 = tpu.memref_squeeze %dma_wait3A_864 : memref<1x8x128xi32, #tpu.memory_space<vmem>> -> memref<8x128xi32, #tpu.memory_space<vmem>>
        %dma_wait3A_866 = arith.constant 0 : i32
        %dma_wait3A_867 = tpu.memref_slice %dma_wait3A_865[%run_scoped3A_646, %dma_wait3A_866] : memref<8x128xi32, #tpu.memory_space<vmem>> -> memref<1x128xi32, #tpu.memory_space<vmem>>
        %dma_wait3A_868 = tpu.memref_squeeze %dma_wait3A_867 : memref<1x128xi32, #tpu.memory_space<vmem>> -> memref<128xi32, #tpu.memory_space<vmem>>
        %dma_wait3A_869 = arith.constant 0 : i32
        %dma_wait3A_870 = arith.constant 0 : i32
        %dma_wait3A_871 = tpu.memref_slice %arg10[%dma_wait3A_869, %dma_wait3A_870] : memref<10112x128xf32, #tpu.memory_space<vmem_shared>> -> memref<10112x128xf32, #tpu.memory_space<vmem_shared>>
        tpu.wait_indirect_dma semaphore(%run_scoped3A_843 : memref<!tpu.dma_semaphore, #tpu.memory_space<semaphore_mem>>) src(%dma_wait3A_861 : memref<128x128xf32, #tpu.memory_space<vmem>>) dst(%dma_wait3A_871 : memref<10112x128xf32, #tpu.memory_space<vmem_shared>>)
        tpu.yield
      }) : () -> ()
      %dma_wait3A_647 = arith.constant 0 : i32
      %dma_wait3A_648 = arith.constant 0 : i32
      %dma_wait3A_649 = arith.constant 0 : i32
      %dma_wait3A_650 = tpu.memref_slice %arg9[%dma_wait3A_647, %dma_wait3A_648, %dma_wait3A_649] : memref<2x128x128xf32, #tpu.memory_space<vmem>> -> memref<1x128x128xf32, #tpu.memory_space<vmem>>
      %dma_wait3A_651 = tpu.memref_squeeze %dma_wait3A_650 : memref<1x128x128xf32, #tpu.memory_space<vmem>> -> memref<128x128xf32, #tpu.memory_space<vmem>>
      %dma_wait3A_652 = arith.constant 0 : i32
      %dma_wait3A_653 = arith.constant 0 : i32
      %dma_wait3A_654 = tpu.memref_slice %arg2[%dma_wait3A_652, %dma_wait3A_653] : memref<10000x128xf32, #tpu.memory_space<hbm>> -> memref<128x128xf32, #tpu.memory_space<hbm>>
      %dma_wait3A_655 = arith.constant 0 : i32
      %dma_wait3A_656 = arith.constant 0 : i32
      %dma_wait3A_657 = tpu.memref_slice %arg9[%dma_wait3A_647, %dma_wait3A_655, %dma_wait3A_656] : memref<2x128x128xf32, #tpu.memory_space<vmem>> -> memref<1x128x128xf32, #tpu.memory_space<vmem>>
      %dma_wait3A_658 = tpu.memref_squeeze %dma_wait3A_657 : memref<1x128x128xf32, #tpu.memory_space<vmem>> -> memref<128x128xf32, #tpu.memory_space<vmem>>
      %dma_wait3A_659 = arith.constant 0 : i32
      %dma_wait3A_660 = arith.constant 0 : i32
      %dma_wait3A_661 = tpu.memref_slice %arg2[%dma_wait3A_659, %dma_wait3A_660] : memref<10000x128xf32, #tpu.memory_space<hbm>> -> memref<128x128xf32, #tpu.memory_space<hbm>>
      tpu.wait_dma2 semaphore(%arg11 : memref<!tpu.dma_semaphore, #tpu.memory_space<semaphore_mem>>) src(%dma_wait3A_661 : memref<128x128xf32, #tpu.memory_space<hbm>>) dst(%dma_wait3A_658 : memref<128x128xf32, #tpu.memory_space<vmem>>)
      %dma_start3A_662 = arith.constant 1 : i32
      %dma_start3A_663 = arith.constant 3 : i32
      %dma_start3A_664 = arith.constant 1 : i32
      %dma_start3A_665 = arith.constant 0 : i32
      %dma_start3A_666 = arith.constant 0 : i32
      %dma_start3A_667 = tpu.memref_slice %arg9[%dma_start3A_664, %dma_start3A_665, %dma_start3A_666] : memref<2x128x128xf32, #tpu.memory_space<vmem>> -> memref<1x128x128xf32, #tpu.memory_space<vmem>>
      %dma_start3A_668 = tpu.memref_squeeze %dma_start3A_667 : memref<1x128x128xf32, #tpu.memory_space<vmem>> -> memref<128x128xf32, #tpu.memory_space<vmem>>
      %dma_start3A_669 = arith.constant 0 : i32
      %dma_start3A_670 = arith.constant 0 : i32
      %dma_start3A_671 = tpu.memref_slice %arg7[%dma_start3A_662, %dma_start3A_669, %dma_start3A_670] : memref<2x8x128xi32, #tpu.memory_space<vmem>> -> memref<1x8x128xi32, #tpu.memory_space<vmem>>
      %dma_start3A_672 = tpu.memref_squeeze %dma_start3A_671 : memref<1x8x128xi32, #tpu.memory_space<vmem>> -> memref<8x128xi32, #tpu.memory_space<vmem>>
      %dma_start3A_673 = arith.constant 0 : i32
      %dma_start3A_674 = tpu.memref_slice %dma_start3A_672[%dma_start3A_663, %dma_start3A_673] : memref<8x128xi32, #tpu.memory_space<vmem>> -> memref<1x128xi32, #tpu.memory_space<vmem>>
      %dma_start3A_675 = tpu.memref_squeeze %dma_start3A_674 : memref<1x128xi32, #tpu.memory_space<vmem>> -> memref<128xi32, #tpu.memory_space<vmem>>
      %dma_start3A_676 = arith.constant 0 : i32
      %dma_start3A_677 = arith.constant 0 : i32
      %dma_start3A_678 = tpu.memref_slice %arg2[%dma_start3A_676, %dma_start3A_677] : memref<10000x128xf32, #tpu.memory_space<hbm>> -> memref<10000x128xf32, #tpu.memory_space<hbm>>
      tpu.enqueue_indirect_dma source(%dma_start3A_678 : memref<10000x128xf32, #tpu.memory_space<hbm>>) target(%dma_start3A_668 : memref<128x128xf32, #tpu.memory_space<vmem>>) offsets(%dma_start3A_675 : memref<128xi32, #tpu.memory_space<vmem>>) semaphore(%arg12 : memref<!tpu.dma_semaphore, #tpu.memory_space<semaphore_mem>>)
      %run_scoped3A_679 = arith.constant 0 : i32
      %run_scoped3A_680 = arith.constant 1 : i32
      %run_scoped3A_681 = arith.constant 2 : i32
      "tpu.region"() ({
        %run_scoped3A_843 = tpu.sem_alloc : memref<!tpu.dma_semaphore, #tpu.memory_space<semaphore_mem>>
        %dma_start3A_844 = arith.constant 0 : i32
        %dma_start3A_845 = arith.constant 0 : i32
        %dma_start3A_846 = tpu.memref_slice %arg9[%run_scoped3A_679, %dma_start3A_844, %dma_start3A_845] : memref<2x128x128xf32, #tpu.memory_space<vmem>> -> memref<1x128x128xf32, #tpu.memory_space<vmem>>
        %dma_start3A_847 = tpu.memref_squeeze %dma_start3A_846 : memref<1x128x128xf32, #tpu.memory_space<vmem>> -> memref<128x128xf32, #tpu.memory_space<vmem>>
        %dma_start3A_848 = arith.constant 0 : i32
        %dma_start3A_849 = arith.constant 0 : i32
        %dma_start3A_850 = tpu.memref_slice %arg8[%run_scoped3A_680, %dma_start3A_848, %dma_start3A_849] : memref<2x8x128xi32, #tpu.memory_space<vmem>> -> memref<1x8x128xi32, #tpu.memory_space<vmem>>
        %dma_start3A_851 = tpu.memref_squeeze %dma_start3A_850 : memref<1x8x128xi32, #tpu.memory_space<vmem>> -> memref<8x128xi32, #tpu.memory_space<vmem>>
        %dma_start3A_852 = arith.constant 0 : i32
        %dma_start3A_853 = tpu.memref_slice %dma_start3A_851[%run_scoped3A_681, %dma_start3A_852] : memref<8x128xi32, #tpu.memory_space<vmem>> -> memref<1x128xi32, #tpu.memory_space<vmem>>
        %dma_start3A_854 = tpu.memref_squeeze %dma_start3A_853 : memref<1x128xi32, #tpu.memory_space<vmem>> -> memref<128xi32, #tpu.memory_space<vmem>>
        %dma_start3A_855 = arith.constant 0 : i32
        %dma_start3A_856 = arith.constant 0 : i32
        %dma_start3A_857 = tpu.memref_slice %arg10[%dma_start3A_855, %dma_start3A_856] : memref<10112x128xf32, #tpu.memory_space<vmem_shared>> -> memref<10112x128xf32, #tpu.memory_space<vmem_shared>>
        tpu.enqueue_indirect_dma source(%dma_start3A_847 : memref<128x128xf32, #tpu.memory_space<vmem>>) target(%dma_start3A_857 : memref<10112x128xf32, #tpu.memory_space<vmem_shared>>) offsets(%dma_start3A_854 : memref<128xi32, #tpu.memory_space<vmem>>) semaphore(%run_scoped3A_843 : memref<!tpu.dma_semaphore, #tpu.memory_space<semaphore_mem>>) {add = true}
        %dma_wait3A_858 = arith.constant 0 : i32
        %dma_wait3A_859 = arith.constant 0 : i32
        %dma_wait3A_860 = tpu.memref_slice %arg9[%run_scoped3A_679, %dma_wait3A_858, %dma_wait3A_859] : memref<2x128x128xf32, #tpu.memory_space<vmem>> -> memref<1x128x128xf32, #tpu.memory_space<vmem>>
        %dma_wait3A_861 = tpu.memref_squeeze %dma_wait3A_860 : memref<1x128x128xf32, #tpu.memory_space<vmem>> -> memref<128x128xf32, #tpu.memory_space<vmem>>
        %dma_wait3A_862 = arith.constant 0 : i32
        %dma_wait3A_863 = arith.constant 0 : i32
        %dma_wait3A_864 = tpu.memref_slice %arg8[%run_scoped3A_680, %dma_wait3A_862, %dma_wait3A_863] : memref<2x8x128xi32, #tpu.memory_space<vmem>> -> memref<1x8x128xi32, #tpu.memory_space<vmem>>
        %dma_wait3A_865 = tpu.memref_squeeze %dma_wait3A_864 : memref<1x8x128xi32, #tpu.memory_space<vmem>> -> memref<8x128xi32, #tpu.memory_space<vmem>>
        %dma_wait3A_866 = arith.constant 0 : i32
        %dma_wait3A_867 = tpu.memref_slice %dma_wait3A_865[%run_scoped3A_681, %dma_wait3A_866] : memref<8x128xi32, #tpu.memory_space<vmem>> -> memref<1x128xi32, #tpu.memory_space<vmem>>
        %dma_wait3A_868 = tpu.memref_squeeze %dma_wait3A_867 : memref<1x128xi32, #tpu.memory_space<vmem>> -> memref<128xi32, #tpu.memory_space<vmem>>
        %dma_wait3A_869 = arith.constant 0 : i32
        %dma_wait3A_870 = arith.constant 0 : i32
        %dma_wait3A_871 = tpu.memref_slice %arg10[%dma_wait3A_869, %dma_wait3A_870] : memref<10112x128xf32, #tpu.memory_space<vmem_shared>> -> memref<10112x128xf32, #tpu.memory_space<vmem_shared>>
        tpu.wait_indirect_dma semaphore(%run_scoped3A_843 : memref<!tpu.dma_semaphore, #tpu.memory_space<semaphore_mem>>) src(%dma_wait3A_861 : memref<128x128xf32, #tpu.memory_space<vmem>>) dst(%dma_wait3A_871 : memref<10112x128xf32, #tpu.memory_space<vmem_shared>>)
        tpu.yield
      }) : () -> ()
      %dma_wait3A_682 = arith.constant 1 : i32
      %dma_wait3A_683 = arith.constant 0 : i32
      %dma_wait3A_684 = arith.constant 0 : i32
      %dma_wait3A_685 = tpu.memref_slice %arg9[%dma_wait3A_682, %dma_wait3A_683, %dma_wait3A_684] : memref<2x128x128xf32, #tpu.memory_space<vmem>> -> memref<1x128x128xf32, #tpu.memory_space<vmem>>
      %dma_wait3A_686 = tpu.memref_squeeze %dma_wait3A_685 : memref<1x128x128xf32, #tpu.memory_space<vmem>> -> memref<128x128xf32, #tpu.memory_space<vmem>>
      %dma_wait3A_687 = arith.constant 0 : i32
      %dma_wait3A_688 = arith.constant 0 : i32
      %dma_wait3A_689 = tpu.memref_slice %arg2[%dma_wait3A_687, %dma_wait3A_688] : memref<10000x128xf32, #tpu.memory_space<hbm>> -> memref<128x128xf32, #tpu.memory_space<hbm>>
      %dma_wait3A_690 = arith.constant 0 : i32
      %dma_wait3A_691 = arith.constant 0 : i32
      %dma_wait3A_692 = tpu.memref_slice %arg9[%dma_wait3A_682, %dma_wait3A_690, %dma_wait3A_691] : memref<2x128x128xf32, #tpu.memory_space<vmem>> -> memref<1x128x128xf32, #tpu.memory_space<vmem>>
      %dma_wait3A_693 = tpu.memref_squeeze %dma_wait3A_692 : memref<1x128x128xf32, #tpu.memory_space<vmem>> -> memref<128x128xf32, #tpu.memory_space<vmem>>
      %dma_wait3A_694 = arith.constant 0 : i32
      %dma_wait3A_695 = arith.constant 0 : i32
      %dma_wait3A_696 = tpu.memref_slice %arg2[%dma_wait3A_694, %dma_wait3A_695] : memref<10000x128xf32, #tpu.memory_space<hbm>> -> memref<128x128xf32, #tpu.memory_space<hbm>>
      tpu.wait_dma2 semaphore(%arg12 : memref<!tpu.dma_semaphore, #tpu.memory_space<semaphore_mem>>) src(%dma_wait3A_696 : memref<128x128xf32, #tpu.memory_space<hbm>>) dst(%dma_wait3A_693 : memref<128x128xf32, #tpu.memory_space<vmem>>)
      %dma_start3A_697 = arith.constant 1 : i32
      %dma_start3A_698 = arith.constant 4 : i32
      %dma_start3A_699 = arith.constant 0 : i32
      %dma_start3A_700 = arith.constant 0 : i32
      %dma_start3A_701 = arith.constant 0 : i32
      %dma_start3A_702 = tpu.memref_slice %arg9[%dma_start3A_699, %dma_start3A_700, %dma_start3A_701] : memref<2x128x128xf32, #tpu.memory_space<vmem>> -> memref<1x128x128xf32, #tpu.memory_space<vmem>>
      %dma_start3A_703 = tpu.memref_squeeze %dma_start3A_702 : memref<1x128x128xf32, #tpu.memory_space<vmem>> -> memref<128x128xf32, #tpu.memory_space<vmem>>
      %dma_start3A_704 = arith.constant 0 : i32
      %dma_start3A_705 = arith.constant 0 : i32
      %dma_start3A_706 = tpu.memref_slice %arg7[%dma_start3A_697, %dma_start3A_704, %dma_start3A_705] : memref<2x8x128xi32, #tpu.memory_space<vmem>> -> memref<1x8x128xi32, #tpu.memory_space<vmem>>
      %dma_start3A_707 = tpu.memref_squeeze %dma_start3A_706 : memref<1x8x128xi32, #tpu.memory_space<vmem>> -> memref<8x128xi32, #tpu.memory_space<vmem>>
      %dma_start3A_708 = arith.constant 0 : i32
      %dma_start3A_709 = tpu.memref_slice %dma_start3A_707[%dma_start3A_698, %dma_start3A_708] : memref<8x128xi32, #tpu.memory_space<vmem>> -> memref<1x128xi32, #tpu.memory_space<vmem>>
      %dma_start3A_710 = tpu.memref_squeeze %dma_start3A_709 : memref<1x128xi32, #tpu.memory_space<vmem>> -> memref<128xi32, #tpu.memory_space<vmem>>
      %dma_start3A_711 = arith.constant 0 : i32
      %dma_start3A_712 = arith.constant 0 : i32
      %dma_start3A_713 = tpu.memref_slice %arg2[%dma_start3A_711, %dma_start3A_712] : memref<10000x128xf32, #tpu.memory_space<hbm>> -> memref<10000x128xf32, #tpu.memory_space<hbm>>
      tpu.enqueue_indirect_dma source(%dma_start3A_713 : memref<10000x128xf32, #tpu.memory_space<hbm>>) target(%dma_start3A_703 : memref<128x128xf32, #tpu.memory_space<vmem>>) offsets(%dma_start3A_710 : memref<128xi32, #tpu.memory_space<vmem>>) semaphore(%arg11 : memref<!tpu.dma_semaphore, #tpu.memory_space<semaphore_mem>>)
      %run_scoped3A_714 = arith.constant 1 : i32
      %run_scoped3A_715 = arith.constant 1 : i32
      %run_scoped3A_716 = arith.constant 3 : i32
      "tpu.region"() ({
        %run_scoped3A_843 = tpu.sem_alloc : memref<!tpu.dma_semaphore, #tpu.memory_space<semaphore_mem>>
        %dma_start3A_844 = arith.constant 0 : i32
        %dma_start3A_845 = arith.constant 0 : i32
        %dma_start3A_846 = tpu.memref_slice %arg9[%run_scoped3A_714, %dma_start3A_844, %dma_start3A_845] : memref<2x128x128xf32, #tpu.memory_space<vmem>> -> memref<1x128x128xf32, #tpu.memory_space<vmem>>
        %dma_start3A_847 = tpu.memref_squeeze %dma_start3A_846 : memref<1x128x128xf32, #tpu.memory_space<vmem>> -> memref<128x128xf32, #tpu.memory_space<vmem>>
        %dma_start3A_848 = arith.constant 0 : i32
        %dma_start3A_849 = arith.constant 0 : i32
        %dma_start3A_850 = tpu.memref_slice %arg8[%run_scoped3A_715, %dma_start3A_848, %dma_start3A_849] : memref<2x8x128xi32, #tpu.memory_space<vmem>> -> memref<1x8x128xi32, #tpu.memory_space<vmem>>
        %dma_start3A_851 = tpu.memref_squeeze %dma_start3A_850 : memref<1x8x128xi32, #tpu.memory_space<vmem>> -> memref<8x128xi32, #tpu.memory_space<vmem>>
        %dma_start3A_852 = arith.constant 0 : i32
        %dma_start3A_853 = tpu.memref_slice %dma_start3A_851[%run_scoped3A_716, %dma_start3A_852] : memref<8x128xi32, #tpu.memory_space<vmem>> -> memref<1x128xi32, #tpu.memory_space<vmem>>
        %dma_start3A_854 = tpu.memref_squeeze %dma_start3A_853 : memref<1x128xi32, #tpu.memory_space<vmem>> -> memref<128xi32, #tpu.memory_space<vmem>>
        %dma_start3A_855 = arith.constant 0 : i32
        %dma_start3A_856 = arith.constant 0 : i32
        %dma_start3A_857 = tpu.memref_slice %arg10[%dma_start3A_855, %dma_start3A_856] : memref<10112x128xf32, #tpu.memory_space<vmem_shared>> -> memref<10112x128xf32, #tpu.memory_space<vmem_shared>>
        tpu.enqueue_indirect_dma source(%dma_start3A_847 : memref<128x128xf32, #tpu.memory_space<vmem>>) target(%dma_start3A_857 : memref<10112x128xf32, #tpu.memory_space<vmem_shared>>) offsets(%dma_start3A_854 : memref<128xi32, #tpu.memory_space<vmem>>) semaphore(%run_scoped3A_843 : memref<!tpu.dma_semaphore, #tpu.memory_space<semaphore_mem>>) {add = true}
        %dma_wait3A_858 = arith.constant 0 : i32
        %dma_wait3A_859 = arith.constant 0 : i32
        %dma_wait3A_860 = tpu.memref_slice %arg9[%run_scoped3A_714, %dma_wait3A_858, %dma_wait3A_859] : memref<2x128x128xf32, #tpu.memory_space<vmem>> -> memref<1x128x128xf32, #tpu.memory_space<vmem>>
        %dma_wait3A_861 = tpu.memref_squeeze %dma_wait3A_860 : memref<1x128x128xf32, #tpu.memory_space<vmem>> -> memref<128x128xf32, #tpu.memory_space<vmem>>
        %dma_wait3A_862 = arith.constant 0 : i32
        %dma_wait3A_863 = arith.constant 0 : i32
        %dma_wait3A_864 = tpu.memref_slice %arg8[%run_scoped3A_715, %dma_wait3A_862, %dma_wait3A_863] : memref<2x8x128xi32, #tpu.memory_space<vmem>> -> memref<1x8x128xi32, #tpu.memory_space<vmem>>
        %dma_wait3A_865 = tpu.memref_squeeze %dma_wait3A_864 : memref<1x8x128xi32, #tpu.memory_space<vmem>> -> memref<8x128xi32, #tpu.memory_space<vmem>>
        %dma_wait3A_866 = arith.constant 0 : i32
        %dma_wait3A_867 = tpu.memref_slice %dma_wait3A_865[%run_scoped3A_716, %dma_wait3A_866] : memref<8x128xi32, #tpu.memory_space<vmem>> -> memref<1x128xi32, #tpu.memory_space<vmem>>
        %dma_wait3A_868 = tpu.memref_squeeze %dma_wait3A_867 : memref<1x128xi32, #tpu.memory_space<vmem>> -> memref<128xi32, #tpu.memory_space<vmem>>
        %dma_wait3A_869 = arith.constant 0 : i32
        %dma_wait3A_870 = arith.constant 0 : i32
        %dma_wait3A_871 = tpu.memref_slice %arg10[%dma_wait3A_869, %dma_wait3A_870] : memref<10112x128xf32, #tpu.memory_space<vmem_shared>> -> memref<10112x128xf32, #tpu.memory_space<vmem_shared>>
        tpu.wait_indirect_dma semaphore(%run_scoped3A_843 : memref<!tpu.dma_semaphore, #tpu.memory_space<semaphore_mem>>) src(%dma_wait3A_861 : memref<128x128xf32, #tpu.memory_space<vmem>>) dst(%dma_wait3A_871 : memref<10112x128xf32, #tpu.memory_space<vmem_shared>>)
        tpu.yield
      }) : () -> ()
      %dma_wait3A_717 = arith.constant 0 : i32
      %dma_wait3A_718 = arith.constant 0 : i32
      %dma_wait3A_719 = arith.constant 0 : i32
      %dma_wait3A_720 = tpu.memref_slice %arg9[%dma_wait3A_717, %dma_wait3A_718, %dma_wait3A_719] : memref<2x128x128xf32, #tpu.memory_space<vmem>> -> memref<1x128x128xf32, #tpu.memory_space<vmem>>
      %dma_wait3A_721 = tpu.memref_squeeze %dma_wait3A_720 : memref<1x128x128xf32, #tpu.memory_space<vmem>> -> memref<128x128xf32, #tpu.memory_space<vmem>>
      %dma_wait3A_722 = arith.constant 0 : i32
      %dma_wait3A_723 = arith.constant 0 : i32
      %dma_wait3A_724 = tpu.memref_slice %arg2[%dma_wait3A_722, %dma_wait3A_723] : memref<10000x128xf32, #tpu.memory_space<hbm>> -> memref<128x128xf32, #tpu.memory_space<hbm>>
      %dma_wait3A_725 = arith.constant 0 : i32
      %dma_wait3A_726 = arith.constant 0 : i32
      %dma_wait3A_727 = tpu.memref_slice %arg9[%dma_wait3A_717, %dma_wait3A_725, %dma_wait3A_726] : memref<2x128x128xf32, #tpu.memory_space<vmem>> -> memref<1x128x128xf32, #tpu.memory_space<vmem>>
      %dma_wait3A_728 = tpu.memref_squeeze %dma_wait3A_727 : memref<1x128x128xf32, #tpu.memory_space<vmem>> -> memref<128x128xf32, #tpu.memory_space<vmem>>
      %dma_wait3A_729 = arith.constant 0 : i32
      %dma_wait3A_730 = arith.constant 0 : i32
      %dma_wait3A_731 = tpu.memref_slice %arg2[%dma_wait3A_729, %dma_wait3A_730] : memref<10000x128xf32, #tpu.memory_space<hbm>> -> memref<128x128xf32, #tpu.memory_space<hbm>>
      tpu.wait_dma2 semaphore(%arg11 : memref<!tpu.dma_semaphore, #tpu.memory_space<semaphore_mem>>) src(%dma_wait3A_731 : memref<128x128xf32, #tpu.memory_space<hbm>>) dst(%dma_wait3A_728 : memref<128x128xf32, #tpu.memory_space<vmem>>)
      %dma_start3A_732 = arith.constant 1 : i32
      %dma_start3A_733 = arith.constant 5 : i32
      %dma_start3A_734 = arith.constant 1 : i32
      %dma_start3A_735 = arith.constant 0 : i32
      %dma_start3A_736 = arith.constant 0 : i32
      %dma_start3A_737 = tpu.memref_slice %arg9[%dma_start3A_734, %dma_start3A_735, %dma_start3A_736] : memref<2x128x128xf32, #tpu.memory_space<vmem>> -> memref<1x128x128xf32, #tpu.memory_space<vmem>>
      %dma_start3A_738 = tpu.memref_squeeze %dma_start3A_737 : memref<1x128x128xf32, #tpu.memory_space<vmem>> -> memref<128x128xf32, #tpu.memory_space<vmem>>
      %dma_start3A_739 = arith.constant 0 : i32
      %dma_start3A_740 = arith.constant 0 : i32
      %dma_start3A_741 = tpu.memref_slice %arg7[%dma_start3A_732, %dma_start3A_739, %dma_start3A_740] : memref<2x8x128xi32, #tpu.memory_space<vmem>> -> memref<1x8x128xi32, #tpu.memory_space<vmem>>
      %dma_start3A_742 = tpu.memref_squeeze %dma_start3A_741 : memref<1x8x128xi32, #tpu.memory_space<vmem>> -> memref<8x128xi32, #tpu.memory_space<vmem>>
      %dma_start3A_743 = arith.constant 0 : i32
      %dma_start3A_744 = tpu.memref_slice %dma_start3A_742[%dma_start3A_733, %dma_start3A_743] : memref<8x128xi32, #tpu.memory_space<vmem>> -> memref<1x128xi32, #tpu.memory_space<vmem>>
      %dma_start3A_745 = tpu.memref_squeeze %dma_start3A_744 : memref<1x128xi32, #tpu.memory_space<vmem>> -> memref<128xi32, #tpu.memory_space<vmem>>
      %dma_start3A_746 = arith.constant 0 : i32
      %dma_start3A_747 = arith.constant 0 : i32
      %dma_start3A_748 = tpu.memref_slice %arg2[%dma_start3A_746, %dma_start3A_747] : memref<10000x128xf32, #tpu.memory_space<hbm>> -> memref<10000x128xf32, #tpu.memory_space<hbm>>
      tpu.enqueue_indirect_dma source(%dma_start3A_748 : memref<10000x128xf32, #tpu.memory_space<hbm>>) target(%dma_start3A_738 : memref<128x128xf32, #tpu.memory_space<vmem>>) offsets(%dma_start3A_745 : memref<128xi32, #tpu.memory_space<vmem>>) semaphore(%arg12 : memref<!tpu.dma_semaphore, #tpu.memory_space<semaphore_mem>>)
      %run_scoped3A_749 = arith.constant 0 : i32
      %run_scoped3A_750 = arith.constant 1 : i32
      %run_scoped3A_751 = arith.constant 4 : i32
      "tpu.region"() ({
        %run_scoped3A_843 = tpu.sem_alloc : memref<!tpu.dma_semaphore, #tpu.memory_space<semaphore_mem>>
        %dma_start3A_844 = arith.constant 0 : i32
        %dma_start3A_845 = arith.constant 0 : i32
        %dma_start3A_846 = tpu.memref_slice %arg9[%run_scoped3A_749, %dma_start3A_844, %dma_start3A_845] : memref<2x128x128xf32, #tpu.memory_space<vmem>> -> memref<1x128x128xf32, #tpu.memory_space<vmem>>
        %dma_start3A_847 = tpu.memref_squeeze %dma_start3A_846 : memref<1x128x128xf32, #tpu.memory_space<vmem>> -> memref<128x128xf32, #tpu.memory_space<vmem>>
        %dma_start3A_848 = arith.constant 0 : i32
        %dma_start3A_849 = arith.constant 0 : i32
        %dma_start3A_850 = tpu.memref_slice %arg8[%run_scoped3A_750, %dma_start3A_848, %dma_start3A_849] : memref<2x8x128xi32, #tpu.memory_space<vmem>> -> memref<1x8x128xi32, #tpu.memory_space<vmem>>
        %dma_start3A_851 = tpu.memref_squeeze %dma_start3A_850 : memref<1x8x128xi32, #tpu.memory_space<vmem>> -> memref<8x128xi32, #tpu.memory_space<vmem>>
        %dma_start3A_852 = arith.constant 0 : i32
        %dma_start3A_853 = tpu.memref_slice %dma_start3A_851[%run_scoped3A_751, %dma_start3A_852] : memref<8x128xi32, #tpu.memory_space<vmem>> -> memref<1x128xi32, #tpu.memory_space<vmem>>
        %dma_start3A_854 = tpu.memref_squeeze %dma_start3A_853 : memref<1x128xi32, #tpu.memory_space<vmem>> -> memref<128xi32, #tpu.memory_space<vmem>>
        %dma_start3A_855 = arith.constant 0 : i32
        %dma_start3A_856 = arith.constant 0 : i32
        %dma_start3A_857 = tpu.memref_slice %arg10[%dma_start3A_855, %dma_start3A_856] : memref<10112x128xf32, #tpu.memory_space<vmem_shared>> -> memref<10112x128xf32, #tpu.memory_space<vmem_shared>>
        tpu.enqueue_indirect_dma source(%dma_start3A_847 : memref<128x128xf32, #tpu.memory_space<vmem>>) target(%dma_start3A_857 : memref<10112x128xf32, #tpu.memory_space<vmem_shared>>) offsets(%dma_start3A_854 : memref<128xi32, #tpu.memory_space<vmem>>) semaphore(%run_scoped3A_843 : memref<!tpu.dma_semaphore, #tpu.memory_space<semaphore_mem>>) {add = true}
        %dma_wait3A_858 = arith.constant 0 : i32
        %dma_wait3A_859 = arith.constant 0 : i32
        %dma_wait3A_860 = tpu.memref_slice %arg9[%run_scoped3A_749, %dma_wait3A_858, %dma_wait3A_859] : memref<2x128x128xf32, #tpu.memory_space<vmem>> -> memref<1x128x128xf32, #tpu.memory_space<vmem>>
        %dma_wait3A_861 = tpu.memref_squeeze %dma_wait3A_860 : memref<1x128x128xf32, #tpu.memory_space<vmem>> -> memref<128x128xf32, #tpu.memory_space<vmem>>
        %dma_wait3A_862 = arith.constant 0 : i32
        %dma_wait3A_863 = arith.constant 0 : i32
        %dma_wait3A_864 = tpu.memref_slice %arg8[%run_scoped3A_750, %dma_wait3A_862, %dma_wait3A_863] : memref<2x8x128xi32, #tpu.memory_space<vmem>> -> memref<1x8x128xi32, #tpu.memory_space<vmem>>
        %dma_wait3A_865 = tpu.memref_squeeze %dma_wait3A_864 : memref<1x8x128xi32, #tpu.memory_space<vmem>> -> memref<8x128xi32, #tpu.memory_space<vmem>>
        %dma_wait3A_866 = arith.constant 0 : i32
        %dma_wait3A_867 = tpu.memref_slice %dma_wait3A_865[%run_scoped3A_751, %dma_wait3A_866] : memref<8x128xi32, #tpu.memory_space<vmem>> -> memref<1x128xi32, #tpu.memory_space<vmem>>
        %dma_wait3A_868 = tpu.memref_squeeze %dma_wait3A_867 : memref<1x128xi32, #tpu.memory_space<vmem>> -> memref<128xi32, #tpu.memory_space<vmem>>
        %dma_wait3A_869 = arith.constant 0 : i32
        %dma_wait3A_870 = arith.constant 0 : i32
        %dma_wait3A_871 = tpu.memref_slice %arg10[%dma_wait3A_869, %dma_wait3A_870] : memref<10112x128xf32, #tpu.memory_space<vmem_shared>> -> memref<10112x128xf32, #tpu.memory_space<vmem_shared>>
        tpu.wait_indirect_dma semaphore(%run_scoped3A_843 : memref<!tpu.dma_semaphore, #tpu.memory_space<semaphore_mem>>) src(%dma_wait3A_861 : memref<128x128xf32, #tpu.memory_space<vmem>>) dst(%dma_wait3A_871 : memref<10112x128xf32, #tpu.memory_space<vmem_shared>>)
        tpu.yield
      }) : () -> ()
      %dma_wait3A_752 = arith.constant 1 : i32
      %dma_wait3A_753 = arith.constant 0 : i32
      %dma_wait3A_754 = arith.constant 0 : i32
      %dma_wait3A_755 = tpu.memref_slice %arg9[%dma_wait3A_752, %dma_wait3A_753, %dma_wait3A_754] : memref<2x128x128xf32, #tpu.memory_space<vmem>> -> memref<1x128x128xf32, #tpu.memory_space<vmem>>
      %dma_wait3A_756 = tpu.memref_squeeze %dma_wait3A_755 : memref<1x128x128xf32, #tpu.memory_space<vmem>> -> memref<128x128xf32, #tpu.memory_space<vmem>>
      %dma_wait3A_757 = arith.constant 0 : i32
      %dma_wait3A_758 = arith.constant 0 : i32
      %dma_wait3A_759 = tpu.memref_slice %arg2[%dma_wait3A_757, %dma_wait3A_758] : memref<10000x128xf32, #tpu.memory_space<hbm>> -> memref<128x128xf32, #tpu.memory_space<hbm>>
      %dma_wait3A_760 = arith.constant 0 : i32
      %dma_wait3A_761 = arith.constant 0 : i32
      %dma_wait3A_762 = tpu.memref_slice %arg9[%dma_wait3A_752, %dma_wait3A_760, %dma_wait3A_761] : memref<2x128x128xf32, #tpu.memory_space<vmem>> -> memref<1x128x128xf32, #tpu.memory_space<vmem>>
      %dma_wait3A_763 = tpu.memref_squeeze %dma_wait3A_762 : memref<1x128x128xf32, #tpu.memory_space<vmem>> -> memref<128x128xf32, #tpu.memory_space<vmem>>
      %dma_wait3A_764 = arith.constant 0 : i32
      %dma_wait3A_765 = arith.constant 0 : i32
      %dma_wait3A_766 = tpu.memref_slice %arg2[%dma_wait3A_764, %dma_wait3A_765] : memref<10000x128xf32, #tpu.memory_space<hbm>> -> memref<128x128xf32, #tpu.memory_space<hbm>>
      tpu.wait_dma2 semaphore(%arg12 : memref<!tpu.dma_semaphore, #tpu.memory_space<semaphore_mem>>) src(%dma_wait3A_766 : memref<128x128xf32, #tpu.memory_space<hbm>>) dst(%dma_wait3A_763 : memref<128x128xf32, #tpu.memory_space<vmem>>)
      %dma_start3A_767 = arith.constant 1 : i32
      %dma_start3A_768 = arith.constant 6 : i32
      %dma_start3A_769 = arith.constant 0 : i32
      %dma_start3A_770 = arith.constant 0 : i32
      %dma_start3A_771 = arith.constant 0 : i32
      %dma_start3A_772 = tpu.memref_slice %arg9[%dma_start3A_769, %dma_start3A_770, %dma_start3A_771] : memref<2x128x128xf32, #tpu.memory_space<vmem>> -> memref<1x128x128xf32, #tpu.memory_space<vmem>>
      %dma_start3A_773 = tpu.memref_squeeze %dma_start3A_772 : memref<1x128x128xf32, #tpu.memory_space<vmem>> -> memref<128x128xf32, #tpu.memory_space<vmem>>
      %dma_start3A_774 = arith.constant 0 : i32
      %dma_start3A_775 = arith.constant 0 : i32
      %dma_start3A_776 = tpu.memref_slice %arg7[%dma_start3A_767, %dma_start3A_774, %dma_start3A_775] : memref<2x8x128xi32, #tpu.memory_space<vmem>> -> memref<1x8x128xi32, #tpu.memory_space<vmem>>
      %dma_start3A_777 = tpu.memref_squeeze %dma_start3A_776 : memref<1x8x128xi32, #tpu.memory_space<vmem>> -> memref<8x128xi32, #tpu.memory_space<vmem>>
      %dma_start3A_778 = arith.constant 0 : i32
      %dma_start3A_779 = tpu.memref_slice %dma_start3A_777[%dma_start3A_768, %dma_start3A_778] : memref<8x128xi32, #tpu.memory_space<vmem>> -> memref<1x128xi32, #tpu.memory_space<vmem>>
      %dma_start3A_780 = tpu.memref_squeeze %dma_start3A_779 : memref<1x128xi32, #tpu.memory_space<vmem>> -> memref<128xi32, #tpu.memory_space<vmem>>
      %dma_start3A_781 = arith.constant 0 : i32
      %dma_start3A_782 = arith.constant 0 : i32
      %dma_start3A_783 = tpu.memref_slice %arg2[%dma_start3A_781, %dma_start3A_782] : memref<10000x128xf32, #tpu.memory_space<hbm>> -> memref<10000x128xf32, #tpu.memory_space<hbm>>
      tpu.enqueue_indirect_dma source(%dma_start3A_783 : memref<10000x128xf32, #tpu.memory_space<hbm>>) target(%dma_start3A_773 : memref<128x128xf32, #tpu.memory_space<vmem>>) offsets(%dma_start3A_780 : memref<128xi32, #tpu.memory_space<vmem>>) semaphore(%arg11 : memref<!tpu.dma_semaphore, #tpu.memory_space<semaphore_mem>>)
      %run_scoped3A_784 = arith.constant 1 : i32
      %run_scoped3A_785 = arith.constant 1 : i32
      %run_scoped3A_786 = arith.constant 5 : i32
      "tpu.region"() ({
        %run_scoped3A_843 = tpu.sem_alloc : memref<!tpu.dma_semaphore, #tpu.memory_space<semaphore_mem>>
        %dma_start3A_844 = arith.constant 0 : i32
        %dma_start3A_845 = arith.constant 0 : i32
        %dma_start3A_846 = tpu.memref_slice %arg9[%run_scoped3A_784, %dma_start3A_844, %dma_start3A_845] : memref<2x128x128xf32, #tpu.memory_space<vmem>> -> memref<1x128x128xf32, #tpu.memory_space<vmem>>
        %dma_start3A_847 = tpu.memref_squeeze %dma_start3A_846 : memref<1x128x128xf32, #tpu.memory_space<vmem>> -> memref<128x128xf32, #tpu.memory_space<vmem>>
        %dma_start3A_848 = arith.constant 0 : i32
        %dma_start3A_849 = arith.constant 0 : i32
        %dma_start3A_850 = tpu.memref_slice %arg8[%run_scoped3A_785, %dma_start3A_848, %dma_start3A_849] : memref<2x8x128xi32, #tpu.memory_space<vmem>> -> memref<1x8x128xi32, #tpu.memory_space<vmem>>
        %dma_start3A_851 = tpu.memref_squeeze %dma_start3A_850 : memref<1x8x128xi32, #tpu.memory_space<vmem>> -> memref<8x128xi32, #tpu.memory_space<vmem>>
        %dma_start3A_852 = arith.constant 0 : i32
        %dma_start3A_853 = tpu.memref_slice %dma_start3A_851[%run_scoped3A_786, %dma_start3A_852] : memref<8x128xi32, #tpu.memory_space<vmem>> -> memref<1x128xi32, #tpu.memory_space<vmem>>
        %dma_start3A_854 = tpu.memref_squeeze %dma_start3A_853 : memref<1x128xi32, #tpu.memory_space<vmem>> -> memref<128xi32, #tpu.memory_space<vmem>>
        %dma_start3A_855 = arith.constant 0 : i32
        %dma_start3A_856 = arith.constant 0 : i32
        %dma_start3A_857 = tpu.memref_slice %arg10[%dma_start3A_855, %dma_start3A_856] : memref<10112x128xf32, #tpu.memory_space<vmem_shared>> -> memref<10112x128xf32, #tpu.memory_space<vmem_shared>>
        tpu.enqueue_indirect_dma source(%dma_start3A_847 : memref<128x128xf32, #tpu.memory_space<vmem>>) target(%dma_start3A_857 : memref<10112x128xf32, #tpu.memory_space<vmem_shared>>) offsets(%dma_start3A_854 : memref<128xi32, #tpu.memory_space<vmem>>) semaphore(%run_scoped3A_843 : memref<!tpu.dma_semaphore, #tpu.memory_space<semaphore_mem>>) {add = true}
        %dma_wait3A_858 = arith.constant 0 : i32
        %dma_wait3A_859 = arith.constant 0 : i32
        %dma_wait3A_860 = tpu.memref_slice %arg9[%run_scoped3A_784, %dma_wait3A_858, %dma_wait3A_859] : memref<2x128x128xf32, #tpu.memory_space<vmem>> -> memref<1x128x128xf32, #tpu.memory_space<vmem>>
        %dma_wait3A_861 = tpu.memref_squeeze %dma_wait3A_860 : memref<1x128x128xf32, #tpu.memory_space<vmem>> -> memref<128x128xf32, #tpu.memory_space<vmem>>
        %dma_wait3A_862 = arith.constant 0 : i32
        %dma_wait3A_863 = arith.constant 0 : i32
        %dma_wait3A_864 = tpu.memref_slice %arg8[%run_scoped3A_785, %dma_wait3A_862, %dma_wait3A_863] : memref<2x8x128xi32, #tpu.memory_space<vmem>> -> memref<1x8x128xi32, #tpu.memory_space<vmem>>
        %dma_wait3A_865 = tpu.memref_squeeze %dma_wait3A_864 : memref<1x8x128xi32, #tpu.memory_space<vmem>> -> memref<8x128xi32, #tpu.memory_space<vmem>>
        %dma_wait3A_866 = arith.constant 0 : i32
        %dma_wait3A_867 = tpu.memref_slice %dma_wait3A_865[%run_scoped3A_786, %dma_wait3A_866] : memref<8x128xi32, #tpu.memory_space<vmem>> -> memref<1x128xi32, #tpu.memory_space<vmem>>
        %dma_wait3A_868 = tpu.memref_squeeze %dma_wait3A_867 : memref<1x128xi32, #tpu.memory_space<vmem>> -> memref<128xi32, #tpu.memory_space<vmem>>
        %dma_wait3A_869 = arith.constant 0 : i32
        %dma_wait3A_870 = arith.constant 0 : i32
        %dma_wait3A_871 = tpu.memref_slice %arg10[%dma_wait3A_869, %dma_wait3A_870] : memref<10112x128xf32, #tpu.memory_space<vmem_shared>> -> memref<10112x128xf32, #tpu.memory_space<vmem_shared>>
        tpu.wait_indirect_dma semaphore(%run_scoped3A_843 : memref<!tpu.dma_semaphore, #tpu.memory_space<semaphore_mem>>) src(%dma_wait3A_861 : memref<128x128xf32, #tpu.memory_space<vmem>>) dst(%dma_wait3A_871 : memref<10112x128xf32, #tpu.memory_space<vmem_shared>>)
        tpu.yield
      }) : () -> ()
      %dma_wait3A_787 = arith.constant 0 : i32
      %dma_wait3A_788 = arith.constant 0 : i32
      %dma_wait3A_789 = arith.constant 0 : i32
      %dma_wait3A_790 = tpu.memref_slice %arg9[%dma_wait3A_787, %dma_wait3A_788, %dma_wait3A_789] : memref<2x128x128xf32, #tpu.memory_space<vmem>> -> memref<1x128x128xf32, #tpu.memory_space<vmem>>
      %dma_wait3A_791 = tpu.memref_squeeze %dma_wait3A_790 : memref<1x128x128xf32, #tpu.memory_space<vmem>> -> memref<128x128xf32, #tpu.memory_space<vmem>>
      %dma_wait3A_792 = arith.constant 0 : i32
      %dma_wait3A_793 = arith.constant 0 : i32
      %dma_wait3A_794 = tpu.memref_slice %arg2[%dma_wait3A_792, %dma_wait3A_793] : memref<10000x128xf32, #tpu.memory_space<hbm>> -> memref<128x128xf32, #tpu.memory_space<hbm>>
      %dma_wait3A_795 = arith.constant 0 : i32
      %dma_wait3A_796 = arith.constant 0 : i32
      %dma_wait3A_797 = tpu.memref_slice %arg9[%dma_wait3A_787, %dma_wait3A_795, %dma_wait3A_796] : memref<2x128x128xf32, #tpu.memory_space<vmem>> -> memref<1x128x128xf32, #tpu.memory_space<vmem>>
      %dma_wait3A_798 = tpu.memref_squeeze %dma_wait3A_797 : memref<1x128x128xf32, #tpu.memory_space<vmem>> -> memref<128x128xf32, #tpu.memory_space<vmem>>
      %dma_wait3A_799 = arith.constant 0 : i32
      %dma_wait3A_800 = arith.constant 0 : i32
      %dma_wait3A_801 = tpu.memref_slice %arg2[%dma_wait3A_799, %dma_wait3A_800] : memref<10000x128xf32, #tpu.memory_space<hbm>> -> memref<128x128xf32, #tpu.memory_space<hbm>>
      tpu.wait_dma2 semaphore(%arg11 : memref<!tpu.dma_semaphore, #tpu.memory_space<semaphore_mem>>) src(%dma_wait3A_801 : memref<128x128xf32, #tpu.memory_space<hbm>>) dst(%dma_wait3A_798 : memref<128x128xf32, #tpu.memory_space<vmem>>)
      %dma_start3A_802 = arith.constant 1 : i32
      %dma_start3A_803 = arith.constant 7 : i32
      %dma_start3A_804 = arith.constant 1 : i32
      %dma_start3A_805 = arith.constant 0 : i32
      %dma_start3A_806 = arith.constant 0 : i32
      %dma_start3A_807 = tpu.memref_slice %arg9[%dma_start3A_804, %dma_start3A_805, %dma_start3A_806] : memref<2x128x128xf32, #tpu.memory_space<vmem>> -> memref<1x128x128xf32, #tpu.memory_space<vmem>>
      %dma_start3A_808 = tpu.memref_squeeze %dma_start3A_807 : memref<1x128x128xf32, #tpu.memory_space<vmem>> -> memref<128x128xf32, #tpu.memory_space<vmem>>
      %dma_start3A_809 = arith.constant 0 : i32
      %dma_start3A_810 = arith.constant 0 : i32
      %dma_start3A_811 = tpu.memref_slice %arg7[%dma_start3A_802, %dma_start3A_809, %dma_start3A_810] : memref<2x8x128xi32, #tpu.memory_space<vmem>> -> memref<1x8x128xi32, #tpu.memory_space<vmem>>
      %dma_start3A_812 = tpu.memref_squeeze %dma_start3A_811 : memref<1x8x128xi32, #tpu.memory_space<vmem>> -> memref<8x128xi32, #tpu.memory_space<vmem>>
      %dma_start3A_813 = arith.constant 0 : i32
      %dma_start3A_814 = tpu.memref_slice %dma_start3A_812[%dma_start3A_803, %dma_start3A_813] : memref<8x128xi32, #tpu.memory_space<vmem>> -> memref<1x128xi32, #tpu.memory_space<vmem>>
      %dma_start3A_815 = tpu.memref_squeeze %dma_start3A_814 : memref<1x128xi32, #tpu.memory_space<vmem>> -> memref<128xi32, #tpu.memory_space<vmem>>
      %dma_start3A_816 = arith.constant 0 : i32
      %dma_start3A_817 = arith.constant 0 : i32
      %dma_start3A_818 = tpu.memref_slice %arg2[%dma_start3A_816, %dma_start3A_817] : memref<10000x128xf32, #tpu.memory_space<hbm>> -> memref<10000x128xf32, #tpu.memory_space<hbm>>
      tpu.enqueue_indirect_dma source(%dma_start3A_818 : memref<10000x128xf32, #tpu.memory_space<hbm>>) target(%dma_start3A_808 : memref<128x128xf32, #tpu.memory_space<vmem>>) offsets(%dma_start3A_815 : memref<128xi32, #tpu.memory_space<vmem>>) semaphore(%arg12 : memref<!tpu.dma_semaphore, #tpu.memory_space<semaphore_mem>>)
      %run_scoped3A_819 = arith.constant 0 : i32
      %run_scoped3A_820 = arith.constant 1 : i32
      %run_scoped3A_821 = arith.constant 6 : i32
      "tpu.region"() ({
        %run_scoped3A_843 = tpu.sem_alloc : memref<!tpu.dma_semaphore, #tpu.memory_space<semaphore_mem>>
        %dma_start3A_844 = arith.constant 0 : i32
        %dma_start3A_845 = arith.constant 0 : i32
        %dma_start3A_846 = tpu.memref_slice %arg9[%run_scoped3A_819, %dma_start3A_844, %dma_start3A_845] : memref<2x128x128xf32, #tpu.memory_space<vmem>> -> memref<1x128x128xf32, #tpu.memory_space<vmem>>
        %dma_start3A_847 = tpu.memref_squeeze %dma_start3A_846 : memref<1x128x128xf32, #tpu.memory_space<vmem>> -> memref<128x128xf32, #tpu.memory_space<vmem>>
        %dma_start3A_848 = arith.constant 0 : i32
        %dma_start3A_849 = arith.constant 0 : i32
        %dma_start3A_850 = tpu.memref_slice %arg8[%run_scoped3A_820, %dma_start3A_848, %dma_start3A_849] : memref<2x8x128xi32, #tpu.memory_space<vmem>> -> memref<1x8x128xi32, #tpu.memory_space<vmem>>
        %dma_start3A_851 = tpu.memref_squeeze %dma_start3A_850 : memref<1x8x128xi32, #tpu.memory_space<vmem>> -> memref<8x128xi32, #tpu.memory_space<vmem>>
        %dma_start3A_852 = arith.constant 0 : i32
        %dma_start3A_853 = tpu.memref_slice %dma_start3A_851[%run_scoped3A_821, %dma_start3A_852] : memref<8x128xi32, #tpu.memory_space<vmem>> -> memref<1x128xi32, #tpu.memory_space<vmem>>
        %dma_start3A_854 = tpu.memref_squeeze %dma_start3A_853 : memref<1x128xi32, #tpu.memory_space<vmem>> -> memref<128xi32, #tpu.memory_space<vmem>>
        %dma_start3A_855 = arith.constant 0 : i32
        %dma_start3A_856 = arith.constant 0 : i32
        %dma_start3A_857 = tpu.memref_slice %arg10[%dma_start3A_855, %dma_start3A_856] : memref<10112x128xf32, #tpu.memory_space<vmem_shared>> -> memref<10112x128xf32, #tpu.memory_space<vmem_shared>>
        tpu.enqueue_indirect_dma source(%dma_start3A_847 : memref<128x128xf32, #tpu.memory_space<vmem>>) target(%dma_start3A_857 : memref<10112x128xf32, #tpu.memory_space<vmem_shared>>) offsets(%dma_start3A_854 : memref<128xi32, #tpu.memory_space<vmem>>) semaphore(%run_scoped3A_843 : memref<!tpu.dma_semaphore, #tpu.memory_space<semaphore_mem>>) {add = true}
        %dma_wait3A_858 = arith.constant 0 : i32
        %dma_wait3A_859 = arith.constant 0 : i32
        %dma_wait3A_860 = tpu.memref_slice %arg9[%run_scoped3A_819, %dma_wait3A_858, %dma_wait3A_859] : memref<2x128x128xf32, #tpu.memory_space<vmem>> -> memref<1x128x128xf32, #tpu.memory_space<vmem>>
        %dma_wait3A_861 = tpu.memref_squeeze %dma_wait3A_860 : memref<1x128x128xf32, #tpu.memory_space<vmem>> -> memref<128x128xf32, #tpu.memory_space<vmem>>
        %dma_wait3A_862 = arith.constant 0 : i32
        %dma_wait3A_863 = arith.constant 0 : i32
        %dma_wait3A_864 = tpu.memref_slice %arg8[%run_scoped3A_820, %dma_wait3A_862, %dma_wait3A_863] : memref<2x8x128xi32, #tpu.memory_space<vmem>> -> memref<1x8x128xi32, #tpu.memory_space<vmem>>
        %dma_wait3A_865 = tpu.memref_squeeze %dma_wait3A_864 : memref<1x8x128xi32, #tpu.memory_space<vmem>> -> memref<8x128xi32, #tpu.memory_space<vmem>>
        %dma_wait3A_866 = arith.constant 0 : i32
        %dma_wait3A_867 = tpu.memref_slice %dma_wait3A_865[%run_scoped3A_821, %dma_wait3A_866] : memref<8x128xi32, #tpu.memory_space<vmem>> -> memref<1x128xi32, #tpu.memory_space<vmem>>
        %dma_wait3A_868 = tpu.memref_squeeze %dma_wait3A_867 : memref<1x128xi32, #tpu.memory_space<vmem>> -> memref<128xi32, #tpu.memory_space<vmem>>
        %dma_wait3A_869 = arith.constant 0 : i32
        %dma_wait3A_870 = arith.constant 0 : i32
        %dma_wait3A_871 = tpu.memref_slice %arg10[%dma_wait3A_869, %dma_wait3A_870] : memref<10112x128xf32, #tpu.memory_space<vmem_shared>> -> memref<10112x128xf32, #tpu.memory_space<vmem_shared>>
        tpu.wait_indirect_dma semaphore(%run_scoped3A_843 : memref<!tpu.dma_semaphore, #tpu.memory_space<semaphore_mem>>) src(%dma_wait3A_861 : memref<128x128xf32, #tpu.memory_space<vmem>>) dst(%dma_wait3A_871 : memref<10112x128xf32, #tpu.memory_space<vmem_shared>>)
        tpu.yield
      }) : () -> ()
      %dma_wait3A_822 = arith.constant 1 : i32
      %dma_wait3A_823 = arith.constant 0 : i32
      %dma_wait3A_824 = arith.constant 0 : i32
      %dma_wait3A_825 = tpu.memref_slice %arg9[%dma_wait3A_822, %dma_wait3A_823, %dma_wait3A_824] : memref<2x128x128xf32, #tpu.memory_space<vmem>> -> memref<1x128x128xf32, #tpu.memory_space<vmem>>
      %dma_wait3A_826 = tpu.memref_squeeze %dma_wait3A_825 : memref<1x128x128xf32, #tpu.memory_space<vmem>> -> memref<128x128xf32, #tpu.memory_space<vmem>>
      %dma_wait3A_827 = arith.constant 0 : i32
      %dma_wait3A_828 = arith.constant 0 : i32
      %dma_wait3A_829 = tpu.memref_slice %arg2[%dma_wait3A_827, %dma_wait3A_828] : memref<10000x128xf32, #tpu.memory_space<hbm>> -> memref<128x128xf32, #tpu.memory_space<hbm>>
      %dma_wait3A_830 = arith.constant 0 : i32
      %dma_wait3A_831 = arith.constant 0 : i32
      %dma_wait3A_832 = tpu.memref_slice %arg9[%dma_wait3A_822, %dma_wait3A_830, %dma_wait3A_831] : memref<2x128x128xf32, #tpu.memory_space<vmem>> -> memref<1x128x128xf32, #tpu.memory_space<vmem>>
      %dma_wait3A_833 = tpu.memref_squeeze %dma_wait3A_832 : memref<1x128x128xf32, #tpu.memory_space<vmem>> -> memref<128x128xf32, #tpu.memory_space<vmem>>
      %dma_wait3A_834 = arith.constant 0 : i32
      %dma_wait3A_835 = arith.constant 0 : i32
      %dma_wait3A_836 = tpu.memref_slice %arg2[%dma_wait3A_834, %dma_wait3A_835] : memref<10000x128xf32, #tpu.memory_space<hbm>> -> memref<128x128xf32, #tpu.memory_space<hbm>>
      tpu.wait_dma2 semaphore(%arg12 : memref<!tpu.dma_semaphore, #tpu.memory_space<semaphore_mem>>) src(%dma_wait3A_836 : memref<128x128xf32, #tpu.memory_space<hbm>>) dst(%dma_wait3A_833 : memref<128x128xf32, #tpu.memory_space<vmem>>)
      %convert_element_type3A_837 = arith.extui %lt3A_542 : i1 to i32
      %cond3A_838 = arith.constant 0 : i32
      %cond3A_839 = arith.cmpi ne, %convert_element_type3A_837, %cond3A_838 : i32
      scf.if %cond3A_839 {
        %dma_wait3A_843 = arith.constant 0 : i32
        %dma_wait3A_844 = arith.constant 0 : i32
        %dma_wait3A_845 = arith.constant 0 : i32
        %dma_wait3A_846 = tpu.memref_slice %arg7[%dma_wait3A_843, %dma_wait3A_844, %dma_wait3A_845] : memref<2x8x128xi32, #tpu.memory_space<vmem>> -> memref<1x8x128xi32, #tpu.memory_space<vmem>>
        %dma_wait3A_847 = tpu.memref_squeeze %dma_wait3A_846 : memref<1x8x128xi32, #tpu.memory_space<vmem>> -> memref<8x128xi32, #tpu.memory_space<vmem>>
        %dma_wait3A_848 = arith.constant 0 : i32
        %dma_wait3A_849 = arith.constant 0 : i32
        %dma_wait3A_850 = arith.constant 0 : i32
        %dma_wait3A_851 = tpu.memref_slice %arg3[%arg0, %dma_wait3A_848, %dma_wait3A_849, %dma_wait3A_850] : memref<2x16x80x128xi32, #tpu.memory_space<hbm>> -> memref<1x16x80x128xi32, #tpu.memory_space<hbm>>
        %dma_wait3A_852 = tpu.memref_squeeze %dma_wait3A_851 : memref<1x16x80x128xi32, #tpu.memory_space<hbm>> -> memref<16x80x128xi32, #tpu.memory_space<hbm>>
        %dma_wait3A_853 = arith.constant 0 : i32
        %dma_wait3A_854 = arith.constant 0 : i32
        %dma_wait3A_855 = tpu.memref_slice %dma_wait3A_852[%arg1, %dma_wait3A_853, %dma_wait3A_854] : memref<16x80x128xi32, #tpu.memory_space<hbm>> -> memref<1x80x128xi32, #tpu.memory_space<hbm>>
        %dma_wait3A_856 = tpu.memref_squeeze %dma_wait3A_855 : memref<1x80x128xi32, #tpu.memory_space<hbm>> -> memref<80x128xi32, #tpu.memory_space<hbm>>
        %dma_wait3A_857 = arith.constant 0 : i32
        %dma_wait3A_858 = arith.constant 0 : i32
        %dma_wait3A_859 = tpu.memref_slice %dma_wait3A_856[%dma_wait3A_857, %dma_wait3A_858] : memref<80x128xi32, #tpu.memory_space<hbm>> -> memref<8x128xi32, #tpu.memory_space<hbm>>
        %dma_wait3A_860 = arith.constant 0 : i32
        %dma_wait3A_861 = arith.constant 0 : i32
        %dma_wait3A_862 = tpu.memref_slice %arg7[%dma_wait3A_843, %dma_wait3A_860, %dma_wait3A_861] : memref<2x8x128xi32, #tpu.memory_space<vmem>> -> memref<1x8x128xi32, #tpu.memory_space<vmem>>
        %dma_wait3A_863 = tpu.memref_squeeze %dma_wait3A_862 : memref<1x8x128xi32, #tpu.memory_space<vmem>> -> memref<8x128xi32, #tpu.memory_space<vmem>>
        %dma_wait3A_864 = arith.constant 0 : i32
        %dma_wait3A_865 = arith.constant 0 : i32
        %dma_wait3A_866 = arith.constant 0 : i32
        %dma_wait3A_867 = tpu.memref_slice %arg3[%arg0, %dma_wait3A_864, %dma_wait3A_865, %dma_wait3A_866] : memref<2x16x80x128xi32, #tpu.memory_space<hbm>> -> memref<1x16x80x128xi32, #tpu.memory_space<hbm>>
        %dma_wait3A_868 = tpu.memref_squeeze %dma_wait3A_867 : memref<1x16x80x128xi32, #tpu.memory_space<hbm>> -> memref<16x80x128xi32, #tpu.memory_space<hbm>>
        %dma_wait3A_869 = arith.constant 0 : i32
        %dma_wait3A_870 = arith.constant 0 : i32
        %dma_wait3A_871 = tpu.memref_slice %dma_wait3A_868[%arg1, %dma_wait3A_869, %dma_wait3A_870] : memref<16x80x128xi32, #tpu.memory_space<hbm>> -> memref<1x80x128xi32, #tpu.memory_space<hbm>>
        %dma_wait3A_872 = tpu.memref_squeeze %dma_wait3A_871 : memref<1x80x128xi32, #tpu.memory_space<hbm>> -> memref<80x128xi32, #tpu.memory_space<hbm>>
        %dma_wait3A_873 = arith.constant 0 : i32
        %dma_wait3A_874 = arith.constant 0 : i32
        %dma_wait3A_875 = tpu.memref_slice %dma_wait3A_872[%dma_wait3A_873, %dma_wait3A_874] : memref<80x128xi32, #tpu.memory_space<hbm>> -> memref<8x128xi32, #tpu.memory_space<hbm>>
        tpu.wait_dma2 semaphore(%arg15 : memref<!tpu.dma_semaphore, #tpu.memory_space<semaphore_mem>>) src(%dma_wait3A_875 : memref<8x128xi32, #tpu.memory_space<hbm>>) dst(%dma_wait3A_863 : memref<8x128xi32, #tpu.memory_space<vmem>>)
        %dma_start3A_876 = arith.constant 0 : i32
        %dma_start3A_877 = arith.constant 0 : i32
        %dma_start3A_878 = arith.constant 0 : i32
        %dma_start3A_879 = arith.constant 0 : i32
        %dma_start3A_880 = arith.constant 0 : i32
        %dma_start3A_881 = tpu.memref_slice %arg9[%dma_start3A_878, %dma_start3A_879, %dma_start3A_880] : memref<2x128x128xf32, #tpu.memory_space<vmem>> -> memref<1x128x128xf32, #tpu.memory_space<vmem>>
        %dma_start3A_882 = tpu.memref_squeeze %dma_start3A_881 : memref<1x128x128xf32, #tpu.memory_space<vmem>> -> memref<128x128xf32, #tpu.memory_space<vmem>>
        %dma_start3A_883 = arith.constant 0 : i32
        %dma_start3A_884 = arith.constant 0 : i32
        %dma_start3A_885 = tpu.memref_slice %arg7[%dma_start3A_876, %dma_start3A_883, %dma_start3A_884] : memref<2x8x128xi32, #tpu.memory_space<vmem>> -> memref<1x8x128xi32, #tpu.memory_space<vmem>>
        %dma_start3A_886 = tpu.memref_squeeze %dma_start3A_885 : memref<1x8x128xi32, #tpu.memory_space<vmem>> -> memref<8x128xi32, #tpu.memory_space<vmem>>
        %dma_start3A_887 = arith.constant 0 : i32
        %dma_start3A_888 = tpu.memref_slice %dma_start3A_886[%dma_start3A_877, %dma_start3A_887] : memref<8x128xi32, #tpu.memory_space<vmem>> -> memref<1x128xi32, #tpu.memory_space<vmem>>
        %dma_start3A_889 = tpu.memref_squeeze %dma_start3A_888 : memref<1x128xi32, #tpu.memory_space<vmem>> -> memref<128xi32, #tpu.memory_space<vmem>>
        %dma_start3A_890 = arith.constant 0 : i32
        %dma_start3A_891 = arith.constant 0 : i32
        %dma_start3A_892 = tpu.memref_slice %arg2[%dma_start3A_890, %dma_start3A_891] : memref<10000x128xf32, #tpu.memory_space<hbm>> -> memref<10000x128xf32, #tpu.memory_space<hbm>>
        tpu.enqueue_indirect_dma source(%dma_start3A_892 : memref<10000x128xf32, #tpu.memory_space<hbm>>) target(%dma_start3A_882 : memref<128x128xf32, #tpu.memory_space<vmem>>) offsets(%dma_start3A_889 : memref<128xi32, #tpu.memory_space<vmem>>) semaphore(%arg11 : memref<!tpu.dma_semaphore, #tpu.memory_space<semaphore_mem>>)
      } else {
      }
      %run_scoped3A_840 = arith.constant 1 : i32
      %run_scoped3A_841 = arith.constant 1 : i32
      %run_scoped3A_842 = arith.constant 7 : i32
      "tpu.region"() ({
        %run_scoped3A_843 = tpu.sem_alloc : memref<!tpu.dma_semaphore, #tpu.memory_space<semaphore_mem>>
        %dma_start3A_844 = arith.constant 0 : i32
        %dma_start3A_845 = arith.constant 0 : i32
        %dma_start3A_846 = tpu.memref_slice %arg9[%run_scoped3A_840, %dma_start3A_844, %dma_start3A_845] : memref<2x128x128xf32, #tpu.memory_space<vmem>> -> memref<1x128x128xf32, #tpu.memory_space<vmem>>
        %dma_start3A_847 = tpu.memref_squeeze %dma_start3A_846 : memref<1x128x128xf32, #tpu.memory_space<vmem>> -> memref<128x128xf32, #tpu.memory_space<vmem>>
        %dma_start3A_848 = arith.constant 0 : i32
        %dma_start3A_849 = arith.constant 0 : i32
        %dma_start3A_850 = tpu.memref_slice %arg8[%run_scoped3A_841, %dma_start3A_848, %dma_start3A_849] : memref<2x8x128xi32, #tpu.memory_space<vmem>> -> memref<1x8x128xi32, #tpu.memory_space<vmem>>
        %dma_start3A_851 = tpu.memref_squeeze %dma_start3A_850 : memref<1x8x128xi32, #tpu.memory_space<vmem>> -> memref<8x128xi32, #tpu.memory_space<vmem>>
        %dma_start3A_852 = arith.constant 0 : i32
        %dma_start3A_853 = tpu.memref_slice %dma_start3A_851[%run_scoped3A_842, %dma_start3A_852] : memref<8x128xi32, #tpu.memory_space<vmem>> -> memref<1x128xi32, #tpu.memory_space<vmem>>
        %dma_start3A_854 = tpu.memref_squeeze %dma_start3A_853 : memref<1x128xi32, #tpu.memory_space<vmem>> -> memref<128xi32, #tpu.memory_space<vmem>>
        %dma_start3A_855 = arith.constant 0 : i32
        %dma_start3A_856 = arith.constant 0 : i32
        %dma_start3A_857 = tpu.memref_slice %arg10[%dma_start3A_855, %dma_start3A_856] : memref<10112x128xf32, #tpu.memory_space<vmem_shared>> -> memref<10112x128xf32, #tpu.memory_space<vmem_shared>>
        tpu.enqueue_indirect_dma source(%dma_start3A_847 : memref<128x128xf32, #tpu.memory_space<vmem>>) target(%dma_start3A_857 : memref<10112x128xf32, #tpu.memory_space<vmem_shared>>) offsets(%dma_start3A_854 : memref<128xi32, #tpu.memory_space<vmem>>) semaphore(%run_scoped3A_843 : memref<!tpu.dma_semaphore, #tpu.memory_space<semaphore_mem>>) {add = true}
        %dma_wait3A_858 = arith.constant 0 : i32
        %dma_wait3A_859 = arith.constant 0 : i32
        %dma_wait3A_860 = tpu.memref_slice %arg9[%run_scoped3A_840, %dma_wait3A_858, %dma_wait3A_859] : memref<2x128x128xf32, #tpu.memory_space<vmem>> -> memref<1x128x128xf32, #tpu.memory_space<vmem>>
        %dma_wait3A_861 = tpu.memref_squeeze %dma_wait3A_860 : memref<1x128x128xf32, #tpu.memory_space<vmem>> -> memref<128x128xf32, #tpu.memory_space<vmem>>
        %dma_wait3A_862 = arith.constant 0 : i32
        %dma_wait3A_863 = arith.constant 0 : i32
        %dma_wait3A_864 = tpu.memref_slice %arg8[%run_scoped3A_841, %dma_wait3A_862, %dma_wait3A_863] : memref<2x8x128xi32, #tpu.memory_space<vmem>> -> memref<1x8x128xi32, #tpu.memory_space<vmem>>
        %dma_wait3A_865 = tpu.memref_squeeze %dma_wait3A_864 : memref<1x8x128xi32, #tpu.memory_space<vmem>> -> memref<8x128xi32, #tpu.memory_space<vmem>>
        %dma_wait3A_866 = arith.constant 0 : i32
        %dma_wait3A_867 = tpu.memref_slice %dma_wait3A_865[%run_scoped3A_842, %dma_wait3A_866] : memref<8x128xi32, #tpu.memory_space<vmem>> -> memref<1x128xi32, #tpu.memory_space<vmem>>
        %dma_wait3A_868 = tpu.memref_squeeze %dma_wait3A_867 : memref<1x128xi32, #tpu.memory_space<vmem>> -> memref<128xi32, #tpu.memory_space<vmem>>
        %dma_wait3A_869 = arith.constant 0 : i32
        %dma_wait3A_870 = arith.constant 0 : i32
        %dma_wait3A_871 = tpu.memref_slice %arg10[%dma_wait3A_869, %dma_wait3A_870] : memref<10112x128xf32, #tpu.memory_space<vmem_shared>> -> memref<10112x128xf32, #tpu.memory_space<vmem_shared>>
        tpu.wait_indirect_dma semaphore(%run_scoped3A_843 : memref<!tpu.dma_semaphore, #tpu.memory_space<semaphore_mem>>) src(%dma_wait3A_861 : memref<128x128xf32, #tpu.memory_space<vmem>>) dst(%dma_wait3A_871 : memref<10112x128xf32, #tpu.memory_space<vmem_shared>>)
        tpu.yield
      }) : () -> ()
    }
    %scan3A_119 = arith.constant 5 : i32
    %barrier3A_120 = arith.constant 0 : index
    tpu.barrier barrier_id(%barrier3A_120)
    %mul3A_121 = arith.constant 632 : i32
    %mul3A_122 = arith.muli %arg1, %mul3A_121 : i32
    %mul3A_123 = arith.constant 632 : i32
    %mul3A_124 = arith.muli %arg1, %mul3A_123 : i32
    "tpu.region"() ({
      %run_scoped3A = tpu.sem_alloc : memref<!tpu.dma_semaphore, #tpu.memory_space<semaphore_mem>>
      %dma_start3A_125 = arith.constant 0 : i32
      %dma_start3A_126 = tpu.memref_slice %arg6[%arg0, %mul3A_124, %dma_start3A_125] : memref<2x10112x128xf32, #tpu.memory_space<hbm>> -> memref<1x632x128xf32, #tpu.memory_space<hbm>>
      %dma_start3A_127 = tpu.memref_squeeze %dma_start3A_126 : memref<1x632x128xf32, #tpu.memory_space<hbm>> -> memref<632x128xf32, #tpu.memory_space<hbm>>
      %dma_start3A_128 = arith.constant 0 : i32
      %dma_start3A_129 = tpu.memref_slice %arg10[%mul3A_122, %dma_start3A_128] : memref<10112x128xf32, #tpu.memory_space<vmem_shared>> -> memref<632x128xf32, #tpu.memory_space<vmem_shared>>
      tpu.enqueue_dma source(%dma_start3A_129 : memref<632x128xf32, #tpu.memory_space<vmem_shared>>) target(%dma_start3A_127 : memref<632x128xf32, #tpu.memory_space<hbm>>) target_semaphore(%run_scoped3A : memref<!tpu.dma_semaphore, #tpu.memory_space<semaphore_mem>>)
      %dma_wait3A_130 = arith.constant 0 : i32
      %dma_wait3A_131 = tpu.memref_slice %arg6[%arg0, %mul3A_124, %dma_wait3A_130] : memref<2x10112x128xf32, #tpu.memory_space<hbm>> -> memref<1x632x128xf32, #tpu.memory_space<hbm>>
      %dma_wait3A_132 = tpu.memref_squeeze %dma_wait3A_131 : memref<1x632x128xf32, #tpu.memory_space<hbm>> -> memref<632x128xf32, #tpu.memory_space<hbm>>
      %dma_wait3A_133 = arith.constant 0 : i32
      %dma_wait3A_134 = tpu.memref_slice %arg10[%mul3A_122, %dma_wait3A_133] : memref<10112x128xf32, #tpu.memory_space<vmem_shared>> -> memref<632x128xf32, #tpu.memory_space<vmem_shared>>
      tpu.wait_dma2 semaphore(%run_scoped3A : memref<!tpu.dma_semaphore, #tpu.memory_space<semaphore_mem>>) src(%dma_wait3A_134 : memref<632x128xf32, #tpu.memory_space<vmem_shared>>) dst(%dma_wait3A_132 : memref<632x128xf32, #tpu.memory_space<hbm>>)
      tpu.yield
    }) : () -> ()
    return
  }
}

#map = affine_map<(d0, d1) -> (0, 0)>
#map1 = affine_map<(d0, d1) -> (0, 0, 0, 0)>
#map2 = affine_map<(d0, d1) -> (0, 0, 0)>
module attributes {stable_mosaic.version = 14 : i64} {
  func.func @body(%arg0: i32, %arg1: i32, %arg2: memref<10000x128xf32, #tpu.memory_space<hbm>>, %arg3: memref<2x16x80x128xi32, #tpu.memory_space<hbm>>, %arg4: memref<2x16x80x128xi32, #tpu.memory_space<hbm>>, %arg5: memref<632x128xf32, #tpu.memory_space<hbm>>, %arg6: memref<2x10112x128xf32, #tpu.memory_space<hbm>>, %arg7: memref<2x8x128xi32, #tpu.memory_space<vmem>>, %arg8: memref<2x8x128xi32, #tpu.memory_space<vmem>>, %arg9: memref<2x128x128xf32, #tpu.memory_space<vmem>>, %arg10: memref<10112x128xf32, #tpu.memory_space<vmem_shared>>, %arg11: memref<!tpu.dma_semaphore, #tpu.memory_space<semaphore_mem>>, %arg12: memref<!tpu.dma_semaphore, #tpu.memory_space<semaphore_mem>>, %arg13: memref<!tpu.dma_semaphore, #tpu.memory_space<semaphore_mem>>, %arg14: memref<!tpu.dma_semaphore, #tpu.memory_space<semaphore_mem>>, %arg15: memref<!tpu.dma_semaphore, #tpu.memory_space<semaphore_mem>>, %arg16: memref<!tpu.dma_semaphore, #tpu.memory_space<semaphore_mem>>, %arg17: memref<!tpu.dma_semaphore, #tpu.memory_space<semaphore_mem>>, %arg18: memref<!tpu.dma_semaphore, #tpu.memory_space<semaphore_mem>>) attributes {dimension_semantics = [#tpu.dimension_semantics<core_parallel>, #tpu.dimension_semantics<subcore_parallel>], iteration_bounds = array<i64: 2, 16>, scalar_prefetch = 0 : i64, scratch_operands = 12 : i64, tpu.core_type = #tpu.core_type<sc_vector_subcore>, window_params = [{transform_indices = #map}, {transform_indices = #map1}, {transform_indices = #map1}, {transform_indices = #map}, {transform_indices = #map2}]} {
    %mul3A = arith.constant 632 : i32
    %mul3A_0 = arith.muli %arg1, %mul3A : i32
    "tpu.region"() ({
      %run_scoped3A = tpu.sem_alloc : memref<!tpu.dma_semaphore, #tpu.memory_space<semaphore_mem>>
      %dma_start3A_125 = arith.constant 0 : i32
      %dma_start3A_126 = tpu.memref_slice %arg10[%mul3A_0, %dma_start3A_125] : memref<10112x128xf32, #tpu.memory_space<vmem_shared>> -> memref<632x128xf32, #tpu.memory_space<vmem_shared>>
      tpu.enqueue_dma source(%arg5 : memref<632x128xf32, #tpu.memory_space<hbm>>) target(%dma_start3A_126 : memref<632x128xf32, #tpu.memory_space<vmem_shared>>) target_semaphore(%run_scoped3A : memref<!tpu.dma_semaphore, #tpu.memory_space<semaphore_mem>>)
      %dma_wait3A_127 = arith.constant 0 : i32
      %dma_wait3A_128 = tpu.memref_slice %arg10[%mul3A_0, %dma_wait3A_127] : memref<10112x128xf32, #tpu.memory_space<vmem_shared>> -> memref<632x128xf32, #tpu.memory_space<vmem_shared>>
      tpu.wait_dma2 semaphore(%run_scoped3A : memref<!tpu.dma_semaphore, #tpu.memory_space<semaphore_mem>>) src(%arg5 : memref<632x128xf32, #tpu.memory_space<hbm>>) dst(%dma_wait3A_128 : memref<632x128xf32, #tpu.memory_space<vmem_shared>>)
      tpu.yield
    }) : () -> ()
    %barrier3A = arith.constant 0 : index
    tpu.barrier barrier_id(%barrier3A)
    %dma_start3A = arith.constant 0 : i32
    %dma_start3A_1 = arith.constant 0 : i32
    %dma_start3A_2 = arith.constant 0 : i32
    %dma_start3A_3 = tpu.memref_slice %arg7[%dma_start3A, %dma_start3A_1, %dma_start3A_2] : memref<2x8x128xi32, #tpu.memory_space<vmem>> -> memref<1x8x128xi32, #tpu.memory_space<vmem>>
    %dma_start3A_4 = tpu.memref_squeeze %dma_start3A_3 : memref<1x8x128xi32, #tpu.memory_space<vmem>> -> memref<8x128xi32, #tpu.memory_space<vmem>>
    %dma_start3A_5 = arith.constant 0 : i32
    %dma_start3A_6 = arith.constant 0 : i32
    %dma_start3A_7 = arith.constant 0 : i32
    %dma_start3A_8 = tpu.memref_slice %arg3[%arg0, %dma_start3A_5, %dma_start3A_6, %dma_start3A_7] : memref<2x16x80x128xi32, #tpu.memory_space<hbm>> -> memref<1x16x80x128xi32, #tpu.memory_space<hbm>>
    %dma_start3A_9 = tpu.memref_squeeze %dma_start3A_8 : memref<1x16x80x128xi32, #tpu.memory_space<hbm>> -> memref<16x80x128xi32, #tpu.memory_space<hbm>>
    %dma_start3A_10 = arith.constant 0 : i32
    %dma_start3A_11 = arith.constant 0 : i32
    %dma_start3A_12 = tpu.memref_slice %dma_start3A_9[%arg1, %dma_start3A_10, %dma_start3A_11] : memref<16x80x128xi32, #tpu.memory_space<hbm>> -> memref<1x80x128xi32, #tpu.memory_space<hbm>>
    %dma_start3A_13 = tpu.memref_squeeze %dma_start3A_12 : memref<1x80x128xi32, #tpu.memory_space<hbm>> -> memref<80x128xi32, #tpu.memory_space<hbm>>
    %dma_start3A_14 = arith.constant 0 : i32
    %dma_start3A_15 = arith.constant 0 : i32
    %dma_start3A_16 = tpu.memref_slice %dma_start3A_13[%dma_start3A_14, %dma_start3A_15] : memref<80x128xi32, #tpu.memory_space<hbm>> -> memref<8x128xi32, #tpu.memory_space<hbm>>
    %dma_start3A_17 = arith.constant 0 : i32
    %dma_start3A_18 = arith.constant 0 : i32
    %dma_start3A_19 = tpu.memref_slice %arg7[%dma_start3A, %dma_start3A_17, %dma_start3A_18] : memref<2x8x128xi32, #tpu.memory_space<vmem>> -> memref<1x8x128xi32, #tpu.memory_space<vmem>>
    %dma_start3A_20 = tpu.memref_squeeze %dma_start3A_19 : memref<1x8x128xi32, #tpu.memory_space<vmem>> -> memref<8x128xi32, #tpu.memory_space<vmem>>
    %dma_start3A_21 = arith.constant 0 : i32
    %dma_start3A_22 = arith.constant 0 : i32
    %dma_start3A_23 = arith.constant 0 : i32
    %dma_start3A_24 = tpu.memref_slice %arg3[%arg0, %dma_start3A_21, %dma_start3A_22, %dma_start3A_23] : memref<2x16x80x128xi32, #tpu.memory_space<hbm>> -> memref<1x16x80x128xi32, #tpu.memory_space<hbm>>
    %dma_start3A_25 = tpu.memref_squeeze %dma_start3A_24 : memref<1x16x80x128xi32, #tpu.memory_space<hbm>> -> memref<16x80x128xi32, #tpu.memory_space<hbm>>
    %dma_start3A_26 = arith.constant 0 : i32
    %dma_start3A_27 = arith.constant 0 : i32
    %dma_start3A_28 = tpu.memref_slice %dma_start3A_25[%arg1, %dma_start3A_26, %dma_start3A_27] : memref<16x80x128xi32, #tpu.memory_space<hbm>> -> memref<1x80x128xi32, #tpu.memory_space<hbm>>
    %dma_start3A_29 = tpu.memref_squeeze %dma_start3A_28 : memref<1x80x128xi32, #tpu.memory_space<hbm>> -> memref<80x128xi32, #tpu.memory_space<hbm>>
    %dma_start3A_30 = arith.constant 0 : i32
    %dma_start3A_31 = arith.constant 0 : i32
    %dma_start3A_32 = tpu.memref_slice %dma_start3A_29[%dma_start3A_30, %dma_start3A_31] : memref<80x128xi32, #tpu.memory_space<hbm>> -> memref<8x128xi32, #tpu.memory_space<hbm>>
    tpu.enqueue_dma source(%dma_start3A_32 : memref<8x128xi32, #tpu.memory_space<hbm>>) target(%dma_start3A_20 : memref<8x128xi32, #tpu.memory_space<vmem>>) target_semaphore(%arg15 : memref<!tpu.dma_semaphore, #tpu.memory_space<semaphore_mem>>)
    %dma_start3A_33 = arith.constant 0 : i32
    %dma_start3A_34 = arith.constant 0 : i32
    %dma_start3A_35 = arith.constant 0 : i32
    %dma_start3A_36 = tpu.memref_slice %arg8[%dma_start3A_33, %dma_start3A_34, %dma_start3A_35] : memref<2x8x128xi32, #tpu.memory_space<vmem>> -> memref<1x8x128xi32, #tpu.memory_space<vmem>>
    %dma_start3A_37 = tpu.memref_squeeze %dma_start3A_36 : memref<1x8x128xi32, #tpu.memory_space<vmem>> -> memref<8x128xi32, #tpu.memory_space<vmem>>
    %dma_start3A_38 = arith.constant 0 : i32
    %dma_start3A_39 = arith.constant 0 : i32
    %dma_start3A_40 = arith.constant 0 : i32
    %dma_start3A_41 = tpu.memref_slice %arg4[%arg0, %dma_start3A_38, %dma_start3A_39, %dma_start3A_40] : memref<2x16x80x128xi32, #tpu.memory_space<hbm>> -> memref<1x16x80x128xi32, #tpu.memory_space<hbm>>
    %dma_start3A_42 = tpu.memref_squeeze %dma_start3A_41 : memref<1x16x80x128xi32, #tpu.memory_space<hbm>> -> memref<16x80x128xi32, #tpu.memory_space<hbm>>
    %dma_start3A_43 = arith.constant 0 : i32
    %dma_start3A_44 = arith.constant 0 : i32
    %dma_start3A_45 = tpu.memref_slice %dma_start3A_42[%arg1, %dma_start3A_43, %dma_start3A_44] : memref<16x80x128xi32, #tpu.memory_space<hbm>> -> memref<1x80x128xi32, #tpu.memory_space<hbm>>
    %dma_start3A_46 = tpu.memref_squeeze %dma_start3A_45 : memref<1x80x128xi32, #tpu.memory_space<hbm>> -> memref<80x128xi32, #tpu.memory_space<hbm>>
    %dma_start3A_47 = arith.constant 0 : i32
    %dma_start3A_48 = arith.constant 0 : i32
    %dma_start3A_49 = tpu.memref_slice %dma_start3A_46[%dma_start3A_47, %dma_start3A_48] : memref<80x128xi32, #tpu.memory_space<hbm>> -> memref<8x128xi32, #tpu.memory_space<hbm>>
    %dma_start3A_50 = arith.constant 0 : i32
    %dma_start3A_51 = arith.constant 0 : i32
    %dma_start3A_52 = tpu.memref_slice %arg8[%dma_start3A_33, %dma_start3A_50, %dma_start3A_51] : memref<2x8x128xi32, #tpu.memory_space<vmem>> -> memref<1x8x128xi32, #tpu.memory_space<vmem>>
    %dma_start3A_53 = tpu.memref_squeeze %dma_start3A_52 : memref<1x8x128xi32, #tpu.memory_space<vmem>> -> memref<8x128xi32, #tpu.memory_space<vmem>>
    %dma_start3A_54 = arith.constant 0 : i32
    %dma_start3A_55 = arith.constant 0 : i32
    %dma_start3A_56 = arith.constant 0 : i32
    %dma_start3A_57 = tpu.memref_slice %arg4[%arg0, %dma_start3A_54, %dma_start3A_55, %dma_start3A_56] : memref<2x16x80x128xi32, #tpu.memory_space<hbm>> -> memref<1x16x80x128xi32, #tpu.memory_space<hbm>>
    %dma_start3A_58 = tpu.memref_squeeze %dma_start3A_57 : memref<1x16x80x128xi32, #tpu.memory_space<hbm>> -> memref<16x80x128xi32, #tpu.memory_space<hbm>>
    %dma_start3A_59 = arith.constant 0 : i32
    %dma_start3A_60 = arith.constant 0 : i32
    %dma_start3A_61 = tpu.memref_slice %dma_start3A_58[%arg1, %dma_start3A_59, %dma_start3A_60] : memref<16x80x128xi32, #tpu.memory_space<hbm>> -> memref<1x80x128xi32, #tpu.memory_space<hbm>>
    %dma_start3A_62 = tpu.memref_squeeze %dma_start3A_61 : memref<1x80x128xi32, #tpu.memory_space<hbm>> -> memref<80x128xi32, #tpu.memory_space<hbm>>
    %dma_start3A_63 = arith.constant 0 : i32
    %dma_start3A_64 = arith.constant 0 : i32
    %dma_start3A_65 = tpu.memref_slice %dma_start3A_62[%dma_start3A_63, %dma_start3A_64] : memref<80x128xi32, #tpu.memory_space<hbm>> -> memref<8x128xi32, #tpu.memory_space<hbm>>
    tpu.enqueue_dma source(%dma_start3A_65 : memref<8x128xi32, #tpu.memory_space<hbm>>) target(%dma_start3A_53 : memref<8x128xi32, #tpu.memory_space<vmem>>) target_semaphore(%arg17 : memref<!tpu.dma_semaphore, #tpu.memory_space<semaphore_mem>>)
    %dma_wait3A = arith.constant 0 : i32
    %dma_wait3A_66 = arith.constant 0 : i32
    %dma_wait3A_67 = arith.constant 0 : i32
    %dma_wait3A_68 = tpu.memref_slice %arg7[%dma_wait3A, %dma_wait3A_66, %dma_wait3A_67] : memref<2x8x128xi32, #tpu.memory_space<vmem>> -> memref<1x8x128xi32, #tpu.memory_space<vmem>>
    %dma_wait3A_69 = tpu.memref_squeeze %dma_wait3A_68 : memref<1x8x128xi32, #tpu.memory_space<vmem>> -> memref<8x128xi32, #tpu.memory_space<vmem>>
    %dma_wait3A_70 = arith.constant 0 : i32
    %dma_wait3A_71 = arith.constant 0 : i32
    %dma_wait3A_72 = arith.constant 0 : i32
    %dma_wait3A_73 = tpu.memref_slice %arg3[%arg0, %dma_wait3A_70, %dma_wait3A_71, %dma_wait3A_72] : memref<2x16x80x128xi32, #tpu.memory_space<hbm>> -> memref<1x16x80x128xi32, #tpu.memory_space<hbm>>
    %dma_wait3A_74 = tpu.memref_squeeze %dma_wait3A_73 : memref<1x16x80x128xi32, #tpu.memory_space<hbm>> -> memref<16x80x128xi32, #tpu.memory_space<hbm>>
    %dma_wait3A_75 = arith.constant 0 : i32
    %dma_wait3A_76 = arith.constant 0 : i32
    %dma_wait3A_77 = tpu.memref_slice %dma_wait3A_74[%arg1, %dma_wait3A_75, %dma_wait3A_76] : memref<16x80x128xi32, #tpu.memory_space<hbm>> -> memref<1x80x128xi32, #tpu.memory_space<hbm>>
    %dma_wait3A_78 = tpu.memref_squeeze %dma_wait3A_77 : memref<1x80x128xi32, #tpu.memory_space<hbm>> -> memref<80x128xi32, #tpu.memory_space<hbm>>
    %dma_wait3A_79 = arith.constant 0 : i32
    %dma_wait3A_80 = arith.constant 0 : i32
    %dma_wait3A_81 = tpu.memref_slice %dma_wait3A_78[%dma_wait3A_79, %dma_wait3A_80] : memref<80x128xi32, #tpu.memory_space<hbm>> -> memref<8x128xi32, #tpu.memory_space<hbm>>
    %dma_wait3A_82 = arith.constant 0 : i32
    %dma_wait3A_83 = arith.constant 0 : i32
    %dma_wait3A_84 = tpu.memref_slice %arg7[%dma_wait3A, %dma_wait3A_82, %dma_wait3A_83] : memref<2x8x128xi32, #tpu.memory_space<vmem>> -> memref<1x8x128xi32, #tpu.memory_space<vmem>>
    %dma_wait3A_85 = tpu.memref_squeeze %dma_wait3A_84 : memref<1x8x128xi32, #tpu.memory_space<vmem>> -> memref<8x128xi32, #tpu.memory_space<vmem>>
    %dma_wait3A_86 = arith.constant 0 : i32
    %dma_wait3A_87 = arith.constant 0 : i32
    %dma_wait3A_88 = arith.constant 0 : i32
    %dma_wait3A_89 = tpu.memref_slice %arg3[%arg0, %dma_wait3A_86, %dma_wait3A_87, %dma_wait3A_88] : memref<2x16x80x128xi32, #tpu.memory_space<hbm>> -> memref<1x16x80x128xi32, #tpu.memory_space<hbm>>
    %dma_wait3A_90 = tpu.memref_squeeze %dma_wait3A_89 : memref<1x16x80x128xi32, #tpu.memory_space<hbm>> -> memref<16x80x128xi32, #tpu.memory_space<hbm>>
    %dma_wait3A_91 = arith.constant 0 : i32
    %dma_wait3A_92 = arith.constant 0 : i32
    %dma_wait3A_93 = tpu.memref_slice %dma_wait3A_90[%arg1, %dma_wait3A_91, %dma_wait3A_92] : memref<16x80x128xi32, #tpu.memory_space<hbm>> -> memref<1x80x128xi32, #tpu.memory_space<hbm>>
    %dma_wait3A_94 = tpu.memref_squeeze %dma_wait3A_93 : memref<1x80x128xi32, #tpu.memory_space<hbm>> -> memref<80x128xi32, #tpu.memory_space<hbm>>
    %dma_wait3A_95 = arith.constant 0 : i32
    %dma_wait3A_96 = arith.constant 0 : i32
    %dma_wait3A_97 = tpu.memref_slice %dma_wait3A_94[%dma_wait3A_95, %dma_wait3A_96] : memref<80x128xi32, #tpu.memory_space<hbm>> -> memref<8x128xi32, #tpu.memory_space<hbm>>
    tpu.wait_dma2 semaphore(%arg15 : memref<!tpu.dma_semaphore, #tpu.memory_space<semaphore_mem>>) src(%dma_wait3A_97 : memref<8x128xi32, #tpu.memory_space<hbm>>) dst(%dma_wait3A_85 : memref<8x128xi32, #tpu.memory_space<vmem>>)
    %dma_start3A_98 = arith.constant 0 : i32
    %dma_start3A_99 = arith.constant 0 : i32
    %dma_start3A_100 = arith.constant 0 : i32
    %dma_start3A_101 = arith.constant 0 : i32
    %dma_start3A_102 = arith.constant 0 : i32
    %dma_start3A_103 = tpu.memref_slice %arg9[%dma_start3A_100, %dma_start3A_101, %dma_start3A_102] : memref<2x128x128xf32, #tpu.memory_space<vmem>> -> memref<1x128x128xf32, #tpu.memory_space<vmem>>
    %dma_start3A_104 = tpu.memref_squeeze %dma_start3A_103 : memref<1x128x128xf32, #tpu.memory_space<vmem>> -> memref<128x128xf32, #tpu.memory_space<vmem>>
    %dma_start3A_105 = arith.constant 0 : i32
    %dma_start3A_106 = arith.constant 0 : i32
    %dma_start3A_107 = tpu.memref_slice %arg7[%dma_start3A_98, %dma_start3A_105, %dma_start3A_106] : memref<2x8x128xi32, #tpu.memory_space<vmem>> -> memref<1x8x128xi32, #tpu.memory_space<vmem>>
    %dma_start3A_108 = tpu.memref_squeeze %dma_start3A_107 : memref<1x8x128xi32, #tpu.memory_space<vmem>> -> memref<8x128xi32, #tpu.memory_space<vmem>>
    %dma_start3A_109 = arith.constant 0 : i32
    %dma_start3A_110 = tpu.memref_slice %dma_start3A_108[%dma_start3A_99, %dma_start3A_109] : memref<8x128xi32, #tpu.memory_space<vmem>> -> memref<1x128xi32, #tpu.memory_space<vmem>>
    %dma_start3A_111 = tpu.memref_squeeze %dma_start3A_110 : memref<1x128xi32, #tpu.memory_space<vmem>> -> memref<128xi32, #tpu.memory_space<vmem>>
    %dma_start3A_112 = arith.constant 0 : i32
    %dma_start3A_113 = arith.constant 0 : i32
    %dma_start3A_114 = tpu.memref_slice %arg2[%dma_start3A_112, %dma_start3A_113] : memref<10000x128xf32, #tpu.memory_space<hbm>> -> memref<10000x128xf32, #tpu.memory_space<hbm>>
    tpu.enqueue_indirect_dma source(%dma_start3A_114 : memref<10000x128xf32, #tpu.memory_space<hbm>>) target(%dma_start3A_104 : memref<128x128xf32, #tpu.memory_space<vmem>>) offsets(%dma_start3A_111 : memref<128xi32, #tpu.memory_space<vmem>>) semaphore(%arg11 : memref<!tpu.dma_semaphore, #tpu.memory_space<semaphore_mem>>)
    %scan3A = arith.constant 0 : i32
    %scan3A_115 = arith.constant 0 : i32
    %scan3A_116 = arith.constant 5 : i32
    %scan3A_117 = arith.addi %scan3A_115, %scan3A_116 : i32
    %scan3A_118 = arith.constant 1 : i32
    scf.for %scan3A_125 = %scan3A_115 to %scan3A_117 step %scan3A_118  : i32 {
      %mul3A_126 = arith.constant 2 : i32
      %mul3A_127 = arith.muli %mul3A_126, %scan3A_125 : i32
      %add3A = arith.constant 1 : i32
      %add3A_128 = arith.addi %mul3A_127, %add3A : i32
      %mul3A_129 = arith.constant 8 : i32
      %mul3A_130 = arith.muli %add3A_128, %mul3A_129 : i32
      %dma_start3A_131 = arith.constant 1 : i32
      %dma_start3A_132 = arith.constant 0 : i32
      %dma_start3A_133 = arith.constant 0 : i32
      %dma_start3A_134 = tpu.memref_slice %arg7[%dma_start3A_131, %dma_start3A_132, %dma_start3A_133] : memref<2x8x128xi32, #tpu.memory_space<vmem>> -> memref<1x8x128xi32, #tpu.memory_space<vmem>>
      %dma_start3A_135 = tpu.memref_squeeze %dma_start3A_134 : memref<1x8x128xi32, #tpu.memory_space<vmem>> -> memref<8x128xi32, #tpu.memory_space<vmem>>
      %dma_start3A_136 = arith.constant 0 : i32
      %dma_start3A_137 = arith.constant 0 : i32
      %dma_start3A_138 = arith.constant 0 : i32
      %dma_start3A_139 = tpu.memref_slice %arg3[%arg0, %dma_start3A_136, %dma_start3A_137, %dma_start3A_138] : memref<2x16x80x128xi32, #tpu.memory_space<hbm>> -> memref<1x16x80x128xi32, #tpu.memory_space<hbm>>
      %dma_start3A_140 = tpu.memref_squeeze %dma_start3A_139 : memref<1x16x80x128xi32, #tpu.memory_space<hbm>> -> memref<16x80x128xi32, #tpu.memory_space<hbm>>
      %dma_start3A_141 = arith.constant 0 : i32
      %dma_start3A_142 = arith.constant 0 : i32
      %dma_start3A_143 = tpu.memref_slice %dma_start3A_140[%arg1, %dma_start3A_141, %dma_start3A_142] : memref<16x80x128xi32, #tpu.memory_space<hbm>> -> memref<1x80x128xi32, #tpu.memory_space<hbm>>
      %dma_start3A_144 = tpu.memref_squeeze %dma_start3A_143 : memref<1x80x128xi32, #tpu.memory_space<hbm>> -> memref<80x128xi32, #tpu.memory_space<hbm>>
      %dma_start3A_145 = arith.constant 0 : i32
      %dma_start3A_146 = tpu.memref_slice %dma_start3A_144[%mul3A_130, %dma_start3A_145] : memref<80x128xi32, #tpu.memory_space<hbm>> -> memref<8x128xi32, #tpu.memory_space<hbm>>
      %dma_start3A_147 = arith.constant 0 : i32
      %dma_start3A_148 = arith.constant 0 : i32
      %dma_start3A_149 = tpu.memref_slice %arg7[%dma_start3A_131, %dma_start3A_147, %dma_start3A_148] : memref<2x8x128xi32, #tpu.memory_space<vmem>> -> memref<1x8x128xi32, #tpu.memory_space<vmem>>
      %dma_start3A_150 = tpu.memref_squeeze %dma_start3A_149 : memref<1x8x128xi32, #tpu.memory_space<vmem>> -> memref<8x128xi32, #tpu.memory_space<vmem>>
      %dma_start3A_151 = arith.constant 0 : i32
      %dma_start3A_152 = arith.constant 0 : i32
      %dma_start3A_153 = arith.constant 0 : i32
      %dma_start3A_154 = tpu.memref_slice %arg3[%arg0, %dma_start3A_151, %dma_start3A_152, %dma_start3A_153] : memref<2x16x80x128xi32, #tpu.memory_space<hbm>> -> memref<1x16x80x128xi32, #tpu.memory_space<hbm>>
      %dma_start3A_155 = tpu.memref_squeeze %dma_start3A_154 : memref<1x16x80x128xi32, #tpu.memory_space<hbm>> -> memref<16x80x128xi32, #tpu.memory_space<hbm>>
      %dma_start3A_156 = arith.constant 0 : i32
      %dma_start3A_157 = arith.constant 0 : i32
      %dma_start3A_158 = tpu.memref_slice %dma_start3A_155[%arg1, %dma_start3A_156, %dma_start3A_157] : memref<16x80x128xi32, #tpu.memory_space<hbm>> -> memref<1x80x128xi32, #tpu.memory_space<hbm>>
      %dma_start3A_159 = tpu.memref_squeeze %dma_start3A_158 : memref<1x80x128xi32, #tpu.memory_space<hbm>> -> memref<80x128xi32, #tpu.memory_space<hbm>>
      %dma_start3A_160 = arith.constant 0 : i32
      %dma_start3A_161 = tpu.memref_slice %dma_start3A_159[%mul3A_130, %dma_start3A_160] : memref<80x128xi32, #tpu.memory_space<hbm>> -> memref<8x128xi32, #tpu.memory_space<hbm>>
      tpu.enqueue_dma source(%dma_start3A_161 : memref<8x128xi32, #tpu.memory_space<hbm>>) target(%dma_start3A_150 : memref<8x128xi32, #tpu.memory_space<vmem>>) target_semaphore(%arg16 : memref<!tpu.dma_semaphore, #tpu.memory_space<semaphore_mem>>)
      %mul3A_162 = arith.constant 8 : i32
      %mul3A_163 = arith.muli %add3A_128, %mul3A_162 : i32
      %dma_start3A_164 = arith.constant 1 : i32
      %dma_start3A_165 = arith.constant 0 : i32
      %dma_start3A_166 = arith.constant 0 : i32
      %dma_start3A_167 = tpu.memref_slice %arg8[%dma_start3A_164, %dma_start3A_165, %dma_start3A_166] : memref<2x8x128xi32, #tpu.memory_space<vmem>> -> memref<1x8x128xi32, #tpu.memory_space<vmem>>
      %dma_start3A_168 = tpu.memref_squeeze %dma_start3A_167 : memref<1x8x128xi32, #tpu.memory_space<vmem>> -> memref<8x128xi32, #tpu.memory_space<vmem>>
      %dma_start3A_169 = arith.constant 0 : i32
      %dma_start3A_170 = arith.constant 0 : i32
      %dma_start3A_171 = arith.constant 0 : i32
      %dma_start3A_172 = tpu.memref_slice %arg4[%arg0, %dma_start3A_169, %dma_start3A_170, %dma_start3A_171] : memref<2x16x80x128xi32, #tpu.memory_space<hbm>> -> memref<1x16x80x128xi32, #tpu.memory_space<hbm>>
      %dma_start3A_173 = tpu.memref_squeeze %dma_start3A_172 : memref<1x16x80x128xi32, #tpu.memory_space<hbm>> -> memref<16x80x128xi32, #tpu.memory_space<hbm>>
      %dma_start3A_174 = arith.constant 0 : i32
      %dma_start3A_175 = arith.constant 0 : i32
      %dma_start3A_176 = tpu.memref_slice %dma_start3A_173[%arg1, %dma_start3A_174, %dma_start3A_175] : memref<16x80x128xi32, #tpu.memory_space<hbm>> -> memref<1x80x128xi32, #tpu.memory_space<hbm>>
      %dma_start3A_177 = tpu.memref_squeeze %dma_start3A_176 : memref<1x80x128xi32, #tpu.memory_space<hbm>> -> memref<80x128xi32, #tpu.memory_space<hbm>>
      %dma_start3A_178 = arith.constant 0 : i32
      %dma_start3A_179 = tpu.memref_slice %dma_start3A_177[%mul3A_163, %dma_start3A_178] : memref<80x128xi32, #tpu.memory_space<hbm>> -> memref<8x128xi32, #tpu.memory_space<hbm>>
      %dma_start3A_180 = arith.constant 0 : i32
      %dma_start3A_181 = arith.constant 0 : i32
      %dma_start3A_182 = tpu.memref_slice %arg8[%dma_start3A_164, %dma_start3A_180, %dma_start3A_181] : memref<2x8x128xi32, #tpu.memory_space<vmem>> -> memref<1x8x128xi32, #tpu.memory_space<vmem>>
      %dma_start3A_183 = tpu.memref_squeeze %dma_start3A_182 : memref<1x8x128xi32, #tpu.memory_space<vmem>> -> memref<8x128xi32, #tpu.memory_space<vmem>>
      %dma_start3A_184 = arith.constant 0 : i32
      %dma_start3A_185 = arith.constant 0 : i32
      %dma_start3A_186 = arith.constant 0 : i32
      %dma_start3A_187 = tpu.memref_slice %arg4[%arg0, %dma_start3A_184, %dma_start3A_185, %dma_start3A_186] : memref<2x16x80x128xi32, #tpu.memory_space<hbm>> -> memref<1x16x80x128xi32, #tpu.memory_space<hbm>>
      %dma_start3A_188 = tpu.memref_squeeze %dma_start3A_187 : memref<1x16x80x128xi32, #tpu.memory_space<hbm>> -> memref<16x80x128xi32, #tpu.memory_space<hbm>>
      %dma_start3A_189 = arith.constant 0 : i32
      %dma_start3A_190 = arith.constant 0 : i32
      %dma_start3A_191 = tpu.memref_slice %dma_start3A_188[%arg1, %dma_start3A_189, %dma_start3A_190] : memref<16x80x128xi32, #tpu.memory_space<hbm>> -> memref<1x80x128xi32, #tpu.memory_space<hbm>>
      %dma_start3A_192 = tpu.memref_squeeze %dma_start3A_191 : memref<1x80x128xi32, #tpu.memory_space<hbm>> -> memref<80x128xi32, #tpu.memory_space<hbm>>
      %dma_start3A_193 = arith.constant 0 : i32
      %dma_start3A_194 = tpu.memref_slice %dma_start3A_192[%mul3A_163, %dma_start3A_193] : memref<80x128xi32, #tpu.memory_space<hbm>> -> memref<8x128xi32, #tpu.memory_space<hbm>>
      tpu.enqueue_dma source(%dma_start3A_194 : memref<8x128xi32, #tpu.memory_space<hbm>>) target(%dma_start3A_183 : memref<8x128xi32, #tpu.memory_space<vmem>>) target_semaphore(%arg18 : memref<!tpu.dma_semaphore, #tpu.memory_space<semaphore_mem>>)
      %dma_wait3A_195 = arith.constant 0 : i32
      %dma_wait3A_196 = arith.constant 0 : i32
      %dma_wait3A_197 = arith.constant 0 : i32
      %dma_wait3A_198 = tpu.memref_slice %arg8[%dma_wait3A_195, %dma_wait3A_196, %dma_wait3A_197] : memref<2x8x128xi32, #tpu.memory_space<vmem>> -> memref<1x8x128xi32, #tpu.memory_space<vmem>>
      %dma_wait3A_199 = tpu.memref_squeeze %dma_wait3A_198 : memref<1x8x128xi32, #tpu.memory_space<vmem>> -> memref<8x128xi32, #tpu.memory_space<vmem>>
      %dma_wait3A_200 = arith.constant 0 : i32
      %dma_wait3A_201 = arith.constant 0 : i32
      %dma_wait3A_202 = arith.constant 0 : i32
      %dma_wait3A_203 = tpu.memref_slice %arg4[%arg0, %dma_wait3A_200, %dma_wait3A_201, %dma_wait3A_202] : memref<2x16x80x128xi32, #tpu.memory_space<hbm>> -> memref<1x16x80x128xi32, #tpu.memory_space<hbm>>
      %dma_wait3A_204 = tpu.memref_squeeze %dma_wait3A_203 : memref<1x16x80x128xi32, #tpu.memory_space<hbm>> -> memref<16x80x128xi32, #tpu.memory_space<hbm>>
      %dma_wait3A_205 = arith.constant 0 : i32
      %dma_wait3A_206 = arith.constant 0 : i32
      %dma_wait3A_207 = tpu.memref_slice %dma_wait3A_204[%arg1, %dma_wait3A_205, %dma_wait3A_206] : memref<16x80x128xi32, #tpu.memory_space<hbm>> -> memref<1x80x128xi32, #tpu.memory_space<hbm>>
      %dma_wait3A_208 = tpu.memref_squeeze %dma_wait3A_207 : memref<1x80x128xi32, #tpu.memory_space<hbm>> -> memref<80x128xi32, #tpu.memory_space<hbm>>
      %dma_wait3A_209 = arith.constant 0 : i32
      %dma_wait3A_210 = arith.constant 0 : i32
      %dma_wait3A_211 = tpu.memref_slice %dma_wait3A_208[%dma_wait3A_209, %dma_wait3A_210] : memref<80x128xi32, #tpu.memory_space<hbm>> -> memref<8x128xi32, #tpu.memory_space<hbm>>
      %dma_wait3A_212 = arith.constant 0 : i32
      %dma_wait3A_213 = arith.constant 0 : i32
      %dma_wait3A_214 = tpu.memref_slice %arg8[%dma_wait3A_195, %dma_wait3A_212, %dma_wait3A_213] : memref<2x8x128xi32, #tpu.memory_space<vmem>> -> memref<1x8x128xi32, #tpu.memory_space<vmem>>
      %dma_wait3A_215 = tpu.memref_squeeze %dma_wait3A_214 : memref<1x8x128xi32, #tpu.memory_space<vmem>> -> memref<8x128xi32, #tpu.memory_space<vmem>>
      %dma_wait3A_216 = arith.constant 0 : i32
      %dma_wait3A_217 = arith.constant 0 : i32
      %dma_wait3A_218 = arith.constant 0 : i32
      %dma_wait3A_219 = tpu.memref_slice %arg4[%arg0, %dma_wait3A_216, %dma_wait3A_217, %dma_wait3A_218] : memref<2x16x80x128xi32, #tpu.memory_space<hbm>> -> memref<1x16x80x128xi32, #tpu.memory_space<hbm>>
      %dma_wait3A_220 = tpu.memref_squeeze %dma_wait3A_219 : memref<1x16x80x128xi32, #tpu.memory_space<hbm>> -> memref<16x80x128xi32, #tpu.memory_space<hbm>>
      %dma_wait3A_221 = arith.constant 0 : i32
      %dma_wait3A_222 = arith.constant 0 : i32
      %dma_wait3A_223 = tpu.memref_slice %dma_wait3A_220[%arg1, %dma_wait3A_221, %dma_wait3A_222] : memref<16x80x128xi32, #tpu.memory_space<hbm>> -> memref<1x80x128xi32, #tpu.memory_space<hbm>>
      %dma_wait3A_224 = tpu.memref_squeeze %dma_wait3A_223 : memref<1x80x128xi32, #tpu.memory_space<hbm>> -> memref<80x128xi32, #tpu.memory_space<hbm>>
      %dma_wait3A_225 = arith.constant 0 : i32
      %dma_wait3A_226 = arith.constant 0 : i32
      %dma_wait3A_227 = tpu.memref_slice %dma_wait3A_224[%dma_wait3A_225, %dma_wait3A_226] : memref<80x128xi32, #tpu.memory_space<hbm>> -> memref<8x128xi32, #tpu.memory_space<hbm>>
      tpu.wait_dma2 semaphore(%arg17 : memref<!tpu.dma_semaphore, #tpu.memory_space<semaphore_mem>>) src(%dma_wait3A_227 : memref<8x128xi32, #tpu.memory_space<hbm>>) dst(%dma_wait3A_215 : memref<8x128xi32, #tpu.memory_space<vmem>>)
      %dma_wait3A_228 = arith.constant 0 : i32
      %dma_wait3A_229 = arith.constant 0 : i32
      %dma_wait3A_230 = arith.constant 0 : i32
      %dma_wait3A_231 = tpu.memref_slice %arg9[%dma_wait3A_228, %dma_wait3A_229, %dma_wait3A_230] : memref<2x128x128xf32, #tpu.memory_space<vmem>> -> memref<1x128x128xf32, #tpu.memory_space<vmem>>
      %dma_wait3A_232 = tpu.memref_squeeze %dma_wait3A_231 : memref<1x128x128xf32, #tpu.memory_space<vmem>> -> memref<128x128xf32, #tpu.memory_space<vmem>>
      %dma_wait3A_233 = arith.constant 0 : i32
      %dma_wait3A_234 = arith.constant 0 : i32
      %dma_wait3A_235 = tpu.memref_slice %arg2[%dma_wait3A_233, %dma_wait3A_234] : memref<10000x128xf32, #tpu.memory_space<hbm>> -> memref<128x128xf32, #tpu.memory_space<hbm>>
      %dma_wait3A_236 = arith.constant 0 : i32
      %dma_wait3A_237 = arith.constant 0 : i32
      %dma_wait3A_238 = tpu.memref_slice %arg9[%dma_wait3A_228, %dma_wait3A_236, %dma_wait3A_237] : memref<2x128x128xf32, #tpu.memory_space<vmem>> -> memref<1x128x128xf32, #tpu.memory_space<vmem>>
      %dma_wait3A_239 = tpu.memref_squeeze %dma_wait3A_238 : memref<1x128x128xf32, #tpu.memory_space<vmem>> -> memref<128x128xf32, #tpu.memory_space<vmem>>
      %dma_wait3A_240 = arith.constant 0 : i32
      %dma_wait3A_241 = arith.constant 0 : i32
      %dma_wait3A_242 = tpu.memref_slice %arg2[%dma_wait3A_240, %dma_wait3A_241] : memref<10000x128xf32, #tpu.memory_space<hbm>> -> memref<128x128xf32, #tpu.memory_space<hbm>>
      tpu.wait_dma2 semaphore(%arg11 : memref<!tpu.dma_semaphore, #tpu.memory_space<semaphore_mem>>) src(%dma_wait3A_242 : memref<128x128xf32, #tpu.memory_space<hbm>>) dst(%dma_wait3A_239 : memref<128x128xf32, #tpu.memory_space<vmem>>)
      %dma_start3A_243 = arith.constant 0 : i32
      %dma_start3A_244 = arith.constant 1 : i32
      %dma_start3A_245 = arith.constant 1 : i32
      %dma_start3A_246 = arith.constant 0 : i32
      %dma_start3A_247 = arith.constant 0 : i32
      %dma_start3A_248 = tpu.memref_slice %arg9[%dma_start3A_245, %dma_start3A_246, %dma_start3A_247] : memref<2x128x128xf32, #tpu.memory_space<vmem>> -> memref<1x128x128xf32, #tpu.memory_space<vmem>>
      %dma_start3A_249 = tpu.memref_squeeze %dma_start3A_248 : memref<1x128x128xf32, #tpu.memory_space<vmem>> -> memref<128x128xf32, #tpu.memory_space<vmem>>
      %dma_start3A_250 = arith.constant 0 : i32
      %dma_start3A_251 = arith.constant 0 : i32
      %dma_start3A_252 = tpu.memref_slice %arg7[%dma_start3A_243, %dma_start3A_250, %dma_start3A_251] : memref<2x8x128xi32, #tpu.memory_space<vmem>> -> memref<1x8x128xi32, #tpu.memory_space<vmem>>
      %dma_start3A_253 = tpu.memref_squeeze %dma_start3A_252 : memref<1x8x128xi32, #tpu.memory_space<vmem>> -> memref<8x128xi32, #tpu.memory_space<vmem>>
      %dma_start3A_254 = arith.constant 0 : i32
      %dma_start3A_255 = tpu.memref_slice %dma_start3A_253[%dma_start3A_244, %dma_start3A_254] : memref<8x128xi32, #tpu.memory_space<vmem>> -> memref<1x128xi32, #tpu.memory_space<vmem>>
      %dma_start3A_256 = tpu.memref_squeeze %dma_start3A_255 : memref<1x128xi32, #tpu.memory_space<vmem>> -> memref<128xi32, #tpu.memory_space<vmem>>
      %dma_start3A_257 = arith.constant 0 : i32
      %dma_start3A_258 = arith.constant 0 : i32
      %dma_start3A_259 = tpu.memref_slice %arg2[%dma_start3A_257, %dma_start3A_258] : memref<10000x128xf32, #tpu.memory_space<hbm>> -> memref<10000x128xf32, #tpu.memory_space<hbm>>
      tpu.enqueue_indirect_dma source(%dma_start3A_259 : memref<10000x128xf32, #tpu.memory_space<hbm>>) target(%dma_start3A_249 : memref<128x128xf32, #tpu.memory_space<vmem>>) offsets(%dma_start3A_256 : memref<128xi32, #tpu.memory_space<vmem>>) semaphore(%arg12 : memref<!tpu.dma_semaphore, #tpu.memory_space<semaphore_mem>>)
      %run_scoped3A = arith.constant 0 : i32
      %run_scoped3A_260 = arith.constant 0 : i32
      %run_scoped3A_261 = arith.constant 0 : i32
      "tpu.region"() ({
        %run_scoped3A_843 = tpu.sem_alloc : memref<!tpu.dma_semaphore, #tpu.memory_space<semaphore_mem>>
        %dma_start3A_844 = arith.constant 0 : i32
        %dma_start3A_845 = arith.constant 0 : i32
        %dma_start3A_846 = tpu.memref_slice %arg9[%run_scoped3A, %dma_start3A_844, %dma_start3A_845] : memref<2x128x128xf32, #tpu.memory_space<vmem>> -> memref<1x128x128xf32, #tpu.memory_space<vmem>>
        %dma_start3A_847 = tpu.memref_squeeze %dma_start3A_846 : memref<1x128x128xf32, #tpu.memory_space<vmem>> -> memref<128x128xf32, #tpu.memory_space<vmem>>
        %dma_start3A_848 = arith.constant 0 : i32
        %dma_start3A_849 = arith.constant 0 : i32
        %dma_start3A_850 = tpu.memref_slice %arg8[%run_scoped3A_260, %dma_start3A_848, %dma_start3A_849] : memref<2x8x128xi32, #tpu.memory_space<vmem>> -> memref<1x8x128xi32, #tpu.memory_space<vmem>>
        %dma_start3A_851 = tpu.memref_squeeze %dma_start3A_850 : memref<1x8x128xi32, #tpu.memory_space<vmem>> -> memref<8x128xi32, #tpu.memory_space<vmem>>
        %dma_start3A_852 = arith.constant 0 : i32
        %dma_start3A_853 = tpu.memref_slice %dma_start3A_851[%run_scoped3A_261, %dma_start3A_852] : memref<8x128xi32, #tpu.memory_space<vmem>> -> memref<1x128xi32, #tpu.memory_space<vmem>>
        %dma_start3A_854 = tpu.memref_squeeze %dma_start3A_853 : memref<1x128xi32, #tpu.memory_space<vmem>> -> memref<128xi32, #tpu.memory_space<vmem>>
        %dma_start3A_855 = arith.constant 0 : i32
        %dma_start3A_856 = arith.constant 0 : i32
        %dma_start3A_857 = tpu.memref_slice %arg10[%dma_start3A_855, %dma_start3A_856] : memref<10112x128xf32, #tpu.memory_space<vmem_shared>> -> memref<10112x128xf32, #tpu.memory_space<vmem_shared>>
        tpu.enqueue_indirect_dma source(%dma_start3A_847 : memref<128x128xf32, #tpu.memory_space<vmem>>) target(%dma_start3A_857 : memref<10112x128xf32, #tpu.memory_space<vmem_shared>>) offsets(%dma_start3A_854 : memref<128xi32, #tpu.memory_space<vmem>>) semaphore(%run_scoped3A_843 : memref<!tpu.dma_semaphore, #tpu.memory_space<semaphore_mem>>) {add = true}
        %dma_wait3A_858 = arith.constant 0 : i32
        %dma_wait3A_859 = arith.constant 0 : i32
        %dma_wait3A_860 = tpu.memref_slice %arg9[%run_scoped3A, %dma_wait3A_858, %dma_wait3A_859] : memref<2x128x128xf32, #tpu.memory_space<vmem>> -> memref<1x128x128xf32, #tpu.memory_space<vmem>>
        %dma_wait3A_861 = tpu.memref_squeeze %dma_wait3A_860 : memref<1x128x128xf32, #tpu.memory_space<vmem>> -> memref<128x128xf32, #tpu.memory_space<vmem>>
        %dma_wait3A_862 = arith.constant 0 : i32
        %dma_wait3A_863 = arith.constant 0 : i32
        %dma_wait3A_864 = tpu.memref_slice %arg8[%run_scoped3A_260, %dma_wait3A_862, %dma_wait3A_863] : memref<2x8x128xi32, #tpu.memory_space<vmem>> -> memref<1x8x128xi32, #tpu.memory_space<vmem>>
        %dma_wait3A_865 = tpu.memref_squeeze %dma_wait3A_864 : memref<1x8x128xi32, #tpu.memory_space<vmem>> -> memref<8x128xi32, #tpu.memory_space<vmem>>
        %dma_wait3A_866 = arith.constant 0 : i32
        %dma_wait3A_867 = tpu.memref_slice %dma_wait3A_865[%run_scoped3A_261, %dma_wait3A_866] : memref<8x128xi32, #tpu.memory_space<vmem>> -> memref<1x128xi32, #tpu.memory_space<vmem>>
        %dma_wait3A_868 = tpu.memref_squeeze %dma_wait3A_867 : memref<1x128xi32, #tpu.memory_space<vmem>> -> memref<128xi32, #tpu.memory_space<vmem>>
        %dma_wait3A_869 = arith.constant 0 : i32
        %dma_wait3A_870 = arith.constant 0 : i32
        %dma_wait3A_871 = tpu.memref_slice %arg10[%dma_wait3A_869, %dma_wait3A_870] : memref<10112x128xf32, #tpu.memory_space<vmem_shared>> -> memref<10112x128xf32, #tpu.memory_space<vmem_shared>>
        tpu.wait_indirect_dma semaphore(%run_scoped3A_843 : memref<!tpu.dma_semaphore, #tpu.memory_space<semaphore_mem>>) src(%dma_wait3A_861 : memref<128x128xf32, #tpu.memory_space<vmem>>) dst(%dma_wait3A_871 : memref<10112x128xf32, #tpu.memory_space<vmem_shared>>)
        tpu.yield
      }) : () -> ()
      %dma_wait3A_262 = arith.constant 1 : i32
      %dma_wait3A_263 = arith.constant 0 : i32
      %dma_wait3A_264 = arith.constant 0 : i32
      %dma_wait3A_265 = tpu.memref_slice %arg9[%dma_wait3A_262, %dma_wait3A_263, %dma_wait3A_264] : memref<2x128x128xf32, #tpu.memory_space<vmem>> -> memref<1x128x128xf32, #tpu.memory_space<vmem>>
      %dma_wait3A_266 = tpu.memref_squeeze %dma_wait3A_265 : memref<1x128x128xf32, #tpu.memory_space<vmem>> -> memref<128x128xf32, #tpu.memory_space<vmem>>
      %dma_wait3A_267 = arith.constant 0 : i32
      %dma_wait3A_268 = arith.constant 0 : i32
      %dma_wait3A_269 = tpu.memref_slice %arg2[%dma_wait3A_267, %dma_wait3A_268] : memref<10000x128xf32, #tpu.memory_space<hbm>> -> memref<128x128xf32, #tpu.memory_space<hbm>>
      %dma_wait3A_270 = arith.constant 0 : i32
      %dma_wait3A_271 = arith.constant 0 : i32
      %dma_wait3A_272 = tpu.memref_slice %arg9[%dma_wait3A_262, %dma_wait3A_270, %dma_wait3A_271] : memref<2x128x128xf32, #tpu.memory_space<vmem>> -> memref<1x128x128xf32, #tpu.memory_space<vmem>>
      %dma_wait3A_273 = tpu.memref_squeeze %dma_wait3A_272 : memref<1x128x128xf32, #tpu.memory_space<vmem>> -> memref<128x128xf32, #tpu.memory_space<vmem>>
      %dma_wait3A_274 = arith.constant 0 : i32
      %dma_wait3A_275 = arith.constant 0 : i32
      %dma_wait3A_276 = tpu.memref_slice %arg2[%dma_wait3A_274, %dma_wait3A_275] : memref<10000x128xf32, #tpu.memory_space<hbm>> -> memref<128x128xf32, #tpu.memory_space<hbm>>
      tpu.wait_dma2 semaphore(%arg12 : memref<!tpu.dma_semaphore, #tpu.memory_space<semaphore_mem>>) src(%dma_wait3A_276 : memref<128x128xf32, #tpu.memory_space<hbm>>) dst(%dma_wait3A_273 : memref<128x128xf32, #tpu.memory_space<vmem>>)
      %dma_start3A_277 = arith.constant 0 : i32
      %dma_start3A_278 = arith.constant 2 : i32
      %dma_start3A_279 = arith.constant 0 : i32
      %dma_start3A_280 = arith.constant 0 : i32
      %dma_start3A_281 = arith.constant 0 : i32
      %dma_start3A_282 = tpu.memref_slice %arg9[%dma_start3A_279, %dma_start3A_280, %dma_start3A_281] : memref<2x128x128xf32, #tpu.memory_space<vmem>> -> memref<1x128x128xf32, #tpu.memory_space<vmem>>
      %dma_start3A_283 = tpu.memref_squeeze %dma_start3A_282 : memref<1x128x128xf32, #tpu.memory_space<vmem>> -> memref<128x128xf32, #tpu.memory_space<vmem>>
      %dma_start3A_284 = arith.constant 0 : i32
      %dma_start3A_285 = arith.constant 0 : i32
      %dma_start3A_286 = tpu.memref_slice %arg7[%dma_start3A_277, %dma_start3A_284, %dma_start3A_285] : memref<2x8x128xi32, #tpu.memory_space<vmem>> -> memref<1x8x128xi32, #tpu.memory_space<vmem>>
      %dma_start3A_287 = tpu.memref_squeeze %dma_start3A_286 : memref<1x8x128xi32, #tpu.memory_space<vmem>> -> memref<8x128xi32, #tpu.memory_space<vmem>>
      %dma_start3A_288 = arith.constant 0 : i32
      %dma_start3A_289 = tpu.memref_slice %dma_start3A_287[%dma_start3A_278, %dma_start3A_288] : memref<8x128xi32, #tpu.memory_space<vmem>> -> memref<1x128xi32, #tpu.memory_space<vmem>>
      %dma_start3A_290 = tpu.memref_squeeze %dma_start3A_289 : memref<1x128xi32, #tpu.memory_space<vmem>> -> memref<128xi32, #tpu.memory_space<vmem>>
      %dma_start3A_291 = arith.constant 0 : i32
      %dma_start3A_292 = arith.constant 0 : i32
      %dma_start3A_293 = tpu.memref_slice %arg2[%dma_start3A_291, %dma_start3A_292] : memref<10000x128xf32, #tpu.memory_space<hbm>> -> memref<10000x128xf32, #tpu.memory_space<hbm>>
      tpu.enqueue_indirect_dma source(%dma_start3A_293 : memref<10000x128xf32, #tpu.memory_space<hbm>>) target(%dma_start3A_283 : memref<128x128xf32, #tpu.memory_space<vmem>>) offsets(%dma_start3A_290 : memref<128xi32, #tpu.memory_space<vmem>>) semaphore(%arg11 : memref<!tpu.dma_semaphore, #tpu.memory_space<semaphore_mem>>)
      %run_scoped3A_294 = arith.constant 1 : i32
      %run_scoped3A_295 = arith.constant 0 : i32
      %run_scoped3A_296 = arith.constant 1 : i32
      "tpu.region"() ({
        %run_scoped3A_843 = tpu.sem_alloc : memref<!tpu.dma_semaphore, #tpu.memory_space<semaphore_mem>>
        %dma_start3A_844 = arith.constant 0 : i32
        %dma_start3A_845 = arith.constant 0 : i32
        %dma_start3A_846 = tpu.memref_slice %arg9[%run_scoped3A_294, %dma_start3A_844, %dma_start3A_845] : memref<2x128x128xf32, #tpu.memory_space<vmem>> -> memref<1x128x128xf32, #tpu.memory_space<vmem>>
        %dma_start3A_847 = tpu.memref_squeeze %dma_start3A_846 : memref<1x128x128xf32, #tpu.memory_space<vmem>> -> memref<128x128xf32, #tpu.memory_space<vmem>>
        %dma_start3A_848 = arith.constant 0 : i32
        %dma_start3A_849 = arith.constant 0 : i32
        %dma_start3A_850 = tpu.memref_slice %arg8[%run_scoped3A_295, %dma_start3A_848, %dma_start3A_849] : memref<2x8x128xi32, #tpu.memory_space<vmem>> -> memref<1x8x128xi32, #tpu.memory_space<vmem>>
        %dma_start3A_851 = tpu.memref_squeeze %dma_start3A_850 : memref<1x8x128xi32, #tpu.memory_space<vmem>> -> memref<8x128xi32, #tpu.memory_space<vmem>>
        %dma_start3A_852 = arith.constant 0 : i32
        %dma_start3A_853 = tpu.memref_slice %dma_start3A_851[%run_scoped3A_296, %dma_start3A_852] : memref<8x128xi32, #tpu.memory_space<vmem>> -> memref<1x128xi32, #tpu.memory_space<vmem>>
        %dma_start3A_854 = tpu.memref_squeeze %dma_start3A_853 : memref<1x128xi32, #tpu.memory_space<vmem>> -> memref<128xi32, #tpu.memory_space<vmem>>
        %dma_start3A_855 = arith.constant 0 : i32
        %dma_start3A_856 = arith.constant 0 : i32
        %dma_start3A_857 = tpu.memref_slice %arg10[%dma_start3A_855, %dma_start3A_856] : memref<10112x128xf32, #tpu.memory_space<vmem_shared>> -> memref<10112x128xf32, #tpu.memory_space<vmem_shared>>
        tpu.enqueue_indirect_dma source(%dma_start3A_847 : memref<128x128xf32, #tpu.memory_space<vmem>>) target(%dma_start3A_857 : memref<10112x128xf32, #tpu.memory_space<vmem_shared>>) offsets(%dma_start3A_854 : memref<128xi32, #tpu.memory_space<vmem>>) semaphore(%run_scoped3A_843 : memref<!tpu.dma_semaphore, #tpu.memory_space<semaphore_mem>>) {add = true}
        %dma_wait3A_858 = arith.constant 0 : i32
        %dma_wait3A_859 = arith.constant 0 : i32
        %dma_wait3A_860 = tpu.memref_slice %arg9[%run_scoped3A_294, %dma_wait3A_858, %dma_wait3A_859] : memref<2x128x128xf32, #tpu.memory_space<vmem>> -> memref<1x128x128xf32, #tpu.memory_space<vmem>>
        %dma_wait3A_861 = tpu.memref_squeeze %dma_wait3A_860 : memref<1x128x128xf32, #tpu.memory_space<vmem>> -> memref<128x128xf32, #tpu.memory_space<vmem>>
        %dma_wait3A_862 = arith.constant 0 : i32
        %dma_wait3A_863 = arith.constant 0 : i32
        %dma_wait3A_864 = tpu.memref_slice %arg8[%run_scoped3A_295, %dma_wait3A_862, %dma_wait3A_863] : memref<2x8x128xi32, #tpu.memory_space<vmem>> -> memref<1x8x128xi32, #tpu.memory_space<vmem>>
        %dma_wait3A_865 = tpu.memref_squeeze %dma_wait3A_864 : memref<1x8x128xi32, #tpu.memory_space<vmem>> -> memref<8x128xi32, #tpu.memory_space<vmem>>
        %dma_wait3A_866 = arith.constant 0 : i32
        %dma_wait3A_867 = tpu.memref_slice %dma_wait3A_865[%run_scoped3A_296, %dma_wait3A_866] : memref<8x128xi32, #tpu.memory_space<vmem>> -> memref<1x128xi32, #tpu.memory_space<vmem>>
        %dma_wait3A_868 = tpu.memref_squeeze %dma_wait3A_867 : memref<1x128xi32, #tpu.memory_space<vmem>> -> memref<128xi32, #tpu.memory_space<vmem>>
        %dma_wait3A_869 = arith.constant 0 : i32
        %dma_wait3A_870 = arith.constant 0 : i32
        %dma_wait3A_871 = tpu.memref_slice %arg10[%dma_wait3A_869, %dma_wait3A_870] : memref<10112x128xf32, #tpu.memory_space<vmem_shared>> -> memref<10112x128xf32, #tpu.memory_space<vmem_shared>>
        tpu.wait_indirect_dma semaphore(%run_scoped3A_843 : memref<!tpu.dma_semaphore, #tpu.memory_space<semaphore_mem>>) src(%dma_wait3A_861 : memref<128x128xf32, #tpu.memory_space<vmem>>) dst(%dma_wait3A_871 : memref<10112x128xf32, #tpu.memory_space<vmem_shared>>)
        tpu.yield
      }) : () -> ()
      %dma_wait3A_297 = arith.constant 0 : i32
      %dma_wait3A_298 = arith.constant 0 : i32
      %dma_wait3A_299 = arith.constant 0 : i32
      %dma_wait3A_300 = tpu.memref_slice %arg9[%dma_wait3A_297, %dma_wait3A_298, %dma_wait3A_299] : memref<2x128x128xf32, #tpu.memory_space<vmem>> -> memref<1x128x128xf32, #tpu.memory_space<vmem>>
      %dma_wait3A_301 = tpu.memref_squeeze %dma_wait3A_300 : memref<1x128x128xf32, #tpu.memory_space<vmem>> -> memref<128x128xf32, #tpu.memory_space<vmem>>
      %dma_wait3A_302 = arith.constant 0 : i32
      %dma_wait3A_303 = arith.constant 0 : i32
      %dma_wait3A_304 = tpu.memref_slice %arg2[%dma_wait3A_302, %dma_wait3A_303] : memref<10000x128xf32, #tpu.memory_space<hbm>> -> memref<128x128xf32, #tpu.memory_space<hbm>>
      %dma_wait3A_305 = arith.constant 0 : i32
      %dma_wait3A_306 = arith.constant 0 : i32
      %dma_wait3A_307 = tpu.memref_slice %arg9[%dma_wait3A_297, %dma_wait3A_305, %dma_wait3A_306] : memref<2x128x128xf32, #tpu.memory_space<vmem>> -> memref<1x128x128xf32, #tpu.memory_space<vmem>>
      %dma_wait3A_308 = tpu.memref_squeeze %dma_wait3A_307 : memref<1x128x128xf32, #tpu.memory_space<vmem>> -> memref<128x128xf32, #tpu.memory_space<vmem>>
      %dma_wait3A_309 = arith.constant 0 : i32
      %dma_wait3A_310 = arith.constant 0 : i32
      %dma_wait3A_311 = tpu.memref_slice %arg2[%dma_wait3A_309, %dma_wait3A_310] : memref<10000x128xf32, #tpu.memory_space<hbm>> -> memref<128x128xf32, #tpu.memory_space<hbm>>
      tpu.wait_dma2 semaphore(%arg11 : memref<!tpu.dma_semaphore, #tpu.memory_space<semaphore_mem>>) src(%dma_wait3A_311 : memref<128x128xf32, #tpu.memory_space<hbm>>) dst(%dma_wait3A_308 : memref<128x128xf32, #tpu.memory_space<vmem>>)
      %dma_start3A_312 = arith.constant 0 : i32
      %dma_start3A_313 = arith.constant 3 : i32
      %dma_start3A_314 = arith.constant 1 : i32
      %dma_start3A_315 = arith.constant 0 : i32
      %dma_start3A_316 = arith.constant 0 : i32
      %dma_start3A_317 = tpu.memref_slice %arg9[%dma_start3A_314, %dma_start3A_315, %dma_start3A_316] : memref<2x128x128xf32, #tpu.memory_space<vmem>> -> memref<1x128x128xf32, #tpu.memory_space<vmem>>
      %dma_start3A_318 = tpu.memref_squeeze %dma_start3A_317 : memref<1x128x128xf32, #tpu.memory_space<vmem>> -> memref<128x128xf32, #tpu.memory_space<vmem>>
      %dma_start3A_319 = arith.constant 0 : i32
      %dma_start3A_320 = arith.constant 0 : i32
      %dma_start3A_321 = tpu.memref_slice %arg7[%dma_start3A_312, %dma_start3A_319, %dma_start3A_320] : memref<2x8x128xi32, #tpu.memory_space<vmem>> -> memref<1x8x128xi32, #tpu.memory_space<vmem>>
      %dma_start3A_322 = tpu.memref_squeeze %dma_start3A_321 : memref<1x8x128xi32, #tpu.memory_space<vmem>> -> memref<8x128xi32, #tpu.memory_space<vmem>>
      %dma_start3A_323 = arith.constant 0 : i32
      %dma_start3A_324 = tpu.memref_slice %dma_start3A_322[%dma_start3A_313, %dma_start3A_323] : memref<8x128xi32, #tpu.memory_space<vmem>> -> memref<1x128xi32, #tpu.memory_space<vmem>>
      %dma_start3A_325 = tpu.memref_squeeze %dma_start3A_324 : memref<1x128xi32, #tpu.memory_space<vmem>> -> memref<128xi32, #tpu.memory_space<vmem>>
      %dma_start3A_326 = arith.constant 0 : i32
      %dma_start3A_327 = arith.constant 0 : i32
      %dma_start3A_328 = tpu.memref_slice %arg2[%dma_start3A_326, %dma_start3A_327] : memref<10000x128xf32, #tpu.memory_space<hbm>> -> memref<10000x128xf32, #tpu.memory_space<hbm>>
      tpu.enqueue_indirect_dma source(%dma_start3A_328 : memref<10000x128xf32, #tpu.memory_space<hbm>>) target(%dma_start3A_318 : memref<128x128xf32, #tpu.memory_space<vmem>>) offsets(%dma_start3A_325 : memref<128xi32, #tpu.memory_space<vmem>>) semaphore(%arg12 : memref<!tpu.dma_semaphore, #tpu.memory_space<semaphore_mem>>)
      %run_scoped3A_329 = arith.constant 0 : i32
      %run_scoped3A_330 = arith.constant 0 : i32
      %run_scoped3A_331 = arith.constant 2 : i32
      "tpu.region"() ({
        %run_scoped3A_843 = tpu.sem_alloc : memref<!tpu.dma_semaphore, #tpu.memory_space<semaphore_mem>>
        %dma_start3A_844 = arith.constant 0 : i32
        %dma_start3A_845 = arith.constant 0 : i32
        %dma_start3A_846 = tpu.memref_slice %arg9[%run_scoped3A_329, %dma_start3A_844, %dma_start3A_845] : memref<2x128x128xf32, #tpu.memory_space<vmem>> -> memref<1x128x128xf32, #tpu.memory_space<vmem>>
        %dma_start3A_847 = tpu.memref_squeeze %dma_start3A_846 : memref<1x128x128xf32, #tpu.memory_space<vmem>> -> memref<128x128xf32, #tpu.memory_space<vmem>>
        %dma_start3A_848 = arith.constant 0 : i32
        %dma_start3A_849 = arith.constant 0 : i32
        %dma_start3A_850 = tpu.memref_slice %arg8[%run_scoped3A_330, %dma_start3A_848, %dma_start3A_849] : memref<2x8x128xi32, #tpu.memory_space<vmem>> -> memref<1x8x128xi32, #tpu.memory_space<vmem>>
        %dma_start3A_851 = tpu.memref_squeeze %dma_start3A_850 : memref<1x8x128xi32, #tpu.memory_space<vmem>> -> memref<8x128xi32, #tpu.memory_space<vmem>>
        %dma_start3A_852 = arith.constant 0 : i32
        %dma_start3A_853 = tpu.memref_slice %dma_start3A_851[%run_scoped3A_331, %dma_start3A_852] : memref<8x128xi32, #tpu.memory_space<vmem>> -> memref<1x128xi32, #tpu.memory_space<vmem>>
        %dma_start3A_854 = tpu.memref_squeeze %dma_start3A_853 : memref<1x128xi32, #tpu.memory_space<vmem>> -> memref<128xi32, #tpu.memory_space<vmem>>
        %dma_start3A_855 = arith.constant 0 : i32
        %dma_start3A_856 = arith.constant 0 : i32
        %dma_start3A_857 = tpu.memref_slice %arg10[%dma_start3A_855, %dma_start3A_856] : memref<10112x128xf32, #tpu.memory_space<vmem_shared>> -> memref<10112x128xf32, #tpu.memory_space<vmem_shared>>
        tpu.enqueue_indirect_dma source(%dma_start3A_847 : memref<128x128xf32, #tpu.memory_space<vmem>>) target(%dma_start3A_857 : memref<10112x128xf32, #tpu.memory_space<vmem_shared>>) offsets(%dma_start3A_854 : memref<128xi32, #tpu.memory_space<vmem>>) semaphore(%run_scoped3A_843 : memref<!tpu.dma_semaphore, #tpu.memory_space<semaphore_mem>>) {add = true}
        %dma_wait3A_858 = arith.constant 0 : i32
        %dma_wait3A_859 = arith.constant 0 : i32
        %dma_wait3A_860 = tpu.memref_slice %arg9[%run_scoped3A_329, %dma_wait3A_858, %dma_wait3A_859] : memref<2x128x128xf32, #tpu.memory_space<vmem>> -> memref<1x128x128xf32, #tpu.memory_space<vmem>>
        %dma_wait3A_861 = tpu.memref_squeeze %dma_wait3A_860 : memref<1x128x128xf32, #tpu.memory_space<vmem>> -> memref<128x128xf32, #tpu.memory_space<vmem>>
        %dma_wait3A_862 = arith.constant 0 : i32
        %dma_wait3A_863 = arith.constant 0 : i32
        %dma_wait3A_864 = tpu.memref_slice %arg8[%run_scoped3A_330, %dma_wait3A_862, %dma_wait3A_863] : memref<2x8x128xi32, #tpu.memory_space<vmem>> -> memref<1x8x128xi32, #tpu.memory_space<vmem>>
        %dma_wait3A_865 = tpu.memref_squeeze %dma_wait3A_864 : memref<1x8x128xi32, #tpu.memory_space<vmem>> -> memref<8x128xi32, #tpu.memory_space<vmem>>
        %dma_wait3A_866 = arith.constant 0 : i32
        %dma_wait3A_867 = tpu.memref_slice %dma_wait3A_865[%run_scoped3A_331, %dma_wait3A_866] : memref<8x128xi32, #tpu.memory_space<vmem>> -> memref<1x128xi32, #tpu.memory_space<vmem>>
        %dma_wait3A_868 = tpu.memref_squeeze %dma_wait3A_867 : memref<1x128xi32, #tpu.memory_space<vmem>> -> memref<128xi32, #tpu.memory_space<vmem>>
        %dma_wait3A_869 = arith.constant 0 : i32
        %dma_wait3A_870 = arith.constant 0 : i32
        %dma_wait3A_871 = tpu.memref_slice %arg10[%dma_wait3A_869, %dma_wait3A_870] : memref<10112x128xf32, #tpu.memory_space<vmem_shared>> -> memref<10112x128xf32, #tpu.memory_space<vmem_shared>>
        tpu.wait_indirect_dma semaphore(%run_scoped3A_843 : memref<!tpu.dma_semaphore, #tpu.memory_space<semaphore_mem>>) src(%dma_wait3A_861 : memref<128x128xf32, #tpu.memory_space<vmem>>) dst(%dma_wait3A_871 : memref<10112x128xf32, #tpu.memory_space<vmem_shared>>)
        tpu.yield
      }) : () -> ()
      %dma_wait3A_332 = arith.constant 1 : i32
      %dma_wait3A_333 = arith.constant 0 : i32
      %dma_wait3A_334 = arith.constant 0 : i32
      %dma_wait3A_335 = tpu.memref_slice %arg9[%dma_wait3A_332, %dma_wait3A_333, %dma_wait3A_334] : memref<2x128x128xf32, #tpu.memory_space<vmem>> -> memref<1x128x128xf32, #tpu.memory_space<vmem>>
      %dma_wait3A_336 = tpu.memref_squeeze %dma_wait3A_335 : memref<1x128x128xf32, #tpu.memory_space<vmem>> -> memref<128x128xf32, #tpu.memory_space<vmem>>
      %dma_wait3A_337 = arith.constant 0 : i32
      %dma_wait3A_338 = arith.constant 0 : i32
      %dma_wait3A_339 = tpu.memref_slice %arg2[%dma_wait3A_337, %dma_wait3A_338] : memref<10000x128xf32, #tpu.memory_space<hbm>> -> memref<128x128xf32, #tpu.memory_space<hbm>>
      %dma_wait3A_340 = arith.constant 0 : i32
      %dma_wait3A_341 = arith.constant 0 : i32
      %dma_wait3A_342 = tpu.memref_slice %arg9[%dma_wait3A_332, %dma_wait3A_340, %dma_wait3A_341] : memref<2x128x128xf32, #tpu.memory_space<vmem>> -> memref<1x128x128xf32, #tpu.memory_space<vmem>>
      %dma_wait3A_343 = tpu.memref_squeeze %dma_wait3A_342 : memref<1x128x128xf32, #tpu.memory_space<vmem>> -> memref<128x128xf32, #tpu.memory_space<vmem>>
      %dma_wait3A_344 = arith.constant 0 : i32
      %dma_wait3A_345 = arith.constant 0 : i32
      %dma_wait3A_346 = tpu.memref_slice %arg2[%dma_wait3A_344, %dma_wait3A_345] : memref<10000x128xf32, #tpu.memory_space<hbm>> -> memref<128x128xf32, #tpu.memory_space<hbm>>
      tpu.wait_dma2 semaphore(%arg12 : memref<!tpu.dma_semaphore, #tpu.memory_space<semaphore_mem>>) src(%dma_wait3A_346 : memref<128x128xf32, #tpu.memory_space<hbm>>) dst(%dma_wait3A_343 : memref<128x128xf32, #tpu.memory_space<vmem>>)
      %dma_start3A_347 = arith.constant 0 : i32
      %dma_start3A_348 = arith.constant 4 : i32
      %dma_start3A_349 = arith.constant 0 : i32
      %dma_start3A_350 = arith.constant 0 : i32
      %dma_start3A_351 = arith.constant 0 : i32
      %dma_start3A_352 = tpu.memref_slice %arg9[%dma_start3A_349, %dma_start3A_350, %dma_start3A_351] : memref<2x128x128xf32, #tpu.memory_space<vmem>> -> memref<1x128x128xf32, #tpu.memory_space<vmem>>
      %dma_start3A_353 = tpu.memref_squeeze %dma_start3A_352 : memref<1x128x128xf32, #tpu.memory_space<vmem>> -> memref<128x128xf32, #tpu.memory_space<vmem>>
      %dma_start3A_354 = arith.constant 0 : i32
      %dma_start3A_355 = arith.constant 0 : i32
      %dma_start3A_356 = tpu.memref_slice %arg7[%dma_start3A_347, %dma_start3A_354, %dma_start3A_355] : memref<2x8x128xi32, #tpu.memory_space<vmem>> -> memref<1x8x128xi32, #tpu.memory_space<vmem>>
      %dma_start3A_357 = tpu.memref_squeeze %dma_start3A_356 : memref<1x8x128xi32, #tpu.memory_space<vmem>> -> memref<8x128xi32, #tpu.memory_space<vmem>>
      %dma_start3A_358 = arith.constant 0 : i32
      %dma_start3A_359 = tpu.memref_slice %dma_start3A_357[%dma_start3A_348, %dma_start3A_358] : memref<8x128xi32, #tpu.memory_space<vmem>> -> memref<1x128xi32, #tpu.memory_space<vmem>>
      %dma_start3A_360 = tpu.memref_squeeze %dma_start3A_359 : memref<1x128xi32, #tpu.memory_space<vmem>> -> memref<128xi32, #tpu.memory_space<vmem>>
      %dma_start3A_361 = arith.constant 0 : i32
      %dma_start3A_362 = arith.constant 0 : i32
      %dma_start3A_363 = tpu.memref_slice %arg2[%dma_start3A_361, %dma_start3A_362] : memref<10000x128xf32, #tpu.memory_space<hbm>> -> memref<10000x128xf32, #tpu.memory_space<hbm>>
      tpu.enqueue_indirect_dma source(%dma_start3A_363 : memref<10000x128xf32, #tpu.memory_space<hbm>>) target(%dma_start3A_353 : memref<128x128xf32, #tpu.memory_space<vmem>>) offsets(%dma_start3A_360 : memref<128xi32, #tpu.memory_space<vmem>>) semaphore(%arg11 : memref<!tpu.dma_semaphore, #tpu.memory_space<semaphore_mem>>)
      %run_scoped3A_364 = arith.constant 1 : i32
      %run_scoped3A_365 = arith.constant 0 : i32
      %run_scoped3A_366 = arith.constant 3 : i32
      "tpu.region"() ({
        %run_scoped3A_843 = tpu.sem_alloc : memref<!tpu.dma_semaphore, #tpu.memory_space<semaphore_mem>>
        %dma_start3A_844 = arith.constant 0 : i32
        %dma_start3A_845 = arith.constant 0 : i32
        %dma_start3A_846 = tpu.memref_slice %arg9[%run_scoped3A_364, %dma_start3A_844, %dma_start3A_845] : memref<2x128x128xf32, #tpu.memory_space<vmem>> -> memref<1x128x128xf32, #tpu.memory_space<vmem>>
        %dma_start3A_847 = tpu.memref_squeeze %dma_start3A_846 : memref<1x128x128xf32, #tpu.memory_space<vmem>> -> memref<128x128xf32, #tpu.memory_space<vmem>>
        %dma_start3A_848 = arith.constant 0 : i32
        %dma_start3A_849 = arith.constant 0 : i32
        %dma_start3A_850 = tpu.memref_slice %arg8[%run_scoped3A_365, %dma_start3A_848, %dma_start3A_849] : memref<2x8x128xi32, #tpu.memory_space<vmem>> -> memref<1x8x128xi32, #tpu.memory_space<vmem>>
        %dma_start3A_851 = tpu.memref_squeeze %dma_start3A_850 : memref<1x8x128xi32, #tpu.memory_space<vmem>> -> memref<8x128xi32, #tpu.memory_space<vmem>>
        %dma_start3A_852 = arith.constant 0 : i32
        %dma_start3A_853 = tpu.memref_slice %dma_start3A_851[%run_scoped3A_366, %dma_start3A_852] : memref<8x128xi32, #tpu.memory_space<vmem>> -> memref<1x128xi32, #tpu.memory_space<vmem>>
        %dma_start3A_854 = tpu.memref_squeeze %dma_start3A_853 : memref<1x128xi32, #tpu.memory_space<vmem>> -> memref<128xi32, #tpu.memory_space<vmem>>
        %dma_start3A_855 = arith.constant 0 : i32
        %dma_start3A_856 = arith.constant 0 : i32
        %dma_start3A_857 = tpu.memref_slice %arg10[%dma_start3A_855, %dma_start3A_856] : memref<10112x128xf32, #tpu.memory_space<vmem_shared>> -> memref<10112x128xf32, #tpu.memory_space<vmem_shared>>
        tpu.enqueue_indirect_dma source(%dma_start3A_847 : memref<128x128xf32, #tpu.memory_space<vmem>>) target(%dma_start3A_857 : memref<10112x128xf32, #tpu.memory_space<vmem_shared>>) offsets(%dma_start3A_854 : memref<128xi32, #tpu.memory_space<vmem>>) semaphore(%run_scoped3A_843 : memref<!tpu.dma_semaphore, #tpu.memory_space<semaphore_mem>>) {add = true}
        %dma_wait3A_858 = arith.constant 0 : i32
        %dma_wait3A_859 = arith.constant 0 : i32
        %dma_wait3A_860 = tpu.memref_slice %arg9[%run_scoped3A_364, %dma_wait3A_858, %dma_wait3A_859] : memref<2x128x128xf32, #tpu.memory_space<vmem>> -> memref<1x128x128xf32, #tpu.memory_space<vmem>>
        %dma_wait3A_861 = tpu.memref_squeeze %dma_wait3A_860 : memref<1x128x128xf32, #tpu.memory_space<vmem>> -> memref<128x128xf32, #tpu.memory_space<vmem>>
        %dma_wait3A_862 = arith.constant 0 : i32
        %dma_wait3A_863 = arith.constant 0 : i32
        %dma_wait3A_864 = tpu.memref_slice %arg8[%run_scoped3A_365, %dma_wait3A_862, %dma_wait3A_863] : memref<2x8x128xi32, #tpu.memory_space<vmem>> -> memref<1x8x128xi32, #tpu.memory_space<vmem>>
        %dma_wait3A_865 = tpu.memref_squeeze %dma_wait3A_864 : memref<1x8x128xi32, #tpu.memory_space<vmem>> -> memref<8x128xi32, #tpu.memory_space<vmem>>
        %dma_wait3A_866 = arith.constant 0 : i32
        %dma_wait3A_867 = tpu.memref_slice %dma_wait3A_865[%run_scoped3A_366, %dma_wait3A_866] : memref<8x128xi32, #tpu.memory_space<vmem>> -> memref<1x128xi32, #tpu.memory_space<vmem>>
        %dma_wait3A_868 = tpu.memref_squeeze %dma_wait3A_867 : memref<1x128xi32, #tpu.memory_space<vmem>> -> memref<128xi32, #tpu.memory_space<vmem>>
        %dma_wait3A_869 = arith.constant 0 : i32
        %dma_wait3A_870 = arith.constant 0 : i32
        %dma_wait3A_871 = tpu.memref_slice %arg10[%dma_wait3A_869, %dma_wait3A_870] : memref<10112x128xf32, #tpu.memory_space<vmem_shared>> -> memref<10112x128xf32, #tpu.memory_space<vmem_shared>>
        tpu.wait_indirect_dma semaphore(%run_scoped3A_843 : memref<!tpu.dma_semaphore, #tpu.memory_space<semaphore_mem>>) src(%dma_wait3A_861 : memref<128x128xf32, #tpu.memory_space<vmem>>) dst(%dma_wait3A_871 : memref<10112x128xf32, #tpu.memory_space<vmem_shared>>)
        tpu.yield
      }) : () -> ()
      %dma_wait3A_367 = arith.constant 0 : i32
      %dma_wait3A_368 = arith.constant 0 : i32
      %dma_wait3A_369 = arith.constant 0 : i32
      %dma_wait3A_370 = tpu.memref_slice %arg9[%dma_wait3A_367, %dma_wait3A_368, %dma_wait3A_369] : memref<2x128x128xf32, #tpu.memory_space<vmem>> -> memref<1x128x128xf32, #tpu.memory_space<vmem>>
      %dma_wait3A_371 = tpu.memref_squeeze %dma_wait3A_370 : memref<1x128x128xf32, #tpu.memory_space<vmem>> -> memref<128x128xf32, #tpu.memory_space<vmem>>
      %dma_wait3A_372 = arith.constant 0 : i32
      %dma_wait3A_373 = arith.constant 0 : i32
      %dma_wait3A_374 = tpu.memref_slice %arg2[%dma_wait3A_372, %dma_wait3A_373] : memref<10000x128xf32, #tpu.memory_space<hbm>> -> memref<128x128xf32, #tpu.memory_space<hbm>>
      %dma_wait3A_375 = arith.constant 0 : i32
      %dma_wait3A_376 = arith.constant 0 : i32
      %dma_wait3A_377 = tpu.memref_slice %arg9[%dma_wait3A_367, %dma_wait3A_375, %dma_wait3A_376] : memref<2x128x128xf32, #tpu.memory_space<vmem>> -> memref<1x128x128xf32, #tpu.memory_space<vmem>>
      %dma_wait3A_378 = tpu.memref_squeeze %dma_wait3A_377 : memref<1x128x128xf32, #tpu.memory_space<vmem>> -> memref<128x128xf32, #tpu.memory_space<vmem>>
      %dma_wait3A_379 = arith.constant 0 : i32
      %dma_wait3A_380 = arith.constant 0 : i32
      %dma_wait3A_381 = tpu.memref_slice %arg2[%dma_wait3A_379, %dma_wait3A_380] : memref<10000x128xf32, #tpu.memory_space<hbm>> -> memref<128x128xf32, #tpu.memory_space<hbm>>
      tpu.wait_dma2 semaphore(%arg11 : memref<!tpu.dma_semaphore, #tpu.memory_space<semaphore_mem>>) src(%dma_wait3A_381 : memref<128x128xf32, #tpu.memory_space<hbm>>) dst(%dma_wait3A_378 : memref<128x128xf32, #tpu.memory_space<vmem>>)
      %dma_start3A_382 = arith.constant 0 : i32
      %dma_start3A_383 = arith.constant 5 : i32
      %dma_start3A_384 = arith.constant 1 : i32
      %dma_start3A_385 = arith.constant 0 : i32
      %dma_start3A_386 = arith.constant 0 : i32
      %dma_start3A_387 = tpu.memref_slice %arg9[%dma_start3A_384, %dma_start3A_385, %dma_start3A_386] : memref<2x128x128xf32, #tpu.memory_space<vmem>> -> memref<1x128x128xf32, #tpu.memory_space<vmem>>
      %dma_start3A_388 = tpu.memref_squeeze %dma_start3A_387 : memref<1x128x128xf32, #tpu.memory_space<vmem>> -> memref<128x128xf32, #tpu.memory_space<vmem>>
      %dma_start3A_389 = arith.constant 0 : i32
      %dma_start3A_390 = arith.constant 0 : i32
      %dma_start3A_391 = tpu.memref_slice %arg7[%dma_start3A_382, %dma_start3A_389, %dma_start3A_390] : memref<2x8x128xi32, #tpu.memory_space<vmem>> -> memref<1x8x128xi32, #tpu.memory_space<vmem>>
      %dma_start3A_392 = tpu.memref_squeeze %dma_start3A_391 : memref<1x8x128xi32, #tpu.memory_space<vmem>> -> memref<8x128xi32, #tpu.memory_space<vmem>>
      %dma_start3A_393 = arith.constant 0 : i32
      %dma_start3A_394 = tpu.memref_slice %dma_start3A_392[%dma_start3A_383, %dma_start3A_393] : memref<8x128xi32, #tpu.memory_space<vmem>> -> memref<1x128xi32, #tpu.memory_space<vmem>>
      %dma_start3A_395 = tpu.memref_squeeze %dma_start3A_394 : memref<1x128xi32, #tpu.memory_space<vmem>> -> memref<128xi32, #tpu.memory_space<vmem>>
      %dma_start3A_396 = arith.constant 0 : i32
      %dma_start3A_397 = arith.constant 0 : i32
      %dma_start3A_398 = tpu.memref_slice %arg2[%dma_start3A_396, %dma_start3A_397] : memref<10000x128xf32, #tpu.memory_space<hbm>> -> memref<10000x128xf32, #tpu.memory_space<hbm>>
      tpu.enqueue_indirect_dma source(%dma_start3A_398 : memref<10000x128xf32, #tpu.memory_space<hbm>>) target(%dma_start3A_388 : memref<128x128xf32, #tpu.memory_space<vmem>>) offsets(%dma_start3A_395 : memref<128xi32, #tpu.memory_space<vmem>>) semaphore(%arg12 : memref<!tpu.dma_semaphore, #tpu.memory_space<semaphore_mem>>)
      %run_scoped3A_399 = arith.constant 0 : i32
      %run_scoped3A_400 = arith.constant 0 : i32
      %run_scoped3A_401 = arith.constant 4 : i32
      "tpu.region"() ({
        %run_scoped3A_843 = tpu.sem_alloc : memref<!tpu.dma_semaphore, #tpu.memory_space<semaphore_mem>>
        %dma_start3A_844 = arith.constant 0 : i32
        %dma_start3A_845 = arith.constant 0 : i32
        %dma_start3A_846 = tpu.memref_slice %arg9[%run_scoped3A_399, %dma_start3A_844, %dma_start3A_845] : memref<2x128x128xf32, #tpu.memory_space<vmem>> -> memref<1x128x128xf32, #tpu.memory_space<vmem>>
        %dma_start3A_847 = tpu.memref_squeeze %dma_start3A_846 : memref<1x128x128xf32, #tpu.memory_space<vmem>> -> memref<128x128xf32, #tpu.memory_space<vmem>>
        %dma_start3A_848 = arith.constant 0 : i32
        %dma_start3A_849 = arith.constant 0 : i32
        %dma_start3A_850 = tpu.memref_slice %arg8[%run_scoped3A_400, %dma_start3A_848, %dma_start3A_849] : memref<2x8x128xi32, #tpu.memory_space<vmem>> -> memref<1x8x128xi32, #tpu.memory_space<vmem>>
        %dma_start3A_851 = tpu.memref_squeeze %dma_start3A_850 : memref<1x8x128xi32, #tpu.memory_space<vmem>> -> memref<8x128xi32, #tpu.memory_space<vmem>>
        %dma_start3A_852 = arith.constant 0 : i32
        %dma_start3A_853 = tpu.memref_slice %dma_start3A_851[%run_scoped3A_401, %dma_start3A_852] : memref<8x128xi32, #tpu.memory_space<vmem>> -> memref<1x128xi32, #tpu.memory_space<vmem>>
        %dma_start3A_854 = tpu.memref_squeeze %dma_start3A_853 : memref<1x128xi32, #tpu.memory_space<vmem>> -> memref<128xi32, #tpu.memory_space<vmem>>
        %dma_start3A_855 = arith.constant 0 : i32
        %dma_start3A_856 = arith.constant 0 : i32
        %dma_start3A_857 = tpu.memref_slice %arg10[%dma_start3A_855, %dma_start3A_856] : memref<10112x128xf32, #tpu.memory_space<vmem_shared>> -> memref<10112x128xf32, #tpu.memory_space<vmem_shared>>
        tpu.enqueue_indirect_dma source(%dma_start3A_847 : memref<128x128xf32, #tpu.memory_space<vmem>>) target(%dma_start3A_857 : memref<10112x128xf32, #tpu.memory_space<vmem_shared>>) offsets(%dma_start3A_854 : memref<128xi32, #tpu.memory_space<vmem>>) semaphore(%run_scoped3A_843 : memref<!tpu.dma_semaphore, #tpu.memory_space<semaphore_mem>>) {add = true}
        %dma_wait3A_858 = arith.constant 0 : i32
        %dma_wait3A_859 = arith.constant 0 : i32
        %dma_wait3A_860 = tpu.memref_slice %arg9[%run_scoped3A_399, %dma_wait3A_858, %dma_wait3A_859] : memref<2x128x128xf32, #tpu.memory_space<vmem>> -> memref<1x128x128xf32, #tpu.memory_space<vmem>>
        %dma_wait3A_861 = tpu.memref_squeeze %dma_wait3A_860 : memref<1x128x128xf32, #tpu.memory_space<vmem>> -> memref<128x128xf32, #tpu.memory_space<vmem>>
        %dma_wait3A_862 = arith.constant 0 : i32
        %dma_wait3A_863 = arith.constant 0 : i32
        %dma_wait3A_864 = tpu.memref_slice %arg8[%run_scoped3A_400, %dma_wait3A_862, %dma_wait3A_863] : memref<2x8x128xi32, #tpu.memory_space<vmem>> -> memref<1x8x128xi32, #tpu.memory_space<vmem>>
        %dma_wait3A_865 = tpu.memref_squeeze %dma_wait3A_864 : memref<1x8x128xi32, #tpu.memory_space<vmem>> -> memref<8x128xi32, #tpu.memory_space<vmem>>
        %dma_wait3A_866 = arith.constant 0 : i32
        %dma_wait3A_867 = tpu.memref_slice %dma_wait3A_865[%run_scoped3A_401, %dma_wait3A_866] : memref<8x128xi32, #tpu.memory_space<vmem>> -> memref<1x128xi32, #tpu.memory_space<vmem>>
        %dma_wait3A_868 = tpu.memref_squeeze %dma_wait3A_867 : memref<1x128xi32, #tpu.memory_space<vmem>> -> memref<128xi32, #tpu.memory_space<vmem>>
        %dma_wait3A_869 = arith.constant 0 : i32
        %dma_wait3A_870 = arith.constant 0 : i32
        %dma_wait3A_871 = tpu.memref_slice %arg10[%dma_wait3A_869, %dma_wait3A_870] : memref<10112x128xf32, #tpu.memory_space<vmem_shared>> -> memref<10112x128xf32, #tpu.memory_space<vmem_shared>>
        tpu.wait_indirect_dma semaphore(%run_scoped3A_843 : memref<!tpu.dma_semaphore, #tpu.memory_space<semaphore_mem>>) src(%dma_wait3A_861 : memref<128x128xf32, #tpu.memory_space<vmem>>) dst(%dma_wait3A_871 : memref<10112x128xf32, #tpu.memory_space<vmem_shared>>)
        tpu.yield
      }) : () -> ()
      %dma_wait3A_402 = arith.constant 1 : i32
      %dma_wait3A_403 = arith.constant 0 : i32
      %dma_wait3A_404 = arith.constant 0 : i32
      %dma_wait3A_405 = tpu.memref_slice %arg9[%dma_wait3A_402, %dma_wait3A_403, %dma_wait3A_404] : memref<2x128x128xf32, #tpu.memory_space<vmem>> -> memref<1x128x128xf32, #tpu.memory_space<vmem>>
      %dma_wait3A_406 = tpu.memref_squeeze %dma_wait3A_405 : memref<1x128x128xf32, #tpu.memory_space<vmem>> -> memref<128x128xf32, #tpu.memory_space<vmem>>
      %dma_wait3A_407 = arith.constant 0 : i32
      %dma_wait3A_408 = arith.constant 0 : i32
      %dma_wait3A_409 = tpu.memref_slice %arg2[%dma_wait3A_407, %dma_wait3A_408] : memref<10000x128xf32, #tpu.memory_space<hbm>> -> memref<128x128xf32, #tpu.memory_space<hbm>>
      %dma_wait3A_410 = arith.constant 0 : i32
      %dma_wait3A_411 = arith.constant 0 : i32
      %dma_wait3A_412 = tpu.memref_slice %arg9[%dma_wait3A_402, %dma_wait3A_410, %dma_wait3A_411] : memref<2x128x128xf32, #tpu.memory_space<vmem>> -> memref<1x128x128xf32, #tpu.memory_space<vmem>>
      %dma_wait3A_413 = tpu.memref_squeeze %dma_wait3A_412 : memref<1x128x128xf32, #tpu.memory_space<vmem>> -> memref<128x128xf32, #tpu.memory_space<vmem>>
      %dma_wait3A_414 = arith.constant 0 : i32
      %dma_wait3A_415 = arith.constant 0 : i32
      %dma_wait3A_416 = tpu.memref_slice %arg2[%dma_wait3A_414, %dma_wait3A_415] : memref<10000x128xf32, #tpu.memory_space<hbm>> -> memref<128x128xf32, #tpu.memory_space<hbm>>
      tpu.wait_dma2 semaphore(%arg12 : memref<!tpu.dma_semaphore, #tpu.memory_space<semaphore_mem>>) src(%dma_wait3A_416 : memref<128x128xf32, #tpu.memory_space<hbm>>) dst(%dma_wait3A_413 : memref<128x128xf32, #tpu.memory_space<vmem>>)
      %dma_start3A_417 = arith.constant 0 : i32
      %dma_start3A_418 = arith.constant 6 : i32
      %dma_start3A_419 = arith.constant 0 : i32
      %dma_start3A_420 = arith.constant 0 : i32
      %dma_start3A_421 = arith.constant 0 : i32
      %dma_start3A_422 = tpu.memref_slice %arg9[%dma_start3A_419, %dma_start3A_420, %dma_start3A_421] : memref<2x128x128xf32, #tpu.memory_space<vmem>> -> memref<1x128x128xf32, #tpu.memory_space<vmem>>
      %dma_start3A_423 = tpu.memref_squeeze %dma_start3A_422 : memref<1x128x128xf32, #tpu.memory_space<vmem>> -> memref<128x128xf32, #tpu.memory_space<vmem>>
      %dma_start3A_424 = arith.constant 0 : i32
      %dma_start3A_425 = arith.constant 0 : i32
      %dma_start3A_426 = tpu.memref_slice %arg7[%dma_start3A_417, %dma_start3A_424, %dma_start3A_425] : memref<2x8x128xi32, #tpu.memory_space<vmem>> -> memref<1x8x128xi32, #tpu.memory_space<vmem>>
      %dma_start3A_427 = tpu.memref_squeeze %dma_start3A_426 : memref<1x8x128xi32, #tpu.memory_space<vmem>> -> memref<8x128xi32, #tpu.memory_space<vmem>>
      %dma_start3A_428 = arith.constant 0 : i32
      %dma_start3A_429 = tpu.memref_slice %dma_start3A_427[%dma_start3A_418, %dma_start3A_428] : memref<8x128xi32, #tpu.memory_space<vmem>> -> memref<1x128xi32, #tpu.memory_space<vmem>>
      %dma_start3A_430 = tpu.memref_squeeze %dma_start3A_429 : memref<1x128xi32, #tpu.memory_space<vmem>> -> memref<128xi32, #tpu.memory_space<vmem>>
      %dma_start3A_431 = arith.constant 0 : i32
      %dma_start3A_432 = arith.constant 0 : i32
      %dma_start3A_433 = tpu.memref_slice %arg2[%dma_start3A_431, %dma_start3A_432] : memref<10000x128xf32, #tpu.memory_space<hbm>> -> memref<10000x128xf32, #tpu.memory_space<hbm>>
      tpu.enqueue_indirect_dma source(%dma_start3A_433 : memref<10000x128xf32, #tpu.memory_space<hbm>>) target(%dma_start3A_423 : memref<128x128xf32, #tpu.memory_space<vmem>>) offsets(%dma_start3A_430 : memref<128xi32, #tpu.memory_space<vmem>>) semaphore(%arg11 : memref<!tpu.dma_semaphore, #tpu.memory_space<semaphore_mem>>)
      %run_scoped3A_434 = arith.constant 1 : i32
      %run_scoped3A_435 = arith.constant 0 : i32
      %run_scoped3A_436 = arith.constant 5 : i32
      "tpu.region"() ({
        %run_scoped3A_843 = tpu.sem_alloc : memref<!tpu.dma_semaphore, #tpu.memory_space<semaphore_mem>>
        %dma_start3A_844 = arith.constant 0 : i32
        %dma_start3A_845 = arith.constant 0 : i32
        %dma_start3A_846 = tpu.memref_slice %arg9[%run_scoped3A_434, %dma_start3A_844, %dma_start3A_845] : memref<2x128x128xf32, #tpu.memory_space<vmem>> -> memref<1x128x128xf32, #tpu.memory_space<vmem>>
        %dma_start3A_847 = tpu.memref_squeeze %dma_start3A_846 : memref<1x128x128xf32, #tpu.memory_space<vmem>> -> memref<128x128xf32, #tpu.memory_space<vmem>>
        %dma_start3A_848 = arith.constant 0 : i32
        %dma_start3A_849 = arith.constant 0 : i32
        %dma_start3A_850 = tpu.memref_slice %arg8[%run_scoped3A_435, %dma_start3A_848, %dma_start3A_849] : memref<2x8x128xi32, #tpu.memory_space<vmem>> -> memref<1x8x128xi32, #tpu.memory_space<vmem>>
        %dma_start3A_851 = tpu.memref_squeeze %dma_start3A_850 : memref<1x8x128xi32, #tpu.memory_space<vmem>> -> memref<8x128xi32, #tpu.memory_space<vmem>>
        %dma_start3A_852 = arith.constant 0 : i32
        %dma_start3A_853 = tpu.memref_slice %dma_start3A_851[%run_scoped3A_436, %dma_start3A_852] : memref<8x128xi32, #tpu.memory_space<vmem>> -> memref<1x128xi32, #tpu.memory_space<vmem>>
        %dma_start3A_854 = tpu.memref_squeeze %dma_start3A_853 : memref<1x128xi32, #tpu.memory_space<vmem>> -> memref<128xi32, #tpu.memory_space<vmem>>
        %dma_start3A_855 = arith.constant 0 : i32
        %dma_start3A_856 = arith.constant 0 : i32
        %dma_start3A_857 = tpu.memref_slice %arg10[%dma_start3A_855, %dma_start3A_856] : memref<10112x128xf32, #tpu.memory_space<vmem_shared>> -> memref<10112x128xf32, #tpu.memory_space<vmem_shared>>
        tpu.enqueue_indirect_dma source(%dma_start3A_847 : memref<128x128xf32, #tpu.memory_space<vmem>>) target(%dma_start3A_857 : memref<10112x128xf32, #tpu.memory_space<vmem_shared>>) offsets(%dma_start3A_854 : memref<128xi32, #tpu.memory_space<vmem>>) semaphore(%run_scoped3A_843 : memref<!tpu.dma_semaphore, #tpu.memory_space<semaphore_mem>>) {add = true}
        %dma_wait3A_858 = arith.constant 0 : i32
        %dma_wait3A_859 = arith.constant 0 : i32
        %dma_wait3A_860 = tpu.memref_slice %arg9[%run_scoped3A_434, %dma_wait3A_858, %dma_wait3A_859] : memref<2x128x128xf32, #tpu.memory_space<vmem>> -> memref<1x128x128xf32, #tpu.memory_space<vmem>>
        %dma_wait3A_861 = tpu.memref_squeeze %dma_wait3A_860 : memref<1x128x128xf32, #tpu.memory_space<vmem>> -> memref<128x128xf32, #tpu.memory_space<vmem>>
        %dma_wait3A_862 = arith.constant 0 : i32
        %dma_wait3A_863 = arith.constant 0 : i32
        %dma_wait3A_864 = tpu.memref_slice %arg8[%run_scoped3A_435, %dma_wait3A_862, %dma_wait3A_863] : memref<2x8x128xi32, #tpu.memory_space<vmem>> -> memref<1x8x128xi32, #tpu.memory_space<vmem>>
        %dma_wait3A_865 = tpu.memref_squeeze %dma_wait3A_864 : memref<1x8x128xi32, #tpu.memory_space<vmem>> -> memref<8x128xi32, #tpu.memory_space<vmem>>
        %dma_wait3A_866 = arith.constant 0 : i32
        %dma_wait3A_867 = tpu.memref_slice %dma_wait3A_865[%run_scoped3A_436, %dma_wait3A_866] : memref<8x128xi32, #tpu.memory_space<vmem>> -> memref<1x128xi32, #tpu.memory_space<vmem>>
        %dma_wait3A_868 = tpu.memref_squeeze %dma_wait3A_867 : memref<1x128xi32, #tpu.memory_space<vmem>> -> memref<128xi32, #tpu.memory_space<vmem>>
        %dma_wait3A_869 = arith.constant 0 : i32
        %dma_wait3A_870 = arith.constant 0 : i32
        %dma_wait3A_871 = tpu.memref_slice %arg10[%dma_wait3A_869, %dma_wait3A_870] : memref<10112x128xf32, #tpu.memory_space<vmem_shared>> -> memref<10112x128xf32, #tpu.memory_space<vmem_shared>>
        tpu.wait_indirect_dma semaphore(%run_scoped3A_843 : memref<!tpu.dma_semaphore, #tpu.memory_space<semaphore_mem>>) src(%dma_wait3A_861 : memref<128x128xf32, #tpu.memory_space<vmem>>) dst(%dma_wait3A_871 : memref<10112x128xf32, #tpu.memory_space<vmem_shared>>)
        tpu.yield
      }) : () -> ()
      %dma_wait3A_437 = arith.constant 0 : i32
      %dma_wait3A_438 = arith.constant 0 : i32
      %dma_wait3A_439 = arith.constant 0 : i32
      %dma_wait3A_440 = tpu.memref_slice %arg9[%dma_wait3A_437, %dma_wait3A_438, %dma_wait3A_439] : memref<2x128x128xf32, #tpu.memory_space<vmem>> -> memref<1x128x128xf32, #tpu.memory_space<vmem>>
      %dma_wait3A_441 = tpu.memref_squeeze %dma_wait3A_440 : memref<1x128x128xf32, #tpu.memory_space<vmem>> -> memref<128x128xf32, #tpu.memory_space<vmem>>
      %dma_wait3A_442 = arith.constant 0 : i32
      %dma_wait3A_443 = arith.constant 0 : i32
      %dma_wait3A_444 = tpu.memref_slice %arg2[%dma_wait3A_442, %dma_wait3A_443] : memref<10000x128xf32, #tpu.memory_space<hbm>> -> memref<128x128xf32, #tpu.memory_space<hbm>>
      %dma_wait3A_445 = arith.constant 0 : i32
      %dma_wait3A_446 = arith.constant 0 : i32
      %dma_wait3A_447 = tpu.memref_slice %arg9[%dma_wait3A_437, %dma_wait3A_445, %dma_wait3A_446] : memref<2x128x128xf32, #tpu.memory_space<vmem>> -> memref<1x128x128xf32, #tpu.memory_space<vmem>>
      %dma_wait3A_448 = tpu.memref_squeeze %dma_wait3A_447 : memref<1x128x128xf32, #tpu.memory_space<vmem>> -> memref<128x128xf32, #tpu.memory_space<vmem>>
      %dma_wait3A_449 = arith.constant 0 : i32
      %dma_wait3A_450 = arith.constant 0 : i32
      %dma_wait3A_451 = tpu.memref_slice %arg2[%dma_wait3A_449, %dma_wait3A_450] : memref<10000x128xf32, #tpu.memory_space<hbm>> -> memref<128x128xf32, #tpu.memory_space<hbm>>
      tpu.wait_dma2 semaphore(%arg11 : memref<!tpu.dma_semaphore, #tpu.memory_space<semaphore_mem>>) src(%dma_wait3A_451 : memref<128x128xf32, #tpu.memory_space<hbm>>) dst(%dma_wait3A_448 : memref<128x128xf32, #tpu.memory_space<vmem>>)
      %dma_start3A_452 = arith.constant 0 : i32
      %dma_start3A_453 = arith.constant 7 : i32
      %dma_start3A_454 = arith.constant 1 : i32
      %dma_start3A_455 = arith.constant 0 : i32
      %dma_start3A_456 = arith.constant 0 : i32
      %dma_start3A_457 = tpu.memref_slice %arg9[%dma_start3A_454, %dma_start3A_455, %dma_start3A_456] : memref<2x128x128xf32, #tpu.memory_space<vmem>> -> memref<1x128x128xf32, #tpu.memory_space<vmem>>
      %dma_start3A_458 = tpu.memref_squeeze %dma_start3A_457 : memref<1x128x128xf32, #tpu.memory_space<vmem>> -> memref<128x128xf32, #tpu.memory_space<vmem>>
      %dma_start3A_459 = arith.constant 0 : i32
      %dma_start3A_460 = arith.constant 0 : i32
      %dma_start3A_461 = tpu.memref_slice %arg7[%dma_start3A_452, %dma_start3A_459, %dma_start3A_460] : memref<2x8x128xi32, #tpu.memory_space<vmem>> -> memref<1x8x128xi32, #tpu.memory_space<vmem>>
      %dma_start3A_462 = tpu.memref_squeeze %dma_start3A_461 : memref<1x8x128xi32, #tpu.memory_space<vmem>> -> memref<8x128xi32, #tpu.memory_space<vmem>>
      %dma_start3A_463 = arith.constant 0 : i32
      %dma_start3A_464 = tpu.memref_slice %dma_start3A_462[%dma_start3A_453, %dma_start3A_463] : memref<8x128xi32, #tpu.memory_space<vmem>> -> memref<1x128xi32, #tpu.memory_space<vmem>>
      %dma_start3A_465 = tpu.memref_squeeze %dma_start3A_464 : memref<1x128xi32, #tpu.memory_space<vmem>> -> memref<128xi32, #tpu.memory_space<vmem>>
      %dma_start3A_466 = arith.constant 0 : i32
      %dma_start3A_467 = arith.constant 0 : i32
      %dma_start3A_468 = tpu.memref_slice %arg2[%dma_start3A_466, %dma_start3A_467] : memref<10000x128xf32, #tpu.memory_space<hbm>> -> memref<10000x128xf32, #tpu.memory_space<hbm>>
      tpu.enqueue_indirect_dma source(%dma_start3A_468 : memref<10000x128xf32, #tpu.memory_space<hbm>>) target(%dma_start3A_458 : memref<128x128xf32, #tpu.memory_space<vmem>>) offsets(%dma_start3A_465 : memref<128xi32, #tpu.memory_space<vmem>>) semaphore(%arg12 : memref<!tpu.dma_semaphore, #tpu.memory_space<semaphore_mem>>)
      %run_scoped3A_469 = arith.constant 0 : i32
      %run_scoped3A_470 = arith.constant 0 : i32
      %run_scoped3A_471 = arith.constant 6 : i32
      "tpu.region"() ({
        %run_scoped3A_843 = tpu.sem_alloc : memref<!tpu.dma_semaphore, #tpu.memory_space<semaphore_mem>>
        %dma_start3A_844 = arith.constant 0 : i32
        %dma_start3A_845 = arith.constant 0 : i32
        %dma_start3A_846 = tpu.memref_slice %arg9[%run_scoped3A_469, %dma_start3A_844, %dma_start3A_845] : memref<2x128x128xf32, #tpu.memory_space<vmem>> -> memref<1x128x128xf32, #tpu.memory_space<vmem>>
        %dma_start3A_847 = tpu.memref_squeeze %dma_start3A_846 : memref<1x128x128xf32, #tpu.memory_space<vmem>> -> memref<128x128xf32, #tpu.memory_space<vmem>>
        %dma_start3A_848 = arith.constant 0 : i32
        %dma_start3A_849 = arith.constant 0 : i32
        %dma_start3A_850 = tpu.memref_slice %arg8[%run_scoped3A_470, %dma_start3A_848, %dma_start3A_849] : memref<2x8x128xi32, #tpu.memory_space<vmem>> -> memref<1x8x128xi32, #tpu.memory_space<vmem>>
        %dma_start3A_851 = tpu.memref_squeeze %dma_start3A_850 : memref<1x8x128xi32, #tpu.memory_space<vmem>> -> memref<8x128xi32, #tpu.memory_space<vmem>>
        %dma_start3A_852 = arith.constant 0 : i32
        %dma_start3A_853 = tpu.memref_slice %dma_start3A_851[%run_scoped3A_471, %dma_start3A_852] : memref<8x128xi32, #tpu.memory_space<vmem>> -> memref<1x128xi32, #tpu.memory_space<vmem>>
        %dma_start3A_854 = tpu.memref_squeeze %dma_start3A_853 : memref<1x128xi32, #tpu.memory_space<vmem>> -> memref<128xi32, #tpu.memory_space<vmem>>
        %dma_start3A_855 = arith.constant 0 : i32
        %dma_start3A_856 = arith.constant 0 : i32
        %dma_start3A_857 = tpu.memref_slice %arg10[%dma_start3A_855, %dma_start3A_856] : memref<10112x128xf32, #tpu.memory_space<vmem_shared>> -> memref<10112x128xf32, #tpu.memory_space<vmem_shared>>
        tpu.enqueue_indirect_dma source(%dma_start3A_847 : memref<128x128xf32, #tpu.memory_space<vmem>>) target(%dma_start3A_857 : memref<10112x128xf32, #tpu.memory_space<vmem_shared>>) offsets(%dma_start3A_854 : memref<128xi32, #tpu.memory_space<vmem>>) semaphore(%run_scoped3A_843 : memref<!tpu.dma_semaphore, #tpu.memory_space<semaphore_mem>>) {add = true}
        %dma_wait3A_858 = arith.constant 0 : i32
        %dma_wait3A_859 = arith.constant 0 : i32
        %dma_wait3A_860 = tpu.memref_slice %arg9[%run_scoped3A_469, %dma_wait3A_858, %dma_wait3A_859] : memref<2x128x128xf32, #tpu.memory_space<vmem>> -> memref<1x128x128xf32, #tpu.memory_space<vmem>>
        %dma_wait3A_861 = tpu.memref_squeeze %dma_wait3A_860 : memref<1x128x128xf32, #tpu.memory_space<vmem>> -> memref<128x128xf32, #tpu.memory_space<vmem>>
        %dma_wait3A_862 = arith.constant 0 : i32
        %dma_wait3A_863 = arith.constant 0 : i32
        %dma_wait3A_864 = tpu.memref_slice %arg8[%run_scoped3A_470, %dma_wait3A_862, %dma_wait3A_863] : memref<2x8x128xi32, #tpu.memory_space<vmem>> -> memref<1x8x128xi32, #tpu.memory_space<vmem>>
        %dma_wait3A_865 = tpu.memref_squeeze %dma_wait3A_864 : memref<1x8x128xi32, #tpu.memory_space<vmem>> -> memref<8x128xi32, #tpu.memory_space<vmem>>
        %dma_wait3A_866 = arith.constant 0 : i32
        %dma_wait3A_867 = tpu.memref_slice %dma_wait3A_865[%run_scoped3A_471, %dma_wait3A_866] : memref<8x128xi32, #tpu.memory_space<vmem>> -> memref<1x128xi32, #tpu.memory_space<vmem>>
        %dma_wait3A_868 = tpu.memref_squeeze %dma_wait3A_867 : memref<1x128xi32, #tpu.memory_space<vmem>> -> memref<128xi32, #tpu.memory_space<vmem>>
        %dma_wait3A_869 = arith.constant 0 : i32
        %dma_wait3A_870 = arith.constant 0 : i32
        %dma_wait3A_871 = tpu.memref_slice %arg10[%dma_wait3A_869, %dma_wait3A_870] : memref<10112x128xf32, #tpu.memory_space<vmem_shared>> -> memref<10112x128xf32, #tpu.memory_space<vmem_shared>>
        tpu.wait_indirect_dma semaphore(%run_scoped3A_843 : memref<!tpu.dma_semaphore, #tpu.memory_space<semaphore_mem>>) src(%dma_wait3A_861 : memref<128x128xf32, #tpu.memory_space<vmem>>) dst(%dma_wait3A_871 : memref<10112x128xf32, #tpu.memory_space<vmem_shared>>)
        tpu.yield
      }) : () -> ()
      %dma_wait3A_472 = arith.constant 1 : i32
      %dma_wait3A_473 = arith.constant 0 : i32
      %dma_wait3A_474 = arith.constant 0 : i32
      %dma_wait3A_475 = tpu.memref_slice %arg9[%dma_wait3A_472, %dma_wait3A_473, %dma_wait3A_474] : memref<2x128x128xf32, #tpu.memory_space<vmem>> -> memref<1x128x128xf32, #tpu.memory_space<vmem>>
      %dma_wait3A_476 = tpu.memref_squeeze %dma_wait3A_475 : memref<1x128x128xf32, #tpu.memory_space<vmem>> -> memref<128x128xf32, #tpu.memory_space<vmem>>
      %dma_wait3A_477 = arith.constant 0 : i32
      %dma_wait3A_478 = arith.constant 0 : i32
      %dma_wait3A_479 = tpu.memref_slice %arg2[%dma_wait3A_477, %dma_wait3A_478] : memref<10000x128xf32, #tpu.memory_space<hbm>> -> memref<128x128xf32, #tpu.memory_space<hbm>>
      %dma_wait3A_480 = arith.constant 0 : i32
      %dma_wait3A_481 = arith.constant 0 : i32
      %dma_wait3A_482 = tpu.memref_slice %arg9[%dma_wait3A_472, %dma_wait3A_480, %dma_wait3A_481] : memref<2x128x128xf32, #tpu.memory_space<vmem>> -> memref<1x128x128xf32, #tpu.memory_space<vmem>>
      %dma_wait3A_483 = tpu.memref_squeeze %dma_wait3A_482 : memref<1x128x128xf32, #tpu.memory_space<vmem>> -> memref<128x128xf32, #tpu.memory_space<vmem>>
      %dma_wait3A_484 = arith.constant 0 : i32
      %dma_wait3A_485 = arith.constant 0 : i32
      %dma_wait3A_486 = tpu.memref_slice %arg2[%dma_wait3A_484, %dma_wait3A_485] : memref<10000x128xf32, #tpu.memory_space<hbm>> -> memref<128x128xf32, #tpu.memory_space<hbm>>
      tpu.wait_dma2 semaphore(%arg12 : memref<!tpu.dma_semaphore, #tpu.memory_space<semaphore_mem>>) src(%dma_wait3A_486 : memref<128x128xf32, #tpu.memory_space<hbm>>) dst(%dma_wait3A_483 : memref<128x128xf32, #tpu.memory_space<vmem>>)
      %dma_wait3A_487 = arith.constant 1 : i32
      %dma_wait3A_488 = arith.constant 0 : i32
      %dma_wait3A_489 = arith.constant 0 : i32
      %dma_wait3A_490 = tpu.memref_slice %arg7[%dma_wait3A_487, %dma_wait3A_488, %dma_wait3A_489] : memref<2x8x128xi32, #tpu.memory_space<vmem>> -> memref<1x8x128xi32, #tpu.memory_space<vmem>>
      %dma_wait3A_491 = tpu.memref_squeeze %dma_wait3A_490 : memref<1x8x128xi32, #tpu.memory_space<vmem>> -> memref<8x128xi32, #tpu.memory_space<vmem>>
      %dma_wait3A_492 = arith.constant 0 : i32
      %dma_wait3A_493 = arith.constant 0 : i32
      %dma_wait3A_494 = arith.constant 0 : i32
      %dma_wait3A_495 = tpu.memref_slice %arg3[%arg0, %dma_wait3A_492, %dma_wait3A_493, %dma_wait3A_494] : memref<2x16x80x128xi32, #tpu.memory_space<hbm>> -> memref<1x16x80x128xi32, #tpu.memory_space<hbm>>
      %dma_wait3A_496 = tpu.memref_squeeze %dma_wait3A_495 : memref<1x16x80x128xi32, #tpu.memory_space<hbm>> -> memref<16x80x128xi32, #tpu.memory_space<hbm>>
      %dma_wait3A_497 = arith.constant 0 : i32
      %dma_wait3A_498 = arith.constant 0 : i32
      %dma_wait3A_499 = tpu.memref_slice %dma_wait3A_496[%arg1, %dma_wait3A_497, %dma_wait3A_498] : memref<16x80x128xi32, #tpu.memory_space<hbm>> -> memref<1x80x128xi32, #tpu.memory_space<hbm>>
      %dma_wait3A_500 = tpu.memref_squeeze %dma_wait3A_499 : memref<1x80x128xi32, #tpu.memory_space<hbm>> -> memref<80x128xi32, #tpu.memory_space<hbm>>
      %dma_wait3A_501 = arith.constant 0 : i32
      %dma_wait3A_502 = arith.constant 0 : i32
      %dma_wait3A_503 = tpu.memref_slice %dma_wait3A_500[%dma_wait3A_501, %dma_wait3A_502] : memref<80x128xi32, #tpu.memory_space<hbm>> -> memref<8x128xi32, #tpu.memory_space<hbm>>
      %dma_wait3A_504 = arith.constant 0 : i32
      %dma_wait3A_505 = arith.constant 0 : i32
      %dma_wait3A_506 = tpu.memref_slice %arg7[%dma_wait3A_487, %dma_wait3A_504, %dma_wait3A_505] : memref<2x8x128xi32, #tpu.memory_space<vmem>> -> memref<1x8x128xi32, #tpu.memory_space<vmem>>
      %dma_wait3A_507 = tpu.memref_squeeze %dma_wait3A_506 : memref<1x8x128xi32, #tpu.memory_space<vmem>> -> memref<8x128xi32, #tpu.memory_space<vmem>>
      %dma_wait3A_508 = arith.constant 0 : i32
      %dma_wait3A_509 = arith.constant 0 : i32
      %dma_wait3A_510 = arith.constant 0 : i32
      %dma_wait3A_511 = tpu.memref_slice %arg3[%arg0, %dma_wait3A_508, %dma_wait3A_509, %dma_wait3A_510] : memref<2x16x80x128xi32, #tpu.memory_space<hbm>> -> memref<1x16x80x128xi32, #tpu.memory_space<hbm>>
      %dma_wait3A_512 = tpu.memref_squeeze %dma_wait3A_511 : memref<1x16x80x128xi32, #tpu.memory_space<hbm>> -> memref<16x80x128xi32, #tpu.memory_space<hbm>>
      %dma_wait3A_513 = arith.constant 0 : i32
      %dma_wait3A_514 = arith.constant 0 : i32
      %dma_wait3A_515 = tpu.memref_slice %dma_wait3A_512[%arg1, %dma_wait3A_513, %dma_wait3A_514] : memref<16x80x128xi32, #tpu.memory_space<hbm>> -> memref<1x80x128xi32, #tpu.memory_space<hbm>>
      %dma_wait3A_516 = tpu.memref_squeeze %dma_wait3A_515 : memref<1x80x128xi32, #tpu.memory_space<hbm>> -> memref<80x128xi32, #tpu.memory_space<hbm>>
      %dma_wait3A_517 = arith.constant 0 : i32
      %dma_wait3A_518 = arith.constant 0 : i32
      %dma_wait3A_519 = tpu.memref_slice %dma_wait3A_516[%dma_wait3A_517, %dma_wait3A_518] : memref<80x128xi32, #tpu.memory_space<hbm>> -> memref<8x128xi32, #tpu.memory_space<hbm>>
      tpu.wait_dma2 semaphore(%arg16 : memref<!tpu.dma_semaphore, #tpu.memory_space<semaphore_mem>>) src(%dma_wait3A_519 : memref<8x128xi32, #tpu.memory_space<hbm>>) dst(%dma_wait3A_507 : memref<8x128xi32, #tpu.memory_space<vmem>>)
      %dma_start3A_520 = arith.constant 1 : i32
      %dma_start3A_521 = arith.constant 0 : i32
      %dma_start3A_522 = arith.constant 0 : i32
      %dma_start3A_523 = arith.constant 0 : i32
      %dma_start3A_524 = arith.constant 0 : i32
      %dma_start3A_525 = tpu.memref_slice %arg9[%dma_start3A_522, %dma_start3A_523, %dma_start3A_524] : memref<2x128x128xf32, #tpu.memory_space<vmem>> -> memref<1x128x128xf32, #tpu.memory_space<vmem>>
      %dma_start3A_526 = tpu.memref_squeeze %dma_start3A_525 : memref<1x128x128xf32, #tpu.memory_space<vmem>> -> memref<128x128xf32, #tpu.memory_space<vmem>>
      %dma_start3A_527 = arith.constant 0 : i32
      %dma_start3A_528 = arith.constant 0 : i32
      %dma_start3A_529 = tpu.memref_slice %arg7[%dma_start3A_520, %dma_start3A_527, %dma_start3A_528] : memref<2x8x128xi32, #tpu.memory_space<vmem>> -> memref<1x8x128xi32, #tpu.memory_space<vmem>>
      %dma_start3A_530 = tpu.memref_squeeze %dma_start3A_529 : memref<1x8x128xi32, #tpu.memory_space<vmem>> -> memref<8x128xi32, #tpu.memory_space<vmem>>
      %dma_start3A_531 = arith.constant 0 : i32
      %dma_start3A_532 = tpu.memref_slice %dma_start3A_530[%dma_start3A_521, %dma_start3A_531] : memref<8x128xi32, #tpu.memory_space<vmem>> -> memref<1x128xi32, #tpu.memory_space<vmem>>
      %dma_start3A_533 = tpu.memref_squeeze %dma_start3A_532 : memref<1x128xi32, #tpu.memory_space<vmem>> -> memref<128xi32, #tpu.memory_space<vmem>>
      %dma_start3A_534 = arith.constant 0 : i32
      %dma_start3A_535 = arith.constant 0 : i32
      %dma_start3A_536 = tpu.memref_slice %arg2[%dma_start3A_534, %dma_start3A_535] : memref<10000x128xf32, #tpu.memory_space<hbm>> -> memref<10000x128xf32, #tpu.memory_space<hbm>>
      tpu.enqueue_indirect_dma source(%dma_start3A_536 : memref<10000x128xf32, #tpu.memory_space<hbm>>) target(%dma_start3A_526 : memref<128x128xf32, #tpu.memory_space<vmem>>) offsets(%dma_start3A_533 : memref<128xi32, #tpu.memory_space<vmem>>) semaphore(%arg11 : memref<!tpu.dma_semaphore, #tpu.memory_space<semaphore_mem>>)
      %run_scoped3A_537 = arith.constant 1 : i32
      %run_scoped3A_538 = arith.constant 0 : i32
      %run_scoped3A_539 = arith.constant 7 : i32
      "tpu.region"() ({
        %run_scoped3A_843 = tpu.sem_alloc : memref<!tpu.dma_semaphore, #tpu.memory_space<semaphore_mem>>
        %dma_start3A_844 = arith.constant 0 : i32
        %dma_start3A_845 = arith.constant 0 : i32
        %dma_start3A_846 = tpu.memref_slice %arg9[%run_scoped3A_537, %dma_start3A_844, %dma_start3A_845] : memref<2x128x128xf32, #tpu.memory_space<vmem>> -> memref<1x128x128xf32, #tpu.memory_space<vmem>>
        %dma_start3A_847 = tpu.memref_squeeze %dma_start3A_846 : memref<1x128x128xf32, #tpu.memory_space<vmem>> -> memref<128x128xf32, #tpu.memory_space<vmem>>
        %dma_start3A_848 = arith.constant 0 : i32
        %dma_start3A_849 = arith.constant 0 : i32
        %dma_start3A_850 = tpu.memref_slice %arg8[%run_scoped3A_538, %dma_start3A_848, %dma_start3A_849] : memref<2x8x128xi32, #tpu.memory_space<vmem>> -> memref<1x8x128xi32, #tpu.memory_space<vmem>>
        %dma_start3A_851 = tpu.memref_squeeze %dma_start3A_850 : memref<1x8x128xi32, #tpu.memory_space<vmem>> -> memref<8x128xi32, #tpu.memory_space<vmem>>
        %dma_start3A_852 = arith.constant 0 : i32
        %dma_start3A_853 = tpu.memref_slice %dma_start3A_851[%run_scoped3A_539, %dma_start3A_852] : memref<8x128xi32, #tpu.memory_space<vmem>> -> memref<1x128xi32, #tpu.memory_space<vmem>>
        %dma_start3A_854 = tpu.memref_squeeze %dma_start3A_853 : memref<1x128xi32, #tpu.memory_space<vmem>> -> memref<128xi32, #tpu.memory_space<vmem>>
        %dma_start3A_855 = arith.constant 0 : i32
        %dma_start3A_856 = arith.constant 0 : i32
        %dma_start3A_857 = tpu.memref_slice %arg10[%dma_start3A_855, %dma_start3A_856] : memref<10112x128xf32, #tpu.memory_space<vmem_shared>> -> memref<10112x128xf32, #tpu.memory_space<vmem_shared>>
        tpu.enqueue_indirect_dma source(%dma_start3A_847 : memref<128x128xf32, #tpu.memory_space<vmem>>) target(%dma_start3A_857 : memref<10112x128xf32, #tpu.memory_space<vmem_shared>>) offsets(%dma_start3A_854 : memref<128xi32, #tpu.memory_space<vmem>>) semaphore(%run_scoped3A_843 : memref<!tpu.dma_semaphore, #tpu.memory_space<semaphore_mem>>) {add = true}
        %dma_wait3A_858 = arith.constant 0 : i32
        %dma_wait3A_859 = arith.constant 0 : i32
        %dma_wait3A_860 = tpu.memref_slice %arg9[%run_scoped3A_537, %dma_wait3A_858, %dma_wait3A_859] : memref<2x128x128xf32, #tpu.memory_space<vmem>> -> memref<1x128x128xf32, #tpu.memory_space<vmem>>
        %dma_wait3A_861 = tpu.memref_squeeze %dma_wait3A_860 : memref<1x128x128xf32, #tpu.memory_space<vmem>> -> memref<128x128xf32, #tpu.memory_space<vmem>>
        %dma_wait3A_862 = arith.constant 0 : i32
        %dma_wait3A_863 = arith.constant 0 : i32
        %dma_wait3A_864 = tpu.memref_slice %arg8[%run_scoped3A_538, %dma_wait3A_862, %dma_wait3A_863] : memref<2x8x128xi32, #tpu.memory_space<vmem>> -> memref<1x8x128xi32, #tpu.memory_space<vmem>>
        %dma_wait3A_865 = tpu.memref_squeeze %dma_wait3A_864 : memref<1x8x128xi32, #tpu.memory_space<vmem>> -> memref<8x128xi32, #tpu.memory_space<vmem>>
        %dma_wait3A_866 = arith.constant 0 : i32
        %dma_wait3A_867 = tpu.memref_slice %dma_wait3A_865[%run_scoped3A_539, %dma_wait3A_866] : memref<8x128xi32, #tpu.memory_space<vmem>> -> memref<1x128xi32, #tpu.memory_space<vmem>>
        %dma_wait3A_868 = tpu.memref_squeeze %dma_wait3A_867 : memref<1x128xi32, #tpu.memory_space<vmem>> -> memref<128xi32, #tpu.memory_space<vmem>>
        %dma_wait3A_869 = arith.constant 0 : i32
        %dma_wait3A_870 = arith.constant 0 : i32
        %dma_wait3A_871 = tpu.memref_slice %arg10[%dma_wait3A_869, %dma_wait3A_870] : memref<10112x128xf32, #tpu.memory_space<vmem_shared>> -> memref<10112x128xf32, #tpu.memory_space<vmem_shared>>
        tpu.wait_indirect_dma semaphore(%run_scoped3A_843 : memref<!tpu.dma_semaphore, #tpu.memory_space<semaphore_mem>>) src(%dma_wait3A_861 : memref<128x128xf32, #tpu.memory_space<vmem>>) dst(%dma_wait3A_871 : memref<10112x128xf32, #tpu.memory_space<vmem_shared>>)
        tpu.yield
      }) : () -> ()
      %add3A_540 = arith.constant 1 : i32
      %add3A_541 = arith.addi %scan3A_125, %add3A_540 : i32
      %lt3A = arith.constant 5 : i32
      %lt3A_542 = arith.cmpi slt, %add3A_541, %lt3A : i32
      %convert_element_type3A = arith.extui %lt3A_542 : i1 to i32
      %cond3A = arith.constant 0 : i32
      %cond3A_543 = arith.cmpi ne, %convert_element_type3A, %cond3A : i32
      scf.if %cond3A_543 {
        %add3A_843 = arith.constant 2 : i32
        %add3A_844 = arith.addi %mul3A_127, %add3A_843 : i32
        %mul3A_845 = arith.constant 8 : i32
        %mul3A_846 = arith.muli %add3A_844, %mul3A_845 : i32
        %dma_start3A_847 = arith.constant 0 : i32
        %dma_start3A_848 = arith.constant 0 : i32
        %dma_start3A_849 = arith.constant 0 : i32
        %dma_start3A_850 = tpu.memref_slice %arg7[%dma_start3A_847, %dma_start3A_848, %dma_start3A_849] : memref<2x8x128xi32, #tpu.memory_space<vmem>> -> memref<1x8x128xi32, #tpu.memory_space<vmem>>
        %dma_start3A_851 = tpu.memref_squeeze %dma_start3A_850 : memref<1x8x128xi32, #tpu.memory_space<vmem>> -> memref<8x128xi32, #tpu.memory_space<vmem>>
        %dma_start3A_852 = arith.constant 0 : i32
        %dma_start3A_853 = arith.constant 0 : i32
        %dma_start3A_854 = arith.constant 0 : i32
        %dma_start3A_855 = tpu.memref_slice %arg3[%arg0, %dma_start3A_852, %dma_start3A_853, %dma_start3A_854] : memref<2x16x80x128xi32, #tpu.memory_space<hbm>> -> memref<1x16x80x128xi32, #tpu.memory_space<hbm>>
        %dma_start3A_856 = tpu.memref_squeeze %dma_start3A_855 : memref<1x16x80x128xi32, #tpu.memory_space<hbm>> -> memref<16x80x128xi32, #tpu.memory_space<hbm>>
        %dma_start3A_857 = arith.constant 0 : i32
        %dma_start3A_858 = arith.constant 0 : i32
        %dma_start3A_859 = tpu.memref_slice %dma_start3A_856[%arg1, %dma_start3A_857, %dma_start3A_858] : memref<16x80x128xi32, #tpu.memory_space<hbm>> -> memref<1x80x128xi32, #tpu.memory_space<hbm>>
        %dma_start3A_860 = tpu.memref_squeeze %dma_start3A_859 : memref<1x80x128xi32, #tpu.memory_space<hbm>> -> memref<80x128xi32, #tpu.memory_space<hbm>>
        %dma_start3A_861 = arith.constant 0 : i32
        %dma_start3A_862 = tpu.memref_slice %dma_start3A_860[%mul3A_846, %dma_start3A_861] : memref<80x128xi32, #tpu.memory_space<hbm>> -> memref<8x128xi32, #tpu.memory_space<hbm>>
        %dma_start3A_863 = arith.constant 0 : i32
        %dma_start3A_864 = arith.constant 0 : i32
        %dma_start3A_865 = tpu.memref_slice %arg7[%dma_start3A_847, %dma_start3A_863, %dma_start3A_864] : memref<2x8x128xi32, #tpu.memory_space<vmem>> -> memref<1x8x128xi32, #tpu.memory_space<vmem>>
        %dma_start3A_866 = tpu.memref_squeeze %dma_start3A_865 : memref<1x8x128xi32, #tpu.memory_space<vmem>> -> memref<8x128xi32, #tpu.memory_space<vmem>>
        %dma_start3A_867 = arith.constant 0 : i32
        %dma_start3A_868 = arith.constant 0 : i32
        %dma_start3A_869 = arith.constant 0 : i32
        %dma_start3A_870 = tpu.memref_slice %arg3[%arg0, %dma_start3A_867, %dma_start3A_868, %dma_start3A_869] : memref<2x16x80x128xi32, #tpu.memory_space<hbm>> -> memref<1x16x80x128xi32, #tpu.memory_space<hbm>>
        %dma_start3A_871 = tpu.memref_squeeze %dma_start3A_870 : memref<1x16x80x128xi32, #tpu.memory_space<hbm>> -> memref<16x80x128xi32, #tpu.memory_space<hbm>>
        %dma_start3A_872 = arith.constant 0 : i32
        %dma_start3A_873 = arith.constant 0 : i32
        %dma_start3A_874 = tpu.memref_slice %dma_start3A_871[%arg1, %dma_start3A_872, %dma_start3A_873] : memref<16x80x128xi32, #tpu.memory_space<hbm>> -> memref<1x80x128xi32, #tpu.memory_space<hbm>>
        %dma_start3A_875 = tpu.memref_squeeze %dma_start3A_874 : memref<1x80x128xi32, #tpu.memory_space<hbm>> -> memref<80x128xi32, #tpu.memory_space<hbm>>
        %dma_start3A_876 = arith.constant 0 : i32
        %dma_start3A_877 = tpu.memref_slice %dma_start3A_875[%mul3A_846, %dma_start3A_876] : memref<80x128xi32, #tpu.memory_space<hbm>> -> memref<8x128xi32, #tpu.memory_space<hbm>>
        tpu.enqueue_dma source(%dma_start3A_877 : memref<8x128xi32, #tpu.memory_space<hbm>>) target(%dma_start3A_866 : memref<8x128xi32, #tpu.memory_space<vmem>>) target_semaphore(%arg15 : memref<!tpu.dma_semaphore, #tpu.memory_space<semaphore_mem>>)
        %mul3A_878 = arith.constant 8 : i32
        %mul3A_879 = arith.muli %add3A_844, %mul3A_878 : i32
        %dma_start3A_880 = arith.constant 0 : i32
        %dma_start3A_881 = arith.constant 0 : i32
        %dma_start3A_882 = arith.constant 0 : i32
        %dma_start3A_883 = tpu.memref_slice %arg8[%dma_start3A_880, %dma_start3A_881, %dma_start3A_882] : memref<2x8x128xi32, #tpu.memory_space<vmem>> -> memref<1x8x128xi32, #tpu.memory_space<vmem>>
        %dma_start3A_884 = tpu.memref_squeeze %dma_start3A_883 : memref<1x8x128xi32, #tpu.memory_space<vmem>> -> memref<8x128xi32, #tpu.memory_space<vmem>>
        %dma_start3A_885 = arith.constant 0 : i32
        %dma_start3A_886 = arith.constant 0 : i32
        %dma_start3A_887 = arith.constant 0 : i32
        %dma_start3A_888 = tpu.memref_slice %arg4[%arg0, %dma_start3A_885, %dma_start3A_886, %dma_start3A_887] : memref<2x16x80x128xi32, #tpu.memory_space<hbm>> -> memref<1x16x80x128xi32, #tpu.memory_space<hbm>>
        %dma_start3A_889 = tpu.memref_squeeze %dma_start3A_888 : memref<1x16x80x128xi32, #tpu.memory_space<hbm>> -> memref<16x80x128xi32, #tpu.memory_space<hbm>>
        %dma_start3A_890 = arith.constant 0 : i32
        %dma_start3A_891 = arith.constant 0 : i32
        %dma_start3A_892 = tpu.memref_slice %dma_start3A_889[%arg1, %dma_start3A_890, %dma_start3A_891] : memref<16x80x128xi32, #tpu.memory_space<hbm>> -> memref<1x80x128xi32, #tpu.memory_space<hbm>>
        %dma_start3A_893 = tpu.memref_squeeze %dma_start3A_892 : memref<1x80x128xi32, #tpu.memory_space<hbm>> -> memref<80x128xi32, #tpu.memory_space<hbm>>
        %dma_start3A_894 = arith.constant 0 : i32
        %dma_start3A_895 = tpu.memref_slice %dma_start3A_893[%mul3A_879, %dma_start3A_894] : memref<80x128xi32, #tpu.memory_space<hbm>> -> memref<8x128xi32, #tpu.memory_space<hbm>>
        %dma_start3A_896 = arith.constant 0 : i32
        %dma_start3A_897 = arith.constant 0 : i32
        %dma_start3A_898 = tpu.memref_slice %arg8[%dma_start3A_880, %dma_start3A_896, %dma_start3A_897] : memref<2x8x128xi32, #tpu.memory_space<vmem>> -> memref<1x8x128xi32, #tpu.memory_space<vmem>>
        %dma_start3A_899 = tpu.memref_squeeze %dma_start3A_898 : memref<1x8x128xi32, #tpu.memory_space<vmem>> -> memref<8x128xi32, #tpu.memory_space<vmem>>
        %dma_start3A_900 = arith.constant 0 : i32
        %dma_start3A_901 = arith.constant 0 : i32
        %dma_start3A_902 = arith.constant 0 : i32
        %dma_start3A_903 = tpu.memref_slice %arg4[%arg0, %dma_start3A_900, %dma_start3A_901, %dma_start3A_902] : memref<2x16x80x128xi32, #tpu.memory_space<hbm>> -> memref<1x16x80x128xi32, #tpu.memory_space<hbm>>
        %dma_start3A_904 = tpu.memref_squeeze %dma_start3A_903 : memref<1x16x80x128xi32, #tpu.memory_space<hbm>> -> memref<16x80x128xi32, #tpu.memory_space<hbm>>
        %dma_start3A_905 = arith.constant 0 : i32
        %dma_start3A_906 = arith.constant 0 : i32
        %dma_start3A_907 = tpu.memref_slice %dma_start3A_904[%arg1, %dma_start3A_905, %dma_start3A_906] : memref<16x80x128xi32, #tpu.memory_space<hbm>> -> memref<1x80x128xi32, #tpu.memory_space<hbm>>
        %dma_start3A_908 = tpu.memref_squeeze %dma_start3A_907 : memref<1x80x128xi32, #tpu.memory_space<hbm>> -> memref<80x128xi32, #tpu.memory_space<hbm>>
        %dma_start3A_909 = arith.constant 0 : i32
        %dma_start3A_910 = tpu.memref_slice %dma_start3A_908[%mul3A_879, %dma_start3A_909] : memref<80x128xi32, #tpu.memory_space<hbm>> -> memref<8x128xi32, #tpu.memory_space<hbm>>
        tpu.enqueue_dma source(%dma_start3A_910 : memref<8x128xi32, #tpu.memory_space<hbm>>) target(%dma_start3A_899 : memref<8x128xi32, #tpu.memory_space<vmem>>) target_semaphore(%arg17 : memref<!tpu.dma_semaphore, #tpu.memory_space<semaphore_mem>>)
      } else {
      }
      %dma_wait3A_544 = arith.constant 1 : i32
      %dma_wait3A_545 = arith.constant 0 : i32
      %dma_wait3A_546 = arith.constant 0 : i32
      %dma_wait3A_547 = tpu.memref_slice %arg8[%dma_wait3A_544, %dma_wait3A_545, %dma_wait3A_546] : memref<2x8x128xi32, #tpu.memory_space<vmem>> -> memref<1x8x128xi32, #tpu.memory_space<vmem>>
      %dma_wait3A_548 = tpu.memref_squeeze %dma_wait3A_547 : memref<1x8x128xi32, #tpu.memory_space<vmem>> -> memref<8x128xi32, #tpu.memory_space<vmem>>
      %dma_wait3A_549 = arith.constant 0 : i32
      %dma_wait3A_550 = arith.constant 0 : i32
      %dma_wait3A_551 = arith.constant 0 : i32
      %dma_wait3A_552 = tpu.memref_slice %arg4[%arg0, %dma_wait3A_549, %dma_wait3A_550, %dma_wait3A_551] : memref<2x16x80x128xi32, #tpu.memory_space<hbm>> -> memref<1x16x80x128xi32, #tpu.memory_space<hbm>>
      %dma_wait3A_553 = tpu.memref_squeeze %dma_wait3A_552 : memref<1x16x80x128xi32, #tpu.memory_space<hbm>> -> memref<16x80x128xi32, #tpu.memory_space<hbm>>
      %dma_wait3A_554 = arith.constant 0 : i32
      %dma_wait3A_555 = arith.constant 0 : i32
      %dma_wait3A_556 = tpu.memref_slice %dma_wait3A_553[%arg1, %dma_wait3A_554, %dma_wait3A_555] : memref<16x80x128xi32, #tpu.memory_space<hbm>> -> memref<1x80x128xi32, #tpu.memory_space<hbm>>
      %dma_wait3A_557 = tpu.memref_squeeze %dma_wait3A_556 : memref<1x80x128xi32, #tpu.memory_space<hbm>> -> memref<80x128xi32, #tpu.memory_space<hbm>>
      %dma_wait3A_558 = arith.constant 0 : i32
      %dma_wait3A_559 = arith.constant 0 : i32
      %dma_wait3A_560 = tpu.memref_slice %dma_wait3A_557[%dma_wait3A_558, %dma_wait3A_559] : memref<80x128xi32, #tpu.memory_space<hbm>> -> memref<8x128xi32, #tpu.memory_space<hbm>>
      %dma_wait3A_561 = arith.constant 0 : i32
      %dma_wait3A_562 = arith.constant 0 : i32
      %dma_wait3A_563 = tpu.memref_slice %arg8[%dma_wait3A_544, %dma_wait3A_561, %dma_wait3A_562] : memref<2x8x128xi32, #tpu.memory_space<vmem>> -> memref<1x8x128xi32, #tpu.memory_space<vmem>>
      %dma_wait3A_564 = tpu.memref_squeeze %dma_wait3A_563 : memref<1x8x128xi32, #tpu.memory_space<vmem>> -> memref<8x128xi32, #tpu.memory_space<vmem>>
      %dma_wait3A_565 = arith.constant 0 : i32
      %dma_wait3A_566 = arith.constant 0 : i32
      %dma_wait3A_567 = arith.constant 0 : i32
      %dma_wait3A_568 = tpu.memref_slice %arg4[%arg0, %dma_wait3A_565, %dma_wait3A_566, %dma_wait3A_567] : memref<2x16x80x128xi32, #tpu.memory_space<hbm>> -> memref<1x16x80x128xi32, #tpu.memory_space<hbm>>
      %dma_wait3A_569 = tpu.memref_squeeze %dma_wait3A_568 : memref<1x16x80x128xi32, #tpu.memory_space<hbm>> -> memref<16x80x128xi32, #tpu.memory_space<hbm>>
      %dma_wait3A_570 = arith.constant 0 : i32
      %dma_wait3A_571 = arith.constant 0 : i32
      %dma_wait3A_572 = tpu.memref_slice %dma_wait3A_569[%arg1, %dma_wait3A_570, %dma_wait3A_571] : memref<16x80x128xi32, #tpu.memory_space<hbm>> -> memref<1x80x128xi32, #tpu.memory_space<hbm>>
      %dma_wait3A_573 = tpu.memref_squeeze %dma_wait3A_572 : memref<1x80x128xi32, #tpu.memory_space<hbm>> -> memref<80x128xi32, #tpu.memory_space<hbm>>
      %dma_wait3A_574 = arith.constant 0 : i32
      %dma_wait3A_575 = arith.constant 0 : i32
      %dma_wait3A_576 = tpu.memref_slice %dma_wait3A_573[%dma_wait3A_574, %dma_wait3A_575] : memref<80x128xi32, #tpu.memory_space<hbm>> -> memref<8x128xi32, #tpu.memory_space<hbm>>
      tpu.wait_dma2 semaphore(%arg18 : memref<!tpu.dma_semaphore, #tpu.memory_space<semaphore_mem>>) src(%dma_wait3A_576 : memref<8x128xi32, #tpu.memory_space<hbm>>) dst(%dma_wait3A_564 : memref<8x128xi32, #tpu.memory_space<vmem>>)
      %dma_wait3A_577 = arith.constant 0 : i32
      %dma_wait3A_578 = arith.constant 0 : i32
      %dma_wait3A_579 = arith.constant 0 : i32
      %dma_wait3A_580 = tpu.memref_slice %arg9[%dma_wait3A_577, %dma_wait3A_578, %dma_wait3A_579] : memref<2x128x128xf32, #tpu.memory_space<vmem>> -> memref<1x128x128xf32, #tpu.memory_space<vmem>>
      %dma_wait3A_581 = tpu.memref_squeeze %dma_wait3A_580 : memref<1x128x128xf32, #tpu.memory_space<vmem>> -> memref<128x128xf32, #tpu.memory_space<vmem>>
      %dma_wait3A_582 = arith.constant 0 : i32
      %dma_wait3A_583 = arith.constant 0 : i32
      %dma_wait3A_584 = tpu.memref_slice %arg2[%dma_wait3A_582, %dma_wait3A_583] : memref<10000x128xf32, #tpu.memory_space<hbm>> -> memref<128x128xf32, #tpu.memory_space<hbm>>
      %dma_wait3A_585 = arith.constant 0 : i32
      %dma_wait3A_586 = arith.constant 0 : i32
      %dma_wait3A_587 = tpu.memref_slice %arg9[%dma_wait3A_577, %dma_wait3A_585, %dma_wait3A_586] : memref<2x128x128xf32, #tpu.memory_space<vmem>> -> memref<1x128x128xf32, #tpu.memory_space<vmem>>
      %dma_wait3A_588 = tpu.memref_squeeze %dma_wait3A_587 : memref<1x128x128xf32, #tpu.memory_space<vmem>> -> memref<128x128xf32, #tpu.memory_space<vmem>>
      %dma_wait3A_589 = arith.constant 0 : i32
      %dma_wait3A_590 = arith.constant 0 : i32
      %dma_wait3A_591 = tpu.memref_slice %arg2[%dma_wait3A_589, %dma_wait3A_590] : memref<10000x128xf32, #tpu.memory_space<hbm>> -> memref<128x128xf32, #tpu.memory_space<hbm>>
      tpu.wait_dma2 semaphore(%arg11 : memref<!tpu.dma_semaphore, #tpu.memory_space<semaphore_mem>>) src(%dma_wait3A_591 : memref<128x128xf32, #tpu.memory_space<hbm>>) dst(%dma_wait3A_588 : memref<128x128xf32, #tpu.memory_space<vmem>>)
      %dma_start3A_592 = arith.constant 1 : i32
      %dma_start3A_593 = arith.constant 1 : i32
      %dma_start3A_594 = arith.constant 1 : i32
      %dma_start3A_595 = arith.constant 0 : i32
      %dma_start3A_596 = arith.constant 0 : i32
      %dma_start3A_597 = tpu.memref_slice %arg9[%dma_start3A_594, %dma_start3A_595, %dma_start3A_596] : memref<2x128x128xf32, #tpu.memory_space<vmem>> -> memref<1x128x128xf32, #tpu.memory_space<vmem>>
      %dma_start3A_598 = tpu.memref_squeeze %dma_start3A_597 : memref<1x128x128xf32, #tpu.memory_space<vmem>> -> memref<128x128xf32, #tpu.memory_space<vmem>>
      %dma_start3A_599 = arith.constant 0 : i32
      %dma_start3A_600 = arith.constant 0 : i32
      %dma_start3A_601 = tpu.memref_slice %arg7[%dma_start3A_592, %dma_start3A_599, %dma_start3A_600] : memref<2x8x128xi32, #tpu.memory_space<vmem>> -> memref<1x8x128xi32, #tpu.memory_space<vmem>>
      %dma_start3A_602 = tpu.memref_squeeze %dma_start3A_601 : memref<1x8x128xi32, #tpu.memory_space<vmem>> -> memref<8x128xi32, #tpu.memory_space<vmem>>
      %dma_start3A_603 = arith.constant 0 : i32
      %dma_start3A_604 = tpu.memref_slice %dma_start3A_602[%dma_start3A_593, %dma_start3A_603] : memref<8x128xi32, #tpu.memory_space<vmem>> -> memref<1x128xi32, #tpu.memory_space<vmem>>
      %dma_start3A_605 = tpu.memref_squeeze %dma_start3A_604 : memref<1x128xi32, #tpu.memory_space<vmem>> -> memref<128xi32, #tpu.memory_space<vmem>>
      %dma_start3A_606 = arith.constant 0 : i32
      %dma_start3A_607 = arith.constant 0 : i32
      %dma_start3A_608 = tpu.memref_slice %arg2[%dma_start3A_606, %dma_start3A_607] : memref<10000x128xf32, #tpu.memory_space<hbm>> -> memref<10000x128xf32, #tpu.memory_space<hbm>>
      tpu.enqueue_indirect_dma source(%dma_start3A_608 : memref<10000x128xf32, #tpu.memory_space<hbm>>) target(%dma_start3A_598 : memref<128x128xf32, #tpu.memory_space<vmem>>) offsets(%dma_start3A_605 : memref<128xi32, #tpu.memory_space<vmem>>) semaphore(%arg12 : memref<!tpu.dma_semaphore, #tpu.memory_space<semaphore_mem>>)
      %run_scoped3A_609 = arith.constant 0 : i32
      %run_scoped3A_610 = arith.constant 1 : i32
      %run_scoped3A_611 = arith.constant 0 : i32
      "tpu.region"() ({
        %run_scoped3A_843 = tpu.sem_alloc : memref<!tpu.dma_semaphore, #tpu.memory_space<semaphore_mem>>
        %dma_start3A_844 = arith.constant 0 : i32
        %dma_start3A_845 = arith.constant 0 : i32
        %dma_start3A_846 = tpu.memref_slice %arg9[%run_scoped3A_609, %dma_start3A_844, %dma_start3A_845] : memref<2x128x128xf32, #tpu.memory_space<vmem>> -> memref<1x128x128xf32, #tpu.memory_space<vmem>>
        %dma_start3A_847 = tpu.memref_squeeze %dma_start3A_846 : memref<1x128x128xf32, #tpu.memory_space<vmem>> -> memref<128x128xf32, #tpu.memory_space<vmem>>
        %dma_start3A_848 = arith.constant 0 : i32
        %dma_start3A_849 = arith.constant 0 : i32
        %dma_start3A_850 = tpu.memref_slice %arg8[%run_scoped3A_610, %dma_start3A_848, %dma_start3A_849] : memref<2x8x128xi32, #tpu.memory_space<vmem>> -> memref<1x8x128xi32, #tpu.memory_space<vmem>>
        %dma_start3A_851 = tpu.memref_squeeze %dma_start3A_850 : memref<1x8x128xi32, #tpu.memory_space<vmem>> -> memref<8x128xi32, #tpu.memory_space<vmem>>
        %dma_start3A_852 = arith.constant 0 : i32
        %dma_start3A_853 = tpu.memref_slice %dma_start3A_851[%run_scoped3A_611, %dma_start3A_852] : memref<8x128xi32, #tpu.memory_space<vmem>> -> memref<1x128xi32, #tpu.memory_space<vmem>>
        %dma_start3A_854 = tpu.memref_squeeze %dma_start3A_853 : memref<1x128xi32, #tpu.memory_space<vmem>> -> memref<128xi32, #tpu.memory_space<vmem>>
        %dma_start3A_855 = arith.constant 0 : i32
        %dma_start3A_856 = arith.constant 0 : i32
        %dma_start3A_857 = tpu.memref_slice %arg10[%dma_start3A_855, %dma_start3A_856] : memref<10112x128xf32, #tpu.memory_space<vmem_shared>> -> memref<10112x128xf32, #tpu.memory_space<vmem_shared>>
        tpu.enqueue_indirect_dma source(%dma_start3A_847 : memref<128x128xf32, #tpu.memory_space<vmem>>) target(%dma_start3A_857 : memref<10112x128xf32, #tpu.memory_space<vmem_shared>>) offsets(%dma_start3A_854 : memref<128xi32, #tpu.memory_space<vmem>>) semaphore(%run_scoped3A_843 : memref<!tpu.dma_semaphore, #tpu.memory_space<semaphore_mem>>) {add = true}
        %dma_wait3A_858 = arith.constant 0 : i32
        %dma_wait3A_859 = arith.constant 0 : i32
        %dma_wait3A_860 = tpu.memref_slice %arg9[%run_scoped3A_609, %dma_wait3A_858, %dma_wait3A_859] : memref<2x128x128xf32, #tpu.memory_space<vmem>> -> memref<1x128x128xf32, #tpu.memory_space<vmem>>
        %dma_wait3A_861 = tpu.memref_squeeze %dma_wait3A_860 : memref<1x128x128xf32, #tpu.memory_space<vmem>> -> memref<128x128xf32, #tpu.memory_space<vmem>>
        %dma_wait3A_862 = arith.constant 0 : i32
        %dma_wait3A_863 = arith.constant 0 : i32
        %dma_wait3A_864 = tpu.memref_slice %arg8[%run_scoped3A_610, %dma_wait3A_862, %dma_wait3A_863] : memref<2x8x128xi32, #tpu.memory_space<vmem>> -> memref<1x8x128xi32, #tpu.memory_space<vmem>>
        %dma_wait3A_865 = tpu.memref_squeeze %dma_wait3A_864 : memref<1x8x128xi32, #tpu.memory_space<vmem>> -> memref<8x128xi32, #tpu.memory_space<vmem>>
        %dma_wait3A_866 = arith.constant 0 : i32
        %dma_wait3A_867 = tpu.memref_slice %dma_wait3A_865[%run_scoped3A_611, %dma_wait3A_866] : memref<8x128xi32, #tpu.memory_space<vmem>> -> memref<1x128xi32, #tpu.memory_space<vmem>>
        %dma_wait3A_868 = tpu.memref_squeeze %dma_wait3A_867 : memref<1x128xi32, #tpu.memory_space<vmem>> -> memref<128xi32, #tpu.memory_space<vmem>>
        %dma_wait3A_869 = arith.constant 0 : i32
        %dma_wait3A_870 = arith.constant 0 : i32
        %dma_wait3A_871 = tpu.memref_slice %arg10[%dma_wait3A_869, %dma_wait3A_870] : memref<10112x128xf32, #tpu.memory_space<vmem_shared>> -> memref<10112x128xf32, #tpu.memory_space<vmem_shared>>
        tpu.wait_indirect_dma semaphore(%run_scoped3A_843 : memref<!tpu.dma_semaphore, #tpu.memory_space<semaphore_mem>>) src(%dma_wait3A_861 : memref<128x128xf32, #tpu.memory_space<vmem>>) dst(%dma_wait3A_871 : memref<10112x128xf32, #tpu.memory_space<vmem_shared>>)
        tpu.yield
      }) : () -> ()
      %dma_wait3A_612 = arith.constant 1 : i32
      %dma_wait3A_613 = arith.constant 0 : i32
      %dma_wait3A_614 = arith.constant 0 : i32
      %dma_wait3A_615 = tpu.memref_slice %arg9[%dma_wait3A_612, %dma_wait3A_613, %dma_wait3A_614] : memref<2x128x128xf32, #tpu.memory_space<vmem>> -> memref<1x128x128xf32, #tpu.memory_space<vmem>>
      %dma_wait3A_616 = tpu.memref_squeeze %dma_wait3A_615 : memref<1x128x128xf32, #tpu.memory_space<vmem>> -> memref<128x128xf32, #tpu.memory_space<vmem>>
      %dma_wait3A_617 = arith.constant 0 : i32
      %dma_wait3A_618 = arith.constant 0 : i32
      %dma_wait3A_619 = tpu.memref_slice %arg2[%dma_wait3A_617, %dma_wait3A_618] : memref<10000x128xf32, #tpu.memory_space<hbm>> -> memref<128x128xf32, #tpu.memory_space<hbm>>
      %dma_wait3A_620 = arith.constant 0 : i32
      %dma_wait3A_621 = arith.constant 0 : i32
      %dma_wait3A_622 = tpu.memref_slice %arg9[%dma_wait3A_612, %dma_wait3A_620, %dma_wait3A_621] : memref<2x128x128xf32, #tpu.memory_space<vmem>> -> memref<1x128x128xf32, #tpu.memory_space<vmem>>
      %dma_wait3A_623 = tpu.memref_squeeze %dma_wait3A_622 : memref<1x128x128xf32, #tpu.memory_space<vmem>> -> memref<128x128xf32, #tpu.memory_space<vmem>>
      %dma_wait3A_624 = arith.constant 0 : i32
      %dma_wait3A_625 = arith.constant 0 : i32
      %dma_wait3A_626 = tpu.memref_slice %arg2[%dma_wait3A_624, %dma_wait3A_625] : memref<10000x128xf32, #tpu.memory_space<hbm>> -> memref<128x128xf32, #tpu.memory_space<hbm>>
      tpu.wait_dma2 semaphore(%arg12 : memref<!tpu.dma_semaphore, #tpu.memory_space<semaphore_mem>>) src(%dma_wait3A_626 : memref<128x128xf32, #tpu.memory_space<hbm>>) dst(%dma_wait3A_623 : memref<128x128xf32, #tpu.memory_space<vmem>>)
      %dma_start3A_627 = arith.constant 1 : i32
      %dma_start3A_628 = arith.constant 2 : i32
      %dma_start3A_629 = arith.constant 0 : i32
      %dma_start3A_630 = arith.constant 0 : i32
      %dma_start3A_631 = arith.constant 0 : i32
      %dma_start3A_632 = tpu.memref_slice %arg9[%dma_start3A_629, %dma_start3A_630, %dma_start3A_631] : memref<2x128x128xf32, #tpu.memory_space<vmem>> -> memref<1x128x128xf32, #tpu.memory_space<vmem>>
      %dma_start3A_633 = tpu.memref_squeeze %dma_start3A_632 : memref<1x128x128xf32, #tpu.memory_space<vmem>> -> memref<128x128xf32, #tpu.memory_space<vmem>>
      %dma_start3A_634 = arith.constant 0 : i32
      %dma_start3A_635 = arith.constant 0 : i32
      %dma_start3A_636 = tpu.memref_slice %arg7[%dma_start3A_627, %dma_start3A_634, %dma_start3A_635] : memref<2x8x128xi32, #tpu.memory_space<vmem>> -> memref<1x8x128xi32, #tpu.memory_space<vmem>>
      %dma_start3A_637 = tpu.memref_squeeze %dma_start3A_636 : memref<1x8x128xi32, #tpu.memory_space<vmem>> -> memref<8x128xi32, #tpu.memory_space<vmem>>
      %dma_start3A_638 = arith.constant 0 : i32
      %dma_start3A_639 = tpu.memref_slice %dma_start3A_637[%dma_start3A_628, %dma_start3A_638] : memref<8x128xi32, #tpu.memory_space<vmem>> -> memref<1x128xi32, #tpu.memory_space<vmem>>
      %dma_start3A_640 = tpu.memref_squeeze %dma_start3A_639 : memref<1x128xi32, #tpu.memory_space<vmem>> -> memref<128xi32, #tpu.memory_space<vmem>>
      %dma_start3A_641 = arith.constant 0 : i32
      %dma_start3A_642 = arith.constant 0 : i32
      %dma_start3A_643 = tpu.memref_slice %arg2[%dma_start3A_641, %dma_start3A_642] : memref<10000x128xf32, #tpu.memory_space<hbm>> -> memref<10000x128xf32, #tpu.memory_space<hbm>>
      tpu.enqueue_indirect_dma source(%dma_start3A_643 : memref<10000x128xf32, #tpu.memory_space<hbm>>) target(%dma_start3A_633 : memref<128x128xf32, #tpu.memory_space<vmem>>) offsets(%dma_start3A_640 : memref<128xi32, #tpu.memory_space<vmem>>) semaphore(%arg11 : memref<!tpu.dma_semaphore, #tpu.memory_space<semaphore_mem>>)
      %run_scoped3A_644 = arith.constant 1 : i32
      %run_scoped3A_645 = arith.constant 1 : i32
      %run_scoped3A_646 = arith.constant 1 : i32
      "tpu.region"() ({
        %run_scoped3A_843 = tpu.sem_alloc : memref<!tpu.dma_semaphore, #tpu.memory_space<semaphore_mem>>
        %dma_start3A_844 = arith.constant 0 : i32
        %dma_start3A_845 = arith.constant 0 : i32
        %dma_start3A_846 = tpu.memref_slice %arg9[%run_scoped3A_644, %dma_start3A_844, %dma_start3A_845] : memref<2x128x128xf32, #tpu.memory_space<vmem>> -> memref<1x128x128xf32, #tpu.memory_space<vmem>>
        %dma_start3A_847 = tpu.memref_squeeze %dma_start3A_846 : memref<1x128x128xf32, #tpu.memory_space<vmem>> -> memref<128x128xf32, #tpu.memory_space<vmem>>
        %dma_start3A_848 = arith.constant 0 : i32
        %dma_start3A_849 = arith.constant 0 : i32
        %dma_start3A_850 = tpu.memref_slice %arg8[%run_scoped3A_645, %dma_start3A_848, %dma_start3A_849] : memref<2x8x128xi32, #tpu.memory_space<vmem>> -> memref<1x8x128xi32, #tpu.memory_space<vmem>>
        %dma_start3A_851 = tpu.memref_squeeze %dma_start3A_850 : memref<1x8x128xi32, #tpu.memory_space<vmem>> -> memref<8x128xi32, #tpu.memory_space<vmem>>
        %dma_start3A_852 = arith.constant 0 : i32
        %dma_start3A_853 = tpu.memref_slice %dma_start3A_851[%run_scoped3A_646, %dma_start3A_852] : memref<8x128xi32, #tpu.memory_space<vmem>> -> memref<1x128xi32, #tpu.memory_space<vmem>>
        %dma_start3A_854 = tpu.memref_squeeze %dma_start3A_853 : memref<1x128xi32, #tpu.memory_space<vmem>> -> memref<128xi32, #tpu.memory_space<vmem>>
        %dma_start3A_855 = arith.constant 0 : i32
        %dma_start3A_856 = arith.constant 0 : i32
        %dma_start3A_857 = tpu.memref_slice %arg10[%dma_start3A_855, %dma_start3A_856] : memref<10112x128xf32, #tpu.memory_space<vmem_shared>> -> memref<10112x128xf32, #tpu.memory_space<vmem_shared>>
        tpu.enqueue_indirect_dma source(%dma_start3A_847 : memref<128x128xf32, #tpu.memory_space<vmem>>) target(%dma_start3A_857 : memref<10112x128xf32, #tpu.memory_space<vmem_shared>>) offsets(%dma_start3A_854 : memref<128xi32, #tpu.memory_space<vmem>>) semaphore(%run_scoped3A_843 : memref<!tpu.dma_semaphore, #tpu.memory_space<semaphore_mem>>) {add = true}
        %dma_wait3A_858 = arith.constant 0 : i32
        %dma_wait3A_859 = arith.constant 0 : i32
        %dma_wait3A_860 = tpu.memref_slice %arg9[%run_scoped3A_644, %dma_wait3A_858, %dma_wait3A_859] : memref<2x128x128xf32, #tpu.memory_space<vmem>> -> memref<1x128x128xf32, #tpu.memory_space<vmem>>
        %dma_wait3A_861 = tpu.memref_squeeze %dma_wait3A_860 : memref<1x128x128xf32, #tpu.memory_space<vmem>> -> memref<128x128xf32, #tpu.memory_space<vmem>>
        %dma_wait3A_862 = arith.constant 0 : i32
        %dma_wait3A_863 = arith.constant 0 : i32
        %dma_wait3A_864 = tpu.memref_slice %arg8[%run_scoped3A_645, %dma_wait3A_862, %dma_wait3A_863] : memref<2x8x128xi32, #tpu.memory_space<vmem>> -> memref<1x8x128xi32, #tpu.memory_space<vmem>>
        %dma_wait3A_865 = tpu.memref_squeeze %dma_wait3A_864 : memref<1x8x128xi32, #tpu.memory_space<vmem>> -> memref<8x128xi32, #tpu.memory_space<vmem>>
        %dma_wait3A_866 = arith.constant 0 : i32
        %dma_wait3A_867 = tpu.memref_slice %dma_wait3A_865[%run_scoped3A_646, %dma_wait3A_866] : memref<8x128xi32, #tpu.memory_space<vmem>> -> memref<1x128xi32, #tpu.memory_space<vmem>>
        %dma_wait3A_868 = tpu.memref_squeeze %dma_wait3A_867 : memref<1x128xi32, #tpu.memory_space<vmem>> -> memref<128xi32, #tpu.memory_space<vmem>>
        %dma_wait3A_869 = arith.constant 0 : i32
        %dma_wait3A_870 = arith.constant 0 : i32
        %dma_wait3A_871 = tpu.memref_slice %arg10[%dma_wait3A_869, %dma_wait3A_870] : memref<10112x128xf32, #tpu.memory_space<vmem_shared>> -> memref<10112x128xf32, #tpu.memory_space<vmem_shared>>
        tpu.wait_indirect_dma semaphore(%run_scoped3A_843 : memref<!tpu.dma_semaphore, #tpu.memory_space<semaphore_mem>>) src(%dma_wait3A_861 : memref<128x128xf32, #tpu.memory_space<vmem>>) dst(%dma_wait3A_871 : memref<10112x128xf32, #tpu.memory_space<vmem_shared>>)
        tpu.yield
      }) : () -> ()
      %dma_wait3A_647 = arith.constant 0 : i32
      %dma_wait3A_648 = arith.constant 0 : i32
      %dma_wait3A_649 = arith.constant 0 : i32
      %dma_wait3A_650 = tpu.memref_slice %arg9[%dma_wait3A_647, %dma_wait3A_648, %dma_wait3A_649] : memref<2x128x128xf32, #tpu.memory_space<vmem>> -> memref<1x128x128xf32, #tpu.memory_space<vmem>>
      %dma_wait3A_651 = tpu.memref_squeeze %dma_wait3A_650 : memref<1x128x128xf32, #tpu.memory_space<vmem>> -> memref<128x128xf32, #tpu.memory_space<vmem>>
      %dma_wait3A_652 = arith.constant 0 : i32
      %dma_wait3A_653 = arith.constant 0 : i32
      %dma_wait3A_654 = tpu.memref_slice %arg2[%dma_wait3A_652, %dma_wait3A_653] : memref<10000x128xf32, #tpu.memory_space<hbm>> -> memref<128x128xf32, #tpu.memory_space<hbm>>
      %dma_wait3A_655 = arith.constant 0 : i32
      %dma_wait3A_656 = arith.constant 0 : i32
      %dma_wait3A_657 = tpu.memref_slice %arg9[%dma_wait3A_647, %dma_wait3A_655, %dma_wait3A_656] : memref<2x128x128xf32, #tpu.memory_space<vmem>> -> memref<1x128x128xf32, #tpu.memory_space<vmem>>
      %dma_wait3A_658 = tpu.memref_squeeze %dma_wait3A_657 : memref<1x128x128xf32, #tpu.memory_space<vmem>> -> memref<128x128xf32, #tpu.memory_space<vmem>>
      %dma_wait3A_659 = arith.constant 0 : i32
      %dma_wait3A_660 = arith.constant 0 : i32
      %dma_wait3A_661 = tpu.memref_slice %arg2[%dma_wait3A_659, %dma_wait3A_660] : memref<10000x128xf32, #tpu.memory_space<hbm>> -> memref<128x128xf32, #tpu.memory_space<hbm>>
      tpu.wait_dma2 semaphore(%arg11 : memref<!tpu.dma_semaphore, #tpu.memory_space<semaphore_mem>>) src(%dma_wait3A_661 : memref<128x128xf32, #tpu.memory_space<hbm>>) dst(%dma_wait3A_658 : memref<128x128xf32, #tpu.memory_space<vmem>>)
      %dma_start3A_662 = arith.constant 1 : i32
      %dma_start3A_663 = arith.constant 3 : i32
      %dma_start3A_664 = arith.constant 1 : i32
      %dma_start3A_665 = arith.constant 0 : i32
      %dma_start3A_666 = arith.constant 0 : i32
      %dma_start3A_667 = tpu.memref_slice %arg9[%dma_start3A_664, %dma_start3A_665, %dma_start3A_666] : memref<2x128x128xf32, #tpu.memory_space<vmem>> -> memref<1x128x128xf32, #tpu.memory_space<vmem>>
      %dma_start3A_668 = tpu.memref_squeeze %dma_start3A_667 : memref<1x128x128xf32, #tpu.memory_space<vmem>> -> memref<128x128xf32, #tpu.memory_space<vmem>>
      %dma_start3A_669 = arith.constant 0 : i32
      %dma_start3A_670 = arith.constant 0 : i32
      %dma_start3A_671 = tpu.memref_slice %arg7[%dma_start3A_662, %dma_start3A_669, %dma_start3A_670] : memref<2x8x128xi32, #tpu.memory_space<vmem>> -> memref<1x8x128xi32, #tpu.memory_space<vmem>>
      %dma_start3A_672 = tpu.memref_squeeze %dma_start3A_671 : memref<1x8x128xi32, #tpu.memory_space<vmem>> -> memref<8x128xi32, #tpu.memory_space<vmem>>
      %dma_start3A_673 = arith.constant 0 : i32
      %dma_start3A_674 = tpu.memref_slice %dma_start3A_672[%dma_start3A_663, %dma_start3A_673] : memref<8x128xi32, #tpu.memory_space<vmem>> -> memref<1x128xi32, #tpu.memory_space<vmem>>
      %dma_start3A_675 = tpu.memref_squeeze %dma_start3A_674 : memref<1x128xi32, #tpu.memory_space<vmem>> -> memref<128xi32, #tpu.memory_space<vmem>>
      %dma_start3A_676 = arith.constant 0 : i32
      %dma_start3A_677 = arith.constant 0 : i32
      %dma_start3A_678 = tpu.memref_slice %arg2[%dma_start3A_676, %dma_start3A_677] : memref<10000x128xf32, #tpu.memory_space<hbm>> -> memref<10000x128xf32, #tpu.memory_space<hbm>>
      tpu.enqueue_indirect_dma source(%dma_start3A_678 : memref<10000x128xf32, #tpu.memory_space<hbm>>) target(%dma_start3A_668 : memref<128x128xf32, #tpu.memory_space<vmem>>) offsets(%dma_start3A_675 : memref<128xi32, #tpu.memory_space<vmem>>) semaphore(%arg12 : memref<!tpu.dma_semaphore, #tpu.memory_space<semaphore_mem>>)
      %run_scoped3A_679 = arith.constant 0 : i32
      %run_scoped3A_680 = arith.constant 1 : i32
      %run_scoped3A_681 = arith.constant 2 : i32
      "tpu.region"() ({
        %run_scoped3A_843 = tpu.sem_alloc : memref<!tpu.dma_semaphore, #tpu.memory_space<semaphore_mem>>
        %dma_start3A_844 = arith.constant 0 : i32
        %dma_start3A_845 = arith.constant 0 : i32
        %dma_start3A_846 = tpu.memref_slice %arg9[%run_scoped3A_679, %dma_start3A_844, %dma_start3A_845] : memref<2x128x128xf32, #tpu.memory_space<vmem>> -> memref<1x128x128xf32, #tpu.memory_space<vmem>>
        %dma_start3A_847 = tpu.memref_squeeze %dma_start3A_846 : memref<1x128x128xf32, #tpu.memory_space<vmem>> -> memref<128x128xf32, #tpu.memory_space<vmem>>
        %dma_start3A_848 = arith.constant 0 : i32
        %dma_start3A_849 = arith.constant 0 : i32
        %dma_start3A_850 = tpu.memref_slice %arg8[%run_scoped3A_680, %dma_start3A_848, %dma_start3A_849] : memref<2x8x128xi32, #tpu.memory_space<vmem>> -> memref<1x8x128xi32, #tpu.memory_space<vmem>>
        %dma_start3A_851 = tpu.memref_squeeze %dma_start3A_850 : memref<1x8x128xi32, #tpu.memory_space<vmem>> -> memref<8x128xi32, #tpu.memory_space<vmem>>
        %dma_start3A_852 = arith.constant 0 : i32
        %dma_start3A_853 = tpu.memref_slice %dma_start3A_851[%run_scoped3A_681, %dma_start3A_852] : memref<8x128xi32, #tpu.memory_space<vmem>> -> memref<1x128xi32, #tpu.memory_space<vmem>>
        %dma_start3A_854 = tpu.memref_squeeze %dma_start3A_853 : memref<1x128xi32, #tpu.memory_space<vmem>> -> memref<128xi32, #tpu.memory_space<vmem>>
        %dma_start3A_855 = arith.constant 0 : i32
        %dma_start3A_856 = arith.constant 0 : i32
        %dma_start3A_857 = tpu.memref_slice %arg10[%dma_start3A_855, %dma_start3A_856] : memref<10112x128xf32, #tpu.memory_space<vmem_shared>> -> memref<10112x128xf32, #tpu.memory_space<vmem_shared>>
        tpu.enqueue_indirect_dma source(%dma_start3A_847 : memref<128x128xf32, #tpu.memory_space<vmem>>) target(%dma_start3A_857 : memref<10112x128xf32, #tpu.memory_space<vmem_shared>>) offsets(%dma_start3A_854 : memref<128xi32, #tpu.memory_space<vmem>>) semaphore(%run_scoped3A_843 : memref<!tpu.dma_semaphore, #tpu.memory_space<semaphore_mem>>) {add = true}
        %dma_wait3A_858 = arith.constant 0 : i32
        %dma_wait3A_859 = arith.constant 0 : i32
        %dma_wait3A_860 = tpu.memref_slice %arg9[%run_scoped3A_679, %dma_wait3A_858, %dma_wait3A_859] : memref<2x128x128xf32, #tpu.memory_space<vmem>> -> memref<1x128x128xf32, #tpu.memory_space<vmem>>
        %dma_wait3A_861 = tpu.memref_squeeze %dma_wait3A_860 : memref<1x128x128xf32, #tpu.memory_space<vmem>> -> memref<128x128xf32, #tpu.memory_space<vmem>>
        %dma_wait3A_862 = arith.constant 0 : i32
        %dma_wait3A_863 = arith.constant 0 : i32
        %dma_wait3A_864 = tpu.memref_slice %arg8[%run_scoped3A_680, %dma_wait3A_862, %dma_wait3A_863] : memref<2x8x128xi32, #tpu.memory_space<vmem>> -> memref<1x8x128xi32, #tpu.memory_space<vmem>>
        %dma_wait3A_865 = tpu.memref_squeeze %dma_wait3A_864 : memref<1x8x128xi32, #tpu.memory_space<vmem>> -> memref<8x128xi32, #tpu.memory_space<vmem>>
        %dma_wait3A_866 = arith.constant 0 : i32
        %dma_wait3A_867 = tpu.memref_slice %dma_wait3A_865[%run_scoped3A_681, %dma_wait3A_866] : memref<8x128xi32, #tpu.memory_space<vmem>> -> memref<1x128xi32, #tpu.memory_space<vmem>>
        %dma_wait3A_868 = tpu.memref_squeeze %dma_wait3A_867 : memref<1x128xi32, #tpu.memory_space<vmem>> -> memref<128xi32, #tpu.memory_space<vmem>>
        %dma_wait3A_869 = arith.constant 0 : i32
        %dma_wait3A_870 = arith.constant 0 : i32
        %dma_wait3A_871 = tpu.memref_slice %arg10[%dma_wait3A_869, %dma_wait3A_870] : memref<10112x128xf32, #tpu.memory_space<vmem_shared>> -> memref<10112x128xf32, #tpu.memory_space<vmem_shared>>
        tpu.wait_indirect_dma semaphore(%run_scoped3A_843 : memref<!tpu.dma_semaphore, #tpu.memory_space<semaphore_mem>>) src(%dma_wait3A_861 : memref<128x128xf32, #tpu.memory_space<vmem>>) dst(%dma_wait3A_871 : memref<10112x128xf32, #tpu.memory_space<vmem_shared>>)
        tpu.yield
      }) : () -> ()
      %dma_wait3A_682 = arith.constant 1 : i32
      %dma_wait3A_683 = arith.constant 0 : i32
      %dma_wait3A_684 = arith.constant 0 : i32
      %dma_wait3A_685 = tpu.memref_slice %arg9[%dma_wait3A_682, %dma_wait3A_683, %dma_wait3A_684] : memref<2x128x128xf32, #tpu.memory_space<vmem>> -> memref<1x128x128xf32, #tpu.memory_space<vmem>>
      %dma_wait3A_686 = tpu.memref_squeeze %dma_wait3A_685 : memref<1x128x128xf32, #tpu.memory_space<vmem>> -> memref<128x128xf32, #tpu.memory_space<vmem>>
      %dma_wait3A_687 = arith.constant 0 : i32
      %dma_wait3A_688 = arith.constant 0 : i32
      %dma_wait3A_689 = tpu.memref_slice %arg2[%dma_wait3A_687, %dma_wait3A_688] : memref<10000x128xf32, #tpu.memory_space<hbm>> -> memref<128x128xf32, #tpu.memory_space<hbm>>
      %dma_wait3A_690 = arith.constant 0 : i32
      %dma_wait3A_691 = arith.constant 0 : i32
      %dma_wait3A_692 = tpu.memref_slice %arg9[%dma_wait3A_682, %dma_wait3A_690, %dma_wait3A_691] : memref<2x128x128xf32, #tpu.memory_space<vmem>> -> memref<1x128x128xf32, #tpu.memory_space<vmem>>
      %dma_wait3A_693 = tpu.memref_squeeze %dma_wait3A_692 : memref<1x128x128xf32, #tpu.memory_space<vmem>> -> memref<128x128xf32, #tpu.memory_space<vmem>>
      %dma_wait3A_694 = arith.constant 0 : i32
      %dma_wait3A_695 = arith.constant 0 : i32
      %dma_wait3A_696 = tpu.memref_slice %arg2[%dma_wait3A_694, %dma_wait3A_695] : memref<10000x128xf32, #tpu.memory_space<hbm>> -> memref<128x128xf32, #tpu.memory_space<hbm>>
      tpu.wait_dma2 semaphore(%arg12 : memref<!tpu.dma_semaphore, #tpu.memory_space<semaphore_mem>>) src(%dma_wait3A_696 : memref<128x128xf32, #tpu.memory_space<hbm>>) dst(%dma_wait3A_693 : memref<128x128xf32, #tpu.memory_space<vmem>>)
      %dma_start3A_697 = arith.constant 1 : i32
      %dma_start3A_698 = arith.constant 4 : i32
      %dma_start3A_699 = arith.constant 0 : i32
      %dma_start3A_700 = arith.constant 0 : i32
      %dma_start3A_701 = arith.constant 0 : i32
      %dma_start3A_702 = tpu.memref_slice %arg9[%dma_start3A_699, %dma_start3A_700, %dma_start3A_701] : memref<2x128x128xf32, #tpu.memory_space<vmem>> -> memref<1x128x128xf32, #tpu.memory_space<vmem>>
      %dma_start3A_703 = tpu.memref_squeeze %dma_start3A_702 : memref<1x128x128xf32, #tpu.memory_space<vmem>> -> memref<128x128xf32, #tpu.memory_space<vmem>>
      %dma_start3A_704 = arith.constant 0 : i32
      %dma_start3A_705 = arith.constant 0 : i32
      %dma_start3A_706 = tpu.memref_slice %arg7[%dma_start3A_697, %dma_start3A_704, %dma_start3A_705] : memref<2x8x128xi32, #tpu.memory_space<vmem>> -> memref<1x8x128xi32, #tpu.memory_space<vmem>>
      %dma_start3A_707 = tpu.memref_squeeze %dma_start3A_706 : memref<1x8x128xi32, #tpu.memory_space<vmem>> -> memref<8x128xi32, #tpu.memory_space<vmem>>
      %dma_start3A_708 = arith.constant 0 : i32
      %dma_start3A_709 = tpu.memref_slice %dma_start3A_707[%dma_start3A_698, %dma_start3A_708] : memref<8x128xi32, #tpu.memory_space<vmem>> -> memref<1x128xi32, #tpu.memory_space<vmem>>
      %dma_start3A_710 = tpu.memref_squeeze %dma_start3A_709 : memref<1x128xi32, #tpu.memory_space<vmem>> -> memref<128xi32, #tpu.memory_space<vmem>>
      %dma_start3A_711 = arith.constant 0 : i32
      %dma_start3A_712 = arith.constant 0 : i32
      %dma_start3A_713 = tpu.memref_slice %arg2[%dma_start3A_711, %dma_start3A_712] : memref<10000x128xf32, #tpu.memory_space<hbm>> -> memref<10000x128xf32, #tpu.memory_space<hbm>>
      tpu.enqueue_indirect_dma source(%dma_start3A_713 : memref<10000x128xf32, #tpu.memory_space<hbm>>) target(%dma_start3A_703 : memref<128x128xf32, #tpu.memory_space<vmem>>) offsets(%dma_start3A_710 : memref<128xi32, #tpu.memory_space<vmem>>) semaphore(%arg11 : memref<!tpu.dma_semaphore, #tpu.memory_space<semaphore_mem>>)
      %run_scoped3A_714 = arith.constant 1 : i32
      %run_scoped3A_715 = arith.constant 1 : i32
      %run_scoped3A_716 = arith.constant 3 : i32
      "tpu.region"() ({
        %run_scoped3A_843 = tpu.sem_alloc : memref<!tpu.dma_semaphore, #tpu.memory_space<semaphore_mem>>
        %dma_start3A_844 = arith.constant 0 : i32
        %dma_start3A_845 = arith.constant 0 : i32
        %dma_start3A_846 = tpu.memref_slice %arg9[%run_scoped3A_714, %dma_start3A_844, %dma_start3A_845] : memref<2x128x128xf32, #tpu.memory_space<vmem>> -> memref<1x128x128xf32, #tpu.memory_space<vmem>>
        %dma_start3A_847 = tpu.memref_squeeze %dma_start3A_846 : memref<1x128x128xf32, #tpu.memory_space<vmem>> -> memref<128x128xf32, #tpu.memory_space<vmem>>
        %dma_start3A_848 = arith.constant 0 : i32
        %dma_start3A_849 = arith.constant 0 : i32
        %dma_start3A_850 = tpu.memref_slice %arg8[%run_scoped3A_715, %dma_start3A_848, %dma_start3A_849] : memref<2x8x128xi32, #tpu.memory_space<vmem>> -> memref<1x8x128xi32, #tpu.memory_space<vmem>>
        %dma_start3A_851 = tpu.memref_squeeze %dma_start3A_850 : memref<1x8x128xi32, #tpu.memory_space<vmem>> -> memref<8x128xi32, #tpu.memory_space<vmem>>
        %dma_start3A_852 = arith.constant 0 : i32
        %dma_start3A_853 = tpu.memref_slice %dma_start3A_851[%run_scoped3A_716, %dma_start3A_852] : memref<8x128xi32, #tpu.memory_space<vmem>> -> memref<1x128xi32, #tpu.memory_space<vmem>>
        %dma_start3A_854 = tpu.memref_squeeze %dma_start3A_853 : memref<1x128xi32, #tpu.memory_space<vmem>> -> memref<128xi32, #tpu.memory_space<vmem>>
        %dma_start3A_855 = arith.constant 0 : i32
        %dma_start3A_856 = arith.constant 0 : i32
        %dma_start3A_857 = tpu.memref_slice %arg10[%dma_start3A_855, %dma_start3A_856] : memref<10112x128xf32, #tpu.memory_space<vmem_shared>> -> memref<10112x128xf32, #tpu.memory_space<vmem_shared>>
        tpu.enqueue_indirect_dma source(%dma_start3A_847 : memref<128x128xf32, #tpu.memory_space<vmem>>) target(%dma_start3A_857 : memref<10112x128xf32, #tpu.memory_space<vmem_shared>>) offsets(%dma_start3A_854 : memref<128xi32, #tpu.memory_space<vmem>>) semaphore(%run_scoped3A_843 : memref<!tpu.dma_semaphore, #tpu.memory_space<semaphore_mem>>) {add = true}
        %dma_wait3A_858 = arith.constant 0 : i32
        %dma_wait3A_859 = arith.constant 0 : i32
        %dma_wait3A_860 = tpu.memref_slice %arg9[%run_scoped3A_714, %dma_wait3A_858, %dma_wait3A_859] : memref<2x128x128xf32, #tpu.memory_space<vmem>> -> memref<1x128x128xf32, #tpu.memory_space<vmem>>
        %dma_wait3A_861 = tpu.memref_squeeze %dma_wait3A_860 : memref<1x128x128xf32, #tpu.memory_space<vmem>> -> memref<128x128xf32, #tpu.memory_space<vmem>>
        %dma_wait3A_862 = arith.constant 0 : i32
        %dma_wait3A_863 = arith.constant 0 : i32
        %dma_wait3A_864 = tpu.memref_slice %arg8[%run_scoped3A_715, %dma_wait3A_862, %dma_wait3A_863] : memref<2x8x128xi32, #tpu.memory_space<vmem>> -> memref<1x8x128xi32, #tpu.memory_space<vmem>>
        %dma_wait3A_865 = tpu.memref_squeeze %dma_wait3A_864 : memref<1x8x128xi32, #tpu.memory_space<vmem>> -> memref<8x128xi32, #tpu.memory_space<vmem>>
        %dma_wait3A_866 = arith.constant 0 : i32
        %dma_wait3A_867 = tpu.memref_slice %dma_wait3A_865[%run_scoped3A_716, %dma_wait3A_866] : memref<8x128xi32, #tpu.memory_space<vmem>> -> memref<1x128xi32, #tpu.memory_space<vmem>>
        %dma_wait3A_868 = tpu.memref_squeeze %dma_wait3A_867 : memref<1x128xi32, #tpu.memory_space<vmem>> -> memref<128xi32, #tpu.memory_space<vmem>>
        %dma_wait3A_869 = arith.constant 0 : i32
        %dma_wait3A_870 = arith.constant 0 : i32
        %dma_wait3A_871 = tpu.memref_slice %arg10[%dma_wait3A_869, %dma_wait3A_870] : memref<10112x128xf32, #tpu.memory_space<vmem_shared>> -> memref<10112x128xf32, #tpu.memory_space<vmem_shared>>
        tpu.wait_indirect_dma semaphore(%run_scoped3A_843 : memref<!tpu.dma_semaphore, #tpu.memory_space<semaphore_mem>>) src(%dma_wait3A_861 : memref<128x128xf32, #tpu.memory_space<vmem>>) dst(%dma_wait3A_871 : memref<10112x128xf32, #tpu.memory_space<vmem_shared>>)
        tpu.yield
      }) : () -> ()
      %dma_wait3A_717 = arith.constant 0 : i32
      %dma_wait3A_718 = arith.constant 0 : i32
      %dma_wait3A_719 = arith.constant 0 : i32
      %dma_wait3A_720 = tpu.memref_slice %arg9[%dma_wait3A_717, %dma_wait3A_718, %dma_wait3A_719] : memref<2x128x128xf32, #tpu.memory_space<vmem>> -> memref<1x128x128xf32, #tpu.memory_space<vmem>>
      %dma_wait3A_721 = tpu.memref_squeeze %dma_wait3A_720 : memref<1x128x128xf32, #tpu.memory_space<vmem>> -> memref<128x128xf32, #tpu.memory_space<vmem>>
      %dma_wait3A_722 = arith.constant 0 : i32
      %dma_wait3A_723 = arith.constant 0 : i32
      %dma_wait3A_724 = tpu.memref_slice %arg2[%dma_wait3A_722, %dma_wait3A_723] : memref<10000x128xf32, #tpu.memory_space<hbm>> -> memref<128x128xf32, #tpu.memory_space<hbm>>
      %dma_wait3A_725 = arith.constant 0 : i32
      %dma_wait3A_726 = arith.constant 0 : i32
      %dma_wait3A_727 = tpu.memref_slice %arg9[%dma_wait3A_717, %dma_wait3A_725, %dma_wait3A_726] : memref<2x128x128xf32, #tpu.memory_space<vmem>> -> memref<1x128x128xf32, #tpu.memory_space<vmem>>
      %dma_wait3A_728 = tpu.memref_squeeze %dma_wait3A_727 : memref<1x128x128xf32, #tpu.memory_space<vmem>> -> memref<128x128xf32, #tpu.memory_space<vmem>>
      %dma_wait3A_729 = arith.constant 0 : i32
      %dma_wait3A_730 = arith.constant 0 : i32
      %dma_wait3A_731 = tpu.memref_slice %arg2[%dma_wait3A_729, %dma_wait3A_730] : memref<10000x128xf32, #tpu.memory_space<hbm>> -> memref<128x128xf32, #tpu.memory_space<hbm>>
      tpu.wait_dma2 semaphore(%arg11 : memref<!tpu.dma_semaphore, #tpu.memory_space<semaphore_mem>>) src(%dma_wait3A_731 : memref<128x128xf32, #tpu.memory_space<hbm>>) dst(%dma_wait3A_728 : memref<128x128xf32, #tpu.memory_space<vmem>>)
      %dma_start3A_732 = arith.constant 1 : i32
      %dma_start3A_733 = arith.constant 5 : i32
      %dma_start3A_734 = arith.constant 1 : i32
      %dma_start3A_735 = arith.constant 0 : i32
      %dma_start3A_736 = arith.constant 0 : i32
      %dma_start3A_737 = tpu.memref_slice %arg9[%dma_start3A_734, %dma_start3A_735, %dma_start3A_736] : memref<2x128x128xf32, #tpu.memory_space<vmem>> -> memref<1x128x128xf32, #tpu.memory_space<vmem>>
      %dma_start3A_738 = tpu.memref_squeeze %dma_start3A_737 : memref<1x128x128xf32, #tpu.memory_space<vmem>> -> memref<128x128xf32, #tpu.memory_space<vmem>>
      %dma_start3A_739 = arith.constant 0 : i32
      %dma_start3A_740 = arith.constant 0 : i32
      %dma_start3A_741 = tpu.memref_slice %arg7[%dma_start3A_732, %dma_start3A_739, %dma_start3A_740] : memref<2x8x128xi32, #tpu.memory_space<vmem>> -> memref<1x8x128xi32, #tpu.memory_space<vmem>>
      %dma_start3A_742 = tpu.memref_squeeze %dma_start3A_741 : memref<1x8x128xi32, #tpu.memory_space<vmem>> -> memref<8x128xi32, #tpu.memory_space<vmem>>
      %dma_start3A_743 = arith.constant 0 : i32
      %dma_start3A_744 = tpu.memref_slice %dma_start3A_742[%dma_start3A_733, %dma_start3A_743] : memref<8x128xi32, #tpu.memory_space<vmem>> -> memref<1x128xi32, #tpu.memory_space<vmem>>
      %dma_start3A_745 = tpu.memref_squeeze %dma_start3A_744 : memref<1x128xi32, #tpu.memory_space<vmem>> -> memref<128xi32, #tpu.memory_space<vmem>>
      %dma_start3A_746 = arith.constant 0 : i32
      %dma_start3A_747 = arith.constant 0 : i32
      %dma_start3A_748 = tpu.memref_slice %arg2[%dma_start3A_746, %dma_start3A_747] : memref<10000x128xf32, #tpu.memory_space<hbm>> -> memref<10000x128xf32, #tpu.memory_space<hbm>>
      tpu.enqueue_indirect_dma source(%dma_start3A_748 : memref<10000x128xf32, #tpu.memory_space<hbm>>) target(%dma_start3A_738 : memref<128x128xf32, #tpu.memory_space<vmem>>) offsets(%dma_start3A_745 : memref<128xi32, #tpu.memory_space<vmem>>) semaphore(%arg12 : memref<!tpu.dma_semaphore, #tpu.memory_space<semaphore_mem>>)
      %run_scoped3A_749 = arith.constant 0 : i32
      %run_scoped3A_750 = arith.constant 1 : i32
      %run_scoped3A_751 = arith.constant 4 : i32
      "tpu.region"() ({
        %run_scoped3A_843 = tpu.sem_alloc : memref<!tpu.dma_semaphore, #tpu.memory_space<semaphore_mem>>
        %dma_start3A_844 = arith.constant 0 : i32
        %dma_start3A_845 = arith.constant 0 : i32
        %dma_start3A_846 = tpu.memref_slice %arg9[%run_scoped3A_749, %dma_start3A_844, %dma_start3A_845] : memref<2x128x128xf32, #tpu.memory_space<vmem>> -> memref<1x128x128xf32, #tpu.memory_space<vmem>>
        %dma_start3A_847 = tpu.memref_squeeze %dma_start3A_846 : memref<1x128x128xf32, #tpu.memory_space<vmem>> -> memref<128x128xf32, #tpu.memory_space<vmem>>
        %dma_start3A_848 = arith.constant 0 : i32
        %dma_start3A_849 = arith.constant 0 : i32
        %dma_start3A_850 = tpu.memref_slice %arg8[%run_scoped3A_750, %dma_start3A_848, %dma_start3A_849] : memref<2x8x128xi32, #tpu.memory_space<vmem>> -> memref<1x8x128xi32, #tpu.memory_space<vmem>>
        %dma_start3A_851 = tpu.memref_squeeze %dma_start3A_850 : memref<1x8x128xi32, #tpu.memory_space<vmem>> -> memref<8x128xi32, #tpu.memory_space<vmem>>
        %dma_start3A_852 = arith.constant 0 : i32
        %dma_start3A_853 = tpu.memref_slice %dma_start3A_851[%run_scoped3A_751, %dma_start3A_852] : memref<8x128xi32, #tpu.memory_space<vmem>> -> memref<1x128xi32, #tpu.memory_space<vmem>>
        %dma_start3A_854 = tpu.memref_squeeze %dma_start3A_853 : memref<1x128xi32, #tpu.memory_space<vmem>> -> memref<128xi32, #tpu.memory_space<vmem>>
        %dma_start3A_855 = arith.constant 0 : i32
        %dma_start3A_856 = arith.constant 0 : i32
        %dma_start3A_857 = tpu.memref_slice %arg10[%dma_start3A_855, %dma_start3A_856] : memref<10112x128xf32, #tpu.memory_space<vmem_shared>> -> memref<10112x128xf32, #tpu.memory_space<vmem_shared>>
        tpu.enqueue_indirect_dma source(%dma_start3A_847 : memref<128x128xf32, #tpu.memory_space<vmem>>) target(%dma_start3A_857 : memref<10112x128xf32, #tpu.memory_space<vmem_shared>>) offsets(%dma_start3A_854 : memref<128xi32, #tpu.memory_space<vmem>>) semaphore(%run_scoped3A_843 : memref<!tpu.dma_semaphore, #tpu.memory_space<semaphore_mem>>) {add = true}
        %dma_wait3A_858 = arith.constant 0 : i32
        %dma_wait3A_859 = arith.constant 0 : i32
        %dma_wait3A_860 = tpu.memref_slice %arg9[%run_scoped3A_749, %dma_wait3A_858, %dma_wait3A_859] : memref<2x128x128xf32, #tpu.memory_space<vmem>> -> memref<1x128x128xf32, #tpu.memory_space<vmem>>
        %dma_wait3A_861 = tpu.memref_squeeze %dma_wait3A_860 : memref<1x128x128xf32, #tpu.memory_space<vmem>> -> memref<128x128xf32, #tpu.memory_space<vmem>>
        %dma_wait3A_862 = arith.constant 0 : i32
        %dma_wait3A_863 = arith.constant 0 : i32
        %dma_wait3A_864 = tpu.memref_slice %arg8[%run_scoped3A_750, %dma_wait3A_862, %dma_wait3A_863] : memref<2x8x128xi32, #tpu.memory_space<vmem>> -> memref<1x8x128xi32, #tpu.memory_space<vmem>>
        %dma_wait3A_865 = tpu.memref_squeeze %dma_wait3A_864 : memref<1x8x128xi32, #tpu.memory_space<vmem>> -> memref<8x128xi32, #tpu.memory_space<vmem>>
        %dma_wait3A_866 = arith.constant 0 : i32
        %dma_wait3A_867 = tpu.memref_slice %dma_wait3A_865[%run_scoped3A_751, %dma_wait3A_866] : memref<8x128xi32, #tpu.memory_space<vmem>> -> memref<1x128xi32, #tpu.memory_space<vmem>>
        %dma_wait3A_868 = tpu.memref_squeeze %dma_wait3A_867 : memref<1x128xi32, #tpu.memory_space<vmem>> -> memref<128xi32, #tpu.memory_space<vmem>>
        %dma_wait3A_869 = arith.constant 0 : i32
        %dma_wait3A_870 = arith.constant 0 : i32
        %dma_wait3A_871 = tpu.memref_slice %arg10[%dma_wait3A_869, %dma_wait3A_870] : memref<10112x128xf32, #tpu.memory_space<vmem_shared>> -> memref<10112x128xf32, #tpu.memory_space<vmem_shared>>
        tpu.wait_indirect_dma semaphore(%run_scoped3A_843 : memref<!tpu.dma_semaphore, #tpu.memory_space<semaphore_mem>>) src(%dma_wait3A_861 : memref<128x128xf32, #tpu.memory_space<vmem>>) dst(%dma_wait3A_871 : memref<10112x128xf32, #tpu.memory_space<vmem_shared>>)
        tpu.yield
      }) : () -> ()
      %dma_wait3A_752 = arith.constant 1 : i32
      %dma_wait3A_753 = arith.constant 0 : i32
      %dma_wait3A_754 = arith.constant 0 : i32
      %dma_wait3A_755 = tpu.memref_slice %arg9[%dma_wait3A_752, %dma_wait3A_753, %dma_wait3A_754] : memref<2x128x128xf32, #tpu.memory_space<vmem>> -> memref<1x128x128xf32, #tpu.memory_space<vmem>>
      %dma_wait3A_756 = tpu.memref_squeeze %dma_wait3A_755 : memref<1x128x128xf32, #tpu.memory_space<vmem>> -> memref<128x128xf32, #tpu.memory_space<vmem>>
      %dma_wait3A_757 = arith.constant 0 : i32
      %dma_wait3A_758 = arith.constant 0 : i32
      %dma_wait3A_759 = tpu.memref_slice %arg2[%dma_wait3A_757, %dma_wait3A_758] : memref<10000x128xf32, #tpu.memory_space<hbm>> -> memref<128x128xf32, #tpu.memory_space<hbm>>
      %dma_wait3A_760 = arith.constant 0 : i32
      %dma_wait3A_761 = arith.constant 0 : i32
      %dma_wait3A_762 = tpu.memref_slice %arg9[%dma_wait3A_752, %dma_wait3A_760, %dma_wait3A_761] : memref<2x128x128xf32, #tpu.memory_space<vmem>> -> memref<1x128x128xf32, #tpu.memory_space<vmem>>
      %dma_wait3A_763 = tpu.memref_squeeze %dma_wait3A_762 : memref<1x128x128xf32, #tpu.memory_space<vmem>> -> memref<128x128xf32, #tpu.memory_space<vmem>>
      %dma_wait3A_764 = arith.constant 0 : i32
      %dma_wait3A_765 = arith.constant 0 : i32
      %dma_wait3A_766 = tpu.memref_slice %arg2[%dma_wait3A_764, %dma_wait3A_765] : memref<10000x128xf32, #tpu.memory_space<hbm>> -> memref<128x128xf32, #tpu.memory_space<hbm>>
      tpu.wait_dma2 semaphore(%arg12 : memref<!tpu.dma_semaphore, #tpu.memory_space<semaphore_mem>>) src(%dma_wait3A_766 : memref<128x128xf32, #tpu.memory_space<hbm>>) dst(%dma_wait3A_763 : memref<128x128xf32, #tpu.memory_space<vmem>>)
      %dma_start3A_767 = arith.constant 1 : i32
      %dma_start3A_768 = arith.constant 6 : i32
      %dma_start3A_769 = arith.constant 0 : i32
      %dma_start3A_770 = arith.constant 0 : i32
      %dma_start3A_771 = arith.constant 0 : i32
      %dma_start3A_772 = tpu.memref_slice %arg9[%dma_start3A_769, %dma_start3A_770, %dma_start3A_771] : memref<2x128x128xf32, #tpu.memory_space<vmem>> -> memref<1x128x128xf32, #tpu.memory_space<vmem>>
      %dma_start3A_773 = tpu.memref_squeeze %dma_start3A_772 : memref<1x128x128xf32, #tpu.memory_space<vmem>> -> memref<128x128xf32, #tpu.memory_space<vmem>>
      %dma_start3A_774 = arith.constant 0 : i32
      %dma_start3A_775 = arith.constant 0 : i32
      %dma_start3A_776 = tpu.memref_slice %arg7[%dma_start3A_767, %dma_start3A_774, %dma_start3A_775] : memref<2x8x128xi32, #tpu.memory_space<vmem>> -> memref<1x8x128xi32, #tpu.memory_space<vmem>>
      %dma_start3A_777 = tpu.memref_squeeze %dma_start3A_776 : memref<1x8x128xi32, #tpu.memory_space<vmem>> -> memref<8x128xi32, #tpu.memory_space<vmem>>
      %dma_start3A_778 = arith.constant 0 : i32
      %dma_start3A_779 = tpu.memref_slice %dma_start3A_777[%dma_start3A_768, %dma_start3A_778] : memref<8x128xi32, #tpu.memory_space<vmem>> -> memref<1x128xi32, #tpu.memory_space<vmem>>
      %dma_start3A_780 = tpu.memref_squeeze %dma_start3A_779 : memref<1x128xi32, #tpu.memory_space<vmem>> -> memref<128xi32, #tpu.memory_space<vmem>>
      %dma_start3A_781 = arith.constant 0 : i32
      %dma_start3A_782 = arith.constant 0 : i32
      %dma_start3A_783 = tpu.memref_slice %arg2[%dma_start3A_781, %dma_start3A_782] : memref<10000x128xf32, #tpu.memory_space<hbm>> -> memref<10000x128xf32, #tpu.memory_space<hbm>>
      tpu.enqueue_indirect_dma source(%dma_start3A_783 : memref<10000x128xf32, #tpu.memory_space<hbm>>) target(%dma_start3A_773 : memref<128x128xf32, #tpu.memory_space<vmem>>) offsets(%dma_start3A_780 : memref<128xi32, #tpu.memory_space<vmem>>) semaphore(%arg11 : memref<!tpu.dma_semaphore, #tpu.memory_space<semaphore_mem>>)
      %run_scoped3A_784 = arith.constant 1 : i32
      %run_scoped3A_785 = arith.constant 1 : i32
      %run_scoped3A_786 = arith.constant 5 : i32
      "tpu.region"() ({
        %run_scoped3A_843 = tpu.sem_alloc : memref<!tpu.dma_semaphore, #tpu.memory_space<semaphore_mem>>
        %dma_start3A_844 = arith.constant 0 : i32
        %dma_start3A_845 = arith.constant 0 : i32
        %dma_start3A_846 = tpu.memref_slice %arg9[%run_scoped3A_784, %dma_start3A_844, %dma_start3A_845] : memref<2x128x128xf32, #tpu.memory_space<vmem>> -> memref<1x128x128xf32, #tpu.memory_space<vmem>>
        %dma_start3A_847 = tpu.memref_squeeze %dma_start3A_846 : memref<1x128x128xf32, #tpu.memory_space<vmem>> -> memref<128x128xf32, #tpu.memory_space<vmem>>
        %dma_start3A_848 = arith.constant 0 : i32
        %dma_start3A_849 = arith.constant 0 : i32
        %dma_start3A_850 = tpu.memref_slice %arg8[%run_scoped3A_785, %dma_start3A_848, %dma_start3A_849] : memref<2x8x128xi32, #tpu.memory_space<vmem>> -> memref<1x8x128xi32, #tpu.memory_space<vmem>>
        %dma_start3A_851 = tpu.memref_squeeze %dma_start3A_850 : memref<1x8x128xi32, #tpu.memory_space<vmem>> -> memref<8x128xi32, #tpu.memory_space<vmem>>
        %dma_start3A_852 = arith.constant 0 : i32
        %dma_start3A_853 = tpu.memref_slice %dma_start3A_851[%run_scoped3A_786, %dma_start3A_852] : memref<8x128xi32, #tpu.memory_space<vmem>> -> memref<1x128xi32, #tpu.memory_space<vmem>>
        %dma_start3A_854 = tpu.memref_squeeze %dma_start3A_853 : memref<1x128xi32, #tpu.memory_space<vmem>> -> memref<128xi32, #tpu.memory_space<vmem>>
        %dma_start3A_855 = arith.constant 0 : i32
        %dma_start3A_856 = arith.constant 0 : i32
        %dma_start3A_857 = tpu.memref_slice %arg10[%dma_start3A_855, %dma_start3A_856] : memref<10112x128xf32, #tpu.memory_space<vmem_shared>> -> memref<10112x128xf32, #tpu.memory_space<vmem_shared>>
        tpu.enqueue_indirect_dma source(%dma_start3A_847 : memref<128x128xf32, #tpu.memory_space<vmem>>) target(%dma_start3A_857 : memref<10112x128xf32, #tpu.memory_space<vmem_shared>>) offsets(%dma_start3A_854 : memref<128xi32, #tpu.memory_space<vmem>>) semaphore(%run_scoped3A_843 : memref<!tpu.dma_semaphore, #tpu.memory_space<semaphore_mem>>) {add = true}
        %dma_wait3A_858 = arith.constant 0 : i32
        %dma_wait3A_859 = arith.constant 0 : i32
        %dma_wait3A_860 = tpu.memref_slice %arg9[%run_scoped3A_784, %dma_wait3A_858, %dma_wait3A_859] : memref<2x128x128xf32, #tpu.memory_space<vmem>> -> memref<1x128x128xf32, #tpu.memory_space<vmem>>
        %dma_wait3A_861 = tpu.memref_squeeze %dma_wait3A_860 : memref<1x128x128xf32, #tpu.memory_space<vmem>> -> memref<128x128xf32, #tpu.memory_space<vmem>>
        %dma_wait3A_862 = arith.constant 0 : i32
        %dma_wait3A_863 = arith.constant 0 : i32
        %dma_wait3A_864 = tpu.memref_slice %arg8[%run_scoped3A_785, %dma_wait3A_862, %dma_wait3A_863] : memref<2x8x128xi32, #tpu.memory_space<vmem>> -> memref<1x8x128xi32, #tpu.memory_space<vmem>>
        %dma_wait3A_865 = tpu.memref_squeeze %dma_wait3A_864 : memref<1x8x128xi32, #tpu.memory_space<vmem>> -> memref<8x128xi32, #tpu.memory_space<vmem>>
        %dma_wait3A_866 = arith.constant 0 : i32
        %dma_wait3A_867 = tpu.memref_slice %dma_wait3A_865[%run_scoped3A_786, %dma_wait3A_866] : memref<8x128xi32, #tpu.memory_space<vmem>> -> memref<1x128xi32, #tpu.memory_space<vmem>>
        %dma_wait3A_868 = tpu.memref_squeeze %dma_wait3A_867 : memref<1x128xi32, #tpu.memory_space<vmem>> -> memref<128xi32, #tpu.memory_space<vmem>>
        %dma_wait3A_869 = arith.constant 0 : i32
        %dma_wait3A_870 = arith.constant 0 : i32
        %dma_wait3A_871 = tpu.memref_slice %arg10[%dma_wait3A_869, %dma_wait3A_870] : memref<10112x128xf32, #tpu.memory_space<vmem_shared>> -> memref<10112x128xf32, #tpu.memory_space<vmem_shared>>
        tpu.wait_indirect_dma semaphore(%run_scoped3A_843 : memref<!tpu.dma_semaphore, #tpu.memory_space<semaphore_mem>>) src(%dma_wait3A_861 : memref<128x128xf32, #tpu.memory_space<vmem>>) dst(%dma_wait3A_871 : memref<10112x128xf32, #tpu.memory_space<vmem_shared>>)
        tpu.yield
      }) : () -> ()
      %dma_wait3A_787 = arith.constant 0 : i32
      %dma_wait3A_788 = arith.constant 0 : i32
      %dma_wait3A_789 = arith.constant 0 : i32
      %dma_wait3A_790 = tpu.memref_slice %arg9[%dma_wait3A_787, %dma_wait3A_788, %dma_wait3A_789] : memref<2x128x128xf32, #tpu.memory_space<vmem>> -> memref<1x128x128xf32, #tpu.memory_space<vmem>>
      %dma_wait3A_791 = tpu.memref_squeeze %dma_wait3A_790 : memref<1x128x128xf32, #tpu.memory_space<vmem>> -> memref<128x128xf32, #tpu.memory_space<vmem>>
      %dma_wait3A_792 = arith.constant 0 : i32
      %dma_wait3A_793 = arith.constant 0 : i32
      %dma_wait3A_794 = tpu.memref_slice %arg2[%dma_wait3A_792, %dma_wait3A_793] : memref<10000x128xf32, #tpu.memory_space<hbm>> -> memref<128x128xf32, #tpu.memory_space<hbm>>
      %dma_wait3A_795 = arith.constant 0 : i32
      %dma_wait3A_796 = arith.constant 0 : i32
      %dma_wait3A_797 = tpu.memref_slice %arg9[%dma_wait3A_787, %dma_wait3A_795, %dma_wait3A_796] : memref<2x128x128xf32, #tpu.memory_space<vmem>> -> memref<1x128x128xf32, #tpu.memory_space<vmem>>
      %dma_wait3A_798 = tpu.memref_squeeze %dma_wait3A_797 : memref<1x128x128xf32, #tpu.memory_space<vmem>> -> memref<128x128xf32, #tpu.memory_space<vmem>>
      %dma_wait3A_799 = arith.constant 0 : i32
      %dma_wait3A_800 = arith.constant 0 : i32
      %dma_wait3A_801 = tpu.memref_slice %arg2[%dma_wait3A_799, %dma_wait3A_800] : memref<10000x128xf32, #tpu.memory_space<hbm>> -> memref<128x128xf32, #tpu.memory_space<hbm>>
      tpu.wait_dma2 semaphore(%arg11 : memref<!tpu.dma_semaphore, #tpu.memory_space<semaphore_mem>>) src(%dma_wait3A_801 : memref<128x128xf32, #tpu.memory_space<hbm>>) dst(%dma_wait3A_798 : memref<128x128xf32, #tpu.memory_space<vmem>>)
      %dma_start3A_802 = arith.constant 1 : i32
      %dma_start3A_803 = arith.constant 7 : i32
      %dma_start3A_804 = arith.constant 1 : i32
      %dma_start3A_805 = arith.constant 0 : i32
      %dma_start3A_806 = arith.constant 0 : i32
      %dma_start3A_807 = tpu.memref_slice %arg9[%dma_start3A_804, %dma_start3A_805, %dma_start3A_806] : memref<2x128x128xf32, #tpu.memory_space<vmem>> -> memref<1x128x128xf32, #tpu.memory_space<vmem>>
      %dma_start3A_808 = tpu.memref_squeeze %dma_start3A_807 : memref<1x128x128xf32, #tpu.memory_space<vmem>> -> memref<128x128xf32, #tpu.memory_space<vmem>>
      %dma_start3A_809 = arith.constant 0 : i32
      %dma_start3A_810 = arith.constant 0 : i32
      %dma_start3A_811 = tpu.memref_slice %arg7[%dma_start3A_802, %dma_start3A_809, %dma_start3A_810] : memref<2x8x128xi32, #tpu.memory_space<vmem>> -> memref<1x8x128xi32, #tpu.memory_space<vmem>>
      %dma_start3A_812 = tpu.memref_squeeze %dma_start3A_811 : memref<1x8x128xi32, #tpu.memory_space<vmem>> -> memref<8x128xi32, #tpu.memory_space<vmem>>
      %dma_start3A_813 = arith.constant 0 : i32
      %dma_start3A_814 = tpu.memref_slice %dma_start3A_812[%dma_start3A_803, %dma_start3A_813] : memref<8x128xi32, #tpu.memory_space<vmem>> -> memref<1x128xi32, #tpu.memory_space<vmem>>
      %dma_start3A_815 = tpu.memref_squeeze %dma_start3A_814 : memref<1x128xi32, #tpu.memory_space<vmem>> -> memref<128xi32, #tpu.memory_space<vmem>>
      %dma_start3A_816 = arith.constant 0 : i32
      %dma_start3A_817 = arith.constant 0 : i32
      %dma_start3A_818 = tpu.memref_slice %arg2[%dma_start3A_816, %dma_start3A_817] : memref<10000x128xf32, #tpu.memory_space<hbm>> -> memref<10000x128xf32, #tpu.memory_space<hbm>>
      tpu.enqueue_indirect_dma source(%dma_start3A_818 : memref<10000x128xf32, #tpu.memory_space<hbm>>) target(%dma_start3A_808 : memref<128x128xf32, #tpu.memory_space<vmem>>) offsets(%dma_start3A_815 : memref<128xi32, #tpu.memory_space<vmem>>) semaphore(%arg12 : memref<!tpu.dma_semaphore, #tpu.memory_space<semaphore_mem>>)
      %run_scoped3A_819 = arith.constant 0 : i32
      %run_scoped3A_820 = arith.constant 1 : i32
      %run_scoped3A_821 = arith.constant 6 : i32
      "tpu.region"() ({
        %run_scoped3A_843 = tpu.sem_alloc : memref<!tpu.dma_semaphore, #tpu.memory_space<semaphore_mem>>
        %dma_start3A_844 = arith.constant 0 : i32
        %dma_start3A_845 = arith.constant 0 : i32
        %dma_start3A_846 = tpu.memref_slice %arg9[%run_scoped3A_819, %dma_start3A_844, %dma_start3A_845] : memref<2x128x128xf32, #tpu.memory_space<vmem>> -> memref<1x128x128xf32, #tpu.memory_space<vmem>>
        %dma_start3A_847 = tpu.memref_squeeze %dma_start3A_846 : memref<1x128x128xf32, #tpu.memory_space<vmem>> -> memref<128x128xf32, #tpu.memory_space<vmem>>
        %dma_start3A_848 = arith.constant 0 : i32
        %dma_start3A_849 = arith.constant 0 : i32
        %dma_start3A_850 = tpu.memref_slice %arg8[%run_scoped3A_820, %dma_start3A_848, %dma_start3A_849] : memref<2x8x128xi32, #tpu.memory_space<vmem>> -> memref<1x8x128xi32, #tpu.memory_space<vmem>>
        %dma_start3A_851 = tpu.memref_squeeze %dma_start3A_850 : memref<1x8x128xi32, #tpu.memory_space<vmem>> -> memref<8x128xi32, #tpu.memory_space<vmem>>
        %dma_start3A_852 = arith.constant 0 : i32
        %dma_start3A_853 = tpu.memref_slice %dma_start3A_851[%run_scoped3A_821, %dma_start3A_852] : memref<8x128xi32, #tpu.memory_space<vmem>> -> memref<1x128xi32, #tpu.memory_space<vmem>>
        %dma_start3A_854 = tpu.memref_squeeze %dma_start3A_853 : memref<1x128xi32, #tpu.memory_space<vmem>> -> memref<128xi32, #tpu.memory_space<vmem>>
        %dma_start3A_855 = arith.constant 0 : i32
        %dma_start3A_856 = arith.constant 0 : i32
        %dma_start3A_857 = tpu.memref_slice %arg10[%dma_start3A_855, %dma_start3A_856] : memref<10112x128xf32, #tpu.memory_space<vmem_shared>> -> memref<10112x128xf32, #tpu.memory_space<vmem_shared>>
        tpu.enqueue_indirect_dma source(%dma_start3A_847 : memref<128x128xf32, #tpu.memory_space<vmem>>) target(%dma_start3A_857 : memref<10112x128xf32, #tpu.memory_space<vmem_shared>>) offsets(%dma_start3A_854 : memref<128xi32, #tpu.memory_space<vmem>>) semaphore(%run_scoped3A_843 : memref<!tpu.dma_semaphore, #tpu.memory_space<semaphore_mem>>) {add = true}
        %dma_wait3A_858 = arith.constant 0 : i32
        %dma_wait3A_859 = arith.constant 0 : i32
        %dma_wait3A_860 = tpu.memref_slice %arg9[%run_scoped3A_819, %dma_wait3A_858, %dma_wait3A_859] : memref<2x128x128xf32, #tpu.memory_space<vmem>> -> memref<1x128x128xf32, #tpu.memory_space<vmem>>
        %dma_wait3A_861 = tpu.memref_squeeze %dma_wait3A_860 : memref<1x128x128xf32, #tpu.memory_space<vmem>> -> memref<128x128xf32, #tpu.memory_space<vmem>>
        %dma_wait3A_862 = arith.constant 0 : i32
        %dma_wait3A_863 = arith.constant 0 : i32
        %dma_wait3A_864 = tpu.memref_slice %arg8[%run_scoped3A_820, %dma_wait3A_862, %dma_wait3A_863] : memref<2x8x128xi32, #tpu.memory_space<vmem>> -> memref<1x8x128xi32, #tpu.memory_space<vmem>>
        %dma_wait3A_865 = tpu.memref_squeeze %dma_wait3A_864 : memref<1x8x128xi32, #tpu.memory_space<vmem>> -> memref<8x128xi32, #tpu.memory_space<vmem>>
        %dma_wait3A_866 = arith.constant 0 : i32
        %dma_wait3A_867 = tpu.memref_slice %dma_wait3A_865[%run_scoped3A_821, %dma_wait3A_866] : memref<8x128xi32, #tpu.memory_space<vmem>> -> memref<1x128xi32, #tpu.memory_space<vmem>>
        %dma_wait3A_868 = tpu.memref_squeeze %dma_wait3A_867 : memref<1x128xi32, #tpu.memory_space<vmem>> -> memref<128xi32, #tpu.memory_space<vmem>>
        %dma_wait3A_869 = arith.constant 0 : i32
        %dma_wait3A_870 = arith.constant 0 : i32
        %dma_wait3A_871 = tpu.memref_slice %arg10[%dma_wait3A_869, %dma_wait3A_870] : memref<10112x128xf32, #tpu.memory_space<vmem_shared>> -> memref<10112x128xf32, #tpu.memory_space<vmem_shared>>
        tpu.wait_indirect_dma semaphore(%run_scoped3A_843 : memref<!tpu.dma_semaphore, #tpu.memory_space<semaphore_mem>>) src(%dma_wait3A_861 : memref<128x128xf32, #tpu.memory_space<vmem>>) dst(%dma_wait3A_871 : memref<10112x128xf32, #tpu.memory_space<vmem_shared>>)
        tpu.yield
      }) : () -> ()
      %dma_wait3A_822 = arith.constant 1 : i32
      %dma_wait3A_823 = arith.constant 0 : i32
      %dma_wait3A_824 = arith.constant 0 : i32
      %dma_wait3A_825 = tpu.memref_slice %arg9[%dma_wait3A_822, %dma_wait3A_823, %dma_wait3A_824] : memref<2x128x128xf32, #tpu.memory_space<vmem>> -> memref<1x128x128xf32, #tpu.memory_space<vmem>>
      %dma_wait3A_826 = tpu.memref_squeeze %dma_wait3A_825 : memref<1x128x128xf32, #tpu.memory_space<vmem>> -> memref<128x128xf32, #tpu.memory_space<vmem>>
      %dma_wait3A_827 = arith.constant 0 : i32
      %dma_wait3A_828 = arith.constant 0 : i32
      %dma_wait3A_829 = tpu.memref_slice %arg2[%dma_wait3A_827, %dma_wait3A_828] : memref<10000x128xf32, #tpu.memory_space<hbm>> -> memref<128x128xf32, #tpu.memory_space<hbm>>
      %dma_wait3A_830 = arith.constant 0 : i32
      %dma_wait3A_831 = arith.constant 0 : i32
      %dma_wait3A_832 = tpu.memref_slice %arg9[%dma_wait3A_822, %dma_wait3A_830, %dma_wait3A_831] : memref<2x128x128xf32, #tpu.memory_space<vmem>> -> memref<1x128x128xf32, #tpu.memory_space<vmem>>
      %dma_wait3A_833 = tpu.memref_squeeze %dma_wait3A_832 : memref<1x128x128xf32, #tpu.memory_space<vmem>> -> memref<128x128xf32, #tpu.memory_space<vmem>>
      %dma_wait3A_834 = arith.constant 0 : i32
      %dma_wait3A_835 = arith.constant 0 : i32
      %dma_wait3A_836 = tpu.memref_slice %arg2[%dma_wait3A_834, %dma_wait3A_835] : memref<10000x128xf32, #tpu.memory_space<hbm>> -> memref<128x128xf32, #tpu.memory_space<hbm>>
      tpu.wait_dma2 semaphore(%arg12 : memref<!tpu.dma_semaphore, #tpu.memory_space<semaphore_mem>>) src(%dma_wait3A_836 : memref<128x128xf32, #tpu.memory_space<hbm>>) dst(%dma_wait3A_833 : memref<128x128xf32, #tpu.memory_space<vmem>>)
      %convert_element_type3A_837 = arith.extui %lt3A_542 : i1 to i32
      %cond3A_838 = arith.constant 0 : i32
      %cond3A_839 = arith.cmpi ne, %convert_element_type3A_837, %cond3A_838 : i32
      scf.if %cond3A_839 {
        %dma_wait3A_843 = arith.constant 0 : i32
        %dma_wait3A_844 = arith.constant 0 : i32
        %dma_wait3A_845 = arith.constant 0 : i32
        %dma_wait3A_846 = tpu.memref_slice %arg7[%dma_wait3A_843, %dma_wait3A_844, %dma_wait3A_845] : memref<2x8x128xi32, #tpu.memory_space<vmem>> -> memref<1x8x128xi32, #tpu.memory_space<vmem>>
        %dma_wait3A_847 = tpu.memref_squeeze %dma_wait3A_846 : memref<1x8x128xi32, #tpu.memory_space<vmem>> -> memref<8x128xi32, #tpu.memory_space<vmem>>
        %dma_wait3A_848 = arith.constant 0 : i32
        %dma_wait3A_849 = arith.constant 0 : i32
        %dma_wait3A_850 = arith.constant 0 : i32
        %dma_wait3A_851 = tpu.memref_slice %arg3[%arg0, %dma_wait3A_848, %dma_wait3A_849, %dma_wait3A_850] : memref<2x16x80x128xi32, #tpu.memory_space<hbm>> -> memref<1x16x80x128xi32, #tpu.memory_space<hbm>>
        %dma_wait3A_852 = tpu.memref_squeeze %dma_wait3A_851 : memref<1x16x80x128xi32, #tpu.memory_space<hbm>> -> memref<16x80x128xi32, #tpu.memory_space<hbm>>
        %dma_wait3A_853 = arith.constant 0 : i32
        %dma_wait3A_854 = arith.constant 0 : i32
        %dma_wait3A_855 = tpu.memref_slice %dma_wait3A_852[%arg1, %dma_wait3A_853, %dma_wait3A_854] : memref<16x80x128xi32, #tpu.memory_space<hbm>> -> memref<1x80x128xi32, #tpu.memory_space<hbm>>
        %dma_wait3A_856 = tpu.memref_squeeze %dma_wait3A_855 : memref<1x80x128xi32, #tpu.memory_space<hbm>> -> memref<80x128xi32, #tpu.memory_space<hbm>>
        %dma_wait3A_857 = arith.constant 0 : i32
        %dma_wait3A_858 = arith.constant 0 : i32
        %dma_wait3A_859 = tpu.memref_slice %dma_wait3A_856[%dma_wait3A_857, %dma_wait3A_858] : memref<80x128xi32, #tpu.memory_space<hbm>> -> memref<8x128xi32, #tpu.memory_space<hbm>>
        %dma_wait3A_860 = arith.constant 0 : i32
        %dma_wait3A_861 = arith.constant 0 : i32
        %dma_wait3A_862 = tpu.memref_slice %arg7[%dma_wait3A_843, %dma_wait3A_860, %dma_wait3A_861] : memref<2x8x128xi32, #tpu.memory_space<vmem>> -> memref<1x8x128xi32, #tpu.memory_space<vmem>>
        %dma_wait3A_863 = tpu.memref_squeeze %dma_wait3A_862 : memref<1x8x128xi32, #tpu.memory_space<vmem>> -> memref<8x128xi32, #tpu.memory_space<vmem>>
        %dma_wait3A_864 = arith.constant 0 : i32
        %dma_wait3A_865 = arith.constant 0 : i32
        %dma_wait3A_866 = arith.constant 0 : i32
        %dma_wait3A_867 = tpu.memref_slice %arg3[%arg0, %dma_wait3A_864, %dma_wait3A_865, %dma_wait3A_866] : memref<2x16x80x128xi32, #tpu.memory_space<hbm>> -> memref<1x16x80x128xi32, #tpu.memory_space<hbm>>
        %dma_wait3A_868 = tpu.memref_squeeze %dma_wait3A_867 : memref<1x16x80x128xi32, #tpu.memory_space<hbm>> -> memref<16x80x128xi32, #tpu.memory_space<hbm>>
        %dma_wait3A_869 = arith.constant 0 : i32
        %dma_wait3A_870 = arith.constant 0 : i32
        %dma_wait3A_871 = tpu.memref_slice %dma_wait3A_868[%arg1, %dma_wait3A_869, %dma_wait3A_870] : memref<16x80x128xi32, #tpu.memory_space<hbm>> -> memref<1x80x128xi32, #tpu.memory_space<hbm>>
        %dma_wait3A_872 = tpu.memref_squeeze %dma_wait3A_871 : memref<1x80x128xi32, #tpu.memory_space<hbm>> -> memref<80x128xi32, #tpu.memory_space<hbm>>
        %dma_wait3A_873 = arith.constant 0 : i32
        %dma_wait3A_874 = arith.constant 0 : i32
        %dma_wait3A_875 = tpu.memref_slice %dma_wait3A_872[%dma_wait3A_873, %dma_wait3A_874] : memref<80x128xi32, #tpu.memory_space<hbm>> -> memref<8x128xi32, #tpu.memory_space<hbm>>
        tpu.wait_dma2 semaphore(%arg15 : memref<!tpu.dma_semaphore, #tpu.memory_space<semaphore_mem>>) src(%dma_wait3A_875 : memref<8x128xi32, #tpu.memory_space<hbm>>) dst(%dma_wait3A_863 : memref<8x128xi32, #tpu.memory_space<vmem>>)
        %dma_start3A_876 = arith.constant 0 : i32
        %dma_start3A_877 = arith.constant 0 : i32
        %dma_start3A_878 = arith.constant 0 : i32
        %dma_start3A_879 = arith.constant 0 : i32
        %dma_start3A_880 = arith.constant 0 : i32
        %dma_start3A_881 = tpu.memref_slice %arg9[%dma_start3A_878, %dma_start3A_879, %dma_start3A_880] : memref<2x128x128xf32, #tpu.memory_space<vmem>> -> memref<1x128x128xf32, #tpu.memory_space<vmem>>
        %dma_start3A_882 = tpu.memref_squeeze %dma_start3A_881 : memref<1x128x128xf32, #tpu.memory_space<vmem>> -> memref<128x128xf32, #tpu.memory_space<vmem>>
        %dma_start3A_883 = arith.constant 0 : i32
        %dma_start3A_884 = arith.constant 0 : i32
        %dma_start3A_885 = tpu.memref_slice %arg7[%dma_start3A_876, %dma_start3A_883, %dma_start3A_884] : memref<2x8x128xi32, #tpu.memory_space<vmem>> -> memref<1x8x128xi32, #tpu.memory_space<vmem>>
        %dma_start3A_886 = tpu.memref_squeeze %dma_start3A_885 : memref<1x8x128xi32, #tpu.memory_space<vmem>> -> memref<8x128xi32, #tpu.memory_space<vmem>>
        %dma_start3A_887 = arith.constant 0 : i32
        %dma_start3A_888 = tpu.memref_slice %dma_start3A_886[%dma_start3A_877, %dma_start3A_887] : memref<8x128xi32, #tpu.memory_space<vmem>> -> memref<1x128xi32, #tpu.memory_space<vmem>>
        %dma_start3A_889 = tpu.memref_squeeze %dma_start3A_888 : memref<1x128xi32, #tpu.memory_space<vmem>> -> memref<128xi32, #tpu.memory_space<vmem>>
        %dma_start3A_890 = arith.constant 0 : i32
        %dma_start3A_891 = arith.constant 0 : i32
        %dma_start3A_892 = tpu.memref_slice %arg2[%dma_start3A_890, %dma_start3A_891] : memref<10000x128xf32, #tpu.memory_space<hbm>> -> memref<10000x128xf32, #tpu.memory_space<hbm>>
        tpu.enqueue_indirect_dma source(%dma_start3A_892 : memref<10000x128xf32, #tpu.memory_space<hbm>>) target(%dma_start3A_882 : memref<128x128xf32, #tpu.memory_space<vmem>>) offsets(%dma_start3A_889 : memref<128xi32, #tpu.memory_space<vmem>>) semaphore(%arg11 : memref<!tpu.dma_semaphore, #tpu.memory_space<semaphore_mem>>)
      } else {
      }
      %run_scoped3A_840 = arith.constant 1 : i32
      %run_scoped3A_841 = arith.constant 1 : i32
      %run_scoped3A_842 = arith.constant 7 : i32
      "tpu.region"() ({
        %run_scoped3A_843 = tpu.sem_alloc : memref<!tpu.dma_semaphore, #tpu.memory_space<semaphore_mem>>
        %dma_start3A_844 = arith.constant 0 : i32
        %dma_start3A_845 = arith.constant 0 : i32
        %dma_start3A_846 = tpu.memref_slice %arg9[%run_scoped3A_840, %dma_start3A_844, %dma_start3A_845] : memref<2x128x128xf32, #tpu.memory_space<vmem>> -> memref<1x128x128xf32, #tpu.memory_space<vmem>>
        %dma_start3A_847 = tpu.memref_squeeze %dma_start3A_846 : memref<1x128x128xf32, #tpu.memory_space<vmem>> -> memref<128x128xf32, #tpu.memory_space<vmem>>
        %dma_start3A_848 = arith.constant 0 : i32
        %dma_start3A_849 = arith.constant 0 : i32
        %dma_start3A_850 = tpu.memref_slice %arg8[%run_scoped3A_841, %dma_start3A_848, %dma_start3A_849] : memref<2x8x128xi32, #tpu.memory_space<vmem>> -> memref<1x8x128xi32, #tpu.memory_space<vmem>>
        %dma_start3A_851 = tpu.memref_squeeze %dma_start3A_850 : memref<1x8x128xi32, #tpu.memory_space<vmem>> -> memref<8x128xi32, #tpu.memory_space<vmem>>
        %dma_start3A_852 = arith.constant 0 : i32
        %dma_start3A_853 = tpu.memref_slice %dma_start3A_851[%run_scoped3A_842, %dma_start3A_852] : memref<8x128xi32, #tpu.memory_space<vmem>> -> memref<1x128xi32, #tpu.memory_space<vmem>>
        %dma_start3A_854 = tpu.memref_squeeze %dma_start3A_853 : memref<1x128xi32, #tpu.memory_space<vmem>> -> memref<128xi32, #tpu.memory_space<vmem>>
        %dma_start3A_855 = arith.constant 0 : i32
        %dma_start3A_856 = arith.constant 0 : i32
        %dma_start3A_857 = tpu.memref_slice %arg10[%dma_start3A_855, %dma_start3A_856] : memref<10112x128xf32, #tpu.memory_space<vmem_shared>> -> memref<10112x128xf32, #tpu.memory_space<vmem_shared>>
        tpu.enqueue_indirect_dma source(%dma_start3A_847 : memref<128x128xf32, #tpu.memory_space<vmem>>) target(%dma_start3A_857 : memref<10112x128xf32, #tpu.memory_space<vmem_shared>>) offsets(%dma_start3A_854 : memref<128xi32, #tpu.memory_space<vmem>>) semaphore(%run_scoped3A_843 : memref<!tpu.dma_semaphore, #tpu.memory_space<semaphore_mem>>) {add = true}
        %dma_wait3A_858 = arith.constant 0 : i32
        %dma_wait3A_859 = arith.constant 0 : i32
        %dma_wait3A_860 = tpu.memref_slice %arg9[%run_scoped3A_840, %dma_wait3A_858, %dma_wait3A_859] : memref<2x128x128xf32, #tpu.memory_space<vmem>> -> memref<1x128x128xf32, #tpu.memory_space<vmem>>
        %dma_wait3A_861 = tpu.memref_squeeze %dma_wait3A_860 : memref<1x128x128xf32, #tpu.memory_space<vmem>> -> memref<128x128xf32, #tpu.memory_space<vmem>>
        %dma_wait3A_862 = arith.constant 0 : i32
        %dma_wait3A_863 = arith.constant 0 : i32
        %dma_wait3A_864 = tpu.memref_slice %arg8[%run_scoped3A_841, %dma_wait3A_862, %dma_wait3A_863] : memref<2x8x128xi32, #tpu.memory_space<vmem>> -> memref<1x8x128xi32, #tpu.memory_space<vmem>>
        %dma_wait3A_865 = tpu.memref_squeeze %dma_wait3A_864 : memref<1x8x128xi32, #tpu.memory_space<vmem>> -> memref<8x128xi32, #tpu.memory_space<vmem>>
        %dma_wait3A_866 = arith.constant 0 : i32
        %dma_wait3A_867 = tpu.memref_slice %dma_wait3A_865[%run_scoped3A_842, %dma_wait3A_866] : memref<8x128xi32, #tpu.memory_space<vmem>> -> memref<1x128xi32, #tpu.memory_space<vmem>>
        %dma_wait3A_868 = tpu.memref_squeeze %dma_wait3A_867 : memref<1x128xi32, #tpu.memory_space<vmem>> -> memref<128xi32, #tpu.memory_space<vmem>>
        %dma_wait3A_869 = arith.constant 0 : i32
        %dma_wait3A_870 = arith.constant 0 : i32
        %dma_wait3A_871 = tpu.memref_slice %arg10[%dma_wait3A_869, %dma_wait3A_870] : memref<10112x128xf32, #tpu.memory_space<vmem_shared>> -> memref<10112x128xf32, #tpu.memory_space<vmem_shared>>
        tpu.wait_indirect_dma semaphore(%run_scoped3A_843 : memref<!tpu.dma_semaphore, #tpu.memory_space<semaphore_mem>>) src(%dma_wait3A_861 : memref<128x128xf32, #tpu.memory_space<vmem>>) dst(%dma_wait3A_871 : memref<10112x128xf32, #tpu.memory_space<vmem_shared>>)
        tpu.yield
      }) : () -> ()
    }
    %scan3A_119 = arith.constant 5 : i32
    %barrier3A_120 = arith.constant 0 : index
    tpu.barrier barrier_id(%barrier3A_120)
    %mul3A_121 = arith.constant 632 : i32
    %mul3A_122 = arith.muli %arg1, %mul3A_121 : i32
    %mul3A_123 = arith.constant 632 : i32
    %mul3A_124 = arith.muli %arg1, %mul3A_123 : i32
    "tpu.region"() ({
      %run_scoped3A = tpu.sem_alloc : memref<!tpu.dma_semaphore, #tpu.memory_space<semaphore_mem>>
      %dma_start3A_125 = arith.constant 0 : i32
      %dma_start3A_126 = tpu.memref_slice %arg6[%arg0, %mul3A_124, %dma_start3A_125] : memref<2x10112x128xf32, #tpu.memory_space<hbm>> -> memref<1x632x128xf32, #tpu.memory_space<hbm>>
      %dma_start3A_127 = tpu.memref_squeeze %dma_start3A_126 : memref<1x632x128xf32, #tpu.memory_space<hbm>> -> memref<632x128xf32, #tpu.memory_space<hbm>>
      %dma_start3A_128 = arith.constant 0 : i32
      %dma_start3A_129 = tpu.memref_slice %arg10[%mul3A_122, %dma_start3A_128] : memref<10112x128xf32, #tpu.memory_space<vmem_shared>> -> memref<632x128xf32, #tpu.memory_space<vmem_shared>>
      tpu.enqueue_dma source(%dma_start3A_129 : memref<632x128xf32, #tpu.memory_space<vmem_shared>>) target(%dma_start3A_127 : memref<632x128xf32, #tpu.memory_space<hbm>>) target_semaphore(%run_scoped3A : memref<!tpu.dma_semaphore, #tpu.memory_space<semaphore_mem>>)
      %dma_wait3A_130 = arith.constant 0 : i32
      %dma_wait3A_131 = tpu.memref_slice %arg6[%arg0, %mul3A_124, %dma_wait3A_130] : memref<2x10112x128xf32, #tpu.memory_space<hbm>> -> memref<1x632x128xf32, #tpu.memory_space<hbm>>
      %dma_wait3A_132 = tpu.memref_squeeze %dma_wait3A_131 : memref<1x632x128xf32, #tpu.memory_space<hbm>> -> memref<632x128xf32, #tpu.memory_space<hbm>>
      %dma_wait3A_133 = arith.constant 0 : i32
      %dma_wait3A_134 = tpu.memref_slice %arg10[%mul3A_122, %dma_wait3A_133] : memref<10112x128xf32, #tpu.memory_space<vmem_shared>> -> memref<632x128xf32, #tpu.memory_space<vmem_shared>>
      tpu.wait_dma2 semaphore(%run_scoped3A : memref<!tpu.dma_semaphore, #tpu.memory_space<semaphore_mem>>) src(%dma_wait3A_134 : memref<632x128xf32, #tpu.memory_space<vmem_shared>>) dst(%dma_wait3A_132 : memref<632x128xf32, #tpu.memory_space<hbm>>)
      tpu.yield
    }) : () -> ()
    return
  }
}

module attributes {stable_mosaic.version = 14 : i64} {
  func.func @body(%arg0: i32, %arg1: memref<2000x128xf32, #tpu.memory_space<vmem>>, %arg2: memref<2000x128xf32, #tpu.memory_space<vmem>>) attributes {dimension_semantics = [#tpu.dimension_semantics<arbitrary>], iteration_bounds = array<i64: 5>, scalar_prefetch = 0 : i64, scratch_operands = 0 : i64, tpu.core_type = #tpu.core_type<tc>, window_params = [{transform_indices = @transform_0, window_bounds = array<i64: 2000, 128>}, {transform_indices = @transform_1, window_bounds = array<i64: 2000, 128>}]} {
    %get3A = arith.constant 0 : index
    %get3A_0 = arith.constant 0 : index
    %get3A_1 = vector.load %arg1[%get3A, %get3A_0] : memref<2000x128xf32, #tpu.memory_space<vmem>>, vector<2000x128xf32>
    %swap3A = arith.constant 0 : index
    %swap3A_2 = arith.constant 0 : index
    %swap3A_3 = vector.load %arg2[%swap3A, %swap3A_2] : memref<2000x128xf32, #tpu.memory_space<vmem>>, vector<2000x128xf32>
    tpu.vector_store %arg2[%swap3A, %swap3A_2], %get3A_1 {strides = array<i32>} : memref<2000x128xf32, #tpu.memory_space<vmem>>, vector<2000x128xf32>,
    return
  }
  func.func @transform_0(%arg0: i32) -> (i32, i32) {
    %c0_i32 = arith.constant 0 : i32
    %c0_i32_0 = arith.constant 0 : i32
    return %arg0, %c0_i32 : i32, i32
  }
  func.func @transform_1(%arg0: i32) -> (i32, i32) {
    %c0_i32 = arith.constant 0 : i32
    %c0_i32_0 = arith.constant 0 : i32
    return %arg0, %c0_i32 : i32, i32
  }
}

module attributes {stable_mosaic.version = 14 : i64} {
  func.func @body(%arg0: i32, %arg1: memref<2000x128xf32, #tpu.memory_space<vmem>>, %arg2: memref<1x2000x128xf32, #tpu.memory_space<vmem>>, %arg3: memref<1x2000x128xf32, #tpu.memory_space<vmem>>, %arg4: memref<128x256xf32, #tpu.memory_space<vmem>>, %arg5: memref<1x256xf32, #tpu.memory_space<vmem>>, %arg6: memref<256x128xf32, #tpu.memory_space<vmem>>, %arg7: memref<1x128xf32, #tpu.memory_space<vmem>>, %arg8: memref<2000x128xf32, #tpu.memory_space<vmem>>) attributes {dimension_semantics = [#tpu.dimension_semantics<arbitrary>], iteration_bounds = array<i64: 5>, scalar_prefetch = 0 : i64, scratch_operands = 0 : i64, tpu.core_type = #tpu.core_type<tc>, window_params = [{transform_indices = @transform_0, window_bounds = array<i64: 2000, 128>}, {transform_indices = @transform_1, window_bounds = array<i64: 1, 2000, 128>}, {transform_indices = @transform_2, window_bounds = array<i64: 1, 2000, 128>}, {pipeline_mode = #tpu.pipeline_mode<synchronous>, transform_indices = @transform_3, window_bounds = array<i64: 128, 256>}, {pipeline_mode = #tpu.pipeline_mode<synchronous>, transform_indices = @transform_4, window_bounds = array<i64: 1, 256>}, {pipeline_mode = #tpu.pipeline_mode<synchronous>, transform_indices = @transform_5, window_bounds = array<i64: 256, 128>}, {pipeline_mode = #tpu.pipeline_mode<synchronous>, transform_indices = @transform_6, window_bounds = array<i64: 1, 128>}, {transform_indices = @transform_7, window_bounds = array<i64: 2000, 128>}]} {
    %get3A = arith.constant 0 : index
    %get3A_0 = arith.constant 0 : index
    %get3A_1 = vector.load %arg1[%get3A, %get3A_0] : memref<2000x128xf32, #tpu.memory_space<vmem>>, vector<2000x128xf32>
    %get3A_2 = arith.constant 0 : index
    %get3A_3 = arith.constant 0 : index
    %get3A_4 = arith.constant 0 : index
    %get3A_5 = vector.load %arg2[%get3A_2, %get3A_3, %get3A_4] : memref<1x2000x128xf32, #tpu.memory_space<vmem>>, vector<1x2000x128xf32>
    %get3A_6 = vector.shape_cast %get3A_5 : vector<1x2000x128xf32> to vector<2000x128xf32>
    %add3A = arith.addf %get3A_1, %get3A_6 : vector<2000x128xf32>
    %get3A_7 = arith.constant 0 : index
    %get3A_8 = arith.constant 0 : index
    %get3A_9 = arith.constant 0 : index
    %get3A_10 = vector.load %arg3[%get3A_7, %get3A_8, %get3A_9] : memref<1x2000x128xf32, #tpu.memory_space<vmem>>, vector<1x2000x128xf32>
    %get3A_11 = vector.shape_cast %get3A_10 : vector<1x2000x128xf32> to vector<2000x128xf32>
    %add3A_12 = arith.addf %add3A, %get3A_11 : vector<2000x128xf32>
    %get3A_13 = arith.constant 0 : index
    %get3A_14 = arith.constant 0 : index
    %get3A_15 = vector.load %arg4[%get3A_13, %get3A_14] : memref<128x256xf32, #tpu.memory_space<vmem>>, vector<128x256xf32>
    %dot_general3A = arith.constant dense<0.000000e+00> : vector<2000x256xf32>
    %dot_general3A_16 = tpu.matmul %add3A_12, %get3A_15, %dot_general3A {dimension_numbers = #tpu.dot_dimension_numbers<[1], [0], [0], [1], [0, 0, 1, 1], [], []>, precision = #tpu.contract_precision<fp32>, transpose_lhs_hint = false} : vector<2000x128xf32>, vector<128x256xf32>, vector<2000x256xf32> -> vector<2000x256xf32>
    %get3A_17 = arith.constant 0 : index
    %get3A_18 = arith.constant 0 : index
    %get3A_19 = vector.load %arg5[%get3A_17, %get3A_18] : memref<1x256xf32, #tpu.memory_space<vmem>>, vector<1x256xf32>
    %add3A_20 = vector.broadcast %get3A_19 : vector<1x256xf32> to vector<2000x256xf32>
    %add3A_21 = arith.addf %dot_general3A_16, %add3A_20 : vector<2000x256xf32>
    %max3A = arith.constant 0.000000e+00 : f32
    %max3A_22 = vector.broadcast %max3A : f32 to vector<2000x256xf32>
    %max3A_23 = arith.maximumf %add3A_21, %max3A_22 : vector<2000x256xf32>
    %get3A_24 = arith.constant 0 : index
    %get3A_25 = arith.constant 0 : index
    %get3A_26 = vector.load %arg6[%get3A_24, %get3A_25] : memref<256x128xf32, #tpu.memory_space<vmem>>, vector<256x128xf32>
    %dot_general3A_27 = arith.constant dense<0.000000e+00> : vector<2000x128xf32>
    %dot_general3A_28 = tpu.matmul %max3A_23, %get3A_26, %dot_general3A_27 {dimension_numbers = #tpu.dot_dimension_numbers<[1], [0], [0], [1], [0, 0, 1, 1], [], []>, precision = #tpu.contract_precision<fp32>, transpose_lhs_hint = false} : vector<2000x256xf32>, vector<256x128xf32>, vector<2000x128xf32> -> vector<2000x128xf32>
    %get3A_29 = arith.constant 0 : index
    %get3A_30 = arith.constant 0 : index
    %get3A_31 = vector.load %arg7[%get3A_29, %get3A_30] : memref<1x128xf32, #tpu.memory_space<vmem>>, vector<1x128xf32>
    %add3A_32 = vector.broadcast %get3A_31 : vector<1x128xf32> to vector<2000x128xf32>
    %add3A_33 = arith.addf %dot_general3A_28, %add3A_32 : vector<2000x128xf32>
    %swap3A = arith.constant 0 : index
    %swap3A_34 = arith.constant 0 : index
    %swap3A_35 = vector.load %arg8[%swap3A, %swap3A_34] : memref<2000x128xf32, #tpu.memory_space<vmem>>, vector<2000x128xf32>
    tpu.vector_store %arg8[%swap3A, %swap3A_34], %add3A_33 {strides = array<i32>} : memref<2000x128xf32, #tpu.memory_space<vmem>>, vector<2000x128xf32>,
    return
  }
  func.func @transform_0(%arg0: i32) -> (i32, i32) {
    %c0_i32 = arith.constant 0 : i32
    %c0_i32_0 = arith.constant 0 : i32
    return %arg0, %c0_i32 : i32, i32
  }
  func.func @transform_1(%arg0: i32) -> (i32, i32, i32) {
    %c0_i32 = arith.constant 0 : i32
    %c0_i32_0 = arith.constant 0 : i32
    %c0_i32_1 = arith.constant 0 : i32
    return %c0_i32, %arg0, %c0_i32_0 : i32, i32, i32
  }
  func.func @transform_2(%arg0: i32) -> (i32, i32, i32) {
    %c1_i32 = arith.constant 1 : i32
    %c0_i32 = arith.constant 0 : i32
    %c0_i32_0 = arith.constant 0 : i32
    return %c1_i32, %arg0, %c0_i32 : i32, i32, i32
  }
  func.func @transform_3(%arg0: i32) -> (i32, i32) {
    %c0_i32 = arith.constant 0 : i32
    %c0_i32_0 = arith.constant 0 : i32
    %c0_i32_1 = arith.constant 0 : i32
    return %c0_i32, %c0_i32_0 : i32, i32
  }
  func.func @transform_4(%arg0: i32) -> (i32, i32) {
    %c0_i32 = arith.constant 0 : i32
    %c0_i32_0 = arith.constant 0 : i32
    %c0_i32_1 = arith.constant 0 : i32
    return %c0_i32, %c0_i32_0 : i32, i32
  }
  func.func @transform_5(%arg0: i32) -> (i32, i32) {
    %c0_i32 = arith.constant 0 : i32
    %c0_i32_0 = arith.constant 0 : i32
    %c0_i32_1 = arith.constant 0 : i32
    return %c0_i32, %c0_i32_0 : i32, i32
  }
  func.func @transform_6(%arg0: i32) -> (i32, i32) {
    %c0_i32 = arith.constant 0 : i32
    %c0_i32_0 = arith.constant 0 : i32
    %c0_i32_1 = arith.constant 0 : i32
    return %c0_i32, %c0_i32_0 : i32, i32
  }
  func.func @transform_7(%arg0: i32) -> (i32, i32) {
    %c0_i32 = arith.constant 0 : i32
    %c0_i32_0 = arith.constant 0 : i32
    return %arg0, %c0_i32 : i32, i32
  }
}

module attributes {stable_mosaic.version = 14 : i64} {
  func.func @body(%arg0: i32, %arg1: memref<1000x128xf32, #tpu.memory_space<vmem>>, %arg2: memref<1x1000x128xf32, #tpu.memory_space<vmem>>, %arg3: memref<1x1000x128xf32, #tpu.memory_space<vmem>>, %arg4: memref<128x256xf32, #tpu.memory_space<vmem>>, %arg5: memref<1x256xf32, #tpu.memory_space<vmem>>, %arg6: memref<256x128xf32, #tpu.memory_space<vmem>>, %arg7: memref<1x128xf32, #tpu.memory_space<vmem>>, %arg8: memref<1x1x1000xi32, #tpu.memory_space<vmem>>, %arg9: memref<1x1xf32, #tpu.memory_space<vmem>>, %arg10: memref<1000x256xf32, #tpu.memory_space<vmem>>, %arg11: memref<1000x1xf32, #tpu.memory_space<vmem>>) attributes {dimension_semantics = [#tpu.dimension_semantics<arbitrary>], iteration_bounds = array<i64: 10>, scalar_prefetch = 0 : i64, scratch_operands = 2 : i64, tpu.core_type = #tpu.core_type<tc>, window_params = [{transform_indices = @transform_0, window_bounds = array<i64: 1000, 128>}, {transform_indices = @transform_1, window_bounds = array<i64: 1, 1000, 128>}, {transform_indices = @transform_2, window_bounds = array<i64: 1, 1000, 128>}, {pipeline_mode = #tpu.pipeline_mode<synchronous>, transform_indices = @transform_3, window_bounds = array<i64: 128, 256>}, {pipeline_mode = #tpu.pipeline_mode<synchronous>, transform_indices = @transform_4, window_bounds = array<i64: 1, 256>}, {pipeline_mode = #tpu.pipeline_mode<synchronous>, transform_indices = @transform_5, window_bounds = array<i64: 256, 128>}, {pipeline_mode = #tpu.pipeline_mode<synchronous>, transform_indices = @transform_6, window_bounds = array<i64: 1, 128>}, {transform_indices = @transform_7, window_bounds = array<i64: 1, 1, 1000>}, {pipeline_mode = #tpu.pipeline_mode<synchronous>, transform_indices = @transform_8, window_bounds = array<i64: 1, 1>}]} {
    %eq3A = arith.constant 0 : i32
    %eq3A_0 = arith.cmpi eq, %arg0, %eq3A : i32
    %convert_element_type3A = arith.extui %eq3A_0 : i1 to i32
    %cond3A = arith.constant 0 : i32
    %cond3A_1 = arith.cmpi ne, %convert_element_type3A, %cond3A : i32
    scf.if %cond3A_1 {
      %broadcast_in_dim3A_66 = arith.constant 0.000000e+00 : f32
      %broadcast_in_dim3A_67 = vector.broadcast %broadcast_in_dim3A_66 : f32 to vector<1000x256xf32>
      %swap3A_68 = arith.constant 0 : index
      %swap3A_69 = arith.constant 0 : index
      %swap3A_70 = vector.load %arg10[%swap3A_68, %swap3A_69] : memref<1000x256xf32, #tpu.memory_space<vmem>>, vector<1000x256xf32>
      tpu.vector_store %arg10[%swap3A_68, %swap3A_69], %broadcast_in_dim3A_67 {strides = array<i32>} : memref<1000x256xf32, #tpu.memory_space<vmem>>, vector<1000x256xf32>,
      %broadcast_in_dim3A_71 = arith.constant 0.000000e+00 : f32
      %broadcast_in_dim3A_72 = vector.broadcast %broadcast_in_dim3A_71 : f32 to vector<1000x1xf32>
      %swap3A_73 = arith.constant 0 : index
      %swap3A_74 = arith.constant 0 : index
      %swap3A_75 = vector.load %arg11[%swap3A_73, %swap3A_74] : memref<1000x1xf32, #tpu.memory_space<vmem>>, vector<1000x1xf32>
      tpu.vector_store %arg11[%swap3A_73, %swap3A_74], %broadcast_in_dim3A_72 {strides = array<i32>} : memref<1000x1xf32, #tpu.memory_space<vmem>>, vector<1000x1xf32>,
    } else {
    }
    %get3A = arith.constant 0 : index
    %get3A_2 = arith.constant 0 : index
    %get3A_3 = vector.load %arg1[%get3A, %get3A_2] : memref<1000x128xf32, #tpu.memory_space<vmem>>, vector<1000x128xf32>
    %get3A_4 = arith.constant 0 : index
    %get3A_5 = arith.constant 0 : index
    %get3A_6 = arith.constant 0 : index
    %get3A_7 = vector.load %arg2[%get3A_4, %get3A_5, %get3A_6] : memref<1x1000x128xf32, #tpu.memory_space<vmem>>, vector<1x1000x128xf32>
    %get3A_8 = vector.shape_cast %get3A_7 : vector<1x1000x128xf32> to vector<1000x128xf32>
    %add3A = arith.addf %get3A_3, %get3A_8 : vector<1000x128xf32>
    %get3A_9 = arith.constant 0 : index
    %get3A_10 = arith.constant 0 : index
    %get3A_11 = arith.constant 0 : index
    %get3A_12 = vector.load %arg3[%get3A_9, %get3A_10, %get3A_11] : memref<1x1000x128xf32, #tpu.memory_space<vmem>>, vector<1x1000x128xf32>
    %get3A_13 = vector.shape_cast %get3A_12 : vector<1x1000x128xf32> to vector<1000x128xf32>
    %add3A_14 = arith.addf %add3A, %get3A_13 : vector<1000x128xf32>
    %get3A_15 = arith.constant 0 : index
    %get3A_16 = arith.constant 0 : index
    %get3A_17 = vector.load %arg4[%get3A_15, %get3A_16] : memref<128x256xf32, #tpu.memory_space<vmem>>, vector<128x256xf32>
    %dot_general3A = arith.constant dense<0.000000e+00> : vector<1000x256xf32>
    %dot_general3A_18 = tpu.matmul %add3A_14, %get3A_17, %dot_general3A {dimension_numbers = #tpu.dot_dimension_numbers<[1], [0], [0], [1], [0, 0, 1, 1], [], []>, precision = #tpu.contract_precision<fp32>, transpose_lhs_hint = false} : vector<1000x128xf32>, vector<128x256xf32>, vector<1000x256xf32> -> vector<1000x256xf32>
    %get3A_19 = arith.constant 0 : index
    %get3A_20 = arith.constant 0 : index
    %get3A_21 = vector.load %arg5[%get3A_19, %get3A_20] : memref<1x256xf32, #tpu.memory_space<vmem>>, vector<1x256xf32>
    %add3A_22 = vector.broadcast %get3A_21 : vector<1x256xf32> to vector<1000x256xf32>
    %add3A_23 = arith.addf %dot_general3A_18, %add3A_22 : vector<1000x256xf32>
    %max3A = arith.constant 0.000000e+00 : f32
    %max3A_24 = vector.broadcast %max3A : f32 to vector<1000x256xf32>
    %max3A_25 = arith.maximumf %add3A_23, %max3A_24 : vector<1000x256xf32>
    %get3A_26 = arith.constant 0 : index
    %get3A_27 = arith.constant 0 : index
    %get3A_28 = vector.load %arg6[%get3A_26, %get3A_27] : memref<256x128xf32, #tpu.memory_space<vmem>>, vector<256x128xf32>
    %dot_general3A_29 = arith.constant dense<0.000000e+00> : vector<1000x128xf32>
    %dot_general3A_30 = tpu.matmul %max3A_25, %get3A_28, %dot_general3A_29 {dimension_numbers = #tpu.dot_dimension_numbers<[1], [0], [0], [1], [0, 0, 1, 1], [], []>, precision = #tpu.contract_precision<fp32>, transpose_lhs_hint = false} : vector<1000x256xf32>, vector<256x128xf32>, vector<1000x128xf32> -> vector<1000x128xf32>
    %get3A_31 = arith.constant 0 : index
    %get3A_32 = arith.constant 0 : index
    %get3A_33 = vector.load %arg7[%get3A_31, %get3A_32] : memref<1x128xf32, #tpu.memory_space<vmem>>, vector<1x128xf32>
    %add3A_34 = vector.broadcast %get3A_33 : vector<1x128xf32> to vector<1000x128xf32>
    %add3A_35 = arith.addf %dot_general3A_30, %add3A_34 : vector<1000x128xf32>
    %concatenate3A = tpu.concatenate %get3A_3, %add3A_35 in 1 : vector<1000x128xf32>, vector<1000x128xf32> -> vector<1000x256xf32>
    %get3A_36 = arith.constant 0 : index
    %get3A_37 = arith.constant 0 : index
    %get3A_38 = arith.constant 0 : index
    %get3A_39 = vector.load %arg8[%get3A_36, %get3A_37, %get3A_38] : memref<1x1x1000xi32, #tpu.memory_space<vmem>>, vector<1x1x1000xi32>
    %get3A_40 = vector.shape_cast %get3A_39 : vector<1x1x1000xi32> to vector<1x1000xi32>
    %iota3A = tpu.iota {dimensions = array<i32: 0>} : vector<1000x1000xi32>
    %eq3A_41 = vector.broadcast %get3A_40 : vector<1x1000xi32> to vector<1000x1000xi32>
    %eq3A_42 = arith.cmpi eq, %iota3A, %eq3A_41 : vector<1000x1000xi32>
    %convert_element_type3A_43 = arith.extui %eq3A_42 : vector<1000x1000xi1> to vector<1000x1000xi32>
    %convert_element_type3A_44 = arith.sitofp %convert_element_type3A_43 : vector<1000x1000xi32> to vector<1000x1000xf32>
    %get3A_45 = arith.constant 0 : index
    %get3A_46 = arith.constant 0 : index
    %get3A_47 = vector.load %arg10[%get3A_45, %get3A_46] : memref<1000x256xf32, #tpu.memory_space<vmem>>, vector<1000x256xf32>
    %dot_general3A_48 = arith.constant dense<0.000000e+00> : vector<1000x256xf32>
    %dot_general3A_49 = tpu.matmul %convert_element_type3A_44, %concatenate3A, %dot_general3A_48 {dimension_numbers = #tpu.dot_dimension_numbers<[1], [0], [0], [1], [0, 0, 1, 1], [], []>, precision = #tpu.contract_precision<fp32>, transpose_lhs_hint = false} : vector<1000x1000xf32>, vector<1000x256xf32>, vector<1000x256xf32> -> vector<1000x256xf32>
    %add3A_50 = arith.addf %get3A_47, %dot_general3A_49 : vector<1000x256xf32>
    %swap3A = arith.constant 0 : index
    %swap3A_51 = arith.constant 0 : index
    %swap3A_52 = vector.load %arg10[%swap3A, %swap3A_51] : memref<1000x256xf32, #tpu.memory_space<vmem>>, vector<1000x256xf32>
    tpu.vector_store %arg10[%swap3A, %swap3A_51], %add3A_50 {strides = array<i32>} : memref<1000x256xf32, #tpu.memory_space<vmem>>, vector<1000x256xf32>,
    %get3A_53 = arith.constant 0 : index
    %get3A_54 = arith.constant 0 : index
    %get3A_55 = vector.load %arg11[%get3A_53, %get3A_54] : memref<1000x1xf32, #tpu.memory_space<vmem>>, vector<1000x1xf32>
    %reduce_sum3A = arith.constant dense<0.000000e+00> : vector<1000xf32>
    %reduce_sum3A_56 = vector.multi_reduction <add>, %convert_element_type3A_44, %reduce_sum3A [1] : vector<1000x1000xf32> to vector<1000xf32>
    %broadcast_in_dim3A = vector.shape_cast %reduce_sum3A_56 : vector<1000xf32> to vector<1000x1xf32>
    %add3A_57 = arith.addf %get3A_55, %broadcast_in_dim3A : vector<1000x1xf32>
    %swap3A_58 = arith.constant 0 : index
    %swap3A_59 = arith.constant 0 : index
    %swap3A_60 = vector.load %arg11[%swap3A_58, %swap3A_59] : memref<1000x1xf32, #tpu.memory_space<vmem>>, vector<1000x1xf32>
    tpu.vector_store %arg11[%swap3A_58, %swap3A_59], %add3A_57 {strides = array<i32>} : memref<1000x1xf32, #tpu.memory_space<vmem>>, vector<1000x1xf32>,
    %eq3A_61 = arith.constant 9 : i32
    %eq3A_62 = arith.cmpi eq, %arg0, %eq3A_61 : i32
    %convert_element_type3A_63 = arith.extui %eq3A_62 : i1 to i32
    %cond3A_64 = arith.constant 0 : i32
    %cond3A_65 = arith.cmpi ne, %convert_element_type3A_63, %cond3A_64 : i32
    scf.if %cond3A_65 {
      %get3A_66 = arith.constant 0 : index
      %get3A_67 = arith.constant 0 : index
      %get3A_68 = vector.load %arg10[%get3A_66, %get3A_67] : memref<1000x256xf32, #tpu.memory_space<vmem>>, vector<1000x256xf32>
      %get3A_69 = arith.constant 0 : index
      %get3A_70 = arith.constant 0 : index
      %get3A_71 = vector.load %arg11[%get3A_69, %get3A_70] : memref<1000x1xf32, #tpu.memory_space<vmem>>, vector<1000x1xf32>
      %max3A_72 = arith.constant 1.000000e+00 : f32
      %max3A_73 = vector.broadcast %max3A_72 : f32 to vector<1000x1xf32>
      %max3A_74 = arith.maximumf %get3A_71, %max3A_73 : vector<1000x1xf32>
      %div3A = vector.broadcast %max3A_74 : vector<1000x1xf32> to vector<1000x256xf32>
      %div3A_75 = arith.divf %get3A_68, %div3A : vector<1000x256xf32>
      %mul3A = arith.mulf %div3A_75, %div3A_75 : vector<1000x256xf32>
      %reduce_sum3A_76 = arith.constant dense<0.000000e+00> : vector<1000xf32>
      %reduce_sum3A_77 = vector.multi_reduction <add>, %mul3A, %reduce_sum3A_76 [1] : vector<1000x256xf32> to vector<1000xf32>
      %broadcast_in_dim3A_78 = vector.shape_cast %reduce_sum3A_77 : vector<1000xf32> to vector<1000x1xf32>
      %sqrt3A = math.sqrt %broadcast_in_dim3A_78 : vector<1000x1xf32>
      %max3A_79 = arith.constant 9.99999993E-9 : f32
      %max3A_80 = vector.broadcast %max3A_79 : f32 to vector<1000x1xf32>
      %max3A_81 = arith.maximumf %sqrt3A, %max3A_80 : vector<1000x1xf32>
      %div3A_82 = vector.broadcast %max3A_81 : vector<1000x1xf32> to vector<1000x256xf32>
      %div3A_83 = arith.divf %div3A_75, %div3A_82 : vector<1000x256xf32>
      %iota3A_84 = tpu.iota {dimensions = array<i32: 0>} : vector<1000x1000xi32>
      %iota3A_85 = tpu.iota {dimensions = array<i32: 1>} : vector<1000x1000xi32>
      %jit3A = arith.constant 10 : i32
      %div3A_86 = vector.broadcast %jit3A : i32 to vector<1000x1000xi32>
      %div3A_87 = arith.divsi %iota3A_84, %div3A_86 : vector<1000x1000xi32>
      %sign3A = arith.constant 0 : i32
      %sign3A_88 = vector.broadcast %sign3A : i32 to vector<1000x1000xi32>
      %sign3A_89 = arith.cmpi sgt, %iota3A_84, %sign3A_88 : vector<1000x1000xi32>
      %sign3A_90 = arith.extui %sign3A_89 : vector<1000x1000xi1> to vector<1000x1000xi32>
      %sign3A_91 = arith.constant 0 : i32
      %sign3A_92 = vector.broadcast %sign3A_91 : i32 to vector<1000x1000xi32>
      %sign3A_93 = arith.cmpi slt, %iota3A_84, %sign3A_92 : vector<1000x1000xi32>
      %sign3A_94 = arith.extui %sign3A_93 : vector<1000x1000xi1> to vector<1000x1000xi32>
      %sign3A_95 = arith.subi %sign3A_90, %sign3A_94 : vector<1000x1000xi32>
      %sign3A_96 = arith.constant 0 : i32
      %sign3A_97 = arith.cmpi sgt, %jit3A, %sign3A_96 : i32
      %sign3A_98 = arith.extui %sign3A_97 : i1 to i32
      %sign3A_99 = arith.constant 0 : i32
      %sign3A_100 = arith.cmpi slt, %jit3A, %sign3A_99 : i32
      %sign3A_101 = arith.extui %sign3A_100 : i1 to i32
      %sign3A_102 = arith.subi %sign3A_98, %sign3A_101 : i32
      %ne3A = vector.broadcast %sign3A_102 : i32 to vector<1000x1000xi32>
      %ne3A_103 = arith.cmpi ne, %sign3A_95, %ne3A : vector<1000x1000xi32>
      %rem3A = vector.broadcast %jit3A : i32 to vector<1000x1000xi32>
      %rem3A_104 = arith.remsi %iota3A_84, %rem3A : vector<1000x1000xi32>
      %ne3A_105 = arith.constant 0 : i32
      %ne3A_106 = vector.broadcast %ne3A_105 : i32 to vector<1000x1000xi32>
      %ne3A_107 = arith.cmpi ne, %rem3A_104, %ne3A_106 : vector<1000x1000xi32>
      %and3A = arith.andi %ne3A_103, %ne3A_107 : vector<1000x1000xi1>
      %sub3A = arith.constant 1 : i32
      %sub3A_108 = vector.broadcast %sub3A : i32 to vector<1000x1000xi32>
      %sub3A_109 = arith.subi %div3A_87, %sub3A_108 : vector<1000x1000xi32>
      %select_n3A = arith.select %and3A, %sub3A_109, %div3A_87 : vector<1000x1000xi1>, vector<1000x1000xi32>
      %mul3A_110 = arith.constant 10 : i32
      %mul3A_111 = vector.broadcast %mul3A_110 : i32 to vector<1000x1000xi32>
      %mul3A_112 = arith.muli %select_n3A, %mul3A_111 : vector<1000x1000xi32>
      %eq3A_113 = arith.cmpi eq, %mul3A_112, %iota3A_85 : vector<1000x1000xi32>
      %convert_element_type3A_114 = arith.extui %eq3A_113 : vector<1000x1000xi1> to vector<1000x1000xi32>
      %convert_element_type3A_115 = arith.sitofp %convert_element_type3A_114 : vector<1000x1000xi32> to vector<1000x1000xf32>
      %dot_general3A_116 = arith.constant dense<0.000000e+00> : vector<1000x256xf32>
      %dot_general3A_117 = tpu.matmul %convert_element_type3A_115, %div3A_83, %dot_general3A_116 {dimension_numbers = #tpu.dot_dimension_numbers<[1], [0], [0], [1], [0, 0, 1, 1], [], []>, precision = #tpu.contract_precision<fp32>, transpose_lhs_hint = false} : vector<1000x1000xf32>, vector<1000x256xf32>, vector<1000x256xf32> -> vector<1000x256xf32>
      %mul3A_118 = arith.mulf %dot_general3A_117, %div3A_83 : vector<1000x256xf32>
      %reduce_sum3A_119 = arith.constant dense<0.000000e+00> : vector<1000xf32>
      %reduce_sum3A_120 = vector.multi_reduction <add>, %mul3A_118, %reduce_sum3A_119 [1] : vector<1000x256xf32> to vector<1000xf32>
      %broadcast_in_dim3A_121 = vector.shape_cast %reduce_sum3A_120 : vector<1000xf32> to vector<1000x1xf32>
      %iota3A_122 = tpu.iota {dimensions = array<i32: 0>} : vector<1000x1xi32>
      %jit3A_123 = arith.constant 10 : i32
      %eq3A_124 = arith.constant 0 : i32
      %eq3A_125 = arith.cmpi eq, %jit3A_123, %eq3A_124 : i32
      %jit3A_126 = arith.constant 1 : i32
      %select_n3A_127 = arith.select %eq3A_125, %jit3A_126, %jit3A_123 : i32
      %rem3A_128 = vector.broadcast %select_n3A_127 : i32 to vector<1000x1xi32>
      %rem3A_129 = arith.remsi %iota3A_122, %rem3A_128 : vector<1000x1xi32>
      %ne3A_130 = arith.constant 0 : i32
      %ne3A_131 = vector.broadcast %ne3A_130 : i32 to vector<1000x1xi32>
      %ne3A_132 = arith.cmpi ne, %rem3A_129, %ne3A_131 : vector<1000x1xi32>
      %lt3A = arith.constant 0 : i32
      %lt3A_133 = vector.broadcast %lt3A : i32 to vector<1000x1xi32>
      %lt3A_134 = arith.cmpi slt, %rem3A_129, %lt3A_133 : vector<1000x1xi32>
      %lt3A_135 = arith.constant 0 : i32
      %lt3A_136 = arith.cmpi slt, %select_n3A_127, %lt3A_135 : i32
      %ne3A_137 = vector.broadcast %lt3A_136 : i1 to vector<1000x1xi1>
      %ne3A_138 = vector.broadcast %ne3A_137 : vector<1000x1xi1> to vector<1000x1xi1>
      %ne3A_139 = arith.xori %lt3A_134, %ne3A_138 : vector<1000x1xi1>
      %and3A_140 = arith.andi %ne3A_139, %ne3A_132 : vector<1000x1xi1>
      %add3A_141 = vector.broadcast %select_n3A_127 : i32 to vector<1000x1xi32>
      %add3A_142 = arith.addi %rem3A_129, %add3A_141 : vector<1000x1xi32>
      %select_n3A_143 = arith.select %and3A_140, %add3A_142, %rem3A_129 : vector<1000x1xi1>, vector<1000x1xi32>
      %eq3A_144 = arith.constant 1 : i32
      %eq3A_145 = vector.broadcast %eq3A_144 : i32 to vector<1000x1xi32>
      %eq3A_146 = arith.cmpi eq, %select_n3A_143, %eq3A_145 : vector<1000x1xi32>
      %convert_element_type3A_147 = arith.extui %eq3A_146 : vector<1000x1xi1> to vector<1000x1xi32>
      %convert_element_type3A_148 = arith.sitofp %convert_element_type3A_147 : vector<1000x1xi32> to vector<1000x1xf32>
      %ge3A = arith.constant 2 : i32
      %ge3A_149 = vector.broadcast %ge3A : i32 to vector<1000x1xi32>
      %ge3A_150 = arith.cmpi sge, %select_n3A_143, %ge3A_149 : vector<1000x1xi32>
      %convert_element_type3A_151 = arith.extui %ge3A_150 : vector<1000x1xi1> to vector<1000x1xi32>
      %convert_element_type3A_152 = arith.sitofp %convert_element_type3A_151 : vector<1000x1xi32> to vector<1000x1xf32>
      %iota3A_153 = tpu.iota {dimensions = array<i32: 0>} : vector<100x1000xi32>
      %iota3A_154 = tpu.iota {dimensions = array<i32: 1>} : vector<100x1000xi32>
      %jit3A_155 = arith.constant 10 : i32
      %div3A_156 = vector.broadcast %jit3A_155 : i32 to vector<100x1000xi32>
      %div3A_157 = arith.divsi %iota3A_154, %div3A_156 : vector<100x1000xi32>
      %sign3A_158 = arith.constant 0 : i32
      %sign3A_159 = vector.broadcast %sign3A_158 : i32 to vector<100x1000xi32>
      %sign3A_160 = arith.cmpi sgt, %iota3A_154, %sign3A_159 : vector<100x1000xi32>
      %sign3A_161 = arith.extui %sign3A_160 : vector<100x1000xi1> to vector<100x1000xi32>
      %sign3A_162 = arith.constant 0 : i32
      %sign3A_163 = vector.broadcast %sign3A_162 : i32 to vector<100x1000xi32>
      %sign3A_164 = arith.cmpi slt, %iota3A_154, %sign3A_163 : vector<100x1000xi32>
      %sign3A_165 = arith.extui %sign3A_164 : vector<100x1000xi1> to vector<100x1000xi32>
      %sign3A_166 = arith.subi %sign3A_161, %sign3A_165 : vector<100x1000xi32>
      %sign3A_167 = arith.constant 0 : i32
      %sign3A_168 = arith.cmpi sgt, %jit3A_155, %sign3A_167 : i32
      %sign3A_169 = arith.extui %sign3A_168 : i1 to i32
      %sign3A_170 = arith.constant 0 : i32
      %sign3A_171 = arith.cmpi slt, %jit3A_155, %sign3A_170 : i32
      %sign3A_172 = arith.extui %sign3A_171 : i1 to i32
      %sign3A_173 = arith.subi %sign3A_169, %sign3A_172 : i32
      %ne3A_174 = vector.broadcast %sign3A_173 : i32 to vector<100x1000xi32>
      %ne3A_175 = arith.cmpi ne, %sign3A_166, %ne3A_174 : vector<100x1000xi32>
      %rem3A_176 = vector.broadcast %jit3A_155 : i32 to vector<100x1000xi32>
      %rem3A_177 = arith.remsi %iota3A_154, %rem3A_176 : vector<100x1000xi32>
      %ne3A_178 = arith.constant 0 : i32
      %ne3A_179 = vector.broadcast %ne3A_178 : i32 to vector<100x1000xi32>
      %ne3A_180 = arith.cmpi ne, %rem3A_177, %ne3A_179 : vector<100x1000xi32>
      %and3A_181 = arith.andi %ne3A_175, %ne3A_180 : vector<100x1000xi1>
      %sub3A_182 = arith.constant 1 : i32
      %sub3A_183 = vector.broadcast %sub3A_182 : i32 to vector<100x1000xi32>
      %sub3A_184 = arith.subi %div3A_157, %sub3A_183 : vector<100x1000xi32>
      %select_n3A_185 = arith.select %and3A_181, %sub3A_184, %div3A_157 : vector<100x1000xi1>, vector<100x1000xi32>
      %eq3A_186 = arith.cmpi eq, %select_n3A_185, %iota3A_153 : vector<100x1000xi32>
      %convert_element_type3A_187 = arith.extui %eq3A_186 : vector<100x1000xi1> to vector<100x1000xi32>
      %convert_element_type3A_188 = arith.sitofp %convert_element_type3A_187 : vector<100x1000xi32> to vector<100x1000xf32>
      %mul3A_189 = arith.mulf %broadcast_in_dim3A_121, %convert_element_type3A_148 : vector<1000x1xf32>
      %dot_general3A_190 = arith.constant dense<0.000000e+00> : vector<100x1xf32>
      %dot_general3A_191 = tpu.matmul %convert_element_type3A_188, %mul3A_189, %dot_general3A_190 {dimension_numbers = #tpu.dot_dimension_numbers<[1], [0], [0], [1], [0, 0, 1, 1], [], []>, precision = #tpu.contract_precision<fp32>, transpose_lhs_hint = false} : vector<100x1000xf32>, vector<1000x1xf32>, vector<100x1xf32> -> vector<100x1xf32>
      %exp3A = math.exp %broadcast_in_dim3A_121 : vector<1000x1xf32>
      %mul3A_192 = arith.mulf %exp3A, %convert_element_type3A_152 : vector<1000x1xf32>
      %dot_general3A_193 = arith.constant dense<0.000000e+00> : vector<100x1xf32>
      %dot_general3A_194 = tpu.matmul %convert_element_type3A_188, %mul3A_192, %dot_general3A_193 {dimension_numbers = #tpu.dot_dimension_numbers<[1], [0], [0], [1], [0, 0, 1, 1], [], []>, precision = #tpu.contract_precision<fp32>, transpose_lhs_hint = false} : vector<100x1000xf32>, vector<1000x1xf32>, vector<100x1xf32> -> vector<100x1xf32>
      %log3A = math.log %dot_general3A_194 : vector<100x1xf32>
      %sub3A_195 = arith.subf %log3A, %dot_general3A_191 : vector<100x1xf32>
      %reduce_sum3A_196 = vector.shape_cast %sub3A_195 : vector<100x1xf32> to vector<1x100x1xf32>
      %reduce_sum3A_197 = arith.constant dense<0.000000e+00> : vector<1xf32>
      %reduce_sum3A_198 = vector.multi_reduction <add>, %reduce_sum3A_196, %reduce_sum3A_197 [1, 2] : vector<1x100x1xf32> to vector<1xf32>
      %reduce_sum3A_199 = vector.shape_cast %reduce_sum3A_198 : vector<1xf32> to vector<1x1x1xf32>
      %reduce_sum3A_200 = vector.extract %reduce_sum3A_199[0, 0, 0] : f32 from vector<1x1x1xf32>
      %div3A_201 = arith.constant 1.000000e+02 : f32
      %div3A_202 = arith.divf %reduce_sum3A_200, %div3A_201 : f32
      %reshape3A = vector.broadcast %div3A_202 : f32 to vector<1x1xf32>
      %swap3A_203 = arith.constant 0 : index
      %swap3A_204 = arith.constant 0 : index
      %swap3A_205 = vector.load %arg9[%swap3A_203, %swap3A_204] : memref<1x1xf32, #tpu.memory_space<vmem>>, vector<1x1xf32>
      tpu.vector_store %arg9[%swap3A_203, %swap3A_204], %reshape3A {strides = array<i32>} : memref<1x1xf32, #tpu.memory_space<vmem>>, vector<1x1xf32>,
    } else {
    }
    return
  }
  func.func @transform_0(%arg0: i32) -> (i32, i32) {
    %c0_i32 = arith.constant 0 : i32
    %c0_i32_0 = arith.constant 0 : i32
    return %arg0, %c0_i32 : i32, i32
  }
  func.func @transform_1(%arg0: i32) -> (i32, i32, i32) {
    %c0_i32 = arith.constant 0 : i32
    %c0_i32_0 = arith.constant 0 : i32
    %c0_i32_1 = arith.constant 0 : i32
    return %c0_i32, %arg0, %c0_i32_0 : i32, i32, i32
  }
  func.func @transform_2(%arg0: i32) -> (i32, i32, i32) {
    %c1_i32 = arith.constant 1 : i32
    %c0_i32 = arith.constant 0 : i32
    %c0_i32_0 = arith.constant 0 : i32
    return %c1_i32, %arg0, %c0_i32 : i32, i32, i32
  }
  func.func @transform_3(%arg0: i32) -> (i32, i32) {
    %c0_i32 = arith.constant 0 : i32
    %c0_i32_0 = arith.constant 0 : i32
    %c0_i32_1 = arith.constant 0 : i32
    return %c0_i32, %c0_i32_0 : i32, i32
  }
  func.func @transform_4(%arg0: i32) -> (i32, i32) {
    %c0_i32 = arith.constant 0 : i32
    %c0_i32_0 = arith.constant 0 : i32
    %c0_i32_1 = arith.constant 0 : i32
    return %c0_i32, %c0_i32_0 : i32, i32
  }
  func.func @transform_5(%arg0: i32) -> (i32, i32) {
    %c0_i32 = arith.constant 0 : i32
    %c0_i32_0 = arith.constant 0 : i32
    %c0_i32_1 = arith.constant 0 : i32
    return %c0_i32, %c0_i32_0 : i32, i32
  }
  func.func @transform_6(%arg0: i32) -> (i32, i32) {
    %c0_i32 = arith.constant 0 : i32
    %c0_i32_0 = arith.constant 0 : i32
    %c0_i32_1 = arith.constant 0 : i32
    return %c0_i32, %c0_i32_0 : i32, i32
  }
  func.func @transform_7(%arg0: i32) -> (i32, i32, i32) {
    %c0_i32 = arith.constant 0 : i32
    %c0_i32_0 = arith.constant 0 : i32
    %c0_i32_1 = arith.constant 0 : i32
    return %arg0, %c0_i32, %c0_i32_0 : i32, i32, i32
  }
  func.func @transform_8(%arg0: i32) -> (i32, i32) {
    %c0_i32 = arith.constant 0 : i32
    %c0_i32_0 = arith.constant 0 : i32
    %c0_i32_1 = arith.constant 0 : i32
    return %c0_i32, %c0_i32_0 : i32, i32
  }
}

</mosaic_0001>

<sc_bundles>
// kernel: kernel.10.cloned.1.call-start
scs
__scs_entry_jumppad:
0x0: {  	(pc) =	sbr.rel $0x88, $3  }
0x1: {  	(tag) =	ssettag $0x0;
	lr =	simm.s32 $0x1  }
0x2: {  	[smem:$0x3F96] =	sst lr;
	_ =	strace $0xD0000000  }
0x3: {  	_ = 	snop  }
0x4: {  	_ = 	snop  }
0x5: {  	_ = 	snop  }
0x6: {  	_ = 	snop  }
0x7: {  	_ = 	snop  }
__scs_overlays_trampoline_lowered:
0x8: {  	[smem:$0x3FA5] =	sst s0  }
0x9: {  	[smem:$0x3FA6] =	sst s1  }
0xa: {  	[smem:$0x3FA7] =	sst s2  }
0xb: {  	[smem:$0x3FA8] =	sst s3  }
0xc: {  	[smem:$0x3FA9] =	sst s4  }
0xd: {  	[smem:$0x3FAA] =	sst s5  }
0xe: {  	[smem:$0x3FAB] =	sst s6  }
0xf: {  	[smem:$0x3FAC] =	sst s7  }
0x10: {  	[smem:$0x3FAD] =	sst s8  }
0x11: {  	[smem:$0x3FAE] =	sst s9;
	s0 =	simm.s32 @!p0 $0x0  }
0x12: {  	s1 =	sld [smem:$0x3F94];
	s0 =	simm.s32 @p0 $0x1  }
0x13: {  	[smem:$0x3FAF] =	sst s0;
	s0 =	simm.s32 @!p1 $0x0  }
0x14: {  	s2 =	sld [smem:$0x3F93];
	s0 =	simm.s32 @p1 $0x1  }
0x15: {  	[smem:$0x3FB0] =	sst s0;
	s0 =	simm.s32 @!p2 $0x0  }
0x16: {  	s3 =	sld [smem:$0x3FDB];
	s0 =	simm.s32 @p2 $0x1  }
0x17: {  	s4 =	simm.s32 $0x1BF5;
	[smem:$0x3FB2] =	sst s0  }
0x18: {  	s0 =	sld [smem:$0x3F95];
	_ =	swait.ge [sflag:s4], $0x0  }
0x19: {  	s7 =	sld [smem:$0x3F96]  }
0x1a: {  	s8 =	sadd.s32 $0xFFFFE003, lr  }
0x1b: {  	s9 =	sadd.s32 $0xFFFFFEF7, lr;
	s5 =	simm.s32 $0xFFFFFFFF;
	p2 =	slt.u32 s8, $0xFFFFF086  }
0x1c: {  	p1 =	slt.u32 s9, $0xF7A;
	s5 =	simm.s32 @!p2 $0x0  }
0x1d: {  	s5 =	simm.s32 @p1 $0x1;
	p0 =	seq.s32 s7, s2  }
0x1e: {  	s7 =	smul.u32 @!p0 $0xF7A, s2;
	p2 =	seq.s32 @!p0 s5, $0x0  }
0x1f: {  	s9 =	smul.u32 $0xF7A, s1;
	s8 =	simm.s32 @!p0 $0x1BF5;
	p2 =	por !p2, p0  }
0x20: {  	[sflag:s8] =	ssyncset.s32 @!p0 $0xFFFFF086;
	s6 =	sadd.s32 @!p0 s3, s7;
	s7 =	simm.s32 @!p0 $0x108  }
0x21: {  	s3 =	sadd.s32 s3, s9;
	s6 =	sadd.s32 @!p0 $0x88, s6;
	s7 =	simm.s32 @p2 $0x1082  }
0x22: {  	[simem:s7], [sflag:s8] =	dma.local @!p0 [hbm:s6], $0xF7A  }
0x23: {  	s9 =	sor.u32 $0xD0000000, s2;
	s6 =	simm.s32 $0x108;
	_ =	swait.ge @!p0 [sflag:s8], $0x0  }
0x24: {  	s3 =	sadd.s32 $0x88, s3;
	s6 =	simm.s32 @!p1 $0x1082;
	[sflag:s4] =	ssyncset.s32 $0xFFFFF086  }
0x25: {  	[simem:s6], [sflag:s4] =	dma.local [hbm:s3], $0xF7A  }
0x26: {  	[smem:$0x3F96] =	sst s1;
	(tag) =	ssettag s2;
	_ =	strace s9  }
0x27: {  	s1 =	sld [smem:$0x3FA6]  }
0x28: {  	s2 =	sld [smem:$0x3FA7]  }
0x29: {  	s4 =	sld [smem:$0x3FA9]  }
0x2a: {  	p0 =	seq.s32 s5, $0x0;
	s5 =	sld [smem:$0x3FAA]  }
0x2b: {  	s6 =	sld [smem:$0x3FAB]  }
0x2c: {  	s7 =	sld [smem:$0x3FAC]  }
0x2d: {  	s3 =	simm.s32 $0x108;
	s8 =	sld [smem:$0x3FAD]  }
0x2e: {  	s3 =	simm.s32 @!p0 $0x1082;
	s9 =	sld [smem:$0x3FAE]  }
0x2f: {  	lr =	sadd.s32 s0, s3;
	s0 =	sld [smem:$0x3FA5]  }
0x30: {  	s3 =	sld [smem:$0x3FA8]  }
0x31: {  	[smem:$0x3FB1] =	sst s10  }
0x32: {  	s10 =	sld [smem:$0x3FAF];
	_ =	sdelay $0x3  }
0x33: {  	p0 =	seq.s32 s10, $0x1;
	s10 =	sld [smem:$0x3FB1];
	_ =	sdelay $0x3  }
0x34: {  	[smem:$0x3FB1] =	sst s10  }
0x35: {  	s10 =	sld [smem:$0x3FB0];
	_ =	sdelay $0x3  }
0x36: {  	p1 =	seq.s32 s10, $0x1;
	s10 =	sld [smem:$0x3FB1];
	_ =	sdelay $0x3  }
0x37: {  	[smem:$0x3FB1] =	sst s10  }
0x38: {  	s10 =	sld [smem:$0x3FB2]  }
0x39: {  	_ = 	snop;
	(pc) =	sbr.ind lr, $3  }
0x3a: {  	_ = 	snop  }
0x3b: {  	_ = 	snop  }
0x3c: {  	p2 =	seq.s32 s10, $0x1;
	s10 =	sld [smem:$0x3FB1]  }
0x3d: {  	_ =	shalt  }
0x3e: {  	_ =	shalt  }
0x3f: {  	_ =	shalt  }
0x40: {  	_ =	shalt  }
0x41: {  	_ =	shalt  }
0x42: {  	_ =	shalt  }
0x43: {  	_ =	shalt  }
0x44: {  	_ =	shalt  }
0x45: {  	_ =	shalt  }
0x46: {  	_ =	shalt  }
0x47: {  	_ =	shalt  }
0x48: {  	_ =	shalt  }
0x49: {  	_ =	shalt  }
0x4a: {  	_ =	shalt  }
0x4b: {  	_ =	shalt  }
0x4c: {  	_ =	shalt  }
0x4d: {  	_ =	shalt  }
0x4e: {  	_ =	shalt  }
0x4f: {  	_ =	shalt  }
0x50: {  	_ =	shalt  }
0x51: {  	_ =	shalt  }
0x52: {  	_ =	shalt  }
0x53: {  	_ =	shalt  }
0x54: {  	_ =	shalt  }
0x55: {  	_ =	shalt  }
0x56: {  	_ =	shalt  }
0x57: {  	_ =	shalt  }
0x58: {  	_ =	shalt  }
0x59: {  	_ =	shalt  }
0x5a: {  	_ =	shalt  }
0x5b: {  	_ =	shalt  }
0x5c: {  	_ =	shalt  }
0x5d: {  	_ =	shalt  }
0x5e: {  	_ =	shalt  }
0x5f: {  	_ =	shalt  }
0x60: {  	_ =	shalt  }
0x61: {  	_ =	shalt  }
0x62: {  	_ =	shalt  }
0x63: {  	_ =	shalt  }
0x64: {  	_ =	shalt  }
0x65: {  	_ =	shalt  }
0x66: {  	_ =	shalt  }
0x67: {  	_ =	shalt  }
0x68: {  	_ =	shalt  }
0x69: {  	_ =	shalt  }
0x6a: {  	_ =	shalt  }
0x6b: {  	_ =	shalt  }
0x6c: {  	_ =	shalt  }
0x6d: {  	_ =	shalt  }
0x6e: {  	_ =	shalt  }
0x6f: {  	_ =	shalt  }
0x70: {  	_ =	shalt  }
0x71: {  	_ =	shalt  }
0x72: {  	_ =	shalt  }
0x73: {  	_ =	shalt  }
0x74: {  	_ =	shalt  }
0x75: {  	_ =	shalt  }
0x76: {  	_ =	shalt  }
0x77: {  	_ =	shalt  }
0x78: {  	_ =	shalt  }
0x79: {  	_ =	shalt  }
0x7a: {  	_ =	shalt  }
0x7b: {  	_ =	shalt  }
0x7c: {  	_ =	shalt  }
0x7d: {  	_ =	shalt  }
0x7e: {  	_ =	shalt  }
0x7f: {  	_ =	shalt  }
0x80: {  	_ =	shalt  }
0x81: {  	_ =	shalt  }
0x82: {  	_ =	shalt  }
0x83: {  	_ =	shalt  }
0x84: {  	_ =	shalt  }
0x85: {  	_ =	shalt  }
0x86: {  	_ =	shalt  }
0x87: {  	_ =	shalt  }
.Lfunc_end0:
.L_simem_size_0:
called_computation.1_lowered:
.L_overlay_start_0:
0x88: {  	s2 =	sld [smem:$0x3FD9]  }
0x89: {  	s3 =	sld [smem:$0x3FFE];
	_ =	sdelay $0x1  }
0x8a: {  	s1 =	srdreg.scid  }
0x8b: {  	s0 =	sand.u32 $0x1, s1  }
0x8c: {  	s16 =	sshll.u32 s0, $0xA;
	s2 =	sadd.s32 s3, s2  }
0x8d: {  	s2 =	sadd.s32 s2, s16  }
0x8e: {  	[smem:$0x3FBD] =	sst s2  }
0x8f: {  	_ = 	snop  }
0x90: {  	(tm) =	ssettm $0x1  }
0x91: {  	s17 =	sld [smem:$0x3FFB];
	_ =	sdelay $0x3  }
0x92: {  	_ =	strace s17  }
0x93: {  	s2 =	sld [smem:$0x3FFC];
	_ =	sdelay $0x3  }
0x94: {  	_ =	strace s2  }
0x95: {  	s2 =	sld [smem:$0x3FFD];
	_ =	sdelay $0x3  }
0x96: {  	_ =	strace s2  }
0x97: {  	_ =	strace $0x8FFFFFFF  }
0x98: {  	s18 =	sld [smem:$0x3FDB];
	_ =	sdelay $0x1  }
0x99: {  	s19 =	simm.s32 $_scs_section_size  }
0x9a: {  	s4 =	simm.s32 $_size__tile_overlayer_lowered;
	s5 =	simm.s32 $_tile_overlayer_lowered  }
0x9b: {  	s22 =	simm.s32 $0x1BFF;
	s21 =	sshll.u32 s5, $0x1;
	s2 =	sadd.s32 s19, s18  }
0x9c: {  	s6 =	simm.s32 $0x0;
	s20 =	sshll.u32 s4, $0x1;
	s4 =	sadd.s32 s21, s2  }
0x9d: {  	[timem:s6], [sflag:s22] =	dma.local [hbm:s4], s20  }
0x9e: {  	_ =	swait.ge [sflag:s22], s20  }
0x9f: {  	s3 =	ssub.s32 $0x0, s20;
	[sflag:s22] =	ssyncset.done $0x0  }
0xa0: {  	[sflag:s22] =	ssyncadd.s32 s3;
	_ =	sdelay $0x1  }
0xa1: {  	s23 =	simm.s32 $0x1B8B  }
0xa2: {  	_ =	swait.ge [sflag:s23], $0x1  }
0xa3: {  	[sflag:s23] =	ssyncset.done $0x0  }
0xa4: {  	s25 =	simm.s32 $0x1B8E;
	s24 =	sld [smem:$0x3FFE];
	[sflag:s23] =	ssyncadd.s32 $0xFFFFFFFF  }
0xa5: {  	s26 =	simm.s32 $execute0_lowered;
	[smem:$0x3FD2] =	sst s25  }
0xa6: {  	s4 =	sshll.u32 s26, $0x1;
	_ =	strace $0x80000049;
	[dreg:$0x1] =	wrdreg $0xFFFFFFFF  }
0xa7: {  	s28 =	simm.s32 $_size_execute0_lowered;
	s2 =	sadd.s32 s2, s4;
	[dreg:$0x0] =	wrdreg $0x0  }
0xa8: {  	s4 =	sshll.u32 s28, $0x1;
	[dreg:$0x2] =	wrdreg s2  }
0xa9: {  	[dreg:$0x3] =	wrdreg s4  }
0xaa: {  	[dreg:$0x4] =	wrdreg $0xC0  }
0xab: {  	_ =	task [dreg:s6], $0x5FFFF  }
0xac: {  	[dreg:$0x1] =	wrdreg $0xFFFFFFFF  }
0xad: {  	[dreg:$0x0] =	wrdreg $0x60  }
0xae: {  	[dreg:$0x2] =	wrdreg s24  }
0xaf: {  	[dreg:$0x3] =	wrdreg $0x90000  }
0xb0: {  	[dreg:$0x4] =	wrdreg $0x9  }
0xb1: {  	_ =	task.clear_ibuf [dreg:s6], $0x5FFFF;
	_ =	strace $0x90000049  }
0xb2: {  	s29 =	simm.s32 $0x9;
	_ =	strace $0x8000004B  }
0xb3: {  	_ =	swait.ge [sflag:s29], $0x1  }
0xb4: {  	[sflag:s29] =	ssyncadd.s32 $0xFFFFFFFF  }
0xb5: {  	_ =	strace $0x9000004B  }
0xb6: {  	_ =	sfence  }
0xb7: {  	s30 =	sld [smem:$0x0];
	_ =	sdelay $0x2  }
0xb8: {  	s31 =	sshll.u32 s1, $0xD;
	s1 =	sshrl.u32 s1, $0x2  }
0xb9: {  	s3 =	sand.u32 $0x4000, s31;
	s1 =	sadd.s32 s1, s30  }
0xba: {  	s0 =	sor.u32 s3, s0;
	s1 =	sshll.u32 s1, $0x11  }
0xbb: {  	s0 =	sor.u32 s1, s0  }
0xbc: {  	s0 =	sadd.s32 $0x8F2B, s0  }
0xbd: {  	[sflag:s0] =	ssyncadd.remote.s32 $0x1  }
0xbe: {  	_ =	sfence.sel $0xFFFF  }
0xbf: {  	[dreg:$0x0] =	wrdreg $0xFFFFFFFF;
	(pc) =	sbr.abs _section_cstart, $3  }
0xc0: {  	[dreg:$0x1] =	wrdreg $0xFFFFFFFF  }
0xc1: {  	_ =	task.clear_ibuf [dreg:s6], $0x2FFFF;
	_ =	strace $0x9FFFFFFF  }
0xc2: {  	(tm) =	ssettm $0x7FFFFFFF  }
0xc3: {  	_ =	shalt  }
tec
execute0_lowered:
.L_overlay_start_1:
0x0: {  	(tag) =	ssettag $0x1  }
0x1: {  	s6 =	rddreg [dreg:$0x0]  }
0x2: {  	s1 =	rddreg [dreg:$0x1];
	s3 =	simm.s32 $0x0  }
0x3: {  	s14 =	simm.s32 $0x100;
	[smem:$0x7FF] =	sst s3  }
0x4: {  	s16 =	simm.s32 $0x880;
	_ =	strace $0x8000004A;
	[dreg:$0x3] =	wrdreg s14  }
0x5: {  	s17 =	simm.s32 $0x180;
	[dreg:$0x4] =	wrdreg s16  }
0x6: {  	s0 =	srdreg.scid;
	s12 =	simm.s32 $0x900;
	[dreg:$0x5] =	wrdreg s17  }
0x7: {  	s2 =	stileid.u32;
	s19 =	simm.s32 $0x200;
	[dreg:$0x6] =	wrdreg s12  }
0x8: {  	s21 =	simm.s32 $0x980;
	s22 =	simm.s32 $0x280;
	[dreg:$0x7] =	wrdreg s19  }
0x9: {  	s23 =	simm.s32 $0xA00;
	s24 =	simm.s32 $0x300;
	[dreg:$0x8] =	wrdreg s21  }
0xa: {  	s25 =	simm.s32 $0xA80;
	s26 =	simm.s32 $0x380;
	[dreg:$0x9] =	wrdreg s22  }
0xb: {  	s28 =	simm.s32 $0xB80;
	s29 =	simm.s32 $0x480;
	[dreg:$0xa] =	wrdreg s23  }
0xc: {  	s30 =	simm.s32 $0x500;
	s31 =	simm.s32 $0xF00;
	[dreg:$0xb] =	wrdreg s24  }
0xd: {  	s7 =	sand.u32 $0x1, s0;
	s9 =	smul.u32 $0x13C00, s2;
	[dreg:$0xc] =	wrdreg s25  }
0xe: {  	s4 =	sadd.s32 $0x2600, s6;
	s11 =	smul.u32 $0x4F000, s2;
	[dreg:$0xd] =	wrdreg s26  }
0xf: {  	s18 =	sshll.u32 s2, $0x6;
	s5 =	smul.u32 $0x5000, s7;
	[dreg:$0xf] =	wrdreg s28  }
0x10: {  	s8 =	smul.u32 $0x13C000, s7;
	s7 =	ssub.s32 $0x2, s7;
	[dreg:$0x10] =	wrdreg s29  }
0x11: {  	[dreg:$0x11] =	wrdreg s30;
	s16 =	simm.s32 $0xC80;
	s17 =	simm.s32 $0x580  }
0x12: {  	s19 =	simm.s32 $0x600;
	s21 =	simm.s32 $0x680;
	[dreg:$0x1c] =	wrdreg s31  }
0x13: {  	s22 =	simm.s32 $0xE00;
	s23 =	simm.s32 $0x700;
	[dreg:$0x12] =	wrdreg s16  }
0x14: {  	s24 =	simm.s32 $0xE80;
	s25 =	simm.s32 $0x780;
	[dreg:$0x13] =	wrdreg s17  }
0x15: {  	s26 =	simm.s32 $0x0;
	s13 =	sshrl.u32 s7, $0x1;
	[dreg:$0x15] =	wrdreg s19  }
0x16: {  	s15 =	sshrl.u32 s11, $0x2;
	s16 =	simm.s32 $0x1000;
	[dreg:$0x17] =	wrdreg s21  }
0x17: {  	s17 =	simm.s32 $0x400;
	s19 =	simm.s32 $0x5;
	[dreg:$0x18] =	wrdreg s22  }
0x18: {  	s21 =	simm.s32 $0x5000;
	s22 =	simm.s32 $0x2;
	[dreg:$0x19] =	wrdreg s23  }
0x19: {  	s23 =	simm.s32 $0x4;
	[dreg:$0x1a] =	wrdreg s24;
	s24 =	simm.s32 $0x6  }
0x1a: {  	[dreg:$0x1b] =	wrdreg s25;
	s25 =	simm.s32 $0xF80;
	s10 =	sadd.s32 s5, s6  }
0x1b: {  	s5 =	sadd.s32 $0x3D800, s6;
	s8 =	sadd.s32 s9, s8;
	s9 =	ssub.s32 s7, s13  }
0x1c: {  	s11 =	sadd.s32 s15, s1;
	s13 =	smul.u32 $0x500, s2;
	s15 =	simm.s32 $0xB00  }
0x1d: {  	s8 =	sshrl.u32 s8, $0x3;
	s20 =	sadd.s32 $0x29800, s10;
	s14 =	sadd.s32 $0x33800, s10  }
0x1e: {  	s10 =	simm.s32 $0x7;
	[dreg:$0xe] =	wrdreg s15;
	s15 =	simm.s32 $0x80  }
0x1f: {  	s8 =	sadd.s32 s8, s6;
	s6 =	sor.u32 $0x1C07, s18;
	s12 =	sadd.s32 s13, s14  }
0x20: {  	s14 =	simm.s32 $0x3;
	s18 =	simm.s32 $0xD00;
	s7 =	sadd.s32 $0x40000, s8  }
0x21: {  	s8 =	smax.u32 s9, $0x1;
	s9 =	sshrl.u32 s11, $0x3;
	s11 =	sadd.s32 s13, s20  }
0x22: {  	s13 =	simm.s32 $0x800;
	[dreg:$0x14] =	wrdreg s18;
	s20 =	simm.s32 $0xD80  }
0x23: {  	s18 =	simm.s32 $0xC00;
	[dreg:$0x16] =	wrdreg s20;
	s20 =	simm.s32 $0x1  }
.LBB2_1:
0x24: {  	[spmem:s9], [sflag:s6] =	dma.local [hbm:s5], $0x2780  }
0x25: {  	_ =	swait.ge [sflag:s10], $0x2780  }
0x26: {  	[sflag:s10] =	ssyncset.done $0x0  }
0x27: {  	[sflag:s10] =	ssyncadd.s32 $0xFFFFD880  }
0x28: {  	[bflag:$0x0] =	sbarrier.arrive $0xFFFF  }
0x29: {  	[tilespmem:s3], [sflag:$0x3] =	stream.linear.gather [hbm4b:s11+s3], $0x400, $0x38;
	[tilespmem:$0x1CC00] =	vst v63  }
0x2a: {  	_ = 	snop  }
0x2b: {  	[tilespmem:s13], [sflag:$0x5] =	stream.linear.gather [hbm4b:s12+s3], $0x400, $0x38;
	[tilespmem:$0x1CC00] =	vst v63  }
0x2c: {  	_ =	swait.ge [sflag:s14], $0x400  }
0x2d: {  	[sflag:s14] =	ssyncset.done $0x0  }
0x2e: {  	s28 =	sadd.s32 $0x0, s11;
	[sflag:s14] =	ssyncadd.s32 $0xFFFFFC00  }
0x2f: {  	[tilespmem:s16], [sflag:$0x1] =	stream.indirect.gather [hbm4b:s4+s15], $0x80, s3, s15, $0xb8;
	[tilespmem:$0x1CC00] =	vst v63  }
0x30: {  	s29 =	sadd.s32 $0x0, s12;
	s28 =	sadd.s32 $0x80, s28  }
0x31: {  	[tilespmem:s17], [sflag:$0x4] =	stream.linear.gather [hbm4b:s28+s3], $0x400, $0x38;
	[tilespmem:$0x1CC00] =	vst v63  }
0x32: {  	s28 =	sadd.s32 $0x80, s29  }
0x33: {  	[tilespmem:s18], [sflag:$0x6] =	stream.linear.gather [hbm4b:s28+s3], $0x400, $0x38;
	[tilespmem:$0x1CC00] =	vst v63  }
0x34: {  	_ =	swait.ge [sflag:s19], $0x400  }
0x35: {  	[sflag:s19] =	ssyncset.done $0x0  }
0x36: {  	[sflag:s19] =	ssyncadd.s32 $0xFFFFFC00  }
0x37: {  	_ =	swait.ge [sflag:s20], $0x4000  }
0x38: {  	[sflag:s20] =	ssyncset.done $0x0  }
0x39: {  	[sflag:s20] =	ssyncadd.s32 $0xFFFFC000  }
0x3a: {  	[tilespmem:s21], [sflag:$0x2] =	stream.indirect.gather [hbm4b:s4+s15], $0x80, s15, s15, $0xb8;
	[tilespmem:$0x1CC00] =	vst v63  }
0x3b: {  	_ = 	snop  }
0x3c: {  	[spmem:s1] =	stream.indirect.scatter.add.f32 [tilespmem:s16], [sflag:$0x7], $0x80, s13, s15, $0xb8;
	[tilespmem:$0x1CC00] =	vst v63  }
0x3d: {  	_ =	swait.ge [sflag:s10], $0x4000  }
0x3e: {  	[sflag:s10] =	ssyncset.done $0x0  }
0x3f: {  	[sflag:s10] =	ssyncadd.s32 $0xFFFFC000  }
0x40: {  	_ =	swait.ge [sflag:s22], $0x4000  }
0x41: {  	[sflag:s22] =	ssyncset.done $0x0  }
0x42: {  	s28 =	rddreg [dreg:$0x3];
	[sflag:s22] =	ssyncadd.s32 $0xFFFFC000  }
0x43: {  	[tilespmem:s16], [sflag:$0x1] =	stream.indirect.gather [hbm4b:s4+s15], $0x80, s28, s15, $0xb8;
	[tilespmem:$0x1CC00] =	vst v63  }
0x44: {  	s29 =	rddreg [dreg:$0x4]  }
0x45: {  	[spmem:s1] =	stream.indirect.scatter.add.f32 [tilespmem:s21], [sflag:$0x7], $0x80, s29, s15, $0xb8;
	[tilespmem:$0x1CC00] =	vst v63  }
0x46: {  	_ =	swait.ge [sflag:s10], $0x4000  }
0x47: {  	[sflag:s10] =	ssyncset.done $0x0  }
0x48: {  	[sflag:s10] =	ssyncadd.s32 $0xFFFFC000  }
0x49: {  	_ =	swait.ge [sflag:s20], $0x4000  }
0x4a: {  	[sflag:s20] =	ssyncset.done $0x0  }
0x4b: {  	s28 =	rddreg [dreg:$0x5];
	[sflag:s20] =	ssyncadd.s32 $0xFFFFC000  }
0x4c: {  	[tilespmem:s21], [sflag:$0x2] =	stream.indirect.gather [hbm4b:s4+s15], $0x80, s28, s15, $0xb8;
	[tilespmem:$0x1CC00] =	vst v63  }
0x4d: {  	s29 =	rddreg [dreg:$0x6]  }
0x4e: {  	[spmem:s1] =	stream.indirect.scatter.add.f32 [tilespmem:s16], [sflag:$0x7], $0x80, s29, s15, $0xb8;
	[tilespmem:$0x1CC00] =	vst v63  }
0x4f: {  	_ =	swait.ge [sflag:s10], $0x4000  }
0x50: {  	[sflag:s10] =	ssyncset.done $0x0  }
0x51: {  	[sflag:s10] =	ssyncadd.s32 $0xFFFFC000  }
0x52: {  	_ =	swait.ge [sflag:s22], $0x4000  }
0x53: {  	[sflag:s22] =	ssyncset.done $0x0  }
0x54: {  	s28 =	rddreg [dreg:$0x7];
	[sflag:s22] =	ssyncadd.s32 $0xFFFFC000  }
0x55: {  	[tilespmem:s16], [sflag:$0x1] =	stream.indirect.gather [hbm4b:s4+s15], $0x80, s28, s15, $0xb8;
	[tilespmem:$0x1CC00] =	vst v63  }
0x56: {  	s29 =	rddreg [dreg:$0x8]  }
0x57: {  	[spmem:s1] =	stream.indirect.scatter.add.f32 [tilespmem:s21], [sflag:$0x7], $0x80, s29, s15, $0xb8;
	[tilespmem:$0x1CC00] =	vst v63  }
0x58: {  	_ =	swait.ge [sflag:s10], $0x4000  }
0x59: {  	[sflag:s10] =	ssyncset.done $0x0  }
0x5a: {  	[sflag:s10] =	ssyncadd.s32 $0xFFFFC000  }
0x5b: {  	_ =	swait.ge [sflag:s20], $0x4000  }
0x5c: {  	[sflag:s20] =	ssyncset.done $0x0  }
0x5d: {  	s28 =	rddreg [dreg:$0x9];
	[sflag:s20] =	ssyncadd.s32 $0xFFFFC000  }
0x5e: {  	[tilespmem:s21], [sflag:$0x2] =	stream.indirect.gather [hbm4b:s4+s15], $0x80, s28, s15, $0xb8;
	[tilespmem:$0x1CC00] =	vst v63  }
0x5f: {  	s29 =	rddreg [dreg:$0xa]  }
0x60: {  	[spmem:s1] =	stream.indirect.scatter.add.f32 [tilespmem:s16], [sflag:$0x7], $0x80, s29, s15, $0xb8;
	[tilespmem:$0x1CC00] =	vst v63  }
0x61: {  	_ =	swait.ge [sflag:s10], $0x4000  }
0x62: {  	[sflag:s10] =	ssyncset.done $0x0  }
0x63: {  	[sflag:s10] =	ssyncadd.s32 $0xFFFFC000  }
0x64: {  	_ =	swait.ge [sflag:s22], $0x4000  }
0x65: {  	[sflag:s22] =	ssyncset.done $0x0  }
0x66: {  	s28 =	rddreg [dreg:$0xb];
	[sflag:s22] =	ssyncadd.s32 $0xFFFFC000  }
0x67: {  	[tilespmem:s16], [sflag:$0x1] =	stream.indirect.gather [hbm4b:s4+s15], $0x80, s28, s15, $0xb8;
	[tilespmem:$0x1CC00] =	vst v63  }
0x68: {  	s29 =	rddreg [dreg:$0xc]  }
0x69: {  	[spmem:s1] =	stream.indirect.scatter.add.f32 [tilespmem:s21], [sflag:$0x7], $0x80, s29, s15, $0xb8;
	[tilespmem:$0x1CC00] =	vst v63  }
0x6a: {  	_ =	swait.ge [sflag:s10], $0x4000  }
0x6b: {  	[sflag:s10] =	ssyncset.done $0x0  }
0x6c: {  	[sflag:s10] =	ssyncadd.s32 $0xFFFFC000  }
0x6d: {  	_ =	swait.ge [sflag:s20], $0x4000  }
0x6e: {  	[sflag:s20] =	ssyncset.done $0x0  }
0x6f: {  	s28 =	rddreg [dreg:$0xd];
	[sflag:s20] =	ssyncadd.s32 $0xFFFFC000  }
0x70: {  	[tilespmem:s21], [sflag:$0x2] =	stream.indirect.gather [hbm4b:s4+s15], $0x80, s28, s15, $0xb8;
	[tilespmem:$0x1CC00] =	vst v63  }
0x71: {  	s29 =	rddreg [dreg:$0xe]  }
0x72: {  	[spmem:s1] =	stream.indirect.scatter.add.f32 [tilespmem:s16], [sflag:$0x7], $0x80, s29, s15, $0xb8;
	[tilespmem:$0x1CC00] =	vst v63  }
0x73: {  	_ =	swait.ge [sflag:s10], $0x4000  }
0x74: {  	[sflag:s10] =	ssyncset.done $0x0  }
0x75: {  	[sflag:s10] =	ssyncadd.s32 $0xFFFFC000  }
0x76: {  	_ =	swait.ge [sflag:s22], $0x4000  }
0x77: {  	[sflag:s22] =	ssyncset.done $0x0  }
0x78: {  	[sflag:s22] =	ssyncadd.s32 $0xFFFFC000  }
0x79: {  	_ =	swait.ge [sflag:s23], $0x400  }
0x7a: {  	[sflag:s23] =	ssyncset.done $0x0  }
0x7b: {  	[sflag:s23] =	ssyncadd.s32 $0xFFFFFC00  }
0x7c: {  	[tilespmem:s16], [sflag:$0x1] =	stream.indirect.gather [hbm4b:s4+s15], $0x80, s17, s15, $0xb8;
	[tilespmem:$0x1CC00] =	vst v63  }
0x7d: {  	s28 =	rddreg [dreg:$0xf]  }
0x7e: {  	[spmem:s1] =	stream.indirect.scatter.add.f32 [tilespmem:s21], [sflag:$0x7], $0x80, s28, s15, $0xb8;
	[tilespmem:$0x1CC00] =	vst v63  }
0x7f: {  	p0 =	por $0x0, $0x0;
	_ =	swait.ge [sflag:s10], $0x4000  }
0x80: {  	s29 =	sadd.s32 @!p0 $0x0, s12;
	s28 =	sadd.s32 @!p0 $0x0, s11;
	[sflag:s10] =	ssyncset.done $0x0  }
0x81: {  	s30 =	sadd.s32 @!p0 $0x100, s28;
	s28 =	simm.s32 @!p0 $0x0;
	[sflag:s10] =	ssyncadd.s32 $0xFFFFC000  }
0x82: {  	[tilespmem:s28], [sflag:$0x3] =	stream.linear.gather @!p0 [hbm4b:s30+s28], $0x400, $0x38;
	[tilespmem:$0x1CC00] =	vst v63  }
0x83: {  	s29 =	sadd.s32 @!p0 $0x100, s29;
	s30 =	simm.s32 @!p0 $0x800  }
0x84: {  	[tilespmem:s30], [sflag:$0x5] =	stream.linear.gather @!p0 [hbm4b:s29+s28], $0x400, $0x38;
	[tilespmem:$0x1CC00] =	vst v63  }
0x85: {  	_ =	swait.ge [sflag:s24], $0x400  }
0x86: {  	[sflag:s24] =	ssyncset.done $0x0  }
0x87: {  	[sflag:s24] =	ssyncadd.s32 $0xFFFFFC00  }
0x88: {  	_ =	swait.ge [sflag:s20], $0x4000  }
0x89: {  	[sflag:s20] =	ssyncset.done $0x0  }
0x8a: {  	s29 =	rddreg [dreg:$0x10];
	[sflag:s20] =	ssyncadd.s32 $0xFFFFC000  }
0x8b: {  	[tilespmem:s21], [sflag:$0x2] =	stream.indirect.gather [hbm4b:s4+s15], $0x80, s29, s15, $0xb8;
	[tilespmem:$0x1CC00] =	vst v63  }
0x8c: {  	_ = 	snop  }
0x8d: {  	[spmem:s1] =	stream.indirect.scatter.add.f32 [tilespmem:s16], [sflag:$0x7], $0x80, s18, s15, $0xb8;
	[tilespmem:$0x1CC00] =	vst v63  }
0x8e: {  	_ =	swait.ge [sflag:s10], $0x4000  }
0x8f: {  	[sflag:s10] =	ssyncset.done $0x0  }
0x90: {  	[sflag:s10] =	ssyncadd.s32 $0xFFFFC000  }
0x91: {  	_ =	swait.ge [sflag:s22], $0x4000  }
0x92: {  	[sflag:s22] =	ssyncset.done $0x0  }
0x93: {  	s29 =	rddreg [dreg:$0x11];
	[sflag:s22] =	ssyncadd.s32 $0xFFFFC000  }
0x94: {  	[tilespmem:s16], [sflag:$0x1] =	stream.indirect.gather [hbm4b:s4+s15], $0x80, s29, s15, $0xb8;
	[tilespmem:$0x1CC00] =	vst v63  }
0x95: {  	s0 =	rddreg [dreg:$0x12]  }
0x96: {  	[spmem:s1] =	stream.indirect.scatter.add.f32 [tilespmem:s21], [sflag:$0x7], $0x80, s0, s15, $0xb8;
	[tilespmem:$0x1CC00] =	vst v63  }
0x97: {  	_ =	swait.ge [sflag:s10], $0x4000  }
0x98: {  	[sflag:s10] =	ssyncset.done $0x0  }
0x99: {  	[sflag:s10] =	ssyncadd.s32 $0xFFFFC000  }
0x9a: {  	_ =	swait.ge [sflag:s20], $0x4000  }
0x9b: {  	[sflag:s20] =	ssyncset.done $0x0  }
0x9c: {  	s29 =	rddreg [dreg:$0x13];
	[sflag:s20] =	ssyncadd.s32 $0xFFFFC000  }
0x9d: {  	[tilespmem:s21], [sflag:$0x2] =	stream.indirect.gather [hbm4b:s4+s15], $0x80, s29, s15, $0xb8;
	[tilespmem:$0x1CC00] =	vst v63  }
0x9e: {  	s2 =	rddreg [dreg:$0x14]  }
0x9f: {  	[spmem:s1] =	stream.indirect.scatter.add.f32 [tilespmem:s16], [sflag:$0x7], $0x80, s2, s15, $0xb8;
	[tilespmem:$0x1CC00] =	vst v63  }
0xa0: {  	_ =	swait.ge [sflag:s10], $0x4000  }
0xa1: {  	[sflag:s10] =	ssyncset.done $0x0  }
0xa2: {  	[sflag:s10] =	ssyncadd.s32 $0xFFFFC000  }
0xa3: {  	_ =	swait.ge [sflag:s22], $0x4000  }
0xa4: {  	[sflag:s22] =	ssyncset.done $0x0  }
0xa5: {  	s29 =	rddreg [dreg:$0x15];
	[sflag:s22] =	ssyncadd.s32 $0xFFFFC000  }
0xa6: {  	[tilespmem:s16], [sflag:$0x1] =	stream.indirect.gather [hbm4b:s4+s15], $0x80, s29, s15, $0xb8;
	[tilespmem:$0x1CC00] =	vst v63  }
0xa7: {  	s31 =	rddreg [dreg:$0x16]  }
0xa8: {  	[spmem:s1] =	stream.indirect.scatter.add.f32 [tilespmem:s21], [sflag:$0x7], $0x80, s31, s15, $0xb8;
	[tilespmem:$0x1CC00] =	vst v63  }
0xa9: {  	_ =	swait.ge [sflag:s10], $0x4000  }
0xaa: {  	[sflag:s10] =	ssyncset.done $0x0  }
0xab: {  	[sflag:s10] =	ssyncadd.s32 $0xFFFFC000  }
0xac: {  	_ =	swait.ge [sflag:s20], $0x4000  }
0xad: {  	[sflag:s20] =	ssyncset.done $0x0  }
0xae: {  	s29 =	rddreg [dreg:$0x17];
	[sflag:s20] =	ssyncadd.s32 $0xFFFFC000  }
0xaf: {  	[tilespmem:s21], [sflag:$0x2] =	stream.indirect.gather [hbm4b:s4+s15], $0x80, s29, s15, $0xb8;
	[tilespmem:$0x1CC00] =	vst v63  }
0xb0: {  	s0 =	rddreg [dreg:$0x18]  }
0xb1: {  	[spmem:s1] =	stream.indirect.scatter.add.f32 [tilespmem:s16], [sflag:$0x7], $0x80, s0, s15, $0xb8;
	[tilespmem:$0x1CC00] =	vst v63  }
0xb2: {  	_ =	swait.ge [sflag:s10], $0x4000  }
0xb3: {  	[sflag:s10] =	ssyncset.done $0x0  }
0xb4: {  	[sflag:s10] =	ssyncadd.s32 $0xFFFFC000  }
0xb5: {  	_ =	swait.ge [sflag:s22], $0x4000  }
0xb6: {  	[sflag:s22] =	ssyncset.done $0x0  }
0xb7: {  	s29 =	rddreg [dreg:$0x19];
	[sflag:s22] =	ssyncadd.s32 $0xFFFFC000  }
0xb8: {  	[tilespmem:s16], [sflag:$0x1] =	stream.indirect.gather [hbm4b:s4+s15], $0x80, s29, s15, $0xb8;
	[tilespmem:$0x1CC00] =	vst v63  }
0xb9: {  	s2 =	rddreg [dreg:$0x1a]  }
0xba: {  	[spmem:s1] =	stream.indirect.scatter.add.f32 [tilespmem:s21], [sflag:$0x7], $0x80, s2, s15, $0xb8;
	[tilespmem:$0x1CC00] =	vst v63  }
0xbb: {  	_ =	swait.ge [sflag:s10], $0x4000  }
0xbc: {  	[sflag:s10] =	ssyncset.done $0x0  }
0xbd: {  	[sflag:s10] =	ssyncadd.s32 $0xFFFFC000  }
0xbe: {  	_ =	swait.ge [sflag:s20], $0x4000  }
0xbf: {  	[sflag:s20] =	ssyncset.done $0x0  }
0xc0: {  	s29 =	rddreg [dreg:$0x1b];
	[sflag:s20] =	ssyncadd.s32 $0xFFFFC000  }
0xc1: {  	[tilespmem:s21], [sflag:$0x2] =	stream.indirect.gather [hbm4b:s4+s15], $0x80, s29, s15, $0xb8;
	[tilespmem:$0x1CC00] =	vst v63  }
0xc2: {  	s31 =	rddreg [dreg:$0x1c]  }
0xc3: {  	[spmem:s1] =	stream.indirect.scatter.add.f32 [tilespmem:s16], [sflag:$0x7], $0x80, s31, s15, $0xb8;
	[tilespmem:$0x1CC00] =	vst v63  }
0xc4: {  	_ =	swait.ge [sflag:s10], $0x4000  }
0xc5: {  	[sflag:s10] =	ssyncset.done $0x0  }
0xc6: {  	[sflag:s10] =	ssyncadd.s32 $0xFFFFC000  }
0xc7: {  	_ =	swait.ge [sflag:s22], $0x4000  }
0xc8: {  	[sflag:s22] =	ssyncset.done $0x0  }
0xc9: {  	s29 =	simm.s32 @!p0 $0x3;
	[sflag:s22] =	ssyncadd.s32 $0xFFFFC000  }
0xca: {  	_ =	swait.ge @!p0 [sflag:s29], $0x400  }
0xcb: {  	[sflag:s29] =	ssyncset.done @!p0 $0x0  }
0xcc: {  	s30 =	simm.s32 @!p0 $0x1000;
	[sflag:s29] =	ssyncadd.s32 @!p0 $0xFFFFFC00;
	s29 =	simm.s32 @!p0 $0x80  }
0xcd: {  	[tilespmem:s30], [sflag:$0x1] =	stream.indirect.gather @!p0 [hbm4b:s4+s29], $0x80, s28, s29, $0xb8;
	[tilespmem:$0x1CC00] =	vst v63  }
0xce: {  	_ = 	snop  }
0xcf: {  	[spmem:s1] =	stream.indirect.scatter.add.f32 [tilespmem:s21], [sflag:$0x7], $0x80, s25, s15, $0xb8;
	[tilespmem:$0x1CC00] =	vst v63  }
0xd0: {  	_ =	swait.ge [sflag:s10], $0x4000  }
0xd1: {  	s28 =	simm.s32 $0x100;
	s29 =	simm.s32 $0x200;
	[sflag:s10] =	ssyncset.done $0x0  }
.LBB2_2:
0xd2: {  	s31 =	sadd.s32 s28, s11  }
0xd3: {  	[sflag:s10] =	ssyncadd.s32 $0xFFFFC000;
	s0 =	sadd.s32 s28, s12;
	s31 =	sadd.s32 $0x80, s31  }
0xd4: {  	[tilespmem:s17], [sflag:$0x4] =	stream.linear.gather [hbm4b:s31+s3], $0x400, $0x38;
	[tilespmem:$0x1CC00] =	vst v63  }
0xd5: {  	s0 =	sadd.s32 $0x80, s0  }
0xd6: {  	[tilespmem:s18], [sflag:$0x6] =	stream.linear.gather [hbm4b:s0+s3], $0x400, $0x38;
	[tilespmem:$0x1CC00] =	vst v63  }
0xd7: {  	_ =	swait.ge [sflag:s19], $0x400  }
0xd8: {  	[sflag:s19] =	ssyncset.done $0x0  }
0xd9: {  	[sflag:s19] =	ssyncadd.s32 $0xFFFFFC00  }
0xda: {  	_ =	swait.ge [sflag:s20], $0x4000  }
0xdb: {  	[sflag:s20] =	ssyncset.done $0x0  }
0xdc: {  	[sflag:s20] =	ssyncadd.s32 $0xFFFFC000  }
0xdd: {  	[tilespmem:s21], [sflag:$0x2] =	stream.indirect.gather [hbm4b:s4+s15], $0x80, s15, s15, $0xb8;
	[tilespmem:$0x1CC00] =	vst v63  }
0xde: {  	_ = 	snop  }
0xdf: {  	[spmem:s1] =	stream.indirect.scatter.add.f32 [tilespmem:s16], [sflag:$0x7], $0x80, s13, s15, $0xb8;
	[tilespmem:$0x1CC00] =	vst v63  }
0xe0: {  	_ =	swait.ge [sflag:s10], $0x4000  }
0xe1: {  	[sflag:s10] =	ssyncset.done $0x0  }
0xe2: {  	[sflag:s10] =	ssyncadd.s32 $0xFFFFC000  }
0xe3: {  	_ =	swait.ge [sflag:s22], $0x4000  }
0xe4: {  	[sflag:s22] =	ssyncset.done $0x0  }
0xe5: {  	s0 =	rddreg [dreg:$0x3];
	[sflag:s22] =	ssyncadd.s32 $0xFFFFC000  }
0xe6: {  	[tilespmem:s16], [sflag:$0x1] =	stream.indirect.gather [hbm4b:s4+s15], $0x80, s0, s15, $0xb8;
	[tilespmem:$0x1CC00] =	vst v63  }
0xe7: {  	s2 =	rddreg [dreg:$0x4]  }
0xe8: {  	[spmem:s1] =	stream.indirect.scatter.add.f32 [tilespmem:s21], [sflag:$0x7], $0x80, s2, s15, $0xb8;
	[tilespmem:$0x1CC00] =	vst v63  }
0xe9: {  	_ =	swait.ge [sflag:s10], $0x4000  }
0xea: {  	[sflag:s10] =	ssyncset.done $0x0  }
0xeb: {  	[sflag:s10] =	ssyncadd.s32 $0xFFFFC000  }
0xec: {  	_ =	swait.ge [sflag:s20], $0x4000  }
0xed: {  	[sflag:s20] =	ssyncset.done $0x0  }
0xee: {  	s0 =	rddreg [dreg:$0x5];
	[sflag:s20] =	ssyncadd.s32 $0xFFFFC000  }
0xef: {  	[tilespmem:s21], [sflag:$0x2] =	stream.indirect.gather [hbm4b:s4+s15], $0x80, s0, s15, $0xb8;
	[tilespmem:$0x1CC00] =	vst v63  }
0xf0: {  	s2 =	rddreg [dreg:$0x6]  }
0xf1: {  	[spmem:s1] =	stream.indirect.scatter.add.f32 [tilespmem:s16], [sflag:$0x7], $0x80, s2, s15, $0xb8;
	[tilespmem:$0x1CC00] =	vst v63  }
0xf2: {  	_ =	swait.ge [sflag:s10], $0x4000  }
0xf3: {  	[sflag:s10] =	ssyncset.done $0x0  }
0xf4: {  	[sflag:s10] =	ssyncadd.s32 $0xFFFFC000  }
0xf5: {  	_ =	swait.ge [sflag:s22], $0x4000  }
0xf6: {  	[sflag:s22] =	ssyncset.done $0x0  }
0xf7: {  	s0 =	rddreg [dreg:$0x7];
	[sflag:s22] =	ssyncadd.s32 $0xFFFFC000  }
0xf8: {  	[tilespmem:s16], [sflag:$0x1] =	stream.indirect.gather [hbm4b:s4+s15], $0x80, s0, s15, $0xb8;
	[tilespmem:$0x1CC00] =	vst v63  }
0xf9: {  	s2 =	rddreg [dreg:$0x8]  }
0xfa: {  	[spmem:s1] =	stream.indirect.scatter.add.f32 [tilespmem:s21], [sflag:$0x7], $0x80, s2, s15, $0xb8;
	[tilespmem:$0x1CC00] =	vst v63  }
0xfb: {  	_ =	swait.ge [sflag:s10], $0x4000  }
0xfc: {  	[sflag:s10] =	ssyncset.done $0x0  }
0xfd: {  	[sflag:s10] =	ssyncadd.s32 $0xFFFFC000  }
0xfe: {  	_ =	swait.ge [sflag:s20], $0x4000  }
0xff: {  	[sflag:s20] =	ssyncset.done $0x0  }
0x100: {  	s0 =	rddreg [dreg:$0x9];
	[sflag:s20] =	ssyncadd.s32 $0xFFFFC000  }
0x101: {  	[tilespmem:s21], [sflag:$0x2] =	stream.indirect.gather [hbm4b:s4+s15], $0x80, s0, s15, $0xb8;
	[tilespmem:$0x1CC00] =	vst v63  }
0x102: {  	s2 =	rddreg [dreg:$0xa]  }
0x103: {  	[spmem:s1] =	stream.indirect.scatter.add.f32 [tilespmem:s16], [sflag:$0x7], $0x80, s2, s15, $0xb8;
	[tilespmem:$0x1CC00] =	vst v63  }
0x104: {  	_ =	swait.ge [sflag:s10], $0x4000  }
0x105: {  	[sflag:s10] =	ssyncset.done $0x0  }
0x106: {  	[sflag:s10] =	ssyncadd.s32 $0xFFFFC000  }
0x107: {  	_ =	swait.ge [sflag:s22], $0x4000  }
0x108: {  	[sflag:s22] =	ssyncset.done $0x0  }
0x109: {  	s0 =	rddreg [dreg:$0xb];
	[sflag:s22] =	ssyncadd.s32 $0xFFFFC000  }
0x10a: {  	[tilespmem:s16], [sflag:$0x1] =	stream.indirect.gather [hbm4b:s4+s15], $0x80, s0, s15, $0xb8;
	[tilespmem:$0x1CC00] =	vst v63  }
0x10b: {  	s2 =	rddreg [dreg:$0xc]  }
0x10c: {  	[spmem:s1] =	stream.indirect.scatter.add.f32 [tilespmem:s21], [sflag:$0x7], $0x80, s2, s15, $0xb8;
	[tilespmem:$0x1CC00] =	vst v63  }
0x10d: {  	_ =	swait.ge [sflag:s10], $0x4000  }
0x10e: {  	[sflag:s10] =	ssyncset.done $0x0  }
0x10f: {  	[sflag:s10] =	ssyncadd.s32 $0xFFFFC000  }
0x110: {  	_ =	swait.ge [sflag:s20], $0x4000  }
0x111: {  	[sflag:s20] =	ssyncset.done $0x0  }
0x112: {  	s0 =	rddreg [dreg:$0xd];
	[sflag:s20] =	ssyncadd.s32 $0xFFFFC000  }
0x113: {  	[tilespmem:s21], [sflag:$0x2] =	stream.indirect.gather [hbm4b:s4+s15], $0x80, s0, s15, $0xb8;
	[tilespmem:$0x1CC00] =	vst v63  }
0x114: {  	s2 =	rddreg [dreg:$0xe]  }
0x115: {  	[spmem:s1] =	stream.indirect.scatter.add.f32 [tilespmem:s16], [sflag:$0x7], $0x80, s2, s15, $0xb8;
	[tilespmem:$0x1CC00] =	vst v63  }
0x116: {  	_ =	swait.ge [sflag:s10], $0x4000  }
0x117: {  	[sflag:s10] =	ssyncset.done $0x0  }
0x118: {  	[sflag:s10] =	ssyncadd.s32 $0xFFFFC000  }
0x119: {  	_ =	swait.ge [sflag:s22], $0x4000  }
0x11a: {  	[sflag:s22] =	ssyncset.done $0x0  }
0x11b: {  	[sflag:s22] =	ssyncadd.s32 $0xFFFFC000  }
0x11c: {  	_ =	swait.ge [sflag:s23], $0x400  }
0x11d: {  	[sflag:s23] =	ssyncset.done $0x0  }
0x11e: {  	[sflag:s23] =	ssyncadd.s32 $0xFFFFFC00  }
0x11f: {  	[tilespmem:s16], [sflag:$0x1] =	stream.indirect.gather [hbm4b:s4+s15], $0x80, s17, s15, $0xb8;
	[tilespmem:$0x1CC00] =	vst v63  }
0x120: {  	s2 =	rddreg [dreg:$0xf]  }
0x121: {  	[spmem:s1] =	stream.indirect.scatter.add.f32 [tilespmem:s21], [sflag:$0x7], $0x80, s2, s15, $0xb8;
	[tilespmem:$0x1CC00] =	vst v63  }
0x122: {  	p1 =	seq.s32 s28, $0x400;
	_ =	swait.ge [sflag:s10], $0x4000  }
0x123: {  	s31 =	simm.s32 @!p1 $0x0;
	s0 =	sadd.s32 @!p1 s28, s11;
	[sflag:s10] =	ssyncset.done $0x0  }
0x124: {  	s28 =	sadd.s32 @!p1 s28, s12;
	s0 =	sadd.s32 @!p1 $0x100, s0;
	[sflag:s10] =	ssyncadd.s32 $0xFFFFC000  }
0x125: {  	[tilespmem:s31], [sflag:$0x3] =	stream.linear.gather @!p1 [hbm4b:s0+s31], $0x400, $0x38;
	[tilespmem:$0x1CC00] =	vst v63  }
0x126: {  	s2 =	simm.s32 @!p1 $0x800;
	s0 =	sadd.s32 @!p1 $0x100, s28  }
0x127: {  	[tilespmem:s2], [sflag:$0x5] =	stream.linear.gather @!p1 [hbm4b:s0+s31], $0x400, $0x38;
	[tilespmem:$0x1CC00] =	vst v63  }
0x128: {  	_ =	swait.ge [sflag:s24], $0x400  }
0x129: {  	[sflag:s24] =	ssyncset.done $0x0  }
0x12a: {  	[sflag:s24] =	ssyncadd.s32 $0xFFFFFC00  }
0x12b: {  	_ =	swait.ge [sflag:s20], $0x4000  }
0x12c: {  	s30 =	smov.u32 s29;
	[sflag:s20] =	ssyncset.done $0x0  }
0x12d: {  	s28 =	smov.u32 s30;
	s30 =	rddreg [dreg:$0x10];
	[sflag:s20] =	ssyncadd.s32 $0xFFFFC000  }
0x12e: {  	[tilespmem:s21], [sflag:$0x2] =	stream.indirect.gather [hbm4b:s4+s15], $0x80, s30, s15, $0xb8;
	[tilespmem:$0x1CC00] =	vst v63  }
0x12f: {  	_ = 	snop  }
0x130: {  	[spmem:s1] =	stream.indirect.scatter.add.f32 [tilespmem:s16], [sflag:$0x7], $0x80, s18, s15, $0xb8;
	[tilespmem:$0x1CC00] =	vst v63  }
0x131: {  	_ =	swait.ge [sflag:s10], $0x4000  }
0x132: {  	[sflag:s10] =	ssyncset.done $0x0  }
0x133: {  	[sflag:s10] =	ssyncadd.s32 $0xFFFFC000  }
0x134: {  	_ =	swait.ge [sflag:s22], $0x4000  }
0x135: {  	[sflag:s22] =	ssyncset.done $0x0  }
0x136: {  	s2 =	rddreg [dreg:$0x11];
	[sflag:s22] =	ssyncadd.s32 $0xFFFFC000  }
0x137: {  	[tilespmem:s16], [sflag:$0x1] =	stream.indirect.gather [hbm4b:s4+s15], $0x80, s2, s15, $0xb8;
	[tilespmem:$0x1CC00] =	vst v63  }
0x138: {  	s30 =	rddreg [dreg:$0x12]  }
0x139: {  	[spmem:s1] =	stream.indirect.scatter.add.f32 [tilespmem:s21], [sflag:$0x7], $0x80, s30, s15, $0xb8;
	[tilespmem:$0x1CC00] =	vst v63  }
0x13a: {  	_ =	swait.ge [sflag:s10], $0x4000  }
0x13b: {  	[sflag:s10] =	ssyncset.done $0x0  }
0x13c: {  	[sflag:s10] =	ssyncadd.s32 $0xFFFFC000  }
0x13d: {  	_ =	swait.ge [sflag:s20], $0x4000  }
0x13e: {  	[sflag:s20] =	ssyncset.done $0x0  }
0x13f: {  	s2 =	rddreg [dreg:$0x13];
	[sflag:s20] =	ssyncadd.s32 $0xFFFFC000  }
0x140: {  	[tilespmem:s21], [sflag:$0x2] =	stream.indirect.gather [hbm4b:s4+s15], $0x80, s2, s15, $0xb8;
	[tilespmem:$0x1CC00] =	vst v63  }
0x141: {  	s30 =	rddreg [dreg:$0x14]  }
0x142: {  	[spmem:s1] =	stream.indirect.scatter.add.f32 [tilespmem:s16], [sflag:$0x7], $0x80, s30, s15, $0xb8;
	[tilespmem:$0x1CC00] =	vst v63  }
0x143: {  	_ =	swait.ge [sflag:s10], $0x4000  }
0x144: {  	[sflag:s10] =	ssyncset.done $0x0  }
0x145: {  	[sflag:s10] =	ssyncadd.s32 $0xFFFFC000  }
0x146: {  	_ =	swait.ge [sflag:s22], $0x4000  }
0x147: {  	[sflag:s22] =	ssyncset.done $0x0  }
0x148: {  	s2 =	rddreg [dreg:$0x15];
	[sflag:s22] =	ssyncadd.s32 $0xFFFFC000  }
0x149: {  	[tilespmem:s16], [sflag:$0x1] =	stream.indirect.gather [hbm4b:s4+s15], $0x80, s2, s15, $0xb8;
	[tilespmem:$0x1CC00] =	vst v63  }
0x14a: {  	s30 =	rddreg [dreg:$0x16]  }
0x14b: {  	[spmem:s1] =	stream.indirect.scatter.add.f32 [tilespmem:s21], [sflag:$0x7], $0x80, s30, s15, $0xb8;
	[tilespmem:$0x1CC00] =	vst v63  }
0x14c: {  	_ =	swait.ge [sflag:s10], $0x4000  }
0x14d: {  	[sflag:s10] =	ssyncset.done $0x0  }
0x14e: {  	[sflag:s10] =	ssyncadd.s32 $0xFFFFC000  }
0x14f: {  	_ =	swait.ge [sflag:s20], $0x4000  }
0x150: {  	[sflag:s20] =	ssyncset.done $0x0  }
0x151: {  	s2 =	rddreg [dreg:$0x17];
	[sflag:s20] =	ssyncadd.s32 $0xFFFFC000  }
0x152: {  	[tilespmem:s21], [sflag:$0x2] =	stream.indirect.gather [hbm4b:s4+s15], $0x80, s2, s15, $0xb8;
	[tilespmem:$0x1CC00] =	vst v63  }
0x153: {  	s30 =	rddreg [dreg:$0x18]  }
0x154: {  	[spmem:s1] =	stream.indirect.scatter.add.f32 [tilespmem:s16], [sflag:$0x7], $0x80, s30, s15, $0xb8;
	[tilespmem:$0x1CC00] =	vst v63  }
0x155: {  	_ =	swait.ge [sflag:s10], $0x4000  }
0x156: {  	[sflag:s10] =	ssyncset.done $0x0  }
0x157: {  	[sflag:s10] =	ssyncadd.s32 $0xFFFFC000  }
0x158: {  	_ =	swait.ge [sflag:s22], $0x4000  }
0x159: {  	[sflag:s22] =	ssyncset.done $0x0  }
0x15a: {  	s2 =	rddreg [dreg:$0x19];
	[sflag:s22] =	ssyncadd.s32 $0xFFFFC000  }
0x15b: {  	[tilespmem:s16], [sflag:$0x1] =	stream.indirect.gather [hbm4b:s4+s15], $0x80, s2, s15, $0xb8;
	[tilespmem:$0x1CC00] =	vst v63  }
0x15c: {  	s30 =	rddreg [dreg:$0x1a]  }
0x15d: {  	[spmem:s1] =	stream.indirect.scatter.add.f32 [tilespmem:s21], [sflag:$0x7], $0x80, s30, s15, $0xb8;
	[tilespmem:$0x1CC00] =	vst v63  }
0x15e: {  	_ =	swait.ge [sflag:s10], $0x4000  }
0x15f: {  	[sflag:s10] =	ssyncset.done $0x0  }
0x160: {  	[sflag:s10] =	ssyncadd.s32 $0xFFFFC000  }
0x161: {  	_ =	swait.ge [sflag:s20], $0x4000  }
0x162: {  	[sflag:s20] =	ssyncset.done $0x0  }
0x163: {  	s2 =	rddreg [dreg:$0x1b];
	[sflag:s20] =	ssyncadd.s32 $0xFFFFC000  }
0x164: {  	[tilespmem:s21], [sflag:$0x2] =	stream.indirect.gather [hbm4b:s4+s15], $0x80, s2, s15, $0xb8;
	[tilespmem:$0x1CC00] =	vst v63  }
0x165: {  	s30 =	rddreg [dreg:$0x1c]  }
0x166: {  	[spmem:s1] =	stream.indirect.scatter.add.f32 [tilespmem:s16], [sflag:$0x7], $0x80, s30, s15, $0xb8;
	[tilespmem:$0x1CC00] =	vst v63  }
0x167: {  	_ =	swait.ge [sflag:s10], $0x4000  }
0x168: {  	[sflag:s10] =	ssyncset.done $0x0  }
0x169: {  	[sflag:s10] =	ssyncadd.s32 $0xFFFFC000  }
0x16a: {  	_ =	swait.ge [sflag:s22], $0x4000  }
0x16b: {  	[sflag:s22] =	ssyncset.done $0x0  }
0x16c: {  	s0 =	simm.s32 @!p1 $0x3;
	[sflag:s22] =	ssyncadd.s32 $0xFFFFC000  }
0x16d: {  	s29 =	sadd.s32 $0x100, s29;
	_ =	swait.ge @!p1 [sflag:s0], $0x400  }
0x16e: {  	p0 =	sne.s32 s29, $0x500;
	[sflag:s0] =	ssyncset.done @!p1 $0x0  }
0x16f: {  	s2 =	simm.s32 @!p1 $0x1000;
	[sflag:s0] =	ssyncadd.s32 @!p1 $0xFFFFFC00;
	s0 =	simm.s32 @!p1 $0x80  }
0x170: {  	[tilespmem:s2], [sflag:$0x1] =	stream.indirect.gather @!p1 [hbm4b:s4+s0], $0x80, s31, s0, $0xb8;
	[tilespmem:$0x1CC00] =	vst v63  }
.Ltmp0:
0x171: {  	_ = 	snop;
	(pc) =	sbr.rel @p0 .LBB2_2-.Ltmp0, $4  }
0x172: {  	_ = 	snop  }
0x173: {  	[spmem:s1] =	stream.indirect.scatter.add.f32 [tilespmem:s21], [sflag:$0x7], $0x80, s25, s15, $0xb8;
	[tilespmem:$0x1CC00] =	vst v63  }
0x174: {  	_ =	swait.ge [sflag:s10], $0x4000  }
0x175: {  	[sflag:s10] =	ssyncset.done $0x0  }
0x176: {  	s0 =	sadd.s32 s28, s11  }
0x177: {  	[sflag:s10] =	ssyncadd.s32 $0xFFFFC000;
	s2 =	sadd.s32 s28, s12;
	s0 =	sadd.s32 $0x80, s0  }
0x178: {  	[tilespmem:s17], [sflag:$0x4] =	stream.linear.gather [hbm4b:s0+s3], $0x400, $0x38;
	[tilespmem:$0x1CC00] =	vst v63  }
0x179: {  	s29 =	sadd.s32 $0x80, s2  }
0x17a: {  	[tilespmem:s18], [sflag:$0x6] =	stream.linear.gather [hbm4b:s29+s3], $0x400, $0x38;
	[tilespmem:$0x1CC00] =	vst v63  }
0x17b: {  	_ =	swait.ge [sflag:s19], $0x400  }
0x17c: {  	[sflag:s19] =	ssyncset.done $0x0  }
0x17d: {  	[sflag:s19] =	ssyncadd.s32 $0xFFFFFC00  }
0x17e: {  	_ =	swait.ge [sflag:s20], $0x4000  }
0x17f: {  	[sflag:s20] =	ssyncset.done $0x0  }
0x180: {  	[sflag:s20] =	ssyncadd.s32 $0xFFFFC000  }
0x181: {  	[tilespmem:s21], [sflag:$0x2] =	stream.indirect.gather [hbm4b:s4+s15], $0x80, s15, s15, $0xb8;
	[tilespmem:$0x1CC00] =	vst v63  }
0x182: {  	_ = 	snop  }
0x183: {  	[spmem:s1] =	stream.indirect.scatter.add.f32 [tilespmem:s16], [sflag:$0x7], $0x80, s13, s15, $0xb8;
	[tilespmem:$0x1CC00] =	vst v63  }
0x184: {  	_ =	swait.ge [sflag:s10], $0x4000  }
0x185: {  	[sflag:s10] =	ssyncset.done $0x0  }
0x186: {  	[sflag:s10] =	ssyncadd.s32 $0xFFFFC000  }
0x187: {  	_ =	swait.ge [sflag:s22], $0x4000  }
0x188: {  	[sflag:s22] =	ssyncset.done $0x0  }
0x189: {  	s30 =	rddreg [dreg:$0x3];
	[sflag:s22] =	ssyncadd.s32 $0xFFFFC000  }
0x18a: {  	[tilespmem:s16], [sflag:$0x1] =	stream.indirect.gather [hbm4b:s4+s15], $0x80, s30, s15, $0xb8;
	[tilespmem:$0x1CC00] =	vst v63  }
0x18b: {  	s31 =	rddreg [dreg:$0x4]  }
0x18c: {  	[spmem:s1] =	stream.indirect.scatter.add.f32 [tilespmem:s21], [sflag:$0x7], $0x80, s31, s15, $0xb8;
	[tilespmem:$0x1CC00] =	vst v63  }
0x18d: {  	_ =	swait.ge [sflag:s10], $0x4000  }
0x18e: {  	[sflag:s10] =	ssyncset.done $0x0  }
0x18f: {  	[sflag:s10] =	ssyncadd.s32 $0xFFFFC000  }
0x190: {  	_ =	swait.ge [sflag:s20], $0x4000  }
0x191: {  	[sflag:s20] =	ssyncset.done $0x0  }
0x192: {  	s2 =	rddreg [dreg:$0x5];
	[sflag:s20] =	ssyncadd.s32 $0xFFFFC000  }
0x193: {  	[tilespmem:s21], [sflag:$0x2] =	stream.indirect.gather [hbm4b:s4+s15], $0x80, s2, s15, $0xb8;
	[tilespmem:$0x1CC00] =	vst v63  }
0x194: {  	s29 =	rddreg [dreg:$0x6]  }
0x195: {  	[spmem:s1] =	stream.indirect.scatter.add.f32 [tilespmem:s16], [sflag:$0x7], $0x80, s29, s15, $0xb8;
	[tilespmem:$0x1CC00] =	vst v63  }
0x196: {  	_ =	swait.ge [sflag:s10], $0x4000  }
0x197: {  	[sflag:s10] =	ssyncset.done $0x0  }
0x198: {  	[sflag:s10] =	ssyncadd.s32 $0xFFFFC000  }
0x199: {  	_ =	swait.ge [sflag:s22], $0x4000  }
0x19a: {  	[sflag:s22] =	ssyncset.done $0x0  }
0x19b: {  	s30 =	rddreg [dreg:$0x7];
	[sflag:s22] =	ssyncadd.s32 $0xFFFFC000  }
0x19c: {  	[tilespmem:s16], [sflag:$0x1] =	stream.indirect.gather [hbm4b:s4+s15], $0x80, s30, s15, $0xb8;
	[tilespmem:$0x1CC00] =	vst v63  }
0x19d: {  	s31 =	rddreg [dreg:$0x8]  }
0x19e: {  	[spmem:s1] =	stream.indirect.scatter.add.f32 [tilespmem:s21], [sflag:$0x7], $0x80, s31, s15, $0xb8;
	[tilespmem:$0x1CC00] =	vst v63  }
0x19f: {  	_ =	swait.ge [sflag:s10], $0x4000  }
0x1a0: {  	[sflag:s10] =	ssyncset.done $0x0  }
0x1a1: {  	[sflag:s10] =	ssyncadd.s32 $0xFFFFC000  }
0x1a2: {  	_ =	swait.ge [sflag:s20], $0x4000  }
0x1a3: {  	[sflag:s20] =	ssyncset.done $0x0  }
0x1a4: {  	s2 =	rddreg [dreg:$0x9];
	[sflag:s20] =	ssyncadd.s32 $0xFFFFC000  }
0x1a5: {  	[tilespmem:s21], [sflag:$0x2] =	stream.indirect.gather [hbm4b:s4+s15], $0x80, s2, s15, $0xb8;
	[tilespmem:$0x1CC00] =	vst v63  }
0x1a6: {  	s29 =	rddreg [dreg:$0xa]  }
0x1a7: {  	[spmem:s1] =	stream.indirect.scatter.add.f32 [tilespmem:s16], [sflag:$0x7], $0x80, s29, s15, $0xb8;
	[tilespmem:$0x1CC00] =	vst v63  }
0x1a8: {  	_ =	swait.ge [sflag:s10], $0x4000  }
0x1a9: {  	[sflag:s10] =	ssyncset.done $0x0  }
0x1aa: {  	[sflag:s10] =	ssyncadd.s32 $0xFFFFC000  }
0x1ab: {  	_ =	swait.ge [sflag:s22], $0x4000  }
0x1ac: {  	[sflag:s22] =	ssyncset.done $0x0  }
0x1ad: {  	s30 =	rddreg [dreg:$0xb];
	[sflag:s22] =	ssyncadd.s32 $0xFFFFC000  }
0x1ae: {  	[tilespmem:s16], [sflag:$0x1] =	stream.indirect.gather [hbm4b:s4+s15], $0x80, s30, s15, $0xb8;
	[tilespmem:$0x1CC00] =	vst v63  }
0x1af: {  	s31 =	rddreg [dreg:$0xc]  }
0x1b0: {  	[spmem:s1] =	stream.indirect.scatter.add.f32 [tilespmem:s21], [sflag:$0x7], $0x80, s31, s15, $0xb8;
	[tilespmem:$0x1CC00] =	vst v63  }
0x1b1: {  	_ =	swait.ge [sflag:s10], $0x4000  }
0x1b2: {  	[sflag:s10] =	ssyncset.done $0x0  }
0x1b3: {  	[sflag:s10] =	ssyncadd.s32 $0xFFFFC000  }
0x1b4: {  	_ =	swait.ge [sflag:s20], $0x4000  }
0x1b5: {  	[sflag:s20] =	ssyncset.done $0x0  }
0x1b6: {  	s2 =	rddreg [dreg:$0xd];
	[sflag:s20] =	ssyncadd.s32 $0xFFFFC000  }
0x1b7: {  	[tilespmem:s21], [sflag:$0x2] =	stream.indirect.gather [hbm4b:s4+s15], $0x80, s2, s15, $0xb8;
	[tilespmem:$0x1CC00] =	vst v63  }
0x1b8: {  	s29 =	rddreg [dreg:$0xe]  }
0x1b9: {  	[spmem:s1] =	stream.indirect.scatter.add.f32 [tilespmem:s16], [sflag:$0x7], $0x80, s29, s15, $0xb8;
	[tilespmem:$0x1CC00] =	vst v63  }
0x1ba: {  	_ =	swait.ge [sflag:s10], $0x4000  }
0x1bb: {  	[sflag:s10] =	ssyncset.done $0x0  }
0x1bc: {  	[sflag:s10] =	ssyncadd.s32 $0xFFFFC000  }
0x1bd: {  	_ =	swait.ge [sflag:s22], $0x4000  }
0x1be: {  	[sflag:s22] =	ssyncset.done $0x0  }
0x1bf: {  	[sflag:s22] =	ssyncadd.s32 $0xFFFFC000  }
0x1c0: {  	_ =	swait.ge [sflag:s23], $0x400  }
0x1c1: {  	[sflag:s23] =	ssyncset.done $0x0  }
0x1c2: {  	[sflag:s23] =	ssyncadd.s32 $0xFFFFFC00  }
0x1c3: {  	[tilespmem:s16], [sflag:$0x1] =	stream.indirect.gather [hbm4b:s4+s15], $0x80, s17, s15, $0xb8;
	[tilespmem:$0x1CC00] =	vst v63  }
0x1c4: {  	p0 =	seq.s32 s28, $0x400;
	s30 =	rddreg [dreg:$0xf]  }
0x1c5: {  	[spmem:s1] =	stream.indirect.scatter.add.f32 [tilespmem:s21], [sflag:$0x7], $0x80, s30, s15, $0xb8;
	[tilespmem:$0x1CC00] =	vst v63  }
0x1c6: {  	s0 =	sadd.s32 @!p0 s28, s11;
	_ =	swait.ge [sflag:s10], $0x4000  }
0x1c7: {  	s0 =	sadd.s32 @!p0 $0x100, s0;
	[sflag:s10] =	ssyncset.done $0x0  }
0x1c8: {  	s2 =	sadd.s32 @!p0 s28, s12;
	s28 =	simm.s32 @!p0 $0x0;
	[sflag:s10] =	ssyncadd.s32 $0xFFFFC000  }
0x1c9: {  	[tilespmem:s28], [sflag:$0x3] =	stream.linear.gather @!p0 [hbm4b:s0+s28], $0x400, $0x38;
	[tilespmem:$0x1CC00] =	vst v63  }
0x1ca: {  	s0 =	sadd.s32 @!p0 $0x100, s2;
	s2 =	simm.s32 @!p0 $0x800  }
0x1cb: {  	[tilespmem:s2], [sflag:$0x5] =	stream.linear.gather @!p0 [hbm4b:s0+s28], $0x400, $0x38;
	[tilespmem:$0x1CC00] =	vst v63  }
0x1cc: {  	_ =	swait.ge [sflag:s24], $0x400  }
0x1cd: {  	[sflag:s24] =	ssyncset.done $0x0  }
0x1ce: {  	[sflag:s24] =	ssyncadd.s32 $0xFFFFFC00  }
0x1cf: {  	_ =	swait.ge [sflag:s20], $0x4000  }
0x1d0: {  	[sflag:s20] =	ssyncset.done $0x0  }
0x1d1: {  	s31 =	rddreg [dreg:$0x10];
	[sflag:s20] =	ssyncadd.s32 $0xFFFFC000  }
0x1d2: {  	[tilespmem:s21], [sflag:$0x2] =	stream.indirect.gather [hbm4b:s4+s15], $0x80, s31, s15, $0xb8;
	[tilespmem:$0x1CC00] =	vst v63  }
0x1d3: {  	_ = 	snop  }
0x1d4: {  	[spmem:s1] =	stream.indirect.scatter.add.f32 [tilespmem:s16], [sflag:$0x7], $0x80, s18, s15, $0xb8;
	[tilespmem:$0x1CC00] =	vst v63  }
0x1d5: {  	_ =	swait.ge [sflag:s10], $0x4000  }
0x1d6: {  	[sflag:s10] =	ssyncset.done $0x0  }
0x1d7: {  	[sflag:s10] =	ssyncadd.s32 $0xFFFFC000  }
0x1d8: {  	_ =	swait.ge [sflag:s22], $0x4000  }
0x1d9: {  	[sflag:s22] =	ssyncset.done $0x0  }
0x1da: {  	s2 =	rddreg [dreg:$0x11];
	[sflag:s22] =	ssyncadd.s32 $0xFFFFC000  }
0x1db: {  	[tilespmem:s16], [sflag:$0x1] =	stream.indirect.gather [hbm4b:s4+s15], $0x80, s2, s15, $0xb8;
	[tilespmem:$0x1CC00] =	vst v63  }
0x1dc: {  	s29 =	rddreg [dreg:$0x12]  }
0x1dd: {  	[spmem:s1] =	stream.indirect.scatter.add.f32 [tilespmem:s21], [sflag:$0x7], $0x80, s29, s15, $0xb8;
	[tilespmem:$0x1CC00] =	vst v63  }
0x1de: {  	_ =	swait.ge [sflag:s10], $0x4000  }
0x1df: {  	[sflag:s10] =	ssyncset.done $0x0  }
0x1e0: {  	[sflag:s10] =	ssyncadd.s32 $0xFFFFC000  }
0x1e1: {  	_ =	swait.ge [sflag:s20], $0x4000  }
0x1e2: {  	[sflag:s20] =	ssyncset.done $0x0  }
0x1e3: {  	s30 =	rddreg [dreg:$0x13];
	[sflag:s20] =	ssyncadd.s32 $0xFFFFC000  }
0x1e4: {  	[tilespmem:s21], [sflag:$0x2] =	stream.indirect.gather [hbm4b:s4+s15], $0x80, s30, s15, $0xb8;
	[tilespmem:$0x1CC00] =	vst v63  }
0x1e5: {  	s31 =	rddreg [dreg:$0x14]  }
0x1e6: {  	[spmem:s1] =	stream.indirect.scatter.add.f32 [tilespmem:s16], [sflag:$0x7], $0x80, s31, s15, $0xb8;
	[tilespmem:$0x1CC00] =	vst v63  }
0x1e7: {  	_ =	swait.ge [sflag:s10], $0x4000  }
0x1e8: {  	[sflag:s10] =	ssyncset.done $0x0  }
0x1e9: {  	[sflag:s10] =	ssyncadd.s32 $0xFFFFC000  }
0x1ea: {  	_ =	swait.ge [sflag:s22], $0x4000  }
0x1eb: {  	[sflag:s22] =	ssyncset.done $0x0  }
0x1ec: {  	s2 =	rddreg [dreg:$0x15];
	[sflag:s22] =	ssyncadd.s32 $0xFFFFC000  }
0x1ed: {  	[tilespmem:s16], [sflag:$0x1] =	stream.indirect.gather [hbm4b:s4+s15], $0x80, s2, s15, $0xb8;
	[tilespmem:$0x1CC00] =	vst v63  }
0x1ee: {  	s29 =	rddreg [dreg:$0x16]  }
0x1ef: {  	[spmem:s1] =	stream.indirect.scatter.add.f32 [tilespmem:s21], [sflag:$0x7], $0x80, s29, s15, $0xb8;
	[tilespmem:$0x1CC00] =	vst v63  }
0x1f0: {  	_ =	swait.ge [sflag:s10], $0x4000  }
0x1f1: {  	[sflag:s10] =	ssyncset.done $0x0  }
0x1f2: {  	[sflag:s10] =	ssyncadd.s32 $0xFFFFC000  }
0x1f3: {  	_ =	swait.ge [sflag:s20], $0x4000  }
0x1f4: {  	[sflag:s20] =	ssyncset.done $0x0  }
0x1f5: {  	s30 =	rddreg [dreg:$0x17];
	[sflag:s20] =	ssyncadd.s32 $0xFFFFC000  }
0x1f6: {  	[tilespmem:s21], [sflag:$0x2] =	stream.indirect.gather [hbm4b:s4+s15], $0x80, s30, s15, $0xb8;
	[tilespmem:$0x1CC00] =	vst v63  }
0x1f7: {  	s31 =	rddreg [dreg:$0x18]  }
0x1f8: {  	[spmem:s1] =	stream.indirect.scatter.add.f32 [tilespmem:s16], [sflag:$0x7], $0x80, s31, s15, $0xb8;
	[tilespmem:$0x1CC00] =	vst v63  }
0x1f9: {  	_ =	swait.ge [sflag:s10], $0x4000  }
0x1fa: {  	[sflag:s10] =	ssyncset.done $0x0  }
0x1fb: {  	[sflag:s10] =	ssyncadd.s32 $0xFFFFC000  }
0x1fc: {  	_ =	swait.ge [sflag:s22], $0x4000  }
0x1fd: {  	[sflag:s22] =	ssyncset.done $0x0  }
0x1fe: {  	s2 =	rddreg [dreg:$0x19];
	[sflag:s22] =	ssyncadd.s32 $0xFFFFC000  }
0x1ff: {  	[tilespmem:s16], [sflag:$0x1] =	stream.indirect.gather [hbm4b:s4+s15], $0x80, s2, s15, $0xb8;
	[tilespmem:$0x1CC00] =	vst v63  }
0x200: {  	s29 =	rddreg [dreg:$0x1a]  }
0x201: {  	[spmem:s1] =	stream.indirect.scatter.add.f32 [tilespmem:s21], [sflag:$0x7], $0x80, s29, s15, $0xb8;
	[tilespmem:$0x1CC00] =	vst v63  }
0x202: {  	_ =	swait.ge [sflag:s10], $0x4000  }
0x203: {  	[sflag:s10] =	ssyncset.done $0x0  }
0x204: {  	[sflag:s10] =	ssyncadd.s32 $0xFFFFC000  }
0x205: {  	_ =	swait.ge [sflag:s20], $0x4000  }
0x206: {  	[sflag:s20] =	ssyncset.done $0x0  }
0x207: {  	s30 =	rddreg [dreg:$0x1b];
	[sflag:s20] =	ssyncadd.s32 $0xFFFFC000  }
0x208: {  	[tilespmem:s21], [sflag:$0x2] =	stream.indirect.gather [hbm4b:s4+s15], $0x80, s30, s15, $0xb8;
	[tilespmem:$0x1CC00] =	vst v63  }
0x209: {  	s31 =	rddreg [dreg:$0x1c]  }
0x20a: {  	[spmem:s1] =	stream.indirect.scatter.add.f32 [tilespmem:s16], [sflag:$0x7], $0x80, s31, s15, $0xb8;
	[tilespmem:$0x1CC00] =	vst v63  }
0x20b: {  	_ =	swait.ge [sflag:s10], $0x4000  }
0x20c: {  	[sflag:s10] =	ssyncset.done $0x0  }
0x20d: {  	[sflag:s10] =	ssyncadd.s32 $0xFFFFC000  }
0x20e: {  	_ =	swait.ge [sflag:s22], $0x4000  }
0x20f: {  	[sflag:s22] =	ssyncset.done $0x0  }
0x210: {  	s0 =	simm.s32 @!p0 $0x3;
	[sflag:s22] =	ssyncadd.s32 $0xFFFFC000  }
0x211: {  	_ =	swait.ge @!p0 [sflag:s0], $0x400  }
0x212: {  	[sflag:s0] =	ssyncset.done @!p0 $0x0  }
0x213: {  	s2 =	simm.s32 @!p0 $0x1000;
	[sflag:s0] =	ssyncadd.s32 @!p0 $0xFFFFFC00;
	s0 =	simm.s32 @!p0 $0x80  }
0x214: {  	[tilespmem:s2], [sflag:$0x1] =	stream.indirect.gather @!p0 [hbm4b:s4+s0], $0x80, s28, s0, $0xb8;
	[tilespmem:$0x1CC00] =	vst v63  }
0x215: {  	_ = 	snop  }
0x216: {  	[spmem:s1] =	stream.indirect.scatter.add.f32 [tilespmem:s21], [sflag:$0x7], $0x80, s25, s15, $0xb8;
	[tilespmem:$0x1CC00] =	vst v63  }
0x217: {  	_ =	swait.ge [sflag:s10], $0x4000  }
0x218: {  	s26 =	sadd.s32 $0x1, s26;
	[sflag:s10] =	ssyncset.done $0x0  }
0x219: {  	p0 =	sne.s32 s26, s8;
	[sflag:s10] =	ssyncadd.s32 $0xFFFFC000  }
.Ltmp1:
0x21a: {  	[bflag:$0x0] =	sbarrier.arrive $0xFFFF;
	(pc) =	sbr.rel @p0 .LBB2_1-.Ltmp1, $4  }
0x21b: {  	[hbm:s7], [sflag:s6] =	dma.local [spmem:s9], $0x2780  }
0x21c: {  	_ =	swait.ge [sflag:s10], $0x2780  }
0x21d: {  	[sflag:s10] =	ssyncset.done $0x0  }
0x21e: {  	[sflag:s10] =	ssyncadd.s32 $0xFFFFD880  }
0x21f: {  	_ =	sfence.sel $0x180000  }
0x220: {  	[bflag:$0x0] =	sbarrier.arrive $0xFFFF  }
0x221: {  	_ =	strace $0x9000004A  }
0x222: {  	s0 =	stileid.u32;
	[bflag:$0x2] =	sbarrier.arrive $0xFFFF  }
0x223: {  	p0 =	sne.s32 s0, $0x0;
	s0 =	rddreg [dreg:$0x2]  }
0x224: {  	s0 =	sadd.s32 @!p0 $0x100000, s0  }
0x225: {  	[sflag:s0] =	ssyncadd.tile.s32 @!p0 $0x1;
	_ =	shalt  }
.Lfunc_end2:
_tile_overlayer_lowered:
.L_overlay_start_2:
0x226: {  	(tag) =	ssettag $0x2  }
0x227: {  	s0 =	rddreg [dreg:$0x0];
	s2 =	stileid.u32  }
0x228: {  	s1 =	rddreg [dreg:$0x1];
	p0 =	sne.s32 s2, $0x0  }
0x229: {  	s3 =	rddreg [dreg:$0x2];
	[bflag:$0x3] =	sbarrier.arrive $0xFFFF;
	s2 =	simm.s32 @!p0 $0x1C07  }
0x22a: {  	[timem:s3], [sflag:s2] =	dma.local @!p0 [hbm:s0], s1  }
0x22b: {  	s0 =	simm.s32 @!p0 $0x7  }
0x22c: {  	_ =	swait.ge @!p0 [sflag:s0], s1  }
0x22d: {  	s1 =	ssub.s32 @!p0 $0x0, s1;
	[sflag:s0] =	ssyncset.done @!p0 $0x0  }
0x22e: {  	[sflag:s0] =	ssyncadd.s32 @!p0 s1  }
0x22f: {  	[bflag:$0x3] =	sbarrier.arrive $0xFFFF  }
0x230: {  	_ =	shalt  }

// kernel: kernel.7.cloned.1.call-start
scs
__scs_entry_jumppad:
0x0: {  	(pc) =	sbr.rel $0x88, $3  }
0x1: {  	(tag) =	ssettag $0x0;
	lr =	simm.s32 $0x1  }
0x2: {  	[smem:$0x3F96] =	sst lr;
	_ =	strace $0xD0000000  }
0x3: {  	_ = 	snop  }
0x4: {  	_ = 	snop  }
0x5: {  	_ = 	snop  }
0x6: {  	_ = 	snop  }
0x7: {  	_ = 	snop  }
__scs_overlays_trampoline_lowered:
0x8: {  	[smem:$0x3FA5] =	sst s0  }
0x9: {  	[smem:$0x3FA6] =	sst s1  }
0xa: {  	[smem:$0x3FA7] =	sst s2  }
0xb: {  	[smem:$0x3FA8] =	sst s3  }
0xc: {  	[smem:$0x3FA9] =	sst s4  }
0xd: {  	[smem:$0x3FAA] =	sst s5  }
0xe: {  	[smem:$0x3FAB] =	sst s6  }
0xf: {  	[smem:$0x3FAC] =	sst s7  }
0x10: {  	[smem:$0x3FAD] =	sst s8  }
0x11: {  	[smem:$0x3FAE] =	sst s9;
	s0 =	simm.s32 @!p0 $0x0  }
0x12: {  	s1 =	sld [smem:$0x3F94];
	s0 =	simm.s32 @p0 $0x1  }
0x13: {  	[smem:$0x3FAF] =	sst s0;
	s0 =	simm.s32 @!p1 $0x0  }
0x14: {  	s2 =	sld [smem:$0x3F93];
	s0 =	simm.s32 @p1 $0x1  }
0x15: {  	[smem:$0x3FB0] =	sst s0;
	s0 =	simm.s32 @!p2 $0x0  }
0x16: {  	s3 =	sld [smem:$0x3FDB];
	s0 =	simm.s32 @p2 $0x1  }
0x17: {  	s4 =	simm.s32 $0x1BF5;
	[smem:$0x3FB2] =	sst s0  }
0x18: {  	s0 =	sld [smem:$0x3F95];
	_ =	swait.ge [sflag:s4], $0x0  }
0x19: {  	s7 =	sld [smem:$0x3F96]  }
0x1a: {  	s8 =	sadd.s32 $0xFFFFE003, lr  }
0x1b: {  	s9 =	sadd.s32 $0xFFFFFEF7, lr;
	s5 =	simm.s32 $0xFFFFFFFF;
	p2 =	slt.u32 s8, $0xFFFFF086  }
0x1c: {  	p1 =	slt.u32 s9, $0xF7A;
	s5 =	simm.s32 @!p2 $0x0  }
0x1d: {  	s5 =	simm.s32 @p1 $0x1;
	p0 =	seq.s32 s7, s2  }
0x1e: {  	s7 =	smul.u32 @!p0 $0xF7A, s2;
	p2 =	seq.s32 @!p0 s5, $0x0  }
0x1f: {  	s9 =	smul.u32 $0xF7A, s1;
	s8 =	simm.s32 @!p0 $0x1BF5;
	p2 =	por !p2, p0  }
0x20: {  	[sflag:s8] =	ssyncset.s32 @!p0 $0xFFFFF086;
	s6 =	sadd.s32 @!p0 s3, s7;
	s7 =	simm.s32 @!p0 $0x108  }
0x21: {  	s3 =	sadd.s32 s3, s9;
	s6 =	sadd.s32 @!p0 $0x88, s6;
	s7 =	simm.s32 @p2 $0x1082  }
0x22: {  	[simem:s7], [sflag:s8] =	dma.local @!p0 [hbm:s6], $0xF7A  }
0x23: {  	s9 =	sor.u32 $0xD0000000, s2;
	s6 =	simm.s32 $0x108;
	_ =	swait.ge @!p0 [sflag:s8], $0x0  }
0x24: {  	s3 =	sadd.s32 $0x88, s3;
	s6 =	simm.s32 @!p1 $0x1082;
	[sflag:s4] =	ssyncset.s32 $0xFFFFF086  }
0x25: {  	[simem:s6], [sflag:s4] =	dma.local [hbm:s3], $0xF7A  }
0x26: {  	[smem:$0x3F96] =	sst s1;
	(tag) =	ssettag s2;
	_ =	strace s9  }
0x27: {  	s1 =	sld [smem:$0x3FA6]  }
0x28: {  	s2 =	sld [smem:$0x3FA7]  }
0x29: {  	s4 =	sld [smem:$0x3FA9]  }
0x2a: {  	p0 =	seq.s32 s5, $0x0;
	s5 =	sld [smem:$0x3FAA]  }
0x2b: {  	s6 =	sld [smem:$0x3FAB]  }
0x2c: {  	s7 =	sld [smem:$0x3FAC]  }
0x2d: {  	s3 =	simm.s32 $0x108;
	s8 =	sld [smem:$0x3FAD]  }
0x2e: {  	s3 =	simm.s32 @!p0 $0x1082;
	s9 =	sld [smem:$0x3FAE]  }
0x2f: {  	lr =	sadd.s32 s0, s3;
	s0 =	sld [smem:$0x3FA5]  }
0x30: {  	s3 =	sld [smem:$0x3FA8]  }
0x31: {  	[smem:$0x3FB1] =	sst s10  }
0x32: {  	s10 =	sld [smem:$0x3FAF];
	_ =	sdelay $0x3  }
0x33: {  	p0 =	seq.s32 s10, $0x1;
	s10 =	sld [smem:$0x3FB1];
	_ =	sdelay $0x3  }
0x34: {  	[smem:$0x3FB1] =	sst s10  }
0x35: {  	s10 =	sld [smem:$0x3FB0];
	_ =	sdelay $0x3  }
0x36: {  	p1 =	seq.s32 s10, $0x1;
	s10 =	sld [smem:$0x3FB1];
	_ =	sdelay $0x3  }
0x37: {  	[smem:$0x3FB1] =	sst s10  }
0x38: {  	s10 =	sld [smem:$0x3FB2]  }
0x39: {  	_ = 	snop;
	(pc) =	sbr.ind lr, $3  }
0x3a: {  	_ = 	snop  }
0x3b: {  	_ = 	snop  }
0x3c: {  	p2 =	seq.s32 s10, $0x1;
	s10 =	sld [smem:$0x3FB1]  }
0x3d: {  	_ =	shalt  }
0x3e: {  	_ =	shalt  }
0x3f: {  	_ =	shalt  }
0x40: {  	_ =	shalt  }
0x41: {  	_ =	shalt  }
0x42: {  	_ =	shalt  }
0x43: {  	_ =	shalt  }
0x44: {  	_ =	shalt  }
0x45: {  	_ =	shalt  }
0x46: {  	_ =	shalt  }
0x47: {  	_ =	shalt  }
0x48: {  	_ =	shalt  }
0x49: {  	_ =	shalt  }
0x4a: {  	_ =	shalt  }
0x4b: {  	_ =	shalt  }
0x4c: {  	_ =	shalt  }
0x4d: {  	_ =	shalt  }
0x4e: {  	_ =	shalt  }
0x4f: {  	_ =	shalt  }
0x50: {  	_ =	shalt  }
0x51: {  	_ =	shalt  }
0x52: {  	_ =	shalt  }
0x53: {  	_ =	shalt  }
0x54: {  	_ =	shalt  }
0x55: {  	_ =	shalt  }
0x56: {  	_ =	shalt  }
0x57: {  	_ =	shalt  }
0x58: {  	_ =	shalt  }
0x59: {  	_ =	shalt  }
0x5a: {  	_ =	shalt  }
0x5b: {  	_ =	shalt  }
0x5c: {  	_ =	shalt  }
0x5d: {  	_ =	shalt  }
0x5e: {  	_ =	shalt  }
0x5f: {  	_ =	shalt  }
0x60: {  	_ =	shalt  }
0x61: {  	_ =	shalt  }
0x62: {  	_ =	shalt  }
0x63: {  	_ =	shalt  }
0x64: {  	_ =	shalt  }
0x65: {  	_ =	shalt  }
0x66: {  	_ =	shalt  }
0x67: {  	_ =	shalt  }
0x68: {  	_ =	shalt  }
0x69: {  	_ =	shalt  }
0x6a: {  	_ =	shalt  }
0x6b: {  	_ =	shalt  }
0x6c: {  	_ =	shalt  }
0x6d: {  	_ =	shalt  }
0x6e: {  	_ =	shalt  }
0x6f: {  	_ =	shalt  }
0x70: {  	_ =	shalt  }
0x71: {  	_ =	shalt  }
0x72: {  	_ =	shalt  }
0x73: {  	_ =	shalt  }
0x74: {  	_ =	shalt  }
0x75: {  	_ =	shalt  }
0x76: {  	_ =	shalt  }
0x77: {  	_ =	shalt  }
0x78: {  	_ =	shalt  }
0x79: {  	_ =	shalt  }
0x7a: {  	_ =	shalt  }
0x7b: {  	_ =	shalt  }
0x7c: {  	_ =	shalt  }
0x7d: {  	_ =	shalt  }
0x7e: {  	_ =	shalt  }
0x7f: {  	_ =	shalt  }
0x80: {  	_ =	shalt  }
0x81: {  	_ =	shalt  }
0x82: {  	_ =	shalt  }
0x83: {  	_ =	shalt  }
0x84: {  	_ =	shalt  }
0x85: {  	_ =	shalt  }
0x86: {  	_ =	shalt  }
0x87: {  	_ =	shalt  }
.Lfunc_end0:
.L_simem_size_0:
called_computation_lowered:
.L_overlay_start_0:
0x88: {  	s2 =	sld [smem:$0x3FD9]  }
0x89: {  	s3 =	sld [smem:$0x3FFE];
	_ =	sdelay $0x1  }
0x8a: {  	s1 =	srdreg.scid  }
0x8b: {  	s0 =	sand.u32 $0x1, s1  }
0x8c: {  	s16 =	sshll.u32 s0, $0xA;
	s2 =	sadd.s32 s3, s2  }
0x8d: {  	s2 =	sadd.s32 s2, s16  }
0x8e: {  	[smem:$0x3FBD] =	sst s2  }
0x8f: {  	_ = 	snop  }
0x90: {  	(tm) =	ssettm $0x1  }
0x91: {  	s17 =	sld [smem:$0x3FFB];
	_ =	sdelay $0x3  }
0x92: {  	_ =	strace s17  }
0x93: {  	s2 =	sld [smem:$0x3FFC];
	_ =	sdelay $0x3  }
0x94: {  	_ =	strace s2  }
0x95: {  	s2 =	sld [smem:$0x3FFD];
	_ =	sdelay $0x3  }
0x96: {  	_ =	strace s2  }
0x97: {  	_ =	strace $0x8FFFFFFF  }
0x98: {  	s18 =	sld [smem:$0x3FDB];
	_ =	sdelay $0x1  }
0x99: {  	s19 =	simm.s32 $_scs_section_size  }
0x9a: {  	s4 =	simm.s32 $_size__tile_overlayer_lowered;
	s5 =	simm.s32 $_tile_overlayer_lowered  }
0x9b: {  	s22 =	simm.s32 $0x1BFF;
	s21 =	sshll.u32 s5, $0x1;
	s2 =	sadd.s32 s19, s18  }
0x9c: {  	s6 =	simm.s32 $0x0;
	s20 =	sshll.u32 s4, $0x1;
	s4 =	sadd.s32 s21, s2  }
0x9d: {  	[timem:s6], [sflag:s22] =	dma.local [hbm:s4], s20  }
0x9e: {  	_ =	swait.ge [sflag:s22], s20  }
0x9f: {  	s3 =	ssub.s32 $0x0, s20;
	[sflag:s22] =	ssyncset.done $0x0  }
0xa0: {  	[sflag:s22] =	ssyncadd.s32 s3;
	_ =	sdelay $0x1  }
0xa1: {  	s23 =	simm.s32 $0x1B8B  }
0xa2: {  	_ =	swait.ge [sflag:s23], $0x1  }
0xa3: {  	[sflag:s23] =	ssyncset.done $0x0  }
0xa4: {  	s25 =	simm.s32 $0x1B8E;
	s24 =	sld [smem:$0x3FFE];
	[sflag:s23] =	ssyncadd.s32 $0xFFFFFFFF  }
0xa5: {  	s26 =	simm.s32 $execute0_lowered;
	[smem:$0x3FD2] =	sst s25  }
0xa6: {  	s4 =	sshll.u32 s26, $0x1;
	_ =	strace $0x80000046;
	[dreg:$0x1] =	wrdreg $0xFFFFFFFF  }
0xa7: {  	s28 =	simm.s32 $_size_execute0_lowered;
	s2 =	sadd.s32 s2, s4;
	[dreg:$0x0] =	wrdreg $0x0  }
0xa8: {  	s4 =	sshll.u32 s28, $0x1;
	[dreg:$0x2] =	wrdreg s2  }
0xa9: {  	[dreg:$0x3] =	wrdreg s4  }
0xaa: {  	[dreg:$0x4] =	wrdreg $0xC0  }
0xab: {  	_ =	task [dreg:s6], $0x5FFFF  }
0xac: {  	[dreg:$0x1] =	wrdreg $0xFFFFFFFF  }
0xad: {  	[dreg:$0x0] =	wrdreg $0x60  }
0xae: {  	[dreg:$0x2] =	wrdreg s24  }
0xaf: {  	[dreg:$0x3] =	wrdreg $0x90000  }
0xb0: {  	[dreg:$0x4] =	wrdreg $0x9  }
0xb1: {  	_ =	task.clear_ibuf [dreg:s6], $0x5FFFF;
	_ =	strace $0x90000046  }
0xb2: {  	s29 =	simm.s32 $0x9;
	_ =	strace $0x80000048  }
0xb3: {  	_ =	swait.ge [sflag:s29], $0x1  }
0xb4: {  	[sflag:s29] =	ssyncadd.s32 $0xFFFFFFFF  }
0xb5: {  	_ =	strace $0x90000048  }
0xb6: {  	_ =	sfence  }
0xb7: {  	s30 =	sld [smem:$0x0];
	_ =	sdelay $0x2  }
0xb8: {  	s31 =	sshll.u32 s1, $0xD;
	s1 =	sshrl.u32 s1, $0x2  }
0xb9: {  	s3 =	sand.u32 $0x4000, s31;
	s1 =	sadd.s32 s1, s30  }
0xba: {  	s0 =	sor.u32 s3, s0;
	s1 =	sshll.u32 s1, $0x11  }
0xbb: {  	s0 =	sor.u32 s1, s0  }
0xbc: {  	s0 =	sadd.s32 $0x8F2B, s0  }
0xbd: {  	[sflag:s0] =	ssyncadd.remote.s32 $0x1  }
0xbe: {  	_ =	sfence.sel $0xFFFF  }
0xbf: {  	[dreg:$0x0] =	wrdreg $0xFFFFFFFF;
	(pc) =	sbr.abs _section_cstart, $3  }
0xc0: {  	[dreg:$0x1] =	wrdreg $0xFFFFFFFF  }
0xc1: {  	_ =	task.clear_ibuf [dreg:s6], $0x2FFFF;
	_ =	strace $0x9FFFFFFF  }
0xc2: {  	(tm) =	ssettm $0x7FFFFFFF  }
0xc3: {  	_ =	shalt  }
tec
execute0_lowered:
.L_overlay_start_1:
0x0: {  	(tag) =	ssettag $0x1  }
0x1: {  	s6 =	rddreg [dreg:$0x0]  }
0x2: {  	s1 =	rddreg [dreg:$0x1];
	s3 =	simm.s32 $0x0  }
0x3: {  	s14 =	simm.s32 $0x100;
	[smem:$0x7FF] =	sst s3  }
0x4: {  	s16 =	simm.s32 $0x880;
	_ =	strace $0x80000047;
	[dreg:$0x3] =	wrdreg s14  }
0x5: {  	s17 =	simm.s32 $0x180;
	[dreg:$0x4] =	wrdreg s16  }
0x6: {  	s0 =	srdreg.scid;
	s12 =	simm.s32 $0x900;
	[dreg:$0x5] =	wrdreg s17  }
0x7: {  	s2 =	stileid.u32;
	s19 =	simm.s32 $0x200;
	[dreg:$0x6] =	wrdreg s12  }
0x8: {  	s21 =	simm.s32 $0x980;
	s22 =	simm.s32 $0x280;
	[dreg:$0x7] =	wrdreg s19  }
0x9: {  	s23 =	simm.s32 $0xA00;
	s24 =	simm.s32 $0x300;
	[dreg:$0x8] =	wrdreg s21  }
0xa: {  	s25 =	simm.s32 $0xA80;
	s26 =	simm.s32 $0x380;
	[dreg:$0x9] =	wrdreg s22  }
0xb: {  	s28 =	simm.s32 $0xB80;
	s29 =	simm.s32 $0x480;
	[dreg:$0xa] =	wrdreg s23  }
0xc: {  	s30 =	simm.s32 $0x500;
	s31 =	simm.s32 $0xF00;
	[dreg:$0xb] =	wrdreg s24  }
0xd: {  	s7 =	sand.u32 $0x1, s0;
	s9 =	smul.u32 $0x13C00, s2;
	[dreg:$0xc] =	wrdreg s25  }
0xe: {  	s4 =	sadd.s32 $0x2600, s6;
	s11 =	smul.u32 $0x4F000, s2;
	[dreg:$0xd] =	wrdreg s26  }
0xf: {  	s18 =	sshll.u32 s2, $0x6;
	s5 =	smul.u32 $0x5000, s7;
	[dreg:$0xf] =	wrdreg s28  }
0x10: {  	s8 =	smul.u32 $0x13C000, s7;
	s7 =	ssub.s32 $0x2, s7;
	[dreg:$0x10] =	wrdreg s29  }
0x11: {  	[dreg:$0x11] =	wrdreg s30;
	s16 =	simm.s32 $0xC80;
	s17 =	simm.s32 $0x580  }
0x12: {  	s19 =	simm.s32 $0x600;
	s21 =	simm.s32 $0x680;
	[dreg:$0x1c] =	wrdreg s31  }
0x13: {  	s22 =	simm.s32 $0xE00;
	s23 =	simm.s32 $0x700;
	[dreg:$0x12] =	wrdreg s16  }
0x14: {  	s24 =	simm.s32 $0xE80;
	s25 =	simm.s32 $0x780;
	[dreg:$0x13] =	wrdreg s17  }
0x15: {  	s26 =	simm.s32 $0x0;
	s13 =	sshrl.u32 s7, $0x1;
	[dreg:$0x15] =	wrdreg s19  }
0x16: {  	s15 =	sshrl.u32 s11, $0x2;
	s16 =	simm.s32 $0x1000;
	[dreg:$0x17] =	wrdreg s21  }
0x17: {  	s17 =	simm.s32 $0x400;
	s19 =	simm.s32 $0x5;
	[dreg:$0x18] =	wrdreg s22  }
0x18: {  	s21 =	simm.s32 $0x5000;
	s22 =	simm.s32 $0x2;
	[dreg:$0x19] =	wrdreg s23  }
0x19: {  	s23 =	simm.s32 $0x4;
	[dreg:$0x1a] =	wrdreg s24;
	s24 =	simm.s32 $0x6  }
0x1a: {  	[dreg:$0x1b] =	wrdreg s25;
	s25 =	simm.s32 $0xF80;
	s10 =	sadd.s32 s5, s6  }
0x1b: {  	s5 =	sadd.s32 $0x3D800, s6;
	s8 =	sadd.s32 s9, s8;
	s9 =	ssub.s32 s7, s13  }
0x1c: {  	s11 =	sadd.s32 s15, s1;
	s13 =	smul.u32 $0x500, s2;
	s15 =	simm.s32 $0xB00  }
0x1d: {  	s8 =	sshrl.u32 s8, $0x3;
	s20 =	sadd.s32 $0x29800, s10;
	s14 =	sadd.s32 $0x33800, s10  }
0x1e: {  	s10 =	simm.s32 $0x7;
	[dreg:$0xe] =	wrdreg s15;
	s15 =	simm.s32 $0x80  }
0x1f: {  	s8 =	sadd.s32 s8, s6;
	s6 =	sor.u32 $0x1C07, s18;
	s12 =	sadd.s32 s13, s14  }
0x20: {  	s14 =	simm.s32 $0x3;
	s18 =	simm.s32 $0xD00;
	s7 =	sadd.s32 $0x40000, s8  }
0x21: {  	s8 =	smax.u32 s9, $0x1;
	s9 =	sshrl.u32 s11, $0x3;
	s11 =	sadd.s32 s13, s20  }
0x22: {  	s13 =	simm.s32 $0x800;
	[dreg:$0x14] =	wrdreg s18;
	s20 =	simm.s32 $0xD80  }
0x23: {  	s18 =	simm.s32 $0xC00;
	[dreg:$0x16] =	wrdreg s20;
	s20 =	simm.s32 $0x1  }
.LBB2_1:
0x24: {  	[spmem:s9], [sflag:s6] =	dma.local [hbm:s5], $0x2780  }
0x25: {  	_ =	swait.ge [sflag:s10], $0x2780  }
0x26: {  	[sflag:s10] =	ssyncset.done $0x0  }
0x27: {  	[sflag:s10] =	ssyncadd.s32 $0xFFFFD880  }
0x28: {  	[bflag:$0x0] =	sbarrier.arrive $0xFFFF  }
0x29: {  	[tilespmem:s3], [sflag:$0x3] =	stream.linear.gather [hbm4b:s11+s3], $0x400, $0x38;
	[tilespmem:$0x1CC00] =	vst v63  }
0x2a: {  	_ = 	snop  }
0x2b: {  	[tilespmem:s13], [sflag:$0x5] =	stream.linear.gather [hbm4b:s12+s3], $0x400, $0x38;
	[tilespmem:$0x1CC00] =	vst v63  }
0x2c: {  	_ =	swait.ge [sflag:s14], $0x400  }
0x2d: {  	[sflag:s14] =	ssyncset.done $0x0  }
0x2e: {  	s28 =	sadd.s32 $0x0, s11;
	[sflag:s14] =	ssyncadd.s32 $0xFFFFFC00  }
0x2f: {  	[tilespmem:s16], [sflag:$0x1] =	stream.indirect.gather [hbm4b:s4+s15], $0x80, s3, s15, $0xb8;
	[tilespmem:$0x1CC00] =	vst v63  }
0x30: {  	s29 =	sadd.s32 $0x0, s12;
	s28 =	sadd.s32 $0x80, s28  }
0x31: {  	[tilespmem:s17], [sflag:$0x4] =	stream.linear.gather [hbm4b:s28+s3], $0x400, $0x38;
	[tilespmem:$0x1CC00] =	vst v63  }
0x32: {  	s28 =	sadd.s32 $0x80, s29  }
0x33: {  	[tilespmem:s18], [sflag:$0x6] =	stream.linear.gather [hbm4b:s28+s3], $0x400, $0x38;
	[tilespmem:$0x1CC00] =	vst v63  }
0x34: {  	_ =	swait.ge [sflag:s19], $0x400  }
0x35: {  	[sflag:s19] =	ssyncset.done $0x0  }
0x36: {  	[sflag:s19] =	ssyncadd.s32 $0xFFFFFC00  }
0x37: {  	_ =	swait.ge [sflag:s20], $0x4000  }
0x38: {  	[sflag:s20] =	ssyncset.done $0x0  }
0x39: {  	[sflag:s20] =	ssyncadd.s32 $0xFFFFC000  }
0x3a: {  	[tilespmem:s21], [sflag:$0x2] =	stream.indirect.gather [hbm4b:s4+s15], $0x80, s15, s15, $0xb8;
	[tilespmem:$0x1CC00] =	vst v63  }
0x3b: {  	_ = 	snop  }
0x3c: {  	[spmem:s1] =	stream.indirect.scatter.add.f32 [tilespmem:s16], [sflag:$0x7], $0x80, s13, s15, $0xb8;
	[tilespmem:$0x1CC00] =	vst v63  }
0x3d: {  	_ =	swait.ge [sflag:s10], $0x4000  }
0x3e: {  	[sflag:s10] =	ssyncset.done $0x0  }
0x3f: {  	[sflag:s10] =	ssyncadd.s32 $0xFFFFC000  }
0x40: {  	_ =	swait.ge [sflag:s22], $0x4000  }
0x41: {  	[sflag:s22] =	ssyncset.done $0x0  }
0x42: {  	s28 =	rddreg [dreg:$0x3];
	[sflag:s22] =	ssyncadd.s32 $0xFFFFC000  }
0x43: {  	[tilespmem:s16], [sflag:$0x1] =	stream.indirect.gather [hbm4b:s4+s15], $0x80, s28, s15, $0xb8;
	[tilespmem:$0x1CC00] =	vst v63  }
0x44: {  	s29 =	rddreg [dreg:$0x4]  }
0x45: {  	[spmem:s1] =	stream.indirect.scatter.add.f32 [tilespmem:s21], [sflag:$0x7], $0x80, s29, s15, $0xb8;
	[tilespmem:$0x1CC00] =	vst v63  }
0x46: {  	_ =	swait.ge [sflag:s10], $0x4000  }
0x47: {  	[sflag:s10] =	ssyncset.done $0x0  }
0x48: {  	[sflag:s10] =	ssyncadd.s32 $0xFFFFC000  }
0x49: {  	_ =	swait.ge [sflag:s20], $0x4000  }
0x4a: {  	[sflag:s20] =	ssyncset.done $0x0  }
0x4b: {  	s28 =	rddreg [dreg:$0x5];
	[sflag:s20] =	ssyncadd.s32 $0xFFFFC000  }
0x4c: {  	[tilespmem:s21], [sflag:$0x2] =	stream.indirect.gather [hbm4b:s4+s15], $0x80, s28, s15, $0xb8;
	[tilespmem:$0x1CC00] =	vst v63  }
0x4d: {  	s29 =	rddreg [dreg:$0x6]  }
0x4e: {  	[spmem:s1] =	stream.indirect.scatter.add.f32 [tilespmem:s16], [sflag:$0x7], $0x80, s29, s15, $0xb8;
	[tilespmem:$0x1CC00] =	vst v63  }
0x4f: {  	_ =	swait.ge [sflag:s10], $0x4000  }
0x50: {  	[sflag:s10] =	ssyncset.done $0x0  }
0x51: {  	[sflag:s10] =	ssyncadd.s32 $0xFFFFC000  }
0x52: {  	_ =	swait.ge [sflag:s22], $0x4000  }
0x53: {  	[sflag:s22] =	ssyncset.done $0x0  }
0x54: {  	s28 =	rddreg [dreg:$0x7];
	[sflag:s22] =	ssyncadd.s32 $0xFFFFC000  }
0x55: {  	[tilespmem:s16], [sflag:$0x1] =	stream.indirect.gather [hbm4b:s4+s15], $0x80, s28, s15, $0xb8;
	[tilespmem:$0x1CC00] =	vst v63  }
0x56: {  	s29 =	rddreg [dreg:$0x8]  }
0x57: {  	[spmem:s1] =	stream.indirect.scatter.add.f32 [tilespmem:s21], [sflag:$0x7], $0x80, s29, s15, $0xb8;
	[tilespmem:$0x1CC00] =	vst v63  }
0x58: {  	_ =	swait.ge [sflag:s10], $0x4000  }
0x59: {  	[sflag:s10] =	ssyncset.done $0x0  }
0x5a: {  	[sflag:s10] =	ssyncadd.s32 $0xFFFFC000  }
0x5b: {  	_ =	swait.ge [sflag:s20], $0x4000  }
0x5c: {  	[sflag:s20] =	ssyncset.done $0x0  }
0x5d: {  	s28 =	rddreg [dreg:$0x9];
	[sflag:s20] =	ssyncadd.s32 $0xFFFFC000  }
0x5e: {  	[tilespmem:s21], [sflag:$0x2] =	stream.indirect.gather [hbm4b:s4+s15], $0x80, s28, s15, $0xb8;
	[tilespmem:$0x1CC00] =	vst v63  }
0x5f: {  	s29 =	rddreg [dreg:$0xa]  }
0x60: {  	[spmem:s1] =	stream.indirect.scatter.add.f32 [tilespmem:s16], [sflag:$0x7], $0x80, s29, s15, $0xb8;
	[tilespmem:$0x1CC00] =	vst v63  }
0x61: {  	_ =	swait.ge [sflag:s10], $0x4000  }
0x62: {  	[sflag:s10] =	ssyncset.done $0x0  }
0x63: {  	[sflag:s10] =	ssyncadd.s32 $0xFFFFC000  }
0x64: {  	_ =	swait.ge [sflag:s22], $0x4000  }
0x65: {  	[sflag:s22] =	ssyncset.done $0x0  }
0x66: {  	s28 =	rddreg [dreg:$0xb];
	[sflag:s22] =	ssyncadd.s32 $0xFFFFC000  }
0x67: {  	[tilespmem:s16], [sflag:$0x1] =	stream.indirect.gather [hbm4b:s4+s15], $0x80, s28, s15, $0xb8;
	[tilespmem:$0x1CC00] =	vst v63  }
0x68: {  	s29 =	rddreg [dreg:$0xc]  }
0x69: {  	[spmem:s1] =	stream.indirect.scatter.add.f32 [tilespmem:s21], [sflag:$0x7], $0x80, s29, s15, $0xb8;
	[tilespmem:$0x1CC00] =	vst v63  }
0x6a: {  	_ =	swait.ge [sflag:s10], $0x4000  }
0x6b: {  	[sflag:s10] =	ssyncset.done $0x0  }
0x6c: {  	[sflag:s10] =	ssyncadd.s32 $0xFFFFC000  }
0x6d: {  	_ =	swait.ge [sflag:s20], $0x4000  }
0x6e: {  	[sflag:s20] =	ssyncset.done $0x0  }
0x6f: {  	s28 =	rddreg [dreg:$0xd];
	[sflag:s20] =	ssyncadd.s32 $0xFFFFC000  }
0x70: {  	[tilespmem:s21], [sflag:$0x2] =	stream.indirect.gather [hbm4b:s4+s15], $0x80, s28, s15, $0xb8;
	[tilespmem:$0x1CC00] =	vst v63  }
0x71: {  	s29 =	rddreg [dreg:$0xe]  }
0x72: {  	[spmem:s1] =	stream.indirect.scatter.add.f32 [tilespmem:s16], [sflag:$0x7], $0x80, s29, s15, $0xb8;
	[tilespmem:$0x1CC00] =	vst v63  }
0x73: {  	_ =	swait.ge [sflag:s10], $0x4000  }
0x74: {  	[sflag:s10] =	ssyncset.done $0x0  }
0x75: {  	[sflag:s10] =	ssyncadd.s32 $0xFFFFC000  }
0x76: {  	_ =	swait.ge [sflag:s22], $0x4000  }
0x77: {  	[sflag:s22] =	ssyncset.done $0x0  }
0x78: {  	[sflag:s22] =	ssyncadd.s32 $0xFFFFC000  }
0x79: {  	_ =	swait.ge [sflag:s23], $0x400  }
0x7a: {  	[sflag:s23] =	ssyncset.done $0x0  }
0x7b: {  	[sflag:s23] =	ssyncadd.s32 $0xFFFFFC00  }
0x7c: {  	[tilespmem:s16], [sflag:$0x1] =	stream.indirect.gather [hbm4b:s4+s15], $0x80, s17, s15, $0xb8;
	[tilespmem:$0x1CC00] =	vst v63  }
0x7d: {  	s28 =	rddreg [dreg:$0xf]  }
0x7e: {  	[spmem:s1] =	stream.indirect.scatter.add.f32 [tilespmem:s21], [sflag:$0x7], $0x80, s28, s15, $0xb8;
	[tilespmem:$0x1CC00] =	vst v63  }
0x7f: {  	p0 =	por $0x0, $0x0;
	_ =	swait.ge [sflag:s10], $0x4000  }
0x80: {  	s29 =	sadd.s32 @!p0 $0x0, s12;
	s28 =	sadd.s32 @!p0 $0x0, s11;
	[sflag:s10] =	ssyncset.done $0x0  }
0x81: {  	s30 =	sadd.s32 @!p0 $0x100, s28;
	s28 =	simm.s32 @!p0 $0x0;
	[sflag:s10] =	ssyncadd.s32 $0xFFFFC000  }
0x82: {  	[tilespmem:s28], [sflag:$0x3] =	stream.linear.gather @!p0 [hbm4b:s30+s28], $0x400, $0x38;
	[tilespmem:$0x1CC00] =	vst v63  }
0x83: {  	s29 =	sadd.s32 @!p0 $0x100, s29;
	s30 =	simm.s32 @!p0 $0x800  }
0x84: {  	[tilespmem:s30], [sflag:$0x5] =	stream.linear.gather @!p0 [hbm4b:s29+s28], $0x400, $0x38;
	[tilespmem:$0x1CC00] =	vst v63  }
0x85: {  	_ =	swait.ge [sflag:s24], $0x400  }
0x86: {  	[sflag:s24] =	ssyncset.done $0x0  }
0x87: {  	[sflag:s24] =	ssyncadd.s32 $0xFFFFFC00  }
0x88: {  	_ =	swait.ge [sflag:s20], $0x4000  }
0x89: {  	[sflag:s20] =	ssyncset.done $0x0  }
0x8a: {  	s29 =	rddreg [dreg:$0x10];
	[sflag:s20] =	ssyncadd.s32 $0xFFFFC000  }
0x8b: {  	[tilespmem:s21], [sflag:$0x2] =	stream.indirect.gather [hbm4b:s4+s15], $0x80, s29, s15, $0xb8;
	[tilespmem:$0x1CC00] =	vst v63  }
0x8c: {  	_ = 	snop  }
0x8d: {  	[spmem:s1] =	stream.indirect.scatter.add.f32 [tilespmem:s16], [sflag:$0x7], $0x80, s18, s15, $0xb8;
	[tilespmem:$0x1CC00] =	vst v63  }
0x8e: {  	_ =	swait.ge [sflag:s10], $0x4000  }
0x8f: {  	[sflag:s10] =	ssyncset.done $0x0  }
0x90: {  	[sflag:s10] =	ssyncadd.s32 $0xFFFFC000  }
0x91: {  	_ =	swait.ge [sflag:s22], $0x4000  }
0x92: {  	[sflag:s22] =	ssyncset.done $0x0  }
0x93: {  	s29 =	rddreg [dreg:$0x11];
	[sflag:s22] =	ssyncadd.s32 $0xFFFFC000  }
0x94: {  	[tilespmem:s16], [sflag:$0x1] =	stream.indirect.gather [hbm4b:s4+s15], $0x80, s29, s15, $0xb8;
	[tilespmem:$0x1CC00] =	vst v63  }
0x95: {  	s0 =	rddreg [dreg:$0x12]  }
0x96: {  	[spmem:s1] =	stream.indirect.scatter.add.f32 [tilespmem:s21], [sflag:$0x7], $0x80, s0, s15, $0xb8;
	[tilespmem:$0x1CC00] =	vst v63  }
0x97: {  	_ =	swait.ge [sflag:s10], $0x4000  }
0x98: {  	[sflag:s10] =	ssyncset.done $0x0  }
0x99: {  	[sflag:s10] =	ssyncadd.s32 $0xFFFFC000  }
0x9a: {  	_ =	swait.ge [sflag:s20], $0x4000  }
0x9b: {  	[sflag:s20] =	ssyncset.done $0x0  }
0x9c: {  	s29 =	rddreg [dreg:$0x13];
	[sflag:s20] =	ssyncadd.s32 $0xFFFFC000  }
0x9d: {  	[tilespmem:s21], [sflag:$0x2] =	stream.indirect.gather [hbm4b:s4+s15], $0x80, s29, s15, $0xb8;
	[tilespmem:$0x1CC00] =	vst v63  }
0x9e: {  	s2 =	rddreg [dreg:$0x14]  }
0x9f: {  	[spmem:s1] =	stream.indirect.scatter.add.f32 [tilespmem:s16], [sflag:$0x7], $0x80, s2, s15, $0xb8;
	[tilespmem:$0x1CC00] =	vst v63  }
0xa0: {  	_ =	swait.ge [sflag:s10], $0x4000  }
0xa1: {  	[sflag:s10] =	ssyncset.done $0x0  }
0xa2: {  	[sflag:s10] =	ssyncadd.s32 $0xFFFFC000  }
0xa3: {  	_ =	swait.ge [sflag:s22], $0x4000  }
0xa4: {  	[sflag:s22] =	ssyncset.done $0x0  }
0xa5: {  	s29 =	rddreg [dreg:$0x15];
	[sflag:s22] =	ssyncadd.s32 $0xFFFFC000  }
0xa6: {  	[tilespmem:s16], [sflag:$0x1] =	stream.indirect.gather [hbm4b:s4+s15], $0x80, s29, s15, $0xb8;
	[tilespmem:$0x1CC00] =	vst v63  }
0xa7: {  	s31 =	rddreg [dreg:$0x16]  }
0xa8: {  	[spmem:s1] =	stream.indirect.scatter.add.f32 [tilespmem:s21], [sflag:$0x7], $0x80, s31, s15, $0xb8;
	[tilespmem:$0x1CC00] =	vst v63  }
0xa9: {  	_ =	swait.ge [sflag:s10], $0x4000  }
0xaa: {  	[sflag:s10] =	ssyncset.done $0x0  }
0xab: {  	[sflag:s10] =	ssyncadd.s32 $0xFFFFC000  }
0xac: {  	_ =	swait.ge [sflag:s20], $0x4000  }
0xad: {  	[sflag:s20] =	ssyncset.done $0x0  }
0xae: {  	s29 =	rddreg [dreg:$0x17];
	[sflag:s20] =	ssyncadd.s32 $0xFFFFC000  }
0xaf: {  	[tilespmem:s21], [sflag:$0x2] =	stream.indirect.gather [hbm4b:s4+s15], $0x80, s29, s15, $0xb8;
	[tilespmem:$0x1CC00] =	vst v63  }
0xb0: {  	s0 =	rddreg [dreg:$0x18]  }
0xb1: {  	[spmem:s1] =	stream.indirect.scatter.add.f32 [tilespmem:s16], [sflag:$0x7], $0x80, s0, s15, $0xb8;
	[tilespmem:$0x1CC00] =	vst v63  }
0xb2: {  	_ =	swait.ge [sflag:s10], $0x4000  }
0xb3: {  	[sflag:s10] =	ssyncset.done $0x0  }
0xb4: {  	[sflag:s10] =	ssyncadd.s32 $0xFFFFC000  }
0xb5: {  	_ =	swait.ge [sflag:s22], $0x4000  }
0xb6: {  	[sflag:s22] =	ssyncset.done $0x0  }
0xb7: {  	s29 =	rddreg [dreg:$0x19];
	[sflag:s22] =	ssyncadd.s32 $0xFFFFC000  }
0xb8: {  	[tilespmem:s16], [sflag:$0x1] =	stream.indirect.gather [hbm4b:s4+s15], $0x80, s29, s15, $0xb8;
	[tilespmem:$0x1CC00] =	vst v63  }
0xb9: {  	s2 =	rddreg [dreg:$0x1a]  }
0xba: {  	[spmem:s1] =	stream.indirect.scatter.add.f32 [tilespmem:s21], [sflag:$0x7], $0x80, s2, s15, $0xb8;
	[tilespmem:$0x1CC00] =	vst v63  }
0xbb: {  	_ =	swait.ge [sflag:s10], $0x4000  }
0xbc: {  	[sflag:s10] =	ssyncset.done $0x0  }
0xbd: {  	[sflag:s10] =	ssyncadd.s32 $0xFFFFC000  }
0xbe: {  	_ =	swait.ge [sflag:s20], $0x4000  }
0xbf: {  	[sflag:s20] =	ssyncset.done $0x0  }
0xc0: {  	s29 =	rddreg [dreg:$0x1b];
	[sflag:s20] =	ssyncadd.s32 $0xFFFFC000  }
0xc1: {  	[tilespmem:s21], [sflag:$0x2] =	stream.indirect.gather [hbm4b:s4+s15], $0x80, s29, s15, $0xb8;
	[tilespmem:$0x1CC00] =	vst v63  }
0xc2: {  	s31 =	rddreg [dreg:$0x1c]  }
0xc3: {  	[spmem:s1] =	stream.indirect.scatter.add.f32 [tilespmem:s16], [sflag:$0x7], $0x80, s31, s15, $0xb8;
	[tilespmem:$0x1CC00] =	vst v63  }
0xc4: {  	_ =	swait.ge [sflag:s10], $0x4000  }
0xc5: {  	[sflag:s10] =	ssyncset.done $0x0  }
0xc6: {  	[sflag:s10] =	ssyncadd.s32 $0xFFFFC000  }
0xc7: {  	_ =	swait.ge [sflag:s22], $0x4000  }
0xc8: {  	[sflag:s22] =	ssyncset.done $0x0  }
0xc9: {  	s29 =	simm.s32 @!p0 $0x3;
	[sflag:s22] =	ssyncadd.s32 $0xFFFFC000  }
0xca: {  	_ =	swait.ge @!p0 [sflag:s29], $0x400  }
0xcb: {  	[sflag:s29] =	ssyncset.done @!p0 $0x0  }
0xcc: {  	s30 =	simm.s32 @!p0 $0x1000;
	[sflag:s29] =	ssyncadd.s32 @!p0 $0xFFFFFC00;
	s29 =	simm.s32 @!p0 $0x80  }
0xcd: {  	[tilespmem:s30], [sflag:$0x1] =	stream.indirect.gather @!p0 [hbm4b:s4+s29], $0x80, s28, s29, $0xb8;
	[tilespmem:$0x1CC00] =	vst v63  }
0xce: {  	_ = 	snop  }
0xcf: {  	[spmem:s1] =	stream.indirect.scatter.add.f32 [tilespmem:s21], [sflag:$0x7], $0x80, s25, s15, $0xb8;
	[tilespmem:$0x1CC00] =	vst v63  }
0xd0: {  	_ =	swait.ge [sflag:s10], $0x4000  }
0xd1: {  	s28 =	simm.s32 $0x100;
	s29 =	simm.s32 $0x200;
	[sflag:s10] =	ssyncset.done $0x0  }
.LBB2_2:
0xd2: {  	s31 =	sadd.s32 s28, s11  }
0xd3: {  	[sflag:s10] =	ssyncadd.s32 $0xFFFFC000;
	s0 =	sadd.s32 s28, s12;
	s31 =	sadd.s32 $0x80, s31  }
0xd4: {  	[tilespmem:s17], [sflag:$0x4] =	stream.linear.gather [hbm4b:s31+s3], $0x400, $0x38;
	[tilespmem:$0x1CC00] =	vst v63  }
0xd5: {  	s0 =	sadd.s32 $0x80, s0  }
0xd6: {  	[tilespmem:s18], [sflag:$0x6] =	stream.linear.gather [hbm4b:s0+s3], $0x400, $0x38;
	[tilespmem:$0x1CC00] =	vst v63  }
0xd7: {  	_ =	swait.ge [sflag:s19], $0x400  }
0xd8: {  	[sflag:s19] =	ssyncset.done $0x0  }
0xd9: {  	[sflag:s19] =	ssyncadd.s32 $0xFFFFFC00  }
0xda: {  	_ =	swait.ge [sflag:s20], $0x4000  }
0xdb: {  	[sflag:s20] =	ssyncset.done $0x0  }
0xdc: {  	[sflag:s20] =	ssyncadd.s32 $0xFFFFC000  }
0xdd: {  	[tilespmem:s21], [sflag:$0x2] =	stream.indirect.gather [hbm4b:s4+s15], $0x80, s15, s15, $0xb8;
	[tilespmem:$0x1CC00] =	vst v63  }
0xde: {  	_ = 	snop  }
0xdf: {  	[spmem:s1] =	stream.indirect.scatter.add.f32 [tilespmem:s16], [sflag:$0x7], $0x80, s13, s15, $0xb8;
	[tilespmem:$0x1CC00] =	vst v63  }
0xe0: {  	_ =	swait.ge [sflag:s10], $0x4000  }
0xe1: {  	[sflag:s10] =	ssyncset.done $0x0  }
0xe2: {  	[sflag:s10] =	ssyncadd.s32 $0xFFFFC000  }
0xe3: {  	_ =	swait.ge [sflag:s22], $0x4000  }
0xe4: {  	[sflag:s22] =	ssyncset.done $0x0  }
0xe5: {  	s0 =	rddreg [dreg:$0x3];
	[sflag:s22] =	ssyncadd.s32 $0xFFFFC000  }
0xe6: {  	[tilespmem:s16], [sflag:$0x1] =	stream.indirect.gather [hbm4b:s4+s15], $0x80, s0, s15, $0xb8;
	[tilespmem:$0x1CC00] =	vst v63  }
0xe7: {  	s2 =	rddreg [dreg:$0x4]  }
0xe8: {  	[spmem:s1] =	stream.indirect.scatter.add.f32 [tilespmem:s21], [sflag:$0x7], $0x80, s2, s15, $0xb8;
	[tilespmem:$0x1CC00] =	vst v63  }
0xe9: {  	_ =	swait.ge [sflag:s10], $0x4000  }
0xea: {  	[sflag:s10] =	ssyncset.done $0x0  }
0xeb: {  	[sflag:s10] =	ssyncadd.s32 $0xFFFFC000  }
0xec: {  	_ =	swait.ge [sflag:s20], $0x4000  }
0xed: {  	[sflag:s20] =	ssyncset.done $0x0  }
0xee: {  	s0 =	rddreg [dreg:$0x5];
	[sflag:s20] =	ssyncadd.s32 $0xFFFFC000  }
0xef: {  	[tilespmem:s21], [sflag:$0x2] =	stream.indirect.gather [hbm4b:s4+s15], $0x80, s0, s15, $0xb8;
	[tilespmem:$0x1CC00] =	vst v63  }
0xf0: {  	s2 =	rddreg [dreg:$0x6]  }
0xf1: {  	[spmem:s1] =	stream.indirect.scatter.add.f32 [tilespmem:s16], [sflag:$0x7], $0x80, s2, s15, $0xb8;
	[tilespmem:$0x1CC00] =	vst v63  }
0xf2: {  	_ =	swait.ge [sflag:s10], $0x4000  }
0xf3: {  	[sflag:s10] =	ssyncset.done $0x0  }
0xf4: {  	[sflag:s10] =	ssyncadd.s32 $0xFFFFC000  }
0xf5: {  	_ =	swait.ge [sflag:s22], $0x4000  }
0xf6: {  	[sflag:s22] =	ssyncset.done $0x0  }
0xf7: {  	s0 =	rddreg [dreg:$0x7];
	[sflag:s22] =	ssyncadd.s32 $0xFFFFC000  }
0xf8: {  	[tilespmem:s16], [sflag:$0x1] =	stream.indirect.gather [hbm4b:s4+s15], $0x80, s0, s15, $0xb8;
	[tilespmem:$0x1CC00] =	vst v63  }
0xf9: {  	s2 =	rddreg [dreg:$0x8]  }
0xfa: {  	[spmem:s1] =	stream.indirect.scatter.add.f32 [tilespmem:s21], [sflag:$0x7], $0x80, s2, s15, $0xb8;
	[tilespmem:$0x1CC00] =	vst v63  }
0xfb: {  	_ =	swait.ge [sflag:s10], $0x4000  }
0xfc: {  	[sflag:s10] =	ssyncset.done $0x0  }
0xfd: {  	[sflag:s10] =	ssyncadd.s32 $0xFFFFC000  }
0xfe: {  	_ =	swait.ge [sflag:s20], $0x4000  }
0xff: {  	[sflag:s20] =	ssyncset.done $0x0  }
0x100: {  	s0 =	rddreg [dreg:$0x9];
	[sflag:s20] =	ssyncadd.s32 $0xFFFFC000  }
0x101: {  	[tilespmem:s21], [sflag:$0x2] =	stream.indirect.gather [hbm4b:s4+s15], $0x80, s0, s15, $0xb8;
	[tilespmem:$0x1CC00] =	vst v63  }
0x102: {  	s2 =	rddreg [dreg:$0xa]  }
0x103: {  	[spmem:s1] =	stream.indirect.scatter.add.f32 [tilespmem:s16], [sflag:$0x7], $0x80, s2, s15, $0xb8;
	[tilespmem:$0x1CC00] =	vst v63  }
0x104: {  	_ =	swait.ge [sflag:s10], $0x4000  }
0x105: {  	[sflag:s10] =	ssyncset.done $0x0  }
0x106: {  	[sflag:s10] =	ssyncadd.s32 $0xFFFFC000  }
0x107: {  	_ =	swait.ge [sflag:s22], $0x4000  }
0x108: {  	[sflag:s22] =	ssyncset.done $0x0  }
0x109: {  	s0 =	rddreg [dreg:$0xb];
	[sflag:s22] =	ssyncadd.s32 $0xFFFFC000  }
0x10a: {  	[tilespmem:s16], [sflag:$0x1] =	stream.indirect.gather [hbm4b:s4+s15], $0x80, s0, s15, $0xb8;
	[tilespmem:$0x1CC00] =	vst v63  }
0x10b: {  	s2 =	rddreg [dreg:$0xc]  }
0x10c: {  	[spmem:s1] =	stream.indirect.scatter.add.f32 [tilespmem:s21], [sflag:$0x7], $0x80, s2, s15, $0xb8;
	[tilespmem:$0x1CC00] =	vst v63  }
0x10d: {  	_ =	swait.ge [sflag:s10], $0x4000  }
0x10e: {  	[sflag:s10] =	ssyncset.done $0x0  }
0x10f: {  	[sflag:s10] =	ssyncadd.s32 $0xFFFFC000  }
0x110: {  	_ =	swait.ge [sflag:s20], $0x4000  }
0x111: {  	[sflag:s20] =	ssyncset.done $0x0  }
0x112: {  	s0 =	rddreg [dreg:$0xd];
	[sflag:s20] =	ssyncadd.s32 $0xFFFFC000  }
0x113: {  	[tilespmem:s21], [sflag:$0x2] =	stream.indirect.gather [hbm4b:s4+s15], $0x80, s0, s15, $0xb8;
	[tilespmem:$0x1CC00] =	vst v63  }
0x114: {  	s2 =	rddreg [dreg:$0xe]  }
0x115: {  	[spmem:s1] =	stream.indirect.scatter.add.f32 [tilespmem:s16], [sflag:$0x7], $0x80, s2, s15, $0xb8;
	[tilespmem:$0x1CC00] =	vst v63  }
0x116: {  	_ =	swait.ge [sflag:s10], $0x4000  }
0x117: {  	[sflag:s10] =	ssyncset.done $0x0  }
0x118: {  	[sflag:s10] =	ssyncadd.s32 $0xFFFFC000  }
0x119: {  	_ =	swait.ge [sflag:s22], $0x4000  }
0x11a: {  	[sflag:s22] =	ssyncset.done $0x0  }
0x11b: {  	[sflag:s22] =	ssyncadd.s32 $0xFFFFC000  }
0x11c: {  	_ =	swait.ge [sflag:s23], $0x400  }
0x11d: {  	[sflag:s23] =	ssyncset.done $0x0  }
0x11e: {  	[sflag:s23] =	ssyncadd.s32 $0xFFFFFC00  }
0x11f: {  	[tilespmem:s16], [sflag:$0x1] =	stream.indirect.gather [hbm4b:s4+s15], $0x80, s17, s15, $0xb8;
	[tilespmem:$0x1CC00] =	vst v63  }
0x120: {  	s2 =	rddreg [dreg:$0xf]  }
0x121: {  	[spmem:s1] =	stream.indirect.scatter.add.f32 [tilespmem:s21], [sflag:$0x7], $0x80, s2, s15, $0xb8;
	[tilespmem:$0x1CC00] =	vst v63  }
0x122: {  	p1 =	seq.s32 s28, $0x400;
	_ =	swait.ge [sflag:s10], $0x4000  }
0x123: {  	s31 =	simm.s32 @!p1 $0x0;
	s0 =	sadd.s32 @!p1 s28, s11;
	[sflag:s10] =	ssyncset.done $0x0  }
0x124: {  	s28 =	sadd.s32 @!p1 s28, s12;
	s0 =	sadd.s32 @!p1 $0x100, s0;
	[sflag:s10] =	ssyncadd.s32 $0xFFFFC000  }
0x125: {  	[tilespmem:s31], [sflag:$0x3] =	stream.linear.gather @!p1 [hbm4b:s0+s31], $0x400, $0x38;
	[tilespmem:$0x1CC00] =	vst v63  }
0x126: {  	s2 =	simm.s32 @!p1 $0x800;
	s0 =	sadd.s32 @!p1 $0x100, s28  }
0x127: {  	[tilespmem:s2], [sflag:$0x5] =	stream.linear.gather @!p1 [hbm4b:s0+s31], $0x400, $0x38;
	[tilespmem:$0x1CC00] =	vst v63  }
0x128: {  	_ =	swait.ge [sflag:s24], $0x400  }
0x129: {  	[sflag:s24] =	ssyncset.done $0x0  }
0x12a: {  	[sflag:s24] =	ssyncadd.s32 $0xFFFFFC00  }
0x12b: {  	_ =	swait.ge [sflag:s20], $0x4000  }
0x12c: {  	s30 =	smov.u32 s29;
	[sflag:s20] =	ssyncset.done $0x0  }
0x12d: {  	s28 =	smov.u32 s30;
	s30 =	rddreg [dreg:$0x10];
	[sflag:s20] =	ssyncadd.s32 $0xFFFFC000  }
0x12e: {  	[tilespmem:s21], [sflag:$0x2] =	stream.indirect.gather [hbm4b:s4+s15], $0x80, s30, s15, $0xb8;
	[tilespmem:$0x1CC00] =	vst v63  }
0x12f: {  	_ = 	snop  }
0x130: {  	[spmem:s1] =	stream.indirect.scatter.add.f32 [tilespmem:s16], [sflag:$0x7], $0x80, s18, s15, $0xb8;
	[tilespmem:$0x1CC00] =	vst v63  }
0x131: {  	_ =	swait.ge [sflag:s10], $0x4000  }
0x132: {  	[sflag:s10] =	ssyncset.done $0x0  }
0x133: {  	[sflag:s10] =	ssyncadd.s32 $0xFFFFC000  }
0x134: {  	_ =	swait.ge [sflag:s22], $0x4000  }
0x135: {  	[sflag:s22] =	ssyncset.done $0x0  }
0x136: {  	s2 =	rddreg [dreg:$0x11];
	[sflag:s22] =	ssyncadd.s32 $0xFFFFC000  }
0x137: {  	[tilespmem:s16], [sflag:$0x1] =	stream.indirect.gather [hbm4b:s4+s15], $0x80, s2, s15, $0xb8;
	[tilespmem:$0x1CC00] =	vst v63  }
0x138: {  	s30 =	rddreg [dreg:$0x12]  }
0x139: {  	[spmem:s1] =	stream.indirect.scatter.add.f32 [tilespmem:s21], [sflag:$0x7], $0x80, s30, s15, $0xb8;
	[tilespmem:$0x1CC00] =	vst v63  }
0x13a: {  	_ =	swait.ge [sflag:s10], $0x4000  }
0x13b: {  	[sflag:s10] =	ssyncset.done $0x0  }
0x13c: {  	[sflag:s10] =	ssyncadd.s32 $0xFFFFC000  }
0x13d: {  	_ =	swait.ge [sflag:s20], $0x4000  }
0x13e: {  	[sflag:s20] =	ssyncset.done $0x0  }
0x13f: {  	s2 =	rddreg [dreg:$0x13];
	[sflag:s20] =	ssyncadd.s32 $0xFFFFC000  }
0x140: {  	[tilespmem:s21], [sflag:$0x2] =	stream.indirect.gather [hbm4b:s4+s15], $0x80, s2, s15, $0xb8;
	[tilespmem:$0x1CC00] =	vst v63  }
0x141: {  	s30 =	rddreg [dreg:$0x14]  }
0x142: {  	[spmem:s1] =	stream.indirect.scatter.add.f32 [tilespmem:s16], [sflag:$0x7], $0x80, s30, s15, $0xb8;
	[tilespmem:$0x1CC00] =	vst v63  }
0x143: {  	_ =	swait.ge [sflag:s10], $0x4000  }
0x144: {  	[sflag:s10] =	ssyncset.done $0x0  }
0x145: {  	[sflag:s10] =	ssyncadd.s32 $0xFFFFC000  }
0x146: {  	_ =	swait.ge [sflag:s22], $0x4000  }
0x147: {  	[sflag:s22] =	ssyncset.done $0x0  }
0x148: {  	s2 =	rddreg [dreg:$0x15];
	[sflag:s22] =	ssyncadd.s32 $0xFFFFC000  }
0x149: {  	[tilespmem:s16], [sflag:$0x1] =	stream.indirect.gather [hbm4b:s4+s15], $0x80, s2, s15, $0xb8;
	[tilespmem:$0x1CC00] =	vst v63  }
0x14a: {  	s30 =	rddreg [dreg:$0x16]  }
0x14b: {  	[spmem:s1] =	stream.indirect.scatter.add.f32 [tilespmem:s21], [sflag:$0x7], $0x80, s30, s15, $0xb8;
	[tilespmem:$0x1CC00] =	vst v63  }
0x14c: {  	_ =	swait.ge [sflag:s10], $0x4000  }
0x14d: {  	[sflag:s10] =	ssyncset.done $0x0  }
0x14e: {  	[sflag:s10] =	ssyncadd.s32 $0xFFFFC000  }
0x14f: {  	_ =	swait.ge [sflag:s20], $0x4000  }
0x150: {  	[sflag:s20] =	ssyncset.done $0x0  }
0x151: {  	s2 =	rddreg [dreg:$0x17];
	[sflag:s20] =	ssyncadd.s32 $0xFFFFC000  }
0x152: {  	[tilespmem:s21], [sflag:$0x2] =	stream.indirect.gather [hbm4b:s4+s15], $0x80, s2, s15, $0xb8;
	[tilespmem:$0x1CC00] =	vst v63  }
0x153: {  	s30 =	rddreg [dreg:$0x18]  }
0x154: {  	[spmem:s1] =	stream.indirect.scatter.add.f32 [tilespmem:s16], [sflag:$0x7], $0x80, s30, s15, $0xb8;
	[tilespmem:$0x1CC00] =	vst v63  }
0x155: {  	_ =	swait.ge [sflag:s10], $0x4000  }
0x156: {  	[sflag:s10] =	ssyncset.done $0x0  }
0x157: {  	[sflag:s10] =	ssyncadd.s32 $0xFFFFC000  }
0x158: {  	_ =	swait.ge [sflag:s22], $0x4000  }
0x159: {  	[sflag:s22] =	ssyncset.done $0x0  }
0x15a: {  	s2 =	rddreg [dreg:$0x19];
	[sflag:s22] =	ssyncadd.s32 $0xFFFFC000  }
0x15b: {  	[tilespmem:s16], [sflag:$0x1] =	stream.indirect.gather [hbm4b:s4+s15], $0x80, s2, s15, $0xb8;
	[tilespmem:$0x1CC00] =	vst v63  }
0x15c: {  	s30 =	rddreg [dreg:$0x1a]  }
0x15d: {  	[spmem:s1] =	stream.indirect.scatter.add.f32 [tilespmem:s21], [sflag:$0x7], $0x80, s30, s15, $0xb8;
	[tilespmem:$0x1CC00] =	vst v63  }
0x15e: {  	_ =	swait.ge [sflag:s10], $0x4000  }
0x15f: {  	[sflag:s10] =	ssyncset.done $0x0  }
0x160: {  	[sflag:s10] =	ssyncadd.s32 $0xFFFFC000  }
0x161: {  	_ =	swait.ge [sflag:s20], $0x4000  }
0x162: {  	[sflag:s20] =	ssyncset.done $0x0  }
0x163: {  	s2 =	rddreg [dreg:$0x1b];
	[sflag:s20] =	ssyncadd.s32 $0xFFFFC000  }
0x164: {  	[tilespmem:s21], [sflag:$0x2] =	stream.indirect.gather [hbm4b:s4+s15], $0x80, s2, s15, $0xb8;
	[tilespmem:$0x1CC00] =	vst v63  }
0x165: {  	s30 =	rddreg [dreg:$0x1c]  }
0x166: {  	[spmem:s1] =	stream.indirect.scatter.add.f32 [tilespmem:s16], [sflag:$0x7], $0x80, s30, s15, $0xb8;
	[tilespmem:$0x1CC00] =	vst v63  }
0x167: {  	_ =	swait.ge [sflag:s10], $0x4000  }
0x168: {  	[sflag:s10] =	ssyncset.done $0x0  }
0x169: {  	[sflag:s10] =	ssyncadd.s32 $0xFFFFC000  }
0x16a: {  	_ =	swait.ge [sflag:s22], $0x4000  }
0x16b: {  	[sflag:s22] =	ssyncset.done $0x0  }
0x16c: {  	s0 =	simm.s32 @!p1 $0x3;
	[sflag:s22] =	ssyncadd.s32 $0xFFFFC000  }
0x16d: {  	s29 =	sadd.s32 $0x100, s29;
	_ =	swait.ge @!p1 [sflag:s0], $0x400  }
0x16e: {  	p0 =	sne.s32 s29, $0x500;
	[sflag:s0] =	ssyncset.done @!p1 $0x0  }
0x16f: {  	s2 =	simm.s32 @!p1 $0x1000;
	[sflag:s0] =	ssyncadd.s32 @!p1 $0xFFFFFC00;
	s0 =	simm.s32 @!p1 $0x80  }
0x170: {  	[tilespmem:s2], [sflag:$0x1] =	stream.indirect.gather @!p1 [hbm4b:s4+s0], $0x80, s31, s0, $0xb8;
	[tilespmem:$0x1CC00] =	vst v63  }
.Ltmp0:
0x171: {  	_ = 	snop;
	(pc) =	sbr.rel @p0 .LBB2_2-.Ltmp0, $4  }
0x172: {  	_ = 	snop  }
0x173: {  	[spmem:s1] =	stream.indirect.scatter.add.f32 [tilespmem:s21], [sflag:$0x7], $0x80, s25, s15, $0xb8;
	[tilespmem:$0x1CC00] =	vst v63  }
0x174: {  	_ =	swait.ge [sflag:s10], $0x4000  }
0x175: {  	[sflag:s10] =	ssyncset.done $0x0  }
0x176: {  	s0 =	sadd.s32 s28, s11  }
0x177: {  	[sflag:s10] =	ssyncadd.s32 $0xFFFFC000;
	s2 =	sadd.s32 s28, s12;
	s0 =	sadd.s32 $0x80, s0  }
0x178: {  	[tilespmem:s17], [sflag:$0x4] =	stream.linear.gather [hbm4b:s0+s3], $0x400, $0x38;
	[tilespmem:$0x1CC00] =	vst v63  }
0x179: {  	s29 =	sadd.s32 $0x80, s2  }
0x17a: {  	[tilespmem:s18], [sflag:$0x6] =	stream.linear.gather [hbm4b:s29+s3], $0x400, $0x38;
	[tilespmem:$0x1CC00] =	vst v63  }
0x17b: {  	_ =	swait.ge [sflag:s19], $0x400  }
0x17c: {  	[sflag:s19] =	ssyncset.done $0x0  }
0x17d: {  	[sflag:s19] =	ssyncadd.s32 $0xFFFFFC00  }
0x17e: {  	_ =	swait.ge [sflag:s20], $0x4000  }
0x17f: {  	[sflag:s20] =	ssyncset.done $0x0  }
0x180: {  	[sflag:s20] =	ssyncadd.s32 $0xFFFFC000  }
0x181: {  	[tilespmem:s21], [sflag:$0x2] =	stream.indirect.gather [hbm4b:s4+s15], $0x80, s15, s15, $0xb8;
	[tilespmem:$0x1CC00] =	vst v63  }
0x182: {  	_ = 	snop  }
0x183: {  	[spmem:s1] =	stream.indirect.scatter.add.f32 [tilespmem:s16], [sflag:$0x7], $0x80, s13, s15, $0xb8;
	[tilespmem:$0x1CC00] =	vst v63  }
0x184: {  	_ =	swait.ge [sflag:s10], $0x4000  }
0x185: {  	[sflag:s10] =	ssyncset.done $0x0  }
0x186: {  	[sflag:s10] =	ssyncadd.s32 $0xFFFFC000  }
0x187: {  	_ =	swait.ge [sflag:s22], $0x4000  }
0x188: {  	[sflag:s22] =	ssyncset.done $0x0  }
0x189: {  	s30 =	rddreg [dreg:$0x3];
	[sflag:s22] =	ssyncadd.s32 $0xFFFFC000  }
0x18a: {  	[tilespmem:s16], [sflag:$0x1] =	stream.indirect.gather [hbm4b:s4+s15], $0x80, s30, s15, $0xb8;
	[tilespmem:$0x1CC00] =	vst v63  }
0x18b: {  	s31 =	rddreg [dreg:$0x4]  }
0x18c: {  	[spmem:s1] =	stream.indirect.scatter.add.f32 [tilespmem:s21], [sflag:$0x7], $0x80, s31, s15, $0xb8;
	[tilespmem:$0x1CC00] =	vst v63  }
0x18d: {  	_ =	swait.ge [sflag:s10], $0x4000  }
0x18e: {  	[sflag:s10] =	ssyncset.done $0x0  }
0x18f: {  	[sflag:s10] =	ssyncadd.s32 $0xFFFFC000  }
0x190: {  	_ =	swait.ge [sflag:s20], $0x4000  }
0x191: {  	[sflag:s20] =	ssyncset.done $0x0  }
0x192: {  	s2 =	rddreg [dreg:$0x5];
	[sflag:s20] =	ssyncadd.s32 $0xFFFFC000  }
0x193: {  	[tilespmem:s21], [sflag:$0x2] =	stream.indirect.gather [hbm4b:s4+s15], $0x80, s2, s15, $0xb8;
	[tilespmem:$0x1CC00] =	vst v63  }
0x194: {  	s29 =	rddreg [dreg:$0x6]  }
0x195: {  	[spmem:s1] =	stream.indirect.scatter.add.f32 [tilespmem:s16], [sflag:$0x7], $0x80, s29, s15, $0xb8;
	[tilespmem:$0x1CC00] =	vst v63  }
0x196: {  	_ =	swait.ge [sflag:s10], $0x4000  }
0x197: {  	[sflag:s10] =	ssyncset.done $0x0  }
0x198: {  	[sflag:s10] =	ssyncadd.s32 $0xFFFFC000  }
0x199: {  	_ =	swait.ge [sflag:s22], $0x4000  }
0x19a: {  	[sflag:s22] =	ssyncset.done $0x0  }
0x19b: {  	s30 =	rddreg [dreg:$0x7];
	[sflag:s22] =	ssyncadd.s32 $0xFFFFC000  }
0x19c: {  	[tilespmem:s16], [sflag:$0x1] =	stream.indirect.gather [hbm4b:s4+s15], $0x80, s30, s15, $0xb8;
	[tilespmem:$0x1CC00] =	vst v63  }
0x19d: {  	s31 =	rddreg [dreg:$0x8]  }
0x19e: {  	[spmem:s1] =	stream.indirect.scatter.add.f32 [tilespmem:s21], [sflag:$0x7], $0x80, s31, s15, $0xb8;
	[tilespmem:$0x1CC00] =	vst v63  }
0x19f: {  	_ =	swait.ge [sflag:s10], $0x4000  }
0x1a0: {  	[sflag:s10] =	ssyncset.done $0x0  }
0x1a1: {  	[sflag:s10] =	ssyncadd.s32 $0xFFFFC000  }
0x1a2: {  	_ =	swait.ge [sflag:s20], $0x4000  }
0x1a3: {  	[sflag:s20] =	ssyncset.done $0x0  }
0x1a4: {  	s2 =	rddreg [dreg:$0x9];
	[sflag:s20] =	ssyncadd.s32 $0xFFFFC000  }
0x1a5: {  	[tilespmem:s21], [sflag:$0x2] =	stream.indirect.gather [hbm4b:s4+s15], $0x80, s2, s15, $0xb8;
	[tilespmem:$0x1CC00] =	vst v63  }
0x1a6: {  	s29 =	rddreg [dreg:$0xa]  }
0x1a7: {  	[spmem:s1] =	stream.indirect.scatter.add.f32 [tilespmem:s16], [sflag:$0x7], $0x80, s29, s15, $0xb8;
	[tilespmem:$0x1CC00] =	vst v63  }
0x1a8: {  	_ =	swait.ge [sflag:s10], $0x4000  }
0x1a9: {  	[sflag:s10] =	ssyncset.done $0x0  }
0x1aa: {  	[sflag:s10] =	ssyncadd.s32 $0xFFFFC000  }
0x1ab: {  	_ =	swait.ge [sflag:s22], $0x4000  }
0x1ac: {  	[sflag:s22] =	ssyncset.done $0x0  }
0x1ad: {  	s30 =	rddreg [dreg:$0xb];
	[sflag:s22] =	ssyncadd.s32 $0xFFFFC000  }
0x1ae: {  	[tilespmem:s16], [sflag:$0x1] =	stream.indirect.gather [hbm4b:s4+s15], $0x80, s30, s15, $0xb8;
	[tilespmem:$0x1CC00] =	vst v63  }
0x1af: {  	s31 =	rddreg [dreg:$0xc]  }
0x1b0: {  	[spmem:s1] =	stream.indirect.scatter.add.f32 [tilespmem:s21], [sflag:$0x7], $0x80, s31, s15, $0xb8;
	[tilespmem:$0x1CC00] =	vst v63  }
0x1b1: {  	_ =	swait.ge [sflag:s10], $0x4000  }
0x1b2: {  	[sflag:s10] =	ssyncset.done $0x0  }
0x1b3: {  	[sflag:s10] =	ssyncadd.s32 $0xFFFFC000  }
0x1b4: {  	_ =	swait.ge [sflag:s20], $0x4000  }
0x1b5: {  	[sflag:s20] =	ssyncset.done $0x0  }
0x1b6: {  	s2 =	rddreg [dreg:$0xd];
	[sflag:s20] =	ssyncadd.s32 $0xFFFFC000  }
0x1b7: {  	[tilespmem:s21], [sflag:$0x2] =	stream.indirect.gather [hbm4b:s4+s15], $0x80, s2, s15, $0xb8;
	[tilespmem:$0x1CC00] =	vst v63  }
0x1b8: {  	s29 =	rddreg [dreg:$0xe]  }
0x1b9: {  	[spmem:s1] =	stream.indirect.scatter.add.f32 [tilespmem:s16], [sflag:$0x7], $0x80, s29, s15, $0xb8;
	[tilespmem:$0x1CC00] =	vst v63  }
0x1ba: {  	_ =	swait.ge [sflag:s10], $0x4000  }
0x1bb: {  	[sflag:s10] =	ssyncset.done $0x0  }
0x1bc: {  	[sflag:s10] =	ssyncadd.s32 $0xFFFFC000  }
0x1bd: {  	_ =	swait.ge [sflag:s22], $0x4000  }
0x1be: {  	[sflag:s22] =	ssyncset.done $0x0  }
0x1bf: {  	[sflag:s22] =	ssyncadd.s32 $0xFFFFC000  }
0x1c0: {  	_ =	swait.ge [sflag:s23], $0x400  }
0x1c1: {  	[sflag:s23] =	ssyncset.done $0x0  }
0x1c2: {  	[sflag:s23] =	ssyncadd.s32 $0xFFFFFC00  }
0x1c3: {  	[tilespmem:s16], [sflag:$0x1] =	stream.indirect.gather [hbm4b:s4+s15], $0x80, s17, s15, $0xb8;
	[tilespmem:$0x1CC00] =	vst v63  }
0x1c4: {  	p0 =	seq.s32 s28, $0x400;
	s30 =	rddreg [dreg:$0xf]  }
0x1c5: {  	[spmem:s1] =	stream.indirect.scatter.add.f32 [tilespmem:s21], [sflag:$0x7], $0x80, s30, s15, $0xb8;
	[tilespmem:$0x1CC00] =	vst v63  }
0x1c6: {  	s0 =	sadd.s32 @!p0 s28, s11;
	_ =	swait.ge [sflag:s10], $0x4000  }
0x1c7: {  	s0 =	sadd.s32 @!p0 $0x100, s0;
	[sflag:s10] =	ssyncset.done $0x0  }
0x1c8: {  	s2 =	sadd.s32 @!p0 s28, s12;
	s28 =	simm.s32 @!p0 $0x0;
	[sflag:s10] =	ssyncadd.s32 $0xFFFFC000  }
0x1c9: {  	[tilespmem:s28], [sflag:$0x3] =	stream.linear.gather @!p0 [hbm4b:s0+s28], $0x400, $0x38;
	[tilespmem:$0x1CC00] =	vst v63  }
0x1ca: {  	s0 =	sadd.s32 @!p0 $0x100, s2;
	s2 =	simm.s32 @!p0 $0x800  }
0x1cb: {  	[tilespmem:s2], [sflag:$0x5] =	stream.linear.gather @!p0 [hbm4b:s0+s28], $0x400, $0x38;
	[tilespmem:$0x1CC00] =	vst v63  }
0x1cc: {  	_ =	swait.ge [sflag:s24], $0x400  }
0x1cd: {  	[sflag:s24] =	ssyncset.done $0x0  }
0x1ce: {  	[sflag:s24] =	ssyncadd.s32 $0xFFFFFC00  }
0x1cf: {  	_ =	swait.ge [sflag:s20], $0x4000  }
0x1d0: {  	[sflag:s20] =	ssyncset.done $0x0  }
0x1d1: {  	s31 =	rddreg [dreg:$0x10];
	[sflag:s20] =	ssyncadd.s32 $0xFFFFC000  }
0x1d2: {  	[tilespmem:s21], [sflag:$0x2] =	stream.indirect.gather [hbm4b:s4+s15], $0x80, s31, s15, $0xb8;
	[tilespmem:$0x1CC00] =	vst v63  }
0x1d3: {  	_ = 	snop  }
0x1d4: {  	[spmem:s1] =	stream.indirect.scatter.add.f32 [tilespmem:s16], [sflag:$0x7], $0x80, s18, s15, $0xb8;
	[tilespmem:$0x1CC00] =	vst v63  }
0x1d5: {  	_ =	swait.ge [sflag:s10], $0x4000  }
0x1d6: {  	[sflag:s10] =	ssyncset.done $0x0  }
0x1d7: {  	[sflag:s10] =	ssyncadd.s32 $0xFFFFC000  }
0x1d8: {  	_ =	swait.ge [sflag:s22], $0x4000  }
0x1d9: {  	[sflag:s22] =	ssyncset.done $0x0  }
0x1da: {  	s2 =	rddreg [dreg:$0x11];
	[sflag:s22] =	ssyncadd.s32 $0xFFFFC000  }
0x1db: {  	[tilespmem:s16], [sflag:$0x1] =	stream.indirect.gather [hbm4b:s4+s15], $0x80, s2, s15, $0xb8;
	[tilespmem:$0x1CC00] =	vst v63  }
0x1dc: {  	s29 =	rddreg [dreg:$0x12]  }
0x1dd: {  	[spmem:s1] =	stream.indirect.scatter.add.f32 [tilespmem:s21], [sflag:$0x7], $0x80, s29, s15, $0xb8;
	[tilespmem:$0x1CC00] =	vst v63  }
0x1de: {  	_ =	swait.ge [sflag:s10], $0x4000  }
0x1df: {  	[sflag:s10] =	ssyncset.done $0x0  }
0x1e0: {  	[sflag:s10] =	ssyncadd.s32 $0xFFFFC000  }
0x1e1: {  	_ =	swait.ge [sflag:s20], $0x4000  }
0x1e2: {  	[sflag:s20] =	ssyncset.done $0x0  }
0x1e3: {  	s30 =	rddreg [dreg:$0x13];
	[sflag:s20] =	ssyncadd.s32 $0xFFFFC000  }
0x1e4: {  	[tilespmem:s21], [sflag:$0x2] =	stream.indirect.gather [hbm4b:s4+s15], $0x80, s30, s15, $0xb8;
	[tilespmem:$0x1CC00] =	vst v63  }
0x1e5: {  	s31 =	rddreg [dreg:$0x14]  }
0x1e6: {  	[spmem:s1] =	stream.indirect.scatter.add.f32 [tilespmem:s16], [sflag:$0x7], $0x80, s31, s15, $0xb8;
	[tilespmem:$0x1CC00] =	vst v63  }
0x1e7: {  	_ =	swait.ge [sflag:s10], $0x4000  }
0x1e8: {  	[sflag:s10] =	ssyncset.done $0x0  }
0x1e9: {  	[sflag:s10] =	ssyncadd.s32 $0xFFFFC000  }
0x1ea: {  	_ =	swait.ge [sflag:s22], $0x4000  }
0x1eb: {  	[sflag:s22] =	ssyncset.done $0x0  }
0x1ec: {  	s2 =	rddreg [dreg:$0x15];
	[sflag:s22] =	ssyncadd.s32 $0xFFFFC000  }
0x1ed: {  	[tilespmem:s16], [sflag:$0x1] =	stream.indirect.gather [hbm4b:s4+s15], $0x80, s2, s15, $0xb8;
	[tilespmem:$0x1CC00] =	vst v63  }
0x1ee: {  	s29 =	rddreg [dreg:$0x16]  }
0x1ef: {  	[spmem:s1] =	stream.indirect.scatter.add.f32 [tilespmem:s21], [sflag:$0x7], $0x80, s29, s15, $0xb8;
	[tilespmem:$0x1CC00] =	vst v63  }
0x1f0: {  	_ =	swait.ge [sflag:s10], $0x4000  }
0x1f1: {  	[sflag:s10] =	ssyncset.done $0x0  }
0x1f2: {  	[sflag:s10] =	ssyncadd.s32 $0xFFFFC000  }
0x1f3: {  	_ =	swait.ge [sflag:s20], $0x4000  }
0x1f4: {  	[sflag:s20] =	ssyncset.done $0x0  }
0x1f5: {  	s30 =	rddreg [dreg:$0x17];
	[sflag:s20] =	ssyncadd.s32 $0xFFFFC000  }
0x1f6: {  	[tilespmem:s21], [sflag:$0x2] =	stream.indirect.gather [hbm4b:s4+s15], $0x80, s30, s15, $0xb8;
	[tilespmem:$0x1CC00] =	vst v63  }
0x1f7: {  	s31 =	rddreg [dreg:$0x18]  }
0x1f8: {  	[spmem:s1] =	stream.indirect.scatter.add.f32 [tilespmem:s16], [sflag:$0x7], $0x80, s31, s15, $0xb8;
	[tilespmem:$0x1CC00] =	vst v63  }
0x1f9: {  	_ =	swait.ge [sflag:s10], $0x4000  }
0x1fa: {  	[sflag:s10] =	ssyncset.done $0x0  }
0x1fb: {  	[sflag:s10] =	ssyncadd.s32 $0xFFFFC000  }
0x1fc: {  	_ =	swait.ge [sflag:s22], $0x4000  }
0x1fd: {  	[sflag:s22] =	ssyncset.done $0x0  }
0x1fe: {  	s2 =	rddreg [dreg:$0x19];
	[sflag:s22] =	ssyncadd.s32 $0xFFFFC000  }
0x1ff: {  	[tilespmem:s16], [sflag:$0x1] =	stream.indirect.gather [hbm4b:s4+s15], $0x80, s2, s15, $0xb8;
	[tilespmem:$0x1CC00] =	vst v63  }
0x200: {  	s29 =	rddreg [dreg:$0x1a]  }
0x201: {  	[spmem:s1] =	stream.indirect.scatter.add.f32 [tilespmem:s21], [sflag:$0x7], $0x80, s29, s15, $0xb8;
	[tilespmem:$0x1CC00] =	vst v63  }
0x202: {  	_ =	swait.ge [sflag:s10], $0x4000  }
0x203: {  	[sflag:s10] =	ssyncset.done $0x0  }
0x204: {  	[sflag:s10] =	ssyncadd.s32 $0xFFFFC000  }
0x205: {  	_ =	swait.ge [sflag:s20], $0x4000  }
0x206: {  	[sflag:s20] =	ssyncset.done $0x0  }
0x207: {  	s30 =	rddreg [dreg:$0x1b];
	[sflag:s20] =	ssyncadd.s32 $0xFFFFC000  }
0x208: {  	[tilespmem:s21], [sflag:$0x2] =	stream.indirect.gather [hbm4b:s4+s15], $0x80, s30, s15, $0xb8;
	[tilespmem:$0x1CC00] =	vst v63  }
0x209: {  	s31 =	rddreg [dreg:$0x1c]  }
0x20a: {  	[spmem:s1] =	stream.indirect.scatter.add.f32 [tilespmem:s16], [sflag:$0x7], $0x80, s31, s15, $0xb8;
	[tilespmem:$0x1CC00] =	vst v63  }
0x20b: {  	_ =	swait.ge [sflag:s10], $0x4000  }
0x20c: {  	[sflag:s10] =	ssyncset.done $0x0  }
0x20d: {  	[sflag:s10] =	ssyncadd.s32 $0xFFFFC000  }
0x20e: {  	_ =	swait.ge [sflag:s22], $0x4000  }
0x20f: {  	[sflag:s22] =	ssyncset.done $0x0  }
0x210: {  	s0 =	simm.s32 @!p0 $0x3;
	[sflag:s22] =	ssyncadd.s32 $0xFFFFC000  }
0x211: {  	_ =	swait.ge @!p0 [sflag:s0], $0x400  }
0x212: {  	[sflag:s0] =	ssyncset.done @!p0 $0x0  }
0x213: {  	s2 =	simm.s32 @!p0 $0x1000;
	[sflag:s0] =	ssyncadd.s32 @!p0 $0xFFFFFC00;
	s0 =	simm.s32 @!p0 $0x80  }
0x214: {  	[tilespmem:s2], [sflag:$0x1] =	stream.indirect.gather @!p0 [hbm4b:s4+s0], $0x80, s28, s0, $0xb8;
	[tilespmem:$0x1CC00] =	vst v63  }
0x215: {  	_ = 	snop  }
0x216: {  	[spmem:s1] =	stream.indirect.scatter.add.f32 [tilespmem:s21], [sflag:$0x7], $0x80, s25, s15, $0xb8;
	[tilespmem:$0x1CC00] =	vst v63  }
0x217: {  	_ =	swait.ge [sflag:s10], $0x4000  }
0x218: {  	s26 =	sadd.s32 $0x1, s26;
	[sflag:s10] =	ssyncset.done $0x0  }
0x219: {  	p0 =	sne.s32 s26, s8;
	[sflag:s10] =	ssyncadd.s32 $0xFFFFC000  }
.Ltmp1:
0x21a: {  	[bflag:$0x0] =	sbarrier.arrive $0xFFFF;
	(pc) =	sbr.rel @p0 .LBB2_1-.Ltmp1, $4  }
0x21b: {  	[hbm:s7], [sflag:s6] =	dma.local [spmem:s9], $0x2780  }
0x21c: {  	_ =	swait.ge [sflag:s10], $0x2780  }
0x21d: {  	[sflag:s10] =	ssyncset.done $0x0  }
0x21e: {  	[sflag:s10] =	ssyncadd.s32 $0xFFFFD880  }
0x21f: {  	_ =	sfence.sel $0x180000  }
0x220: {  	[bflag:$0x0] =	sbarrier.arrive $0xFFFF  }
0x221: {  	_ =	strace $0x90000047  }
0x222: {  	s0 =	stileid.u32;
	[bflag:$0x2] =	sbarrier.arrive $0xFFFF  }
0x223: {  	p0 =	sne.s32 s0, $0x0;
	s0 =	rddreg [dreg:$0x2]  }
0x224: {  	s0 =	sadd.s32 @!p0 $0x100000, s0  }
0x225: {  	[sflag:s0] =	ssyncadd.tile.s32 @!p0 $0x1;
	_ =	shalt  }
.Lfunc_end2:
_tile_overlayer_lowered:
.L_overlay_start_2:
0x226: {  	(tag) =	ssettag $0x2  }
0x227: {  	s0 =	rddreg [dreg:$0x0];
	s2 =	stileid.u32  }
0x228: {  	s1 =	rddreg [dreg:$0x1];
	p0 =	sne.s32 s2, $0x0  }
0x229: {  	s3 =	rddreg [dreg:$0x2];
	[bflag:$0x3] =	sbarrier.arrive $0xFFFF;
	s2 =	simm.s32 @!p0 $0x1C07  }
0x22a: {  	[timem:s3], [sflag:s2] =	dma.local @!p0 [hbm:s0], s1  }
0x22b: {  	s0 =	simm.s32 @!p0 $0x7  }
0x22c: {  	_ =	swait.ge @!p0 [sflag:s0], s1  }
0x22d: {  	s1 =	ssub.s32 @!p0 $0x0, s1;
	[sflag:s0] =	ssyncset.done @!p0 $0x0  }
0x22e: {  	[sflag:s0] =	ssyncadd.s32 @!p0 s1  }
0x22f: {  	[bflag:$0x3] =	sbarrier.arrive $0xFFFF  }
0x230: {  	_ =	shalt  }

</sc_bundles>
